<compile_context>
chip_gen: v7x
topology: tpu7x:2x2x1
jax: 0.10.2.dev20260603
libtpu: 0.0.44.dev20260713+nightly
codegen_flags: <defaults>
</compile_context>

<pallas_src>
import functools

import jax
import jax.numpy as jnp
from jax import lax
from jax.experimental import pallas as pl
from jax.experimental.pallas import tpu as pltpu
from jax.experimental.pallas import tpu_sc as plsc

N = 10000
E = 320000
IN_DIM = 128
H = 8
D = 16
HD = H * D
KV_W = 2 * HD
ACC_W = 144

NC = 2
NS = 16
NW = NC * NS
EW = E // NW
B = 32
NBLK = 4 * -(-EW // (4 * B))
EWP = NBLK * B
E_PAD = NW * EWP
PAD_DST = 10100
RPT = 632
N_PAD = NS * RPT
ZROWS = 640
ZPT = ZROWS // NS
CH = 128
NCHK = N_PAD // CH

_ROWS_PER_PROJ_BLOCK = 1000


def _proj_body(h_ref, wq_ref, wk_ref, wv_ref, bq_ref, bk_ref, bv_ref,
               q_ref, kv_ref):
    hb = h_ref[...]
    q = jnp.dot(hb, wq_ref[...], preferred_element_type=jnp.float32) + bq_ref[...]
    q_ref[...] = q * 0.25
    kv_ref[:, :HD] = jnp.dot(hb, wk_ref[...], preferred_element_type=jnp.float32) + bk_ref[...]
    kv_ref[:, HD:] = jnp.dot(hb, wv_ref[...], preferred_element_type=jnp.float32) + bv_ref[...]


_proj = pl.pallas_call(
    _proj_body,
    grid=(N // _ROWS_PER_PROJ_BLOCK,),
    in_specs=[
        pl.BlockSpec((_ROWS_PER_PROJ_BLOCK, IN_DIM), lambda i: (i, 0)),
        pl.BlockSpec((IN_DIM, HD), lambda i: (0, 0)),
        pl.BlockSpec((IN_DIM, HD), lambda i: (0, 0)),
        pl.BlockSpec((IN_DIM, HD), lambda i: (0, 0)),
        pl.BlockSpec((1, HD), lambda i: (0, 0)),
        pl.BlockSpec((1, HD), lambda i: (0, 0)),
        pl.BlockSpec((1, HD), lambda i: (0, 0)),
    ],
    out_specs=[
        pl.BlockSpec((_ROWS_PER_PROJ_BLOCK, HD), lambda i: (i, 0)),
        pl.BlockSpec((_ROWS_PER_PROJ_BLOCK, KV_W), lambda i: (i, 0)),
    ],
    out_shape=[
        jax.ShapeDtypeStruct((N, HD), jnp.float32),
        jax.ShapeDtypeStruct((N, KV_W), jnp.float32),
    ],
)

_mesh = plsc.VectorSubcoreMesh(core_axis_name="c", subcore_axis_name="s")
_sc_params = pltpu.CompilerParams(needs_layout_passes=False)


@functools.partial(
    pl.kernel,
    out_type=(
        jax.ShapeDtypeStruct((NC * N_PAD, HD), jnp.float32),
        jax.ShapeDtypeStruct((NC * ZROWS, HD), jnp.float32),
    ),
    mesh=_mesh,
    scratch_types=[
        pltpu.VMEM((4, B), jnp.int32),
        pltpu.VMEM((4, B), jnp.int32),
        pltpu.VMEM((B,), jnp.int32),
        pltpu.VMEM((B, KV_W), jnp.float32),
        pltpu.VMEM((B, HD), jnp.float32),
        pltpu.VMEM((B, KV_W), jnp.float32),
        pltpu.VMEM((B, HD), jnp.float32),
        pltpu.VMEM((B, HD), jnp.float32),
        pltpu.VMEM((B, HD), jnp.float32),
        pltpu.VMEM((B, D), jnp.float32),
        pltpu.VMEM_SHARED((N_PAD, HD), jnp.float32),
        pltpu.VMEM_SHARED((ZROWS, HD), jnp.float32),
        pltpu.SemaphoreType.DMA,
        pltpu.SemaphoreType.DMA,
        pltpu.SemaphoreType.DMA,
        pltpu.SemaphoreType.DMA,
        pltpu.SemaphoreType.DMA,
        pltpu.SemaphoreType.DMA,
        pltpu.SemaphoreType.DMA,
    ],
    compiler_params=_sc_params,
)
def _edge_kernel(kv_hbm, q_hbm, src_hbm, dst_hbm, zv_hbm, zz_hbm,
                 outv_hbm, outz_hbm,
                 srcv4, dstv4, dzv,
                 kvb0, qb0, kvb1, qb1, msgv, msgz, fscr,
                 accv, accz, semr0, semr1, sems,
                 semi0, semi1, semi2, semi3):
    c = lax.axis_index("c")
    s = lax.axis_index("s")
    wid = c * NS + s
    r0 = s * RPT
    z0 = s * ZPT
    pltpu.sync_copy(zv_hbm, accv.at[pl.ds(r0, RPT)])
    pltpu.sync_copy(zz_hbm, accz.at[pl.ds(z0, ZPT)])
    plsc.subcore_barrier()

    lane = lax.iota(jnp.int32, D)
    zvec = jnp.zeros((D,), jnp.float32)

    def zinit_body(e, carry):
        for kk in range(H):
            msgz[e, pl.ds(kk * D, D)] = zvec
        return carry

    lax.fori_loop(0, B, zinit_body, 0)

    ebase = wid * EWP

    rowslots = ((kvb0, qb0, semr0), (kvb1, qb1, semr1))
    semis = (semi0, semi1, semi2, semi3)

    def idx_refs(i):
        return srcv4.at[i], dstv4.at[i]

    def issue_idx(b, i):
        sv, dv = idx_refs(i)
        off = ebase + b * B
        pltpu.async_copy(src_hbm.at[pl.ds(off, B)], sv, semis[i])
        pltpu.async_copy(dst_hbm.at[pl.ds(off, B)], dv, semis[i])

    def wait_idx(b, i):
        sv, dv = idx_refs(i)
        off = ebase + b * B
        pltpu.make_async_copy(src_hbm.at[pl.ds(off, B)], sv, semis[i]).wait()
        pltpu.make_async_copy(dst_hbm.at[pl.ds(off, B)], dv, semis[i]).wait()

    def issue_rows(i, rs):
        sv, dv = idx_refs(i)
        kb, qbuf, sm_ = rs
        pltpu.async_copy(kv_hbm.at[sv], kb, sm_)
        pltpu.async_copy(q_hbm.at[dv], qbuf, sm_)

    def wait_rows(i, rs):
        sv, dv = idx_refs(i)
        kb, qbuf, sm_ = rs
        pltpu.make_async_copy(kv_hbm.at[sv], kb, sm_).wait()
        pltpu.make_async_copy(q_hbm.at[dv], qbuf, sm_).wait()

    def compute(b, dstv, kvb, qb):
        @plsc.parallel_loop(0, B, 1, unroll=8)
        def _pl(e):
            prods = [kvb[e, pl.ds(i * D, D)] * qb[e, pl.ds(i * D, D)]
                     for i in range(H)]
            while len(prods) > 1:
                prods = [prods[i] + prods[i + 1]
                         for i in range(0, len(prods), 2)]
            x = prods[0]
            s = x + lax.rev(x, (0,))
            s = jnp.exp(jnp.minimum(jnp.maximum(s, -5.0), 5.0))
            sm = jnp.where(lane < H, s, 0.0)
            fscr[e, pl.ds(0, D)] = sm
            wrp = sm + lax.rev(sm, (0,))
            vs = [kvb[e, pl.ds(HD + i * D, D)] for i in range(H)]
            for i in range(H):
                msgv[e, pl.ds(i * D, D)] = wrp * vs[i]

        @plsc.parallel_loop(0, B // D, 1, unroll=2)
        def _zg(g):
            e16 = lane + g * D
            d16 = dstv[pl.ds(g * D, D)]
            dzv[pl.ds(g * D, D)] = lax.shift_right_logical(d16, 4)
            col = lax.shift_left(d16 & 15, 3)
            whs = [plsc.load_gather(fscr, [e16, jnp.full((D,), h, jnp.int32)])
                   for h in range(H)]
            for h in range(H):
                plsc.store_scatter(msgz, [e16, col + h], whs[h])
        pltpu.async_copy(msgv, accv.at[dstv], sems, add=True)
        pltpu.sync_copy(msgz, accz.at[dzv], add=True)

        @plsc.parallel_loop(0, B // D, 1, unroll=2)
        def _zc(g):
            e16 = lane + g * D
            d16 = dstv[pl.ds(g * D, D)]
            col = lax.shift_left(d16 & 15, 3)
            for h in range(H):
                plsc.store_scatter(msgz, [e16, col + h], zvec)

    issue_idx(0, 0)
    issue_idx(1, 1)
    issue_idx(2, 2)
    wait_idx(0, 0)
    issue_rows(0, rowslots[0])

    def super_body(m, carry):
        for t in range(4):
            b = 4 * m + t
            i = t
            k = t & 1
            wait_rows(i, rowslots[k])

            @pl.when(b + 1 < NBLK)
            def _():
                wait_idx(b + 1, (t + 1) & 3)
                issue_rows((t + 1) & 3, rowslots[1 - k])

            @pl.when(b > 0)
            def _():
                pltpu.make_async_copy(msgv, accv.at[srcv4.at[0]], sems).wait()

            @pl.when(b + 3 < NBLK)
            def _():
                issue_idx(b + 3, (t + 3) & 3)

            sv, dv = idx_refs(i)
            compute(b, dv, rowslots[k][0], rowslots[k][1])
        return carry

    lax.fori_loop(0, NBLK // 4, super_body, 0)
    pltpu.make_async_copy(msgv, accv.at[srcv4.at[0]], sems).wait()
    plsc.subcore_barrier()
    pltpu.sync_copy(accv.at[pl.ds(r0, RPT)], outv_hbm.at[pl.ds(c * N_PAD + r0, RPT)])
    pltpu.sync_copy(accz.at[pl.ds(z0, ZPT)], outz_hbm.at[pl.ds(c * ZROWS + z0, ZPT)])


@functools.partial(
    pl.kernel,
    out_type=jax.ShapeDtypeStruct((N_PAD, HD), jnp.float32),
    mesh=_mesh,
    scratch_types=[
        pltpu.VMEM((CH, HD), jnp.float32),
        pltpu.VMEM((CH, HD), jnp.float32),
        pltpu.VMEM((CH // D + 1, HD), jnp.float32),
        pltpu.VMEM((CH // D + 1, HD), jnp.float32),
        pltpu.VMEM((CH, HD), jnp.float32),
    ],
    compiler_params=_sc_params,
)
def _combine_kernel(partv_hbm, partz_hbm, out_hbm, va, vb, za, zb, ob):
    lane = lax.iota(jnp.int32, D)
    c = lax.axis_index("c")
    s = lax.axis_index("s")
    wid = c * NS + s
    niter = (NCHK + NW - 1) // NW

    def iter_body(j, carry):
        chunk = wid + j * NW

        @pl.when(chunk < NCHK)
        def _():
            row = chunk * CH
            zrow = chunk * (CH // D)
            pltpu.sync_copy(partv_hbm.at[pl.ds(row, CH)], va)
            pltpu.sync_copy(partv_hbm.at[pl.ds(N_PAD + row, CH)], vb)
            pltpu.sync_copy(partz_hbm.at[pl.ds(zrow, CH // D)],
                            za.at[pl.ds(0, CH // D)])
            pltpu.sync_copy(partz_hbm.at[pl.ds(ZROWS + zrow, CH // D)],
                            zb.at[pl.ds(0, CH // D)])

            def row_body(r, carry2):
                zi = lax.shift_right_logical(r, 4)
                zc = lax.shift_left(r & 15, 3)
                zs = za[zi, pl.ds(zc, D)] + zb[zi, pl.ds(zc, D)]
                zm = jnp.where(lane < H, zs, 0.0)
                rz = 1.0 / (zm + lax.rev(zm, (0,)))
                for i in range(H):
                    wv = va[r, pl.ds(i * D, D)] + vb[r, pl.ds(i * D, D)]
                    ob[r, pl.ds(i * D, D)] = wv * rz
                return carry2

            lax.fori_loop(0, CH, row_body, 0)
            pltpu.sync_copy(ob, out_hbm.at[pl.ds(row, CH)])

        return carry

    lax.fori_loop(0, niter, iter_body, 0)


def kernel(h, edge_index, WQ, bQ, WK, bK, WV, bV):
    ei = edge_index.astype(jnp.int32)
    pad = E_PAD - E
    src = jnp.concatenate([ei[0], jnp.zeros((pad,), jnp.int32)])
    dst = jnp.concatenate([ei[1], jnp.full((pad,), PAD_DST, jnp.int32)])
    def _orig_col(j):
        i, r = divmod(j, D)
        h = r if r < H else 15 - r
        d = 2 * i + (1 if r >= H else 0)
        return h * D + d
    perm = jnp.array([_orig_col(j) for j in range(HD)], jnp.int32)
    q, kv = _proj(h, WQ[:, perm], WK[:, perm], WV[:, perm],
                  bQ[perm].reshape(1, HD), bK[perm].reshape(1, HD),
                  bV[perm].reshape(1, HD))
    zv = jnp.zeros((RPT, HD), jnp.float32)
    zz = jnp.zeros((ZPT, HD), jnp.float32)
    partv, partz = _edge_kernel(kv, q, src, dst, zv, zz)
    out = _combine_kernel(partv, partz)
    colidx = jnp.array(
        [8 * d + (h if d % 2 == 0 else 7 - h)
         for h in range(H) for d in range(D)], jnp.int32)
    return out[:N][:, colidx].reshape(N, H, D)

# --- scband reference (transcript-rebuilt; emitter-appended) ---
"""Pipeline reference for scband-multi-head-attention-layer-57569741635851 (READ-ONLY COPY).

The authoritative reference and input builder live on the scoring server;
editing this copy changes nothing except your own understanding.
"""

import jax, jax.numpy as jnp
import numpy as np

N = 10000
E = 320000
IN_DIM = 128
NUM_HEADS = 8
OUT_DIM = 16


def setup_inputs(seed: int = 0) -> dict:
    key = jax.random.key(seed)
    ks = jax.random.split(key, 8)
    h = jax.random.normal(ks[0], (N, IN_DIM), dtype=jnp.float32)
    edge_index = jax.random.randint(ks[1], (2, E), 0, N, dtype=jnp.int32).astype(jnp.int64)
    s = 1.0 / np.sqrt(IN_DIM)
    WQ = jax.random.normal(ks[2], (IN_DIM, OUT_DIM * NUM_HEADS), dtype=jnp.float32) * s
    bQ = jnp.zeros((OUT_DIM * NUM_HEADS,), dtype=jnp.float32)
    WK = jax.random.normal(ks[3], (IN_DIM, OUT_DIM * NUM_HEADS), dtype=jnp.float32) * s
    bK = jnp.zeros((OUT_DIM * NUM_HEADS,), dtype=jnp.float32)
    WV = jax.random.normal(ks[4], (IN_DIM, OUT_DIM * NUM_HEADS), dtype=jnp.float32) * s
    bV = jnp.zeros((OUT_DIM * NUM_HEADS,), dtype=jnp.float32)
    return {"h": h, "edge_index": edge_index, "WQ": WQ, "bQ": bQ, "WK": WK, "bK": bK, "WV": WV, "bV": bV}


def reference(h, edge_index, WQ, bQ, WK, bK, WV, bV):
    n = h.shape[0]
    Q_h = (h @ WQ + bQ).reshape(n, NUM_HEADS, OUT_DIM)
    K_h = (h @ WK + bK).reshape(n, NUM_HEADS, OUT_DIM)
    V_h = (h @ WV + bV).reshape(n, NUM_HEADS, OUT_DIM)
    src = edge_index[0]
    dst = edge_index[1]
    # apply_edges(src_dot_dst('K_h','Q_h','score')): per-edge dot over feature dim
    score = (K_h[src] * Q_h[dst]).sum(-1, keepdims=True)  # [E, H, 1]
    # scaled_exp: exp(clamp(score / sqrt(out_dim), -5, 5))
    score = jnp.exp(jnp.clip(score / np.sqrt(OUT_DIM), -5.0, 5.0))
    # message passing: sum over incoming edges at dst
    wV = jax.ops.segment_sum(score * V_h[src], dst, num_segments=n)  # [N, H, D]
    z = jax.ops.segment_sum(score, dst, num_segments=n)              # [N, H, 1]
    head_out = wV / z
    return head_out

if __name__ == "__main__":
    import jax
    _d = setup_inputs()
    print(jax.jit(kernel)(*tuple(_d.values())))

</pallas_src>

<mosaic_0001>
#map = affine_map<(d0, d1) -> (0, 0)>
#map1 = affine_map<(d0, d1) -> (0)>
module attributes {stable_mosaic.version = 14 : i64} {
  func.func @_edge_kernel(%arg0: i32, %arg1: i32, %arg2: memref<10000x256xf32, #tpu.memory_space<hbm>>, %arg3: memref<10000x128xf32, #tpu.memory_space<hbm>>, %arg4: memref<323584xi32, #tpu.memory_space<hbm>>, %arg5: memref<323584xi32, #tpu.memory_space<hbm>>, %arg6: memref<632x128xf32, #tpu.memory_space<hbm>>, %arg7: memref<40x128xf32, #tpu.memory_space<hbm>>, %arg8: memref<20224x128xf32, #tpu.memory_space<hbm>>, %arg9: memref<1280x128xf32, #tpu.memory_space<hbm>>, %arg10: memref<4x32xi32, #tpu.memory_space<vmem>>, %arg11: memref<4x32xi32, #tpu.memory_space<vmem>>, %arg12: memref<32xi32, #tpu.memory_space<vmem>>, %arg13: memref<32x256xf32, #tpu.memory_space<vmem>>, %arg14: memref<32x128xf32, #tpu.memory_space<vmem>>, %arg15: memref<32x256xf32, #tpu.memory_space<vmem>>, %arg16: memref<32x128xf32, #tpu.memory_space<vmem>>, %arg17: memref<32x128xf32, #tpu.memory_space<vmem>>, %arg18: memref<32x128xf32, #tpu.memory_space<vmem>>, %arg19: memref<32x16xf32, #tpu.memory_space<vmem>>, %arg20: memref<10112x128xf32, #tpu.memory_space<vmem_shared>>, %arg21: memref<640x128xf32, #tpu.memory_space<vmem_shared>>, %arg22: memref<!tpu.dma_semaphore, #tpu.memory_space<semaphore_mem>>, %arg23: memref<!tpu.dma_semaphore, #tpu.memory_space<semaphore_mem>>, %arg24: memref<!tpu.dma_semaphore, #tpu.memory_space<semaphore_mem>>, %arg25: memref<!tpu.dma_semaphore, #tpu.memory_space<semaphore_mem>>, %arg26: memref<!tpu.dma_semaphore, #tpu.memory_space<semaphore_mem>>, %arg27: memref<!tpu.dma_semaphore, #tpu.memory_space<semaphore_mem>>, %arg28: memref<!tpu.dma_semaphore, #tpu.memory_space<semaphore_mem>>) attributes {dimension_semantics = [#tpu.dimension_semantics<core_parallel>, #tpu.dimension_semantics<subcore_parallel>], iteration_bounds = array<i64: 2, 16>, scalar_prefetch = 0 : i64, scratch_operands = 19 : i64, tpu.core_type = #tpu.core_type<sc_vector_subcore>, window_params = [{transform_indices = #map}, {transform_indices = #map}, {transform_indices = #map1}, {transform_indices = #map1}, {transform_indices = #map}, {transform_indices = #map}, {transform_indices = #map}, {transform_indices = #map}]} {
    %mul3A = arith.constant 16 : i32
    %mul3A_0 = arith.muli %arg0, %mul3A : i32
    %add3A = arith.addi %mul3A_0, %arg1 : i32
    %mul3A_1 = arith.constant 632 : i32
    %mul3A_2 = arith.muli %arg1, %mul3A_1 : i32
    %mul3A_3 = arith.constant 40 : i32
    %mul3A_4 = arith.muli %arg1, %mul3A_3 : i32
    "tpu.region"() ({
      %run_scoped3A = tpu.sem_alloc : memref<!tpu.dma_semaphore, #tpu.memory_space<semaphore_mem>>
      %dma_start3A_125 = arith.constant 0 : i32
      %dma_start3A_126 = tpu.memref_slice %arg20[%mul3A_2, %dma_start3A_125] : memref<10112x128xf32, #tpu.memory_space<vmem_shared>> -> memref<632x128xf32, #tpu.memory_space<vmem_shared>>
      tpu.enqueue_dma source(%arg6 : memref<632x128xf32, #tpu.memory_space<hbm>>) target(%dma_start3A_126 : memref<632x128xf32, #tpu.memory_space<vmem_shared>>) target_semaphore(%run_scoped3A : memref<!tpu.dma_semaphore, #tpu.memory_space<semaphore_mem>>)
      %dma_wait3A_127 = arith.constant 0 : i32
      %dma_wait3A_128 = tpu.memref_slice %arg20[%mul3A_2, %dma_wait3A_127] : memref<10112x128xf32, #tpu.memory_space<vmem_shared>> -> memref<632x128xf32, #tpu.memory_space<vmem_shared>>
      tpu.wait_dma2 semaphore(%run_scoped3A : memref<!tpu.dma_semaphore, #tpu.memory_space<semaphore_mem>>) src(%arg6 : memref<632x128xf32, #tpu.memory_space<hbm>>) dst(%dma_wait3A_128 : memref<632x128xf32, #tpu.memory_space<vmem_shared>>)
      tpu.yield
    }) : () -> ()
    "tpu.region"() ({
      %run_scoped3A = tpu.sem_alloc : memref<!tpu.dma_semaphore, #tpu.memory_space<semaphore_mem>>
      %dma_start3A_125 = arith.constant 0 : i32
      %dma_start3A_126 = tpu.memref_slice %arg21[%mul3A_4, %dma_start3A_125] : memref<640x128xf32, #tpu.memory_space<vmem_shared>> -> memref<40x128xf32, #tpu.memory_space<vmem_shared>>
      tpu.enqueue_dma source(%arg7 : memref<40x128xf32, #tpu.memory_space<hbm>>) target(%dma_start3A_126 : memref<40x128xf32, #tpu.memory_space<vmem_shared>>) target_semaphore(%run_scoped3A : memref<!tpu.dma_semaphore, #tpu.memory_space<semaphore_mem>>)
      %dma_wait3A_127 = arith.constant 0 : i32
      %dma_wait3A_128 = tpu.memref_slice %arg21[%mul3A_4, %dma_wait3A_127] : memref<640x128xf32, #tpu.memory_space<vmem_shared>> -> memref<40x128xf32, #tpu.memory_space<vmem_shared>>
      tpu.wait_dma2 semaphore(%run_scoped3A : memref<!tpu.dma_semaphore, #tpu.memory_space<semaphore_mem>>) src(%arg7 : memref<40x128xf32, #tpu.memory_space<hbm>>) dst(%dma_wait3A_128 : memref<40x128xf32, #tpu.memory_space<vmem_shared>>)
      tpu.yield
    }) : () -> ()
    %barrier3A = arith.constant 0 : index
    tpu.barrier barrier_id(%barrier3A)
    %iota3A = tpu.iota {dimensions = array<i32: 0>} : vector<16xi32>
    %broadcast_in_dim3A = arith.constant 0.000000e+00 : f32
    %broadcast_in_dim3A_5 = vector.broadcast %broadcast_in_dim3A : f32 to vector<16xf32>
    %scan3A = arith.constant 0 : i32
    %scan3A_6 = arith.constant 0 : i32
    %scan3A_7 = arith.constant 32 : i32
    %scan3A_8 = arith.addi %scan3A_6, %scan3A_7 : i32
    %scan3A_9 = arith.constant 1 : i32
    scf.for %scan3A_125 = %scan3A_6 to %scan3A_8 step %scan3A_9  : i32 {
      %swap3A = arith.index_cast %scan3A_125 : i32 to index
      %swap3A_126 = arith.constant 0 : index
      %swap3A_127 = tpu.vector_load %arg18[%swap3A, %swap3A_126] {strides = array<i32>} : memref<32x128xf32, #tpu.memory_space<vmem>>, vector<16xf32>,
      tpu.vector_store %arg18[%swap3A, %swap3A_126], %broadcast_in_dim3A_5 {strides = array<i32>} : memref<32x128xf32, #tpu.memory_space<vmem>>, vector<16xf32>,
      %swap3A_128 = arith.index_cast %scan3A_125 : i32 to index
      %swap3A_129 = arith.constant 16 : index
      %swap3A_130 = tpu.vector_load %arg18[%swap3A_128, %swap3A_129] {strides = array<i32>} : memref<32x128xf32, #tpu.memory_space<vmem>>, vector<16xf32>,
      tpu.vector_store %arg18[%swap3A_128, %swap3A_129], %broadcast_in_dim3A_5 {strides = array<i32>} : memref<32x128xf32, #tpu.memory_space<vmem>>, vector<16xf32>,
      %swap3A_131 = arith.index_cast %scan3A_125 : i32 to index
      %swap3A_132 = arith.constant 32 : index
      %swap3A_133 = tpu.vector_load %arg18[%swap3A_131, %swap3A_132] {strides = array<i32>} : memref<32x128xf32, #tpu.memory_space<vmem>>, vector<16xf32>,
      tpu.vector_store %arg18[%swap3A_131, %swap3A_132], %broadcast_in_dim3A_5 {strides = array<i32>} : memref<32x128xf32, #tpu.memory_space<vmem>>, vector<16xf32>,
      %swap3A_134 = arith.index_cast %scan3A_125 : i32 to index
      %swap3A_135 = arith.constant 48 : index
      %swap3A_136 = tpu.vector_load %arg18[%swap3A_134, %swap3A_135] {strides = array<i32>} : memref<32x128xf32, #tpu.memory_space<vmem>>, vector<16xf32>,
      tpu.vector_store %arg18[%swap3A_134, %swap3A_135], %broadcast_in_dim3A_5 {strides = array<i32>} : memref<32x128xf32, #tpu.memory_space<vmem>>, vector<16xf32>,
      %swap3A_137 = arith.index_cast %scan3A_125 : i32 to index
      %swap3A_138 = arith.constant 64 : index
      %swap3A_139 = tpu.vector_load %arg18[%swap3A_137, %swap3A_138] {strides = array<i32>} : memref<32x128xf32, #tpu.memory_space<vmem>>, vector<16xf32>,
      tpu.vector_store %arg18[%swap3A_137, %swap3A_138], %broadcast_in_dim3A_5 {strides = array<i32>} : memref<32x128xf32, #tpu.memory_space<vmem>>, vector<16xf32>,
      %swap3A_140 = arith.index_cast %scan3A_125 : i32 to index
      %swap3A_141 = arith.constant 80 : index
      %swap3A_142 = tpu.vector_load %arg18[%swap3A_140, %swap3A_141] {strides = array<i32>} : memref<32x128xf32, #tpu.memory_space<vmem>>, vector<16xf32>,
      tpu.vector_store %arg18[%swap3A_140, %swap3A_141], %broadcast_in_dim3A_5 {strides = array<i32>} : memref<32x128xf32, #tpu.memory_space<vmem>>, vector<16xf32>,
      %swap3A_143 = arith.index_cast %scan3A_125 : i32 to index
      %swap3A_144 = arith.constant 96 : index
      %swap3A_145 = tpu.vector_load %arg18[%swap3A_143, %swap3A_144] {strides = array<i32>} : memref<32x128xf32, #tpu.memory_space<vmem>>, vector<16xf32>,
      tpu.vector_store %arg18[%swap3A_143, %swap3A_144], %broadcast_in_dim3A_5 {strides = array<i32>} : memref<32x128xf32, #tpu.memory_space<vmem>>, vector<16xf32>,
      %swap3A_146 = arith.index_cast %scan3A_125 : i32 to index
      %swap3A_147 = arith.constant 112 : index
      %swap3A_148 = tpu.vector_load %arg18[%swap3A_146, %swap3A_147] {strides = array<i32>} : memref<32x128xf32, #tpu.memory_space<vmem>>, vector<16xf32>,
      tpu.vector_store %arg18[%swap3A_146, %swap3A_147], %broadcast_in_dim3A_5 {strides = array<i32>} : memref<32x128xf32, #tpu.memory_space<vmem>>, vector<16xf32>,
    }
    %scan3A_10 = arith.constant 32 : i32
    %mul3A_11 = arith.constant 10112 : i32
    %mul3A_12 = arith.muli %add3A, %mul3A_11 : i32
    %add3A_13 = arith.constant 0 : i32
    %add3A_14 = arith.addi %mul3A_12, %add3A_13 : i32
    %dma_start3A = arith.constant 0 : i32
    %dma_start3A_15 = arith.constant 0 : i32
    %dma_start3A_16 = tpu.memref_slice %arg10[%dma_start3A, %dma_start3A_15] : memref<4x32xi32, #tpu.memory_space<vmem>> -> memref<1x32xi32, #tpu.memory_space<vmem>>
    %dma_start3A_17 = tpu.memref_squeeze %dma_start3A_16 : memref<1x32xi32, #tpu.memory_space<vmem>> -> memref<32xi32, #tpu.memory_space<vmem>>
    %dma_start3A_18 = tpu.memref_slice %arg4[%add3A_14] : memref<323584xi32, #tpu.memory_space<hbm>> -> memref<32xi32, #tpu.memory_space<hbm>>
    %dma_start3A_19 = arith.constant 0 : i32
    %dma_start3A_20 = tpu.memref_slice %arg10[%dma_start3A, %dma_start3A_19] : memref<4x32xi32, #tpu.memory_space<vmem>> -> memref<1x32xi32, #tpu.memory_space<vmem>>
    %dma_start3A_21 = tpu.memref_squeeze %dma_start3A_20 : memref<1x32xi32, #tpu.memory_space<vmem>> -> memref<32xi32, #tpu.memory_space<vmem>>
    %dma_start3A_22 = tpu.memref_slice %arg4[%add3A_14] : memref<323584xi32, #tpu.memory_space<hbm>> -> memref<32xi32, #tpu.memory_space<hbm>>
    tpu.enqueue_dma source(%dma_start3A_22 : memref<32xi32, #tpu.memory_space<hbm>>) target(%dma_start3A_21 : memref<32xi32, #tpu.memory_space<vmem>>) target_semaphore(%arg25 : memref<!tpu.dma_semaphore, #tpu.memory_space<semaphore_mem>>)
    %dma_start3A_23 = arith.constant 0 : i32
    %dma_start3A_24 = arith.constant 0 : i32
    %dma_start3A_25 = tpu.memref_slice %arg11[%dma_start3A_23, %dma_start3A_24] : memref<4x32xi32, #tpu.memory_space<vmem>> -> memref<1x32xi32, #tpu.memory_space<vmem>>
    %dma_start3A_26 = tpu.memref_squeeze %dma_start3A_25 : memref<1x32xi32, #tpu.memory_space<vmem>> -> memref<32xi32, #tpu.memory_space<vmem>>
    %dma_start3A_27 = tpu.memref_slice %arg5[%add3A_14] : memref<323584xi32, #tpu.memory_space<hbm>> -> memref<32xi32, #tpu.memory_space<hbm>>
    %dma_start3A_28 = arith.constant 0 : i32
    %dma_start3A_29 = tpu.memref_slice %arg11[%dma_start3A_23, %dma_start3A_28] : memref<4x32xi32, #tpu.memory_space<vmem>> -> memref<1x32xi32, #tpu.memory_space<vmem>>
    %dma_start3A_30 = tpu.memref_squeeze %dma_start3A_29 : memref<1x32xi32, #tpu.memory_space<vmem>> -> memref<32xi32, #tpu.memory_space<vmem>>
    %dma_start3A_31 = tpu.memref_slice %arg5[%add3A_14] : memref<323584xi32, #tpu.memory_space<hbm>> -> memref<32xi32, #tpu.memory_space<hbm>>
    tpu.enqueue_dma source(%dma_start3A_31 : memref<32xi32, #tpu.memory_space<hbm>>) target(%dma_start3A_30 : memref<32xi32, #tpu.memory_space<vmem>>) target_semaphore(%arg25 : memref<!tpu.dma_semaphore, #tpu.memory_space<semaphore_mem>>)
    %add3A_32 = arith.constant 32 : i32
    %add3A_33 = arith.addi %mul3A_12, %add3A_32 : i32
    %dma_start3A_34 = arith.constant 1 : i32
    %dma_start3A_35 = arith.constant 0 : i32
    %dma_start3A_36 = tpu.memref_slice %arg10[%dma_start3A_34, %dma_start3A_35] : memref<4x32xi32, #tpu.memory_space<vmem>> -> memref<1x32xi32, #tpu.memory_space<vmem>>
    %dma_start3A_37 = tpu.memref_squeeze %dma_start3A_36 : memref<1x32xi32, #tpu.memory_space<vmem>> -> memref<32xi32, #tpu.memory_space<vmem>>
    %dma_start3A_38 = tpu.memref_slice %arg4[%add3A_33] : memref<323584xi32, #tpu.memory_space<hbm>> -> memref<32xi32, #tpu.memory_space<hbm>>
    %dma_start3A_39 = arith.constant 0 : i32
    %dma_start3A_40 = tpu.memref_slice %arg10[%dma_start3A_34, %dma_start3A_39] : memref<4x32xi32, #tpu.memory_space<vmem>> -> memref<1x32xi32, #tpu.memory_space<vmem>>
    %dma_start3A_41 = tpu.memref_squeeze %dma_start3A_40 : memref<1x32xi32, #tpu.memory_space<vmem>> -> memref<32xi32, #tpu.memory_space<vmem>>
    %dma_start3A_42 = tpu.memref_slice %arg4[%add3A_33] : memref<323584xi32, #tpu.memory_space<hbm>> -> memref<32xi32, #tpu.memory_space<hbm>>
    tpu.enqueue_dma source(%dma_start3A_42 : memref<32xi32, #tpu.memory_space<hbm>>) target(%dma_start3A_41 : memref<32xi32, #tpu.memory_space<vmem>>) target_semaphore(%arg26 : memref<!tpu.dma_semaphore, #tpu.memory_space<semaphore_mem>>)
    %dma_start3A_43 = arith.constant 1 : i32
    %dma_start3A_44 = arith.constant 0 : i32
    %dma_start3A_45 = tpu.memref_slice %arg11[%dma_start3A_43, %dma_start3A_44] : memref<4x32xi32, #tpu.memory_space<vmem>> -> memref<1x32xi32, #tpu.memory_space<vmem>>
    %dma_start3A_46 = tpu.memref_squeeze %dma_start3A_45 : memref<1x32xi32, #tpu.memory_space<vmem>> -> memref<32xi32, #tpu.memory_space<vmem>>
    %dma_start3A_47 = tpu.memref_slice %arg5[%add3A_33] : memref<323584xi32, #tpu.memory_space<hbm>> -> memref<32xi32, #tpu.memory_space<hbm>>
    %dma_start3A_48 = arith.constant 0 : i32
    %dma_start3A_49 = tpu.memref_slice %arg11[%dma_start3A_43, %dma_start3A_48] : memref<4x32xi32, #tpu.memory_space<vmem>> -> memref<1x32xi32, #tpu.memory_space<vmem>>
    %dma_start3A_50 = tpu.memref_squeeze %dma_start3A_49 : memref<1x32xi32, #tpu.memory_space<vmem>> -> memref<32xi32, #tpu.memory_space<vmem>>
    %dma_start3A_51 = tpu.memref_slice %arg5[%add3A_33] : memref<323584xi32, #tpu.memory_space<hbm>> -> memref<32xi32, #tpu.memory_space<hbm>>
    tpu.enqueue_dma source(%dma_start3A_51 : memref<32xi32, #tpu.memory_space<hbm>>) target(%dma_start3A_50 : memref<32xi32, #tpu.memory_space<vmem>>) target_semaphore(%arg26 : memref<!tpu.dma_semaphore, #tpu.memory_space<semaphore_mem>>)
    %add3A_52 = arith.constant 64 : i32
    %add3A_53 = arith.addi %mul3A_12, %add3A_52 : i32
    %dma_start3A_54 = arith.constant 2 : i32
    %dma_start3A_55 = arith.constant 0 : i32
    %dma_start3A_56 = tpu.memref_slice %arg10[%dma_start3A_54, %dma_start3A_55] : memref<4x32xi32, #tpu.memory_space<vmem>> -> memref<1x32xi32, #tpu.memory_space<vmem>>
    %dma_start3A_57 = tpu.memref_squeeze %dma_start3A_56 : memref<1x32xi32, #tpu.memory_space<vmem>> -> memref<32xi32, #tpu.memory_space<vmem>>
    %dma_start3A_58 = tpu.memref_slice %arg4[%add3A_53] : memref<323584xi32, #tpu.memory_space<hbm>> -> memref<32xi32, #tpu.memory_space<hbm>>
    %dma_start3A_59 = arith.constant 0 : i32
    %dma_start3A_60 = tpu.memref_slice %arg10[%dma_start3A_54, %dma_start3A_59] : memref<4x32xi32, #tpu.memory_space<vmem>> -> memref<1x32xi32, #tpu.memory_space<vmem>>
    %dma_start3A_61 = tpu.memref_squeeze %dma_start3A_60 : memref<1x32xi32, #tpu.memory_space<vmem>> -> memref<32xi32, #tpu.memory_space<vmem>>
    %dma_start3A_62 = tpu.memref_slice %arg4[%add3A_53] : memref<323584xi32, #tpu.memory_space<hbm>> -> memref<32xi32, #tpu.memory_space<hbm>>
    tpu.enqueue_dma source(%dma_start3A_62 : memref<32xi32, #tpu.memory_space<hbm>>) target(%dma_start3A_61 : memref<32xi32, #tpu.memory_space<vmem>>) target_semaphore(%arg27 : memref<!tpu.dma_semaphore, #tpu.memory_space<semaphore_mem>>)
    %dma_start3A_63 = arith.constant 2 : i32
    %dma_start3A_64 = arith.constant 0 : i32
    %dma_start3A_65 = tpu.memref_slice %arg11[%dma_start3A_63, %dma_start3A_64] : memref<4x32xi32, #tpu.memory_space<vmem>> -> memref<1x32xi32, #tpu.memory_space<vmem>>
    %dma_start3A_66 = tpu.memref_squeeze %dma_start3A_65 : memref<1x32xi32, #tpu.memory_space<vmem>> -> memref<32xi32, #tpu.memory_space<vmem>>
    %dma_start3A_67 = tpu.memref_slice %arg5[%add3A_53] : memref<323584xi32, #tpu.memory_space<hbm>> -> memref<32xi32, #tpu.memory_space<hbm>>
    %dma_start3A_68 = arith.constant 0 : i32
    %dma_start3A_69 = tpu.memref_slice %arg11[%dma_start3A_63, %dma_start3A_68] : memref<4x32xi32, #tpu.memory_space<vmem>> -> memref<1x32xi32, #tpu.memory_space<vmem>>
    %dma_start3A_70 = tpu.memref_squeeze %dma_start3A_69 : memref<1x32xi32, #tpu.memory_space<vmem>> -> memref<32xi32, #tpu.memory_space<vmem>>
    %dma_start3A_71 = tpu.memref_slice %arg5[%add3A_53] : memref<323584xi32, #tpu.memory_space<hbm>> -> memref<32xi32, #tpu.memory_space<hbm>>
    tpu.enqueue_dma source(%dma_start3A_71 : memref<32xi32, #tpu.memory_space<hbm>>) target(%dma_start3A_70 : memref<32xi32, #tpu.memory_space<vmem>>) target_semaphore(%arg27 : memref<!tpu.dma_semaphore, #tpu.memory_space<semaphore_mem>>)
    %add3A_72 = arith.constant 0 : i32
    %add3A_73 = arith.addi %mul3A_12, %add3A_72 : i32
    %dma_wait3A = arith.constant 0 : i32
    %dma_wait3A_74 = arith.constant 0 : i32
    %dma_wait3A_75 = tpu.memref_slice %arg10[%dma_wait3A, %dma_wait3A_74] : memref<4x32xi32, #tpu.memory_space<vmem>> -> memref<1x32xi32, #tpu.memory_space<vmem>>
    %dma_wait3A_76 = tpu.memref_squeeze %dma_wait3A_75 : memref<1x32xi32, #tpu.memory_space<vmem>> -> memref<32xi32, #tpu.memory_space<vmem>>
    %dma_wait3A_77 = tpu.memref_slice %arg4[%add3A_73] : memref<323584xi32, #tpu.memory_space<hbm>> -> memref<32xi32, #tpu.memory_space<hbm>>
    %dma_wait3A_78 = arith.constant 0 : i32
    %dma_wait3A_79 = tpu.memref_slice %arg10[%dma_wait3A, %dma_wait3A_78] : memref<4x32xi32, #tpu.memory_space<vmem>> -> memref<1x32xi32, #tpu.memory_space<vmem>>
    %dma_wait3A_80 = tpu.memref_squeeze %dma_wait3A_79 : memref<1x32xi32, #tpu.memory_space<vmem>> -> memref<32xi32, #tpu.memory_space<vmem>>
    %dma_wait3A_81 = tpu.memref_slice %arg4[%add3A_73] : memref<323584xi32, #tpu.memory_space<hbm>> -> memref<32xi32, #tpu.memory_space<hbm>>
    tpu.wait_dma2 semaphore(%arg25 : memref<!tpu.dma_semaphore, #tpu.memory_space<semaphore_mem>>) src(%dma_wait3A_81 : memref<32xi32, #tpu.memory_space<hbm>>) dst(%dma_wait3A_80 : memref<32xi32, #tpu.memory_space<vmem>>)
    %dma_wait3A_82 = arith.constant 0 : i32
    %dma_wait3A_83 = arith.constant 0 : i32
    %dma_wait3A_84 = tpu.memref_slice %arg11[%dma_wait3A_82, %dma_wait3A_83] : memref<4x32xi32, #tpu.memory_space<vmem>> -> memref<1x32xi32, #tpu.memory_space<vmem>>
    %dma_wait3A_85 = tpu.memref_squeeze %dma_wait3A_84 : memref<1x32xi32, #tpu.memory_space<vmem>> -> memref<32xi32, #tpu.memory_space<vmem>>
    %dma_wait3A_86 = tpu.memref_slice %arg5[%add3A_73] : memref<323584xi32, #tpu.memory_space<hbm>> -> memref<32xi32, #tpu.memory_space<hbm>>
    %dma_wait3A_87 = arith.constant 0 : i32
    %dma_wait3A_88 = tpu.memref_slice %arg11[%dma_wait3A_82, %dma_wait3A_87] : memref<4x32xi32, #tpu.memory_space<vmem>> -> memref<1x32xi32, #tpu.memory_space<vmem>>
    %dma_wait3A_89 = tpu.memref_squeeze %dma_wait3A_88 : memref<1x32xi32, #tpu.memory_space<vmem>> -> memref<32xi32, #tpu.memory_space<vmem>>
    %dma_wait3A_90 = tpu.memref_slice %arg5[%add3A_73] : memref<323584xi32, #tpu.memory_space<hbm>> -> memref<32xi32, #tpu.memory_space<hbm>>
    tpu.wait_dma2 semaphore(%arg25 : memref<!tpu.dma_semaphore, #tpu.memory_space<semaphore_mem>>) src(%dma_wait3A_90 : memref<32xi32, #tpu.memory_space<hbm>>) dst(%dma_wait3A_89 : memref<32xi32, #tpu.memory_space<vmem>>)
    %dma_start3A_91 = arith.constant 0 : i32
    %dma_start3A_92 = arith.constant 0 : i32
    %dma_start3A_93 = tpu.memref_slice %arg10[%dma_start3A_91, %dma_start3A_92] : memref<4x32xi32, #tpu.memory_space<vmem>> -> memref<1x32xi32, #tpu.memory_space<vmem>>
    %dma_start3A_94 = tpu.memref_squeeze %dma_start3A_93 : memref<1x32xi32, #tpu.memory_space<vmem>> -> memref<32xi32, #tpu.memory_space<vmem>>
    %dma_start3A_95 = arith.constant 0 : i32
    %dma_start3A_96 = arith.constant 0 : i32
    %dma_start3A_97 = tpu.memref_slice %arg2[%dma_start3A_95, %dma_start3A_96] : memref<10000x256xf32, #tpu.memory_space<hbm>> -> memref<10000x256xf32, #tpu.memory_space<hbm>>
    tpu.enqueue_indirect_dma source(%dma_start3A_97 : memref<10000x256xf32, #tpu.memory_space<hbm>>) target(%arg13 : memref<32x256xf32, #tpu.memory_space<vmem>>) offsets(%dma_start3A_94 : memref<32xi32, #tpu.memory_space<vmem>>) semaphore(%arg22 : memref<!tpu.dma_semaphore, #tpu.memory_space<semaphore_mem>>)
    %dma_start3A_98 = arith.constant 0 : i32
    %dma_start3A_99 = arith.constant 0 : i32
    %dma_start3A_100 = tpu.memref_slice %arg11[%dma_start3A_98, %dma_start3A_99] : memref<4x32xi32, #tpu.memory_space<vmem>> -> memref<1x32xi32, #tpu.memory_space<vmem>>
    %dma_start3A_101 = tpu.memref_squeeze %dma_start3A_100 : memref<1x32xi32, #tpu.memory_space<vmem>> -> memref<32xi32, #tpu.memory_space<vmem>>
    %dma_start3A_102 = arith.constant 0 : i32
    %dma_start3A_103 = arith.constant 0 : i32
    %dma_start3A_104 = tpu.memref_slice %arg3[%dma_start3A_102, %dma_start3A_103] : memref<10000x128xf32, #tpu.memory_space<hbm>> -> memref<10000x128xf32, #tpu.memory_space<hbm>>
    tpu.enqueue_indirect_dma source(%dma_start3A_104 : memref<10000x128xf32, #tpu.memory_space<hbm>>) target(%arg14 : memref<32x128xf32, #tpu.memory_space<vmem>>) offsets(%dma_start3A_101 : memref<32xi32, #tpu.memory_space<vmem>>) semaphore(%arg22 : memref<!tpu.dma_semaphore, #tpu.memory_space<semaphore_mem>>)
    %scan3A_105 = arith.constant 0 : i32
    %scan3A_106 = arith.constant 0 : i32
    %scan3A_107 = arith.constant 79 : i32
    %scan3A_108 = arith.addi %scan3A_106, %scan3A_107 : i32
    %scan3A_109 = arith.constant 1 : i32
    scf.for %scan3A_125 = %scan3A_106 to %scan3A_108 step %scan3A_109  : i32 {
      %mul3A_126 = arith.constant 4 : i32
      %mul3A_127 = arith.muli %mul3A_126, %scan3A_125 : i32
      %add3A_128 = arith.constant 0 : i32
      %add3A_129 = arith.addi %mul3A_127, %add3A_128 : i32
      %dma_wait3A_130 = arith.constant 0 : i32
      %dma_wait3A_131 = arith.constant 0 : i32
      %dma_wait3A_132 = tpu.memref_slice %arg10[%dma_wait3A_130, %dma_wait3A_131] : memref<4x32xi32, #tpu.memory_space<vmem>> -> memref<1x32xi32, #tpu.memory_space<vmem>>
      %dma_wait3A_133 = tpu.memref_squeeze %dma_wait3A_132 : memref<1x32xi32, #tpu.memory_space<vmem>> -> memref<32xi32, #tpu.memory_space<vmem>>
      %dma_wait3A_134 = arith.constant 0 : i32
      %dma_wait3A_135 = arith.constant 0 : i32
      %dma_wait3A_136 = tpu.memref_slice %arg2[%dma_wait3A_134, %dma_wait3A_135] : memref<10000x256xf32, #tpu.memory_space<hbm>> -> memref<10000x256xf32, #tpu.memory_space<hbm>>
      tpu.wait_indirect_dma semaphore(%arg22 : memref<!tpu.dma_semaphore, #tpu.memory_space<semaphore_mem>>) src(%dma_wait3A_136 : memref<10000x256xf32, #tpu.memory_space<hbm>>) dst(%arg13 : memref<32x256xf32, #tpu.memory_space<vmem>>)
      %dma_wait3A_137 = arith.constant 0 : i32
      %dma_wait3A_138 = arith.constant 0 : i32
      %dma_wait3A_139 = tpu.memref_slice %arg11[%dma_wait3A_137, %dma_wait3A_138] : memref<4x32xi32, #tpu.memory_space<vmem>> -> memref<1x32xi32, #tpu.memory_space<vmem>>
      %dma_wait3A_140 = tpu.memref_squeeze %dma_wait3A_139 : memref<1x32xi32, #tpu.memory_space<vmem>> -> memref<32xi32, #tpu.memory_space<vmem>>
      %dma_wait3A_141 = arith.constant 0 : i32
      %dma_wait3A_142 = arith.constant 0 : i32
      %dma_wait3A_143 = tpu.memref_slice %arg3[%dma_wait3A_141, %dma_wait3A_142] : memref<10000x128xf32, #tpu.memory_space<hbm>> -> memref<10000x128xf32, #tpu.memory_space<hbm>>
      tpu.wait_indirect_dma semaphore(%arg22 : memref<!tpu.dma_semaphore, #tpu.memory_space<semaphore_mem>>) src(%dma_wait3A_143 : memref<10000x128xf32, #tpu.memory_space<hbm>>) dst(%arg14 : memref<32x128xf32, #tpu.memory_space<vmem>>)
      %add3A_144 = arith.constant 1 : i32
      %add3A_145 = arith.addi %add3A_129, %add3A_144 : i32
      %lt3A = arith.constant 316 : i32
      %lt3A_146 = arith.cmpi slt, %add3A_145, %lt3A : i32
      %convert_element_type3A = arith.extui %lt3A_146 : i1 to i32
      %cond3A = arith.constant 0 : i32
      %cond3A_147 = arith.cmpi ne, %convert_element_type3A, %cond3A : i32
      scf.if %cond3A_147 {
        %add3A_341 = arith.constant 1 : i32
        %add3A_342 = arith.addi %add3A_129, %add3A_341 : i32
        %mul3A_343 = arith.constant 32 : i32
        %mul3A_344 = arith.muli %add3A_342, %mul3A_343 : i32
        %add3A_345 = arith.addi %mul3A_12, %mul3A_344 : i32
        %dma_wait3A_346 = arith.constant 1 : i32
        %dma_wait3A_347 = arith.constant 0 : i32
        %dma_wait3A_348 = tpu.memref_slice %arg10[%dma_wait3A_346, %dma_wait3A_347] : memref<4x32xi32, #tpu.memory_space<vmem>> -> memref<1x32xi32, #tpu.memory_space<vmem>>
        %dma_wait3A_349 = tpu.memref_squeeze %dma_wait3A_348 : memref<1x32xi32, #tpu.memory_space<vmem>> -> memref<32xi32, #tpu.memory_space<vmem>>
        %dma_wait3A_350 = tpu.memref_slice %arg4[%add3A_345] : memref<323584xi32, #tpu.memory_space<hbm>> -> memref<32xi32, #tpu.memory_space<hbm>>
        %dma_wait3A_351 = arith.constant 0 : i32
        %dma_wait3A_352 = tpu.memref_slice %arg10[%dma_wait3A_346, %dma_wait3A_351] : memref<4x32xi32, #tpu.memory_space<vmem>> -> memref<1x32xi32, #tpu.memory_space<vmem>>
        %dma_wait3A_353 = tpu.memref_squeeze %dma_wait3A_352 : memref<1x32xi32, #tpu.memory_space<vmem>> -> memref<32xi32, #tpu.memory_space<vmem>>
        %dma_wait3A_354 = tpu.memref_slice %arg4[%add3A_345] : memref<323584xi32, #tpu.memory_space<hbm>> -> memref<32xi32, #tpu.memory_space<hbm>>
        tpu.wait_dma2 semaphore(%arg26 : memref<!tpu.dma_semaphore, #tpu.memory_space<semaphore_mem>>) src(%dma_wait3A_354 : memref<32xi32, #tpu.memory_space<hbm>>) dst(%dma_wait3A_353 : memref<32xi32, #tpu.memory_space<vmem>>)
        %dma_wait3A_355 = arith.constant 1 : i32
        %dma_wait3A_356 = arith.constant 0 : i32
        %dma_wait3A_357 = tpu.memref_slice %arg11[%dma_wait3A_355, %dma_wait3A_356] : memref<4x32xi32, #tpu.memory_space<vmem>> -> memref<1x32xi32, #tpu.memory_space<vmem>>
        %dma_wait3A_358 = tpu.memref_squeeze %dma_wait3A_357 : memref<1x32xi32, #tpu.memory_space<vmem>> -> memref<32xi32, #tpu.memory_space<vmem>>
        %dma_wait3A_359 = tpu.memref_slice %arg5[%add3A_345] : memref<323584xi32, #tpu.memory_space<hbm>> -> memref<32xi32, #tpu.memory_space<hbm>>
        %dma_wait3A_360 = arith.constant 0 : i32
        %dma_wait3A_361 = tpu.memref_slice %arg11[%dma_wait3A_355, %dma_wait3A_360] : memref<4x32xi32, #tpu.memory_space<vmem>> -> memref<1x32xi32, #tpu.memory_space<vmem>>
        %dma_wait3A_362 = tpu.memref_squeeze %dma_wait3A_361 : memref<1x32xi32, #tpu.memory_space<vmem>> -> memref<32xi32, #tpu.memory_space<vmem>>
        %dma_wait3A_363 = tpu.memref_slice %arg5[%add3A_345] : memref<323584xi32, #tpu.memory_space<hbm>> -> memref<32xi32, #tpu.memory_space<hbm>>
        tpu.wait_dma2 semaphore(%arg26 : memref<!tpu.dma_semaphore, #tpu.memory_space<semaphore_mem>>) src(%dma_wait3A_363 : memref<32xi32, #tpu.memory_space<hbm>>) dst(%dma_wait3A_362 : memref<32xi32, #tpu.memory_space<vmem>>)
        %dma_start3A_364 = arith.constant 1 : i32
        %dma_start3A_365 = arith.constant 0 : i32
        %dma_start3A_366 = tpu.memref_slice %arg10[%dma_start3A_364, %dma_start3A_365] : memref<4x32xi32, #tpu.memory_space<vmem>> -> memref<1x32xi32, #tpu.memory_space<vmem>>
        %dma_start3A_367 = tpu.memref_squeeze %dma_start3A_366 : memref<1x32xi32, #tpu.memory_space<vmem>> -> memref<32xi32, #tpu.memory_space<vmem>>
        %dma_start3A_368 = arith.constant 0 : i32
        %dma_start3A_369 = arith.constant 0 : i32
        %dma_start3A_370 = tpu.memref_slice %arg2[%dma_start3A_368, %dma_start3A_369] : memref<10000x256xf32, #tpu.memory_space<hbm>> -> memref<10000x256xf32, #tpu.memory_space<hbm>>
        tpu.enqueue_indirect_dma source(%dma_start3A_370 : memref<10000x256xf32, #tpu.memory_space<hbm>>) target(%arg15 : memref<32x256xf32, #tpu.memory_space<vmem>>) offsets(%dma_start3A_367 : memref<32xi32, #tpu.memory_space<vmem>>) semaphore(%arg23 : memref<!tpu.dma_semaphore, #tpu.memory_space<semaphore_mem>>)
        %dma_start3A_371 = arith.constant 1 : i32
        %dma_start3A_372 = arith.constant 0 : i32
        %dma_start3A_373 = tpu.memref_slice %arg11[%dma_start3A_371, %dma_start3A_372] : memref<4x32xi32, #tpu.memory_space<vmem>> -> memref<1x32xi32, #tpu.memory_space<vmem>>
        %dma_start3A_374 = tpu.memref_squeeze %dma_start3A_373 : memref<1x32xi32, #tpu.memory_space<vmem>> -> memref<32xi32, #tpu.memory_space<vmem>>
        %dma_start3A_375 = arith.constant 0 : i32
        %dma_start3A_376 = arith.constant 0 : i32
        %dma_start3A_377 = tpu.memref_slice %arg3[%dma_start3A_375, %dma_start3A_376] : memref<10000x128xf32, #tpu.memory_space<hbm>> -> memref<10000x128xf32, #tpu.memory_space<hbm>>
        tpu.enqueue_indirect_dma source(%dma_start3A_377 : memref<10000x128xf32, #tpu.memory_space<hbm>>) target(%arg16 : memref<32x128xf32, #tpu.memory_space<vmem>>) offsets(%dma_start3A_374 : memref<32xi32, #tpu.memory_space<vmem>>) semaphore(%arg23 : memref<!tpu.dma_semaphore, #tpu.memory_space<semaphore_mem>>)
      } else {
      }
      %gt3A = arith.constant 0 : i32
      %gt3A_148 = arith.cmpi sgt, %add3A_129, %gt3A : i32
      %convert_element_type3A_149 = arith.extui %gt3A_148 : i1 to i32
      %cond3A_150 = arith.constant 0 : i32
      %cond3A_151 = arith.cmpi ne, %convert_element_type3A_149, %cond3A_150 : i32
      scf.if %cond3A_151 {
        %dma_wait3A_341 = arith.constant 0 : i32
        %dma_wait3A_342 = arith.constant 0 : i32
        %dma_wait3A_343 = tpu.memref_slice %arg10[%dma_wait3A_341, %dma_wait3A_342] : memref<4x32xi32, #tpu.memory_space<vmem>> -> memref<1x32xi32, #tpu.memory_space<vmem>>
        %dma_wait3A_344 = tpu.memref_squeeze %dma_wait3A_343 : memref<1x32xi32, #tpu.memory_space<vmem>> -> memref<32xi32, #tpu.memory_space<vmem>>
        %dma_wait3A_345 = arith.constant 0 : i32
        %dma_wait3A_346 = arith.constant 0 : i32
        %dma_wait3A_347 = tpu.memref_slice %arg20[%dma_wait3A_345, %dma_wait3A_346] : memref<10112x128xf32, #tpu.memory_space<vmem_shared>> -> memref<10112x128xf32, #tpu.memory_space<vmem_shared>>
        tpu.wait_indirect_dma semaphore(%arg24 : memref<!tpu.dma_semaphore, #tpu.memory_space<semaphore_mem>>) src(%arg17 : memref<32x128xf32, #tpu.memory_space<vmem>>) dst(%dma_wait3A_347 : memref<10112x128xf32, #tpu.memory_space<vmem_shared>>)
      } else {
      }
      %add3A_152 = arith.constant 3 : i32
      %add3A_153 = arith.addi %add3A_129, %add3A_152 : i32
      %lt3A_154 = arith.constant 316 : i32
      %lt3A_155 = arith.cmpi slt, %add3A_153, %lt3A_154 : i32
      %convert_element_type3A_156 = arith.extui %lt3A_155 : i1 to i32
      %cond3A_157 = arith.constant 0 : i32
      %cond3A_158 = arith.cmpi ne, %convert_element_type3A_156, %cond3A_157 : i32
      scf.if %cond3A_158 {
        %add3A_341 = arith.constant 3 : i32
        %add3A_342 = arith.addi %add3A_129, %add3A_341 : i32
        %mul3A_343 = arith.constant 32 : i32
        %mul3A_344 = arith.muli %add3A_342, %mul3A_343 : i32
        %add3A_345 = arith.addi %mul3A_12, %mul3A_344 : i32
        %dma_start3A_346 = arith.constant 3 : i32
        %dma_start3A_347 = arith.constant 0 : i32
        %dma_start3A_348 = tpu.memref_slice %arg10[%dma_start3A_346, %dma_start3A_347] : memref<4x32xi32, #tpu.memory_space<vmem>> -> memref<1x32xi32, #tpu.memory_space<vmem>>
        %dma_start3A_349 = tpu.memref_squeeze %dma_start3A_348 : memref<1x32xi32, #tpu.memory_space<vmem>> -> memref<32xi32, #tpu.memory_space<vmem>>
        %dma_start3A_350 = tpu.memref_slice %arg4[%add3A_345] : memref<323584xi32, #tpu.memory_space<hbm>> -> memref<32xi32, #tpu.memory_space<hbm>>
        %dma_start3A_351 = arith.constant 0 : i32
        %dma_start3A_352 = tpu.memref_slice %arg10[%dma_start3A_346, %dma_start3A_351] : memref<4x32xi32, #tpu.memory_space<vmem>> -> memref<1x32xi32, #tpu.memory_space<vmem>>
        %dma_start3A_353 = tpu.memref_squeeze %dma_start3A_352 : memref<1x32xi32, #tpu.memory_space<vmem>> -> memref<32xi32, #tpu.memory_space<vmem>>
        %dma_start3A_354 = tpu.memref_slice %arg4[%add3A_345] : memref<323584xi32, #tpu.memory_space<hbm>> -> memref<32xi32, #tpu.memory_space<hbm>>
        tpu.enqueue_dma source(%dma_start3A_354 : memref<32xi32, #tpu.memory_space<hbm>>) target(%dma_start3A_353 : memref<32xi32, #tpu.memory_space<vmem>>) target_semaphore(%arg28 : memref<!tpu.dma_semaphore, #tpu.memory_space<semaphore_mem>>)
        %dma_start3A_355 = arith.constant 3 : i32
        %dma_start3A_356 = arith.constant 0 : i32
        %dma_start3A_357 = tpu.memref_slice %arg11[%dma_start3A_355, %dma_start3A_356] : memref<4x32xi32, #tpu.memory_space<vmem>> -> memref<1x32xi32, #tpu.memory_space<vmem>>
        %dma_start3A_358 = tpu.memref_squeeze %dma_start3A_357 : memref<1x32xi32, #tpu.memory_space<vmem>> -> memref<32xi32, #tpu.memory_space<vmem>>
        %dma_start3A_359 = tpu.memref_slice %arg5[%add3A_345] : memref<323584xi32, #tpu.memory_space<hbm>> -> memref<32xi32, #tpu.memory_space<hbm>>
        %dma_start3A_360 = arith.constant 0 : i32
        %dma_start3A_361 = tpu.memref_slice %arg11[%dma_start3A_355, %dma_start3A_360] : memref<4x32xi32, #tpu.memory_space<vmem>> -> memref<1x32xi32, #tpu.memory_space<vmem>>
        %dma_start3A_362 = tpu.memref_squeeze %dma_start3A_361 : memref<1x32xi32, #tpu.memory_space<vmem>> -> memref<32xi32, #tpu.memory_space<vmem>>
        %dma_start3A_363 = tpu.memref_slice %arg5[%add3A_345] : memref<323584xi32, #tpu.memory_space<hbm>> -> memref<32xi32, #tpu.memory_space<hbm>>
        tpu.enqueue_dma source(%dma_start3A_363 : memref<32xi32, #tpu.memory_space<hbm>>) target(%dma_start3A_362 : memref<32xi32, #tpu.memory_space<vmem>>) target_semaphore(%arg28 : memref<!tpu.dma_semaphore, #tpu.memory_space<semaphore_mem>>)
      } else {
      }
      %parallel_loop3A = arith.constant 0 : i32
      %parallel_loop3A_159 = arith.constant 32 : i32
      %parallel_loop3A_160 = arith.constant 1 : i32
      scf.for %parallel_loop3A_341 = %parallel_loop3A to %parallel_loop3A_159 step %parallel_loop3A_160  : i32 {
        %parallel_loop3A_342 = arith.index_cast %parallel_loop3A_341 : i32 to index
        %parallel_loop3A_343 = arith.constant 0 : index
        %parallel_loop3A_344 = tpu.vector_load %arg13[%parallel_loop3A_342, %parallel_loop3A_343] {strides = array<i32>} : memref<32x256xf32, #tpu.memory_space<vmem>>, vector<16xf32>,
        %parallel_loop3A_345 = arith.index_cast %parallel_loop3A_341 : i32 to index
        %parallel_loop3A_346 = arith.constant 0 : index
        %parallel_loop3A_347 = tpu.vector_load %arg14[%parallel_loop3A_345, %parallel_loop3A_346] {strides = array<i32>} : memref<32x128xf32, #tpu.memory_space<vmem>>, vector<16xf32>,
        %parallel_loop3A_348 = arith.mulf %parallel_loop3A_344, %parallel_loop3A_347 : vector<16xf32>
        %parallel_loop3A_349 = arith.index_cast %parallel_loop3A_341 : i32 to index
        %parallel_loop3A_350 = arith.constant 16 : index
        %parallel_loop3A_351 = tpu.vector_load %arg13[%parallel_loop3A_349, %parallel_loop3A_350] {strides = array<i32>} : memref<32x256xf32, #tpu.memory_space<vmem>>, vector<16xf32>,
        %parallel_loop3A_352 = arith.index_cast %parallel_loop3A_341 : i32 to index
        %parallel_loop3A_353 = arith.constant 16 : index
        %parallel_loop3A_354 = tpu.vector_load %arg14[%parallel_loop3A_352, %parallel_loop3A_353] {strides = array<i32>} : memref<32x128xf32, #tpu.memory_space<vmem>>, vector<16xf32>,
        %parallel_loop3A_355 = arith.mulf %parallel_loop3A_351, %parallel_loop3A_354 : vector<16xf32>
        %parallel_loop3A_356 = arith.index_cast %parallel_loop3A_341 : i32 to index
        %parallel_loop3A_357 = arith.constant 32 : index
        %parallel_loop3A_358 = tpu.vector_load %arg13[%parallel_loop3A_356, %parallel_loop3A_357] {strides = array<i32>} : memref<32x256xf32, #tpu.memory_space<vmem>>, vector<16xf32>,
        %parallel_loop3A_359 = arith.index_cast %parallel_loop3A_341 : i32 to index
        %parallel_loop3A_360 = arith.constant 32 : index
        %parallel_loop3A_361 = tpu.vector_load %arg14[%parallel_loop3A_359, %parallel_loop3A_360] {strides = array<i32>} : memref<32x128xf32, #tpu.memory_space<vmem>>, vector<16xf32>,
        %parallel_loop3A_362 = arith.mulf %parallel_loop3A_358, %parallel_loop3A_361 : vector<16xf32>
        %parallel_loop3A_363 = arith.index_cast %parallel_loop3A_341 : i32 to index
        %parallel_loop3A_364 = arith.constant 48 : index
        %parallel_loop3A_365 = tpu.vector_load %arg13[%parallel_loop3A_363, %parallel_loop3A_364] {strides = array<i32>} : memref<32x256xf32, #tpu.memory_space<vmem>>, vector<16xf32>,
        %parallel_loop3A_366 = arith.index_cast %parallel_loop3A_341 : i32 to index
        %parallel_loop3A_367 = arith.constant 48 : index
        %parallel_loop3A_368 = tpu.vector_load %arg14[%parallel_loop3A_366, %parallel_loop3A_367] {strides = array<i32>} : memref<32x128xf32, #tpu.memory_space<vmem>>, vector<16xf32>,
        %parallel_loop3A_369 = arith.mulf %parallel_loop3A_365, %parallel_loop3A_368 : vector<16xf32>
        %parallel_loop3A_370 = arith.index_cast %parallel_loop3A_341 : i32 to index
        %parallel_loop3A_371 = arith.constant 64 : index
        %parallel_loop3A_372 = tpu.vector_load %arg13[%parallel_loop3A_370, %parallel_loop3A_371] {strides = array<i32>} : memref<32x256xf32, #tpu.memory_space<vmem>>, vector<16xf32>,
        %parallel_loop3A_373 = arith.index_cast %parallel_loop3A_341 : i32 to index
        %parallel_loop3A_374 = arith.constant 64 : index
        %parallel_loop3A_375 = tpu.vector_load %arg14[%parallel_loop3A_373, %parallel_loop3A_374] {strides = array<i32>} : memref<32x128xf32, #tpu.memory_space<vmem>>, vector<16xf32>,
        %parallel_loop3A_376 = arith.mulf %parallel_loop3A_372, %parallel_loop3A_375 : vector<16xf32>
        %parallel_loop3A_377 = arith.index_cast %parallel_loop3A_341 : i32 to index
        %parallel_loop3A_378 = arith.constant 80 : index
        %parallel_loop3A_379 = tpu.vector_load %arg13[%parallel_loop3A_377, %parallel_loop3A_378] {strides = array<i32>} : memref<32x256xf32, #tpu.memory_space<vmem>>, vector<16xf32>,
        %parallel_loop3A_380 = arith.index_cast %parallel_loop3A_341 : i32 to index
        %parallel_loop3A_381 = arith.constant 80 : index
        %parallel_loop3A_382 = tpu.vector_load %arg14[%parallel_loop3A_380, %parallel_loop3A_381] {strides = array<i32>} : memref<32x128xf32, #tpu.memory_space<vmem>>, vector<16xf32>,
        %parallel_loop3A_383 = arith.mulf %parallel_loop3A_379, %parallel_loop3A_382 : vector<16xf32>
        %parallel_loop3A_384 = arith.index_cast %parallel_loop3A_341 : i32 to index
        %parallel_loop3A_385 = arith.constant 96 : index
        %parallel_loop3A_386 = tpu.vector_load %arg13[%parallel_loop3A_384, %parallel_loop3A_385] {strides = array<i32>} : memref<32x256xf32, #tpu.memory_space<vmem>>, vector<16xf32>,
        %parallel_loop3A_387 = arith.index_cast %parallel_loop3A_341 : i32 to index
        %parallel_loop3A_388 = arith.constant 96 : index
        %parallel_loop3A_389 = tpu.vector_load %arg14[%parallel_loop3A_387, %parallel_loop3A_388] {strides = array<i32>} : memref<32x128xf32, #tpu.memory_space<vmem>>, vector<16xf32>,
        %parallel_loop3A_390 = arith.mulf %parallel_loop3A_386, %parallel_loop3A_389 : vector<16xf32>
        %parallel_loop3A_391 = arith.index_cast %parallel_loop3A_341 : i32 to index
        %parallel_loop3A_392 = arith.constant 112 : index
        %parallel_loop3A_393 = tpu.vector_load %arg13[%parallel_loop3A_391, %parallel_loop3A_392] {strides = array<i32>} : memref<32x256xf32, #tpu.memory_space<vmem>>, vector<16xf32>,
        %parallel_loop3A_394 = arith.index_cast %parallel_loop3A_341 : i32 to index
        %parallel_loop3A_395 = arith.constant 112 : index
        %parallel_loop3A_396 = tpu.vector_load %arg14[%parallel_loop3A_394, %parallel_loop3A_395] {strides = array<i32>} : memref<32x128xf32, #tpu.memory_space<vmem>>, vector<16xf32>,
        %parallel_loop3A_397 = arith.mulf %parallel_loop3A_393, %parallel_loop3A_396 : vector<16xf32>
        %parallel_loop3A_398 = arith.addf %parallel_loop3A_348, %parallel_loop3A_355 : vector<16xf32>
        %parallel_loop3A_399 = arith.addf %parallel_loop3A_362, %parallel_loop3A_369 : vector<16xf32>
        %parallel_loop3A_400 = arith.addf %parallel_loop3A_376, %parallel_loop3A_383 : vector<16xf32>
        %parallel_loop3A_401 = arith.addf %parallel_loop3A_390, %parallel_loop3A_397 : vector<16xf32>
        %parallel_loop3A_402 = arith.addf %parallel_loop3A_398, %parallel_loop3A_399 : vector<16xf32>
        %parallel_loop3A_403 = arith.addf %parallel_loop3A_400, %parallel_loop3A_401 : vector<16xf32>
        %parallel_loop3A_404 = arith.addf %parallel_loop3A_402, %parallel_loop3A_403 : vector<16xf32>
        %parallel_loop3A_405 = arith.constant 15 : i32
        %parallel_loop3A_406 = vector.broadcast %parallel_loop3A_405 : i32 to vector<16xi32>
        %parallel_loop3A_407 = tpu.iota {dimensions = array<i32: 0>} : vector<16xi32>
        %parallel_loop3A_408 = arith.subi %parallel_loop3A_406, %parallel_loop3A_407 : vector<16xi32>
        %parallel_loop3A_409 = tpu.dynamic_gather %parallel_loop3A_404[%parallel_loop3A_408] in [0] : vector<16xf32>, vector<16xi32> -> vector<16xf32>
        %parallel_loop3A_410 = arith.addf %parallel_loop3A_404, %parallel_loop3A_409 : vector<16xf32>
        %parallel_loop3A_411 = arith.constant -5.000000e+00 : f32
        %parallel_loop3A_412 = vector.broadcast %parallel_loop3A_411 : f32 to vector<16xf32>
        %parallel_loop3A_413 = arith.maximumf %parallel_loop3A_410, %parallel_loop3A_412 : vector<16xf32>
        %parallel_loop3A_414 = arith.constant 5.000000e+00 : f32
        %parallel_loop3A_415 = vector.broadcast %parallel_loop3A_414 : f32 to vector<16xf32>
        %parallel_loop3A_416 = arith.minimumf %parallel_loop3A_413, %parallel_loop3A_415 : vector<16xf32>
        %parallel_loop3A_417 = math.exp %parallel_loop3A_416 : vector<16xf32>
        %parallel_loop3A_418 = arith.constant 8 : i32
        %parallel_loop3A_419 = vector.broadcast %parallel_loop3A_418 : i32 to vector<16xi32>
        %parallel_loop3A_420 = arith.cmpi slt, %iota3A, %parallel_loop3A_419 : vector<16xi32>
        %parallel_loop3A_421 = arith.constant 0.000000e+00 : f32
        %parallel_loop3A_422 = vector.broadcast %parallel_loop3A_421 : f32 to vector<16xf32>
        %parallel_loop3A_423 = arith.select %parallel_loop3A_420, %parallel_loop3A_417, %parallel_loop3A_422 : vector<16xi1>, vector<16xf32>
        %parallel_loop3A_424 = arith.index_cast %parallel_loop3A_341 : i32 to index
        %parallel_loop3A_425 = arith.constant 0 : index
        %parallel_loop3A_426 = tpu.vector_load %arg19[%parallel_loop3A_424, %parallel_loop3A_425] {strides = array<i32>} : memref<32x16xf32, #tpu.memory_space<vmem>>, vector<16xf32>,
        tpu.vector_store %arg19[%parallel_loop3A_424, %parallel_loop3A_425], %parallel_loop3A_423 {strides = array<i32>} : memref<32x16xf32, #tpu.memory_space<vmem>>, vector<16xf32>,
        %parallel_loop3A_427 = arith.constant 15 : i32
        %parallel_loop3A_428 = vector.broadcast %parallel_loop3A_427 : i32 to vector<16xi32>
        %parallel_loop3A_429 = tpu.iota {dimensions = array<i32: 0>} : vector<16xi32>
        %parallel_loop3A_430 = arith.subi %parallel_loop3A_428, %parallel_loop3A_429 : vector<16xi32>
        %parallel_loop3A_431 = tpu.dynamic_gather %parallel_loop3A_423[%parallel_loop3A_430] in [0] : vector<16xf32>, vector<16xi32> -> vector<16xf32>
        %parallel_loop3A_432 = arith.addf %parallel_loop3A_423, %parallel_loop3A_431 : vector<16xf32>
        %parallel_loop3A_433 = arith.index_cast %parallel_loop3A_341 : i32 to index
        %parallel_loop3A_434 = arith.constant 128 : index
        %parallel_loop3A_435 = tpu.vector_load %arg13[%parallel_loop3A_433, %parallel_loop3A_434] {strides = array<i32>} : memref<32x256xf32, #tpu.memory_space<vmem>>, vector<16xf32>,
        %parallel_loop3A_436 = arith.index_cast %parallel_loop3A_341 : i32 to index
        %parallel_loop3A_437 = arith.constant 144 : index
        %parallel_loop3A_438 = tpu.vector_load %arg13[%parallel_loop3A_436, %parallel_loop3A_437] {strides = array<i32>} : memref<32x256xf32, #tpu.memory_space<vmem>>, vector<16xf32>,
        %parallel_loop3A_439 = arith.index_cast %parallel_loop3A_341 : i32 to index
        %parallel_loop3A_440 = arith.constant 160 : index
        %parallel_loop3A_441 = tpu.vector_load %arg13[%parallel_loop3A_439, %parallel_loop3A_440] {strides = array<i32>} : memref<32x256xf32, #tpu.memory_space<vmem>>, vector<16xf32>,
        %parallel_loop3A_442 = arith.index_cast %parallel_loop3A_341 : i32 to index
        %parallel_loop3A_443 = arith.constant 176 : index
        %parallel_loop3A_444 = tpu.vector_load %arg13[%parallel_loop3A_442, %parallel_loop3A_443] {strides = array<i32>} : memref<32x256xf32, #tpu.memory_space<vmem>>, vector<16xf32>,
        %parallel_loop3A_445 = arith.index_cast %parallel_loop3A_341 : i32 to index
        %parallel_loop3A_446 = arith.constant 192 : index
        %parallel_loop3A_447 = tpu.vector_load %arg13[%parallel_loop3A_445, %parallel_loop3A_446] {strides = array<i32>} : memref<32x256xf32, #tpu.memory_space<vmem>>, vector<16xf32>,
        %parallel_loop3A_448 = arith.index_cast %parallel_loop3A_341 : i32 to index
        %parallel_loop3A_449 = arith.constant 208 : index
        %parallel_loop3A_450 = tpu.vector_load %arg13[%parallel_loop3A_448, %parallel_loop3A_449] {strides = array<i32>} : memref<32x256xf32, #tpu.memory_space<vmem>>, vector<16xf32>,
        %parallel_loop3A_451 = arith.index_cast %parallel_loop3A_341 : i32 to index
        %parallel_loop3A_452 = arith.constant 224 : index
        %parallel_loop3A_453 = tpu.vector_load %arg13[%parallel_loop3A_451, %parallel_loop3A_452] {strides = array<i32>} : memref<32x256xf32, #tpu.memory_space<vmem>>, vector<16xf32>,
        %parallel_loop3A_454 = arith.index_cast %parallel_loop3A_341 : i32 to index
        %parallel_loop3A_455 = arith.constant 240 : index
        %parallel_loop3A_456 = tpu.vector_load %arg13[%parallel_loop3A_454, %parallel_loop3A_455] {strides = array<i32>} : memref<32x256xf32, #tpu.memory_space<vmem>>, vector<16xf32>,
        %parallel_loop3A_457 = arith.mulf %parallel_loop3A_432, %parallel_loop3A_435 : vector<16xf32>
        %parallel_loop3A_458 = arith.index_cast %parallel_loop3A_341 : i32 to index
        %parallel_loop3A_459 = arith.constant 0 : index
        %parallel_loop3A_460 = tpu.vector_load %arg17[%parallel_loop3A_458, %parallel_loop3A_459] {strides = array<i32>} : memref<32x128xf32, #tpu.memory_space<vmem>>, vector<16xf32>,
        tpu.vector_store %arg17[%parallel_loop3A_458, %parallel_loop3A_459], %parallel_loop3A_457 {strides = array<i32>} : memref<32x128xf32, #tpu.memory_space<vmem>>, vector<16xf32>,
        %parallel_loop3A_461 = arith.mulf %parallel_loop3A_432, %parallel_loop3A_438 : vector<16xf32>
        %parallel_loop3A_462 = arith.index_cast %parallel_loop3A_341 : i32 to index
        %parallel_loop3A_463 = arith.constant 16 : index
        %parallel_loop3A_464 = tpu.vector_load %arg17[%parallel_loop3A_462, %parallel_loop3A_463] {strides = array<i32>} : memref<32x128xf32, #tpu.memory_space<vmem>>, vector<16xf32>,
        tpu.vector_store %arg17[%parallel_loop3A_462, %parallel_loop3A_463], %parallel_loop3A_461 {strides = array<i32>} : memref<32x128xf32, #tpu.memory_space<vmem>>, vector<16xf32>,
        %parallel_loop3A_465 = arith.mulf %parallel_loop3A_432, %parallel_loop3A_441 : vector<16xf32>
        %parallel_loop3A_466 = arith.index_cast %parallel_loop3A_341 : i32 to index
        %parallel_loop3A_467 = arith.constant 32 : index
        %parallel_loop3A_468 = tpu.vector_load %arg17[%parallel_loop3A_466, %parallel_loop3A_467] {strides = array<i32>} : memref<32x128xf32, #tpu.memory_space<vmem>>, vector<16xf32>,
        tpu.vector_store %arg17[%parallel_loop3A_466, %parallel_loop3A_467], %parallel_loop3A_465 {strides = array<i32>} : memref<32x128xf32, #tpu.memory_space<vmem>>, vector<16xf32>,
        %parallel_loop3A_469 = arith.mulf %parallel_loop3A_432, %parallel_loop3A_444 : vector<16xf32>
        %parallel_loop3A_470 = arith.index_cast %parallel_loop3A_341 : i32 to index
        %parallel_loop3A_471 = arith.constant 48 : index
        %parallel_loop3A_472 = tpu.vector_load %arg17[%parallel_loop3A_470, %parallel_loop3A_471] {strides = array<i32>} : memref<32x128xf32, #tpu.memory_space<vmem>>, vector<16xf32>,
        tpu.vector_store %arg17[%parallel_loop3A_470, %parallel_loop3A_471], %parallel_loop3A_469 {strides = array<i32>} : memref<32x128xf32, #tpu.memory_space<vmem>>, vector<16xf32>,
        %parallel_loop3A_473 = arith.mulf %parallel_loop3A_432, %parallel_loop3A_447 : vector<16xf32>
        %parallel_loop3A_474 = arith.index_cast %parallel_loop3A_341 : i32 to index
        %parallel_loop3A_475 = arith.constant 64 : index
        %parallel_loop3A_476 = tpu.vector_load %arg17[%parallel_loop3A_474, %parallel_loop3A_475] {strides = array<i32>} : memref<32x128xf32, #tpu.memory_space<vmem>>, vector<16xf32>,
        tpu.vector_store %arg17[%parallel_loop3A_474, %parallel_loop3A_475], %parallel_loop3A_473 {strides = array<i32>} : memref<32x128xf32, #tpu.memory_space<vmem>>, vector<16xf32>,
        %parallel_loop3A_477 = arith.mulf %parallel_loop3A_432, %parallel_loop3A_450 : vector<16xf32>
        %parallel_loop3A_478 = arith.index_cast %parallel_loop3A_341 : i32 to index
        %parallel_loop3A_479 = arith.constant 80 : index
        %parallel_loop3A_480 = tpu.vector_load %arg17[%parallel_loop3A_478, %parallel_loop3A_479] {strides = array<i32>} : memref<32x128xf32, #tpu.memory_space<vmem>>, vector<16xf32>,
        tpu.vector_store %arg17[%parallel_loop3A_478, %parallel_loop3A_479], %parallel_loop3A_477 {strides = array<i32>} : memref<32x128xf32, #tpu.memory_space<vmem>>, vector<16xf32>,
        %parallel_loop3A_481 = arith.mulf %parallel_loop3A_432, %parallel_loop3A_453 : vector<16xf32>
        %parallel_loop3A_482 = arith.index_cast %parallel_loop3A_341 : i32 to index
        %parallel_loop3A_483 = arith.constant 96 : index
        %parallel_loop3A_484 = tpu.vector_load %arg17[%parallel_loop3A_482, %parallel_loop3A_483] {strides = array<i32>} : memref<32x128xf32, #tpu.memory_space<vmem>>, vector<16xf32>,
        tpu.vector_store %arg17[%parallel_loop3A_482, %parallel_loop3A_483], %parallel_loop3A_481 {strides = array<i32>} : memref<32x128xf32, #tpu.memory_space<vmem>>, vector<16xf32>,
        %parallel_loop3A_485 = arith.mulf %parallel_loop3A_432, %parallel_loop3A_456 : vector<16xf32>
        %parallel_loop3A_486 = arith.index_cast %parallel_loop3A_341 : i32 to index
        %parallel_loop3A_487 = arith.constant 112 : index
        %parallel_loop3A_488 = tpu.vector_load %arg17[%parallel_loop3A_486, %parallel_loop3A_487] {strides = array<i32>} : memref<32x128xf32, #tpu.memory_space<vmem>>, vector<16xf32>,
        tpu.vector_store %arg17[%parallel_loop3A_486, %parallel_loop3A_487], %parallel_loop3A_485 {strides = array<i32>} : memref<32x128xf32, #tpu.memory_space<vmem>>, vector<16xf32>,
      } {sc.loop_unroll_factor = 8 : i64, sc.parallel_access}
      %parallel_loop3A_161 = arith.constant 0 : i32
      %parallel_loop3A_162 = arith.constant 2 : i32
      %parallel_loop3A_163 = arith.constant 1 : i32
      %parallel_loop3A_164 = arith.constant 0 : i32
      scf.for %parallel_loop3A_341 = %parallel_loop3A_161 to %parallel_loop3A_162 step %parallel_loop3A_163  : i32 {
        %parallel_loop3A_342 = arith.constant 16 : i32
        %parallel_loop3A_343 = arith.muli %parallel_loop3A_341, %parallel_loop3A_342 : i32
        %parallel_loop3A_344 = vector.broadcast %parallel_loop3A_343 : i32 to vector<16xi32>
        %parallel_loop3A_345 = arith.addi %iota3A, %parallel_loop3A_344 : vector<16xi32>
        %parallel_loop3A_346 = arith.constant 16 : i32
        %parallel_loop3A_347 = arith.muli %parallel_loop3A_341, %parallel_loop3A_346 : i32
        %parallel_loop3A_348 = arith.constant 0 : i32
        %parallel_loop3A_349 = tpu.memref_slice %arg11[%parallel_loop3A_164, %parallel_loop3A_348] : memref<4x32xi32, #tpu.memory_space<vmem>> -> memref<1x32xi32, #tpu.memory_space<vmem>>
        %parallel_loop3A_350 = tpu.memref_squeeze %parallel_loop3A_349 : memref<1x32xi32, #tpu.memory_space<vmem>> -> memref<32xi32, #tpu.memory_space<vmem>>
        %parallel_loop3A_351 = arith.index_cast %parallel_loop3A_347 : i32 to index
        %parallel_loop3A_352 = tpu.vector_load %parallel_loop3A_350[%parallel_loop3A_351] {strides = array<i32>} : memref<32xi32, #tpu.memory_space<vmem>>, vector<16xi32>,
        %parallel_loop3A_353 = arith.constant 4 : i32
        %parallel_loop3A_354 = vector.broadcast %parallel_loop3A_353 : i32 to vector<16xi32>
        %parallel_loop3A_355 = arith.shrui %parallel_loop3A_352, %parallel_loop3A_354 : vector<16xi32>
        %parallel_loop3A_356 = arith.constant 16 : i32
        %parallel_loop3A_357 = arith.muli %parallel_loop3A_341, %parallel_loop3A_356 : i32
        %parallel_loop3A_358 = arith.index_cast %parallel_loop3A_357 : i32 to index
        %parallel_loop3A_359 = tpu.vector_load %arg12[%parallel_loop3A_358] {strides = array<i32>} : memref<32xi32, #tpu.memory_space<vmem>>, vector<16xi32>,
        tpu.vector_store %arg12[%parallel_loop3A_358], %parallel_loop3A_355 {strides = array<i32>} : memref<32xi32, #tpu.memory_space<vmem>>, vector<16xi32>,
        %parallel_loop3A_360 = arith.constant 15 : i32
        %parallel_loop3A_361 = vector.broadcast %parallel_loop3A_360 : i32 to vector<16xi32>
        %parallel_loop3A_362 = arith.andi %parallel_loop3A_352, %parallel_loop3A_361 : vector<16xi32>
        %parallel_loop3A_363 = arith.constant 3 : i32
        %parallel_loop3A_364 = vector.broadcast %parallel_loop3A_363 : i32 to vector<16xi32>
        %parallel_loop3A_365 = arith.shli %parallel_loop3A_362, %parallel_loop3A_364 : vector<16xi32>
        %parallel_loop3A_366 = arith.constant 0 : i32
        %parallel_loop3A_367 = vector.broadcast %parallel_loop3A_366 : i32 to vector<16xi32>
        %parallel_loop3A_368 = tpu.vector_load_idx %arg19[%parallel_loop3A_345, %parallel_loop3A_367] : memref<32x16xf32, #tpu.memory_space<vmem>>[vector<16xi32>, vector<16xi32>], vector<16xf32>,
        %parallel_loop3A_369 = arith.constant 1 : i32
        %parallel_loop3A_370 = vector.broadcast %parallel_loop3A_369 : i32 to vector<16xi32>
        %parallel_loop3A_371 = tpu.vector_load_idx %arg19[%parallel_loop3A_345, %parallel_loop3A_370] : memref<32x16xf32, #tpu.memory_space<vmem>>[vector<16xi32>, vector<16xi32>], vector<16xf32>,
        %parallel_loop3A_372 = arith.constant 2 : i32
        %parallel_loop3A_373 = vector.broadcast %parallel_loop3A_372 : i32 to vector<16xi32>
        %parallel_loop3A_374 = tpu.vector_load_idx %arg19[%parallel_loop3A_345, %parallel_loop3A_373] : memref<32x16xf32, #tpu.memory_space<vmem>>[vector<16xi32>, vector<16xi32>], vector<16xf32>,
        %parallel_loop3A_375 = arith.constant 3 : i32
        %parallel_loop3A_376 = vector.broadcast %parallel_loop3A_375 : i32 to vector<16xi32>
        %parallel_loop3A_377 = tpu.vector_load_idx %arg19[%parallel_loop3A_345, %parallel_loop3A_376] : memref<32x16xf32, #tpu.memory_space<vmem>>[vector<16xi32>, vector<16xi32>], vector<16xf32>,
        %parallel_loop3A_378 = arith.constant 4 : i32
        %parallel_loop3A_379 = vector.broadcast %parallel_loop3A_378 : i32 to vector<16xi32>
        %parallel_loop3A_380 = tpu.vector_load_idx %arg19[%parallel_loop3A_345, %parallel_loop3A_379] : memref<32x16xf32, #tpu.memory_space<vmem>>[vector<16xi32>, vector<16xi32>], vector<16xf32>,
        %parallel_loop3A_381 = arith.constant 5 : i32
        %parallel_loop3A_382 = vector.broadcast %parallel_loop3A_381 : i32 to vector<16xi32>
        %parallel_loop3A_383 = tpu.vector_load_idx %arg19[%parallel_loop3A_345, %parallel_loop3A_382] : memref<32x16xf32, #tpu.memory_space<vmem>>[vector<16xi32>, vector<16xi32>], vector<16xf32>,
        %parallel_loop3A_384 = arith.constant 6 : i32
        %parallel_loop3A_385 = vector.broadcast %parallel_loop3A_384 : i32 to vector<16xi32>
        %parallel_loop3A_386 = tpu.vector_load_idx %arg19[%parallel_loop3A_345, %parallel_loop3A_385] : memref<32x16xf32, #tpu.memory_space<vmem>>[vector<16xi32>, vector<16xi32>], vector<16xf32>,
        %parallel_loop3A_387 = arith.constant 7 : i32
        %parallel_loop3A_388 = vector.broadcast %parallel_loop3A_387 : i32 to vector<16xi32>
        %parallel_loop3A_389 = tpu.vector_load_idx %arg19[%parallel_loop3A_345, %parallel_loop3A_388] : memref<32x16xf32, #tpu.memory_space<vmem>>[vector<16xi32>, vector<16xi32>], vector<16xf32>,
        %parallel_loop3A_390 = arith.constant 0 : i32
        %parallel_loop3A_391 = vector.broadcast %parallel_loop3A_390 : i32 to vector<16xi32>
        %parallel_loop3A_392 = arith.addi %parallel_loop3A_365, %parallel_loop3A_391 : vector<16xi32>
        tpu.vector_store_idx %arg18[%parallel_loop3A_345, %parallel_loop3A_392], %parallel_loop3A_368 : memref<32x128xf32, #tpu.memory_space<vmem>>[vector<16xi32>, vector<16xi32>], vector<16xf32>,
        %parallel_loop3A_393 = arith.constant 1 : i32
        %parallel_loop3A_394 = vector.broadcast %parallel_loop3A_393 : i32 to vector<16xi32>
        %parallel_loop3A_395 = arith.addi %parallel_loop3A_365, %parallel_loop3A_394 : vector<16xi32>
        tpu.vector_store_idx %arg18[%parallel_loop3A_345, %parallel_loop3A_395], %parallel_loop3A_371 : memref<32x128xf32, #tpu.memory_space<vmem>>[vector<16xi32>, vector<16xi32>], vector<16xf32>,
        %parallel_loop3A_396 = arith.constant 2 : i32
        %parallel_loop3A_397 = vector.broadcast %parallel_loop3A_396 : i32 to vector<16xi32>
        %parallel_loop3A_398 = arith.addi %parallel_loop3A_365, %parallel_loop3A_397 : vector<16xi32>
        tpu.vector_store_idx %arg18[%parallel_loop3A_345, %parallel_loop3A_398], %parallel_loop3A_374 : memref<32x128xf32, #tpu.memory_space<vmem>>[vector<16xi32>, vector<16xi32>], vector<16xf32>,
        %parallel_loop3A_399 = arith.constant 3 : i32
        %parallel_loop3A_400 = vector.broadcast %parallel_loop3A_399 : i32 to vector<16xi32>
        %parallel_loop3A_401 = arith.addi %parallel_loop3A_365, %parallel_loop3A_400 : vector<16xi32>
        tpu.vector_store_idx %arg18[%parallel_loop3A_345, %parallel_loop3A_401], %parallel_loop3A_377 : memref<32x128xf32, #tpu.memory_space<vmem>>[vector<16xi32>, vector<16xi32>], vector<16xf32>,
        %parallel_loop3A_402 = arith.constant 4 : i32
        %parallel_loop3A_403 = vector.broadcast %parallel_loop3A_402 : i32 to vector<16xi32>
        %parallel_loop3A_404 = arith.addi %parallel_loop3A_365, %parallel_loop3A_403 : vector<16xi32>
        tpu.vector_store_idx %arg18[%parallel_loop3A_345, %parallel_loop3A_404], %parallel_loop3A_380 : memref<32x128xf32, #tpu.memory_space<vmem>>[vector<16xi32>, vector<16xi32>], vector<16xf32>,
        %parallel_loop3A_405 = arith.constant 5 : i32
        %parallel_loop3A_406 = vector.broadcast %parallel_loop3A_405 : i32 to vector<16xi32>
        %parallel_loop3A_407 = arith.addi %parallel_loop3A_365, %parallel_loop3A_406 : vector<16xi32>
        tpu.vector_store_idx %arg18[%parallel_loop3A_345, %parallel_loop3A_407], %parallel_loop3A_383 : memref<32x128xf32, #tpu.memory_space<vmem>>[vector<16xi32>, vector<16xi32>], vector<16xf32>,
        %parallel_loop3A_408 = arith.constant 6 : i32
        %parallel_loop3A_409 = vector.broadcast %parallel_loop3A_408 : i32 to vector<16xi32>
        %parallel_loop3A_410 = arith.addi %parallel_loop3A_365, %parallel_loop3A_409 : vector<16xi32>
        tpu.vector_store_idx %arg18[%parallel_loop3A_345, %parallel_loop3A_410], %parallel_loop3A_386 : memref<32x128xf32, #tpu.memory_space<vmem>>[vector<16xi32>, vector<16xi32>], vector<16xf32>,
        %parallel_loop3A_411 = arith.constant 7 : i32
        %parallel_loop3A_412 = vector.broadcast %parallel_loop3A_411 : i32 to vector<16xi32>
        %parallel_loop3A_413 = arith.addi %parallel_loop3A_365, %parallel_loop3A_412 : vector<16xi32>
        tpu.vector_store_idx %arg18[%parallel_loop3A_345, %parallel_loop3A_413], %parallel_loop3A_389 : memref<32x128xf32, #tpu.memory_space<vmem>>[vector<16xi32>, vector<16xi32>], vector<16xf32>,
      } {sc.loop_unroll_factor = 2 : i64, sc.parallel_access}
      %dma_start3A_165 = arith.constant 0 : i32
      %dma_start3A_166 = arith.constant 0 : i32
      %dma_start3A_167 = tpu.memref_slice %arg11[%dma_start3A_165, %dma_start3A_166] : memref<4x32xi32, #tpu.memory_space<vmem>> -> memref<1x32xi32, #tpu.memory_space<vmem>>
      %dma_start3A_168 = tpu.memref_squeeze %dma_start3A_167 : memref<1x32xi32, #tpu.memory_space<vmem>> -> memref<32xi32, #tpu.memory_space<vmem>>
      %dma_start3A_169 = arith.constant 0 : i32
      %dma_start3A_170 = arith.constant 0 : i32
      %dma_start3A_171 = tpu.memref_slice %arg20[%dma_start3A_169, %dma_start3A_170] : memref<10112x128xf32, #tpu.memory_space<vmem_shared>> -> memref<10112x128xf32, #tpu.memory_space<vmem_shared>>
      tpu.enqueue_indirect_dma source(%arg17 : memref<32x128xf32, #tpu.memory_space<vmem>>) target(%dma_start3A_171 : memref<10112x128xf32, #tpu.memory_space<vmem_shared>>) offsets(%dma_start3A_168 : memref<32xi32, #tpu.memory_space<vmem>>) semaphore(%arg24 : memref<!tpu.dma_semaphore, #tpu.memory_space<semaphore_mem>>) {add = true}
      "tpu.region"() ({
        %run_scoped3A = tpu.sem_alloc : memref<!tpu.dma_semaphore, #tpu.memory_space<semaphore_mem>>
        %dma_start3A_341 = arith.constant 0 : i32
        %dma_start3A_342 = arith.constant 0 : i32
        %dma_start3A_343 = tpu.memref_slice %arg21[%dma_start3A_341, %dma_start3A_342] : memref<640x128xf32, #tpu.memory_space<vmem_shared>> -> memref<640x128xf32, #tpu.memory_space<vmem_shared>>
        tpu.enqueue_indirect_dma source(%arg18 : memref<32x128xf32, #tpu.memory_space<vmem>>) target(%dma_start3A_343 : memref<640x128xf32, #tpu.memory_space<vmem_shared>>) offsets(%arg12 : memref<32xi32, #tpu.memory_space<vmem>>) semaphore(%run_scoped3A : memref<!tpu.dma_semaphore, #tpu.memory_space<semaphore_mem>>) {add = true}
        %dma_wait3A_344 = arith.constant 0 : i32
        %dma_wait3A_345 = arith.constant 0 : i32
        %dma_wait3A_346 = tpu.memref_slice %arg21[%dma_wait3A_344, %dma_wait3A_345] : memref<640x128xf32, #tpu.memory_space<vmem_shared>> -> memref<640x128xf32, #tpu.memory_space<vmem_shared>>
        tpu.wait_indirect_dma semaphore(%run_scoped3A : memref<!tpu.dma_semaphore, #tpu.memory_space<semaphore_mem>>) src(%arg18 : memref<32x128xf32, #tpu.memory_space<vmem>>) dst(%dma_wait3A_346 : memref<640x128xf32, #tpu.memory_space<vmem_shared>>)
        tpu.yield
      }) : () -> ()
      %parallel_loop3A_172 = arith.constant 0 : i32
      %parallel_loop3A_173 = arith.constant 2 : i32
      %parallel_loop3A_174 = arith.constant 1 : i32
      %parallel_loop3A_175 = arith.constant 0 : i32
      scf.for %parallel_loop3A_341 = %parallel_loop3A_172 to %parallel_loop3A_173 step %parallel_loop3A_174  : i32 {
        %parallel_loop3A_342 = arith.constant 16 : i32
        %parallel_loop3A_343 = arith.muli %parallel_loop3A_341, %parallel_loop3A_342 : i32
        %parallel_loop3A_344 = vector.broadcast %parallel_loop3A_343 : i32 to vector<16xi32>
        %parallel_loop3A_345 = arith.addi %iota3A, %parallel_loop3A_344 : vector<16xi32>
        %parallel_loop3A_346 = arith.constant 16 : i32
        %parallel_loop3A_347 = arith.muli %parallel_loop3A_341, %parallel_loop3A_346 : i32
        %parallel_loop3A_348 = arith.constant 0 : i32
        %parallel_loop3A_349 = tpu.memref_slice %arg11[%parallel_loop3A_175, %parallel_loop3A_348] : memref<4x32xi32, #tpu.memory_space<vmem>> -> memref<1x32xi32, #tpu.memory_space<vmem>>
        %parallel_loop3A_350 = tpu.memref_squeeze %parallel_loop3A_349 : memref<1x32xi32, #tpu.memory_space<vmem>> -> memref<32xi32, #tpu.memory_space<vmem>>
        %parallel_loop3A_351 = arith.index_cast %parallel_loop3A_347 : i32 to index
        %parallel_loop3A_352 = tpu.vector_load %parallel_loop3A_350[%parallel_loop3A_351] {strides = array<i32>} : memref<32xi32, #tpu.memory_space<vmem>>, vector<16xi32>,
        %parallel_loop3A_353 = arith.constant 15 : i32
        %parallel_loop3A_354 = vector.broadcast %parallel_loop3A_353 : i32 to vector<16xi32>
        %parallel_loop3A_355 = arith.andi %parallel_loop3A_352, %parallel_loop3A_354 : vector<16xi32>
        %parallel_loop3A_356 = arith.constant 3 : i32
        %parallel_loop3A_357 = vector.broadcast %parallel_loop3A_356 : i32 to vector<16xi32>
        %parallel_loop3A_358 = arith.shli %parallel_loop3A_355, %parallel_loop3A_357 : vector<16xi32>
        %parallel_loop3A_359 = arith.constant 0 : i32
        %parallel_loop3A_360 = vector.broadcast %parallel_loop3A_359 : i32 to vector<16xi32>
        %parallel_loop3A_361 = arith.addi %parallel_loop3A_358, %parallel_loop3A_360 : vector<16xi32>
        tpu.vector_store_idx %arg18[%parallel_loop3A_345, %parallel_loop3A_361], %broadcast_in_dim3A_5 : memref<32x128xf32, #tpu.memory_space<vmem>>[vector<16xi32>, vector<16xi32>], vector<16xf32>,
        %parallel_loop3A_362 = arith.constant 1 : i32
        %parallel_loop3A_363 = vector.broadcast %parallel_loop3A_362 : i32 to vector<16xi32>
        %parallel_loop3A_364 = arith.addi %parallel_loop3A_358, %parallel_loop3A_363 : vector<16xi32>
        tpu.vector_store_idx %arg18[%parallel_loop3A_345, %parallel_loop3A_364], %broadcast_in_dim3A_5 : memref<32x128xf32, #tpu.memory_space<vmem>>[vector<16xi32>, vector<16xi32>], vector<16xf32>,
        %parallel_loop3A_365 = arith.constant 2 : i32
        %parallel_loop3A_366 = vector.broadcast %parallel_loop3A_365 : i32 to vector<16xi32>
        %parallel_loop3A_367 = arith.addi %parallel_loop3A_358, %parallel_loop3A_366 : vector<16xi32>
        tpu.vector_store_idx %arg18[%parallel_loop3A_345, %parallel_loop3A_367], %broadcast_in_dim3A_5 : memref<32x128xf32, #tpu.memory_space<vmem>>[vector<16xi32>, vector<16xi32>], vector<16xf32>,
        %parallel_loop3A_368 = arith.constant 3 : i32
        %parallel_loop3A_369 = vector.broadcast %parallel_loop3A_368 : i32 to vector<16xi32>
        %parallel_loop3A_370 = arith.addi %parallel_loop3A_358, %parallel_loop3A_369 : vector<16xi32>
        tpu.vector_store_idx %arg18[%parallel_loop3A_345, %parallel_loop3A_370], %broadcast_in_dim3A_5 : memref<32x128xf32, #tpu.memory_space<vmem>>[vector<16xi32>, vector<16xi32>], vector<16xf32>,
        %parallel_loop3A_371 = arith.constant 4 : i32
        %parallel_loop3A_372 = vector.broadcast %parallel_loop3A_371 : i32 to vector<16xi32>
        %parallel_loop3A_373 = arith.addi %parallel_loop3A_358, %parallel_loop3A_372 : vector<16xi32>
        tpu.vector_store_idx %arg18[%parallel_loop3A_345, %parallel_loop3A_373], %broadcast_in_dim3A_5 : memref<32x128xf32, #tpu.memory_space<vmem>>[vector<16xi32>, vector<16xi32>], vector<16xf32>,
        %parallel_loop3A_374 = arith.constant 5 : i32
        %parallel_loop3A_375 = vector.broadcast %parallel_loop3A_374 : i32 to vector<16xi32>
        %parallel_loop3A_376 = arith.addi %parallel_loop3A_358, %parallel_loop3A_375 : vector<16xi32>
        tpu.vector_store_idx %arg18[%parallel_loop3A_345, %parallel_loop3A_376], %broadcast_in_dim3A_5 : memref<32x128xf32, #tpu.memory_space<vmem>>[vector<16xi32>, vector<16xi32>], vector<16xf32>,
        %parallel_loop3A_377 = arith.constant 6 : i32
        %parallel_loop3A_378 = vector.broadcast %parallel_loop3A_377 : i32 to vector<16xi32>
        %parallel_loop3A_379 = arith.addi %parallel_loop3A_358, %parallel_loop3A_378 : vector<16xi32>
        tpu.vector_store_idx %arg18[%parallel_loop3A_345, %parallel_loop3A_379], %broadcast_in_dim3A_5 : memref<32x128xf32, #tpu.memory_space<vmem>>[vector<16xi32>, vector<16xi32>], vector<16xf32>,
        %parallel_loop3A_380 = arith.constant 7 : i32
        %parallel_loop3A_381 = vector.broadcast %parallel_loop3A_380 : i32 to vector<16xi32>
        %parallel_loop3A_382 = arith.addi %parallel_loop3A_358, %parallel_loop3A_381 : vector<16xi32>
        tpu.vector_store_idx %arg18[%parallel_loop3A_345, %parallel_loop3A_382], %broadcast_in_dim3A_5 : memref<32x128xf32, #tpu.memory_space<vmem>>[vector<16xi32>, vector<16xi32>], vector<16xf32>,
      } {sc.loop_unroll_factor = 2 : i64, sc.parallel_access}
      %mul3A_176 = arith.constant 4 : i32
      %mul3A_177 = arith.muli %mul3A_176, %scan3A_125 : i32
      %add3A_178 = arith.constant 1 : i32
      %add3A_179 = arith.addi %mul3A_177, %add3A_178 : i32
      %dma_wait3A_180 = arith.constant 1 : i32
      %dma_wait3A_181 = arith.constant 0 : i32
      %dma_wait3A_182 = tpu.memref_slice %arg10[%dma_wait3A_180, %dma_wait3A_181] : memref<4x32xi32, #tpu.memory_space<vmem>> -> memref<1x32xi32, #tpu.memory_space<vmem>>
      %dma_wait3A_183 = tpu.memref_squeeze %dma_wait3A_182 : memref<1x32xi32, #tpu.memory_space<vmem>> -> memref<32xi32, #tpu.memory_space<vmem>>
      %dma_wait3A_184 = arith.constant 0 : i32
      %dma_wait3A_185 = arith.constant 0 : i32
      %dma_wait3A_186 = tpu.memref_slice %arg2[%dma_wait3A_184, %dma_wait3A_185] : memref<10000x256xf32, #tpu.memory_space<hbm>> -> memref<10000x256xf32, #tpu.memory_space<hbm>>
      tpu.wait_indirect_dma semaphore(%arg23 : memref<!tpu.dma_semaphore, #tpu.memory_space<semaphore_mem>>) src(%dma_wait3A_186 : memref<10000x256xf32, #tpu.memory_space<hbm>>) dst(%arg15 : memref<32x256xf32, #tpu.memory_space<vmem>>)
      %dma_wait3A_187 = arith.constant 1 : i32
      %dma_wait3A_188 = arith.constant 0 : i32
      %dma_wait3A_189 = tpu.memref_slice %arg11[%dma_wait3A_187, %dma_wait3A_188] : memref<4x32xi32, #tpu.memory_space<vmem>> -> memref<1x32xi32, #tpu.memory_space<vmem>>
      %dma_wait3A_190 = tpu.memref_squeeze %dma_wait3A_189 : memref<1x32xi32, #tpu.memory_space<vmem>> -> memref<32xi32, #tpu.memory_space<vmem>>
      %dma_wait3A_191 = arith.constant 0 : i32
      %dma_wait3A_192 = arith.constant 0 : i32
      %dma_wait3A_193 = tpu.memref_slice %arg3[%dma_wait3A_191, %dma_wait3A_192] : memref<10000x128xf32, #tpu.memory_space<hbm>> -> memref<10000x128xf32, #tpu.memory_space<hbm>>
      tpu.wait_indirect_dma semaphore(%arg23 : memref<!tpu.dma_semaphore, #tpu.memory_space<semaphore_mem>>) src(%dma_wait3A_193 : memref<10000x128xf32, #tpu.memory_space<hbm>>) dst(%arg16 : memref<32x128xf32, #tpu.memory_space<vmem>>)
      %add3A_194 = arith.constant 1 : i32
      %add3A_195 = arith.addi %add3A_179, %add3A_194 : i32
      %lt3A_196 = arith.constant 316 : i32
      %lt3A_197 = arith.cmpi slt, %add3A_195, %lt3A_196 : i32
      %convert_element_type3A_198 = arith.extui %lt3A_197 : i1 to i32
      %cond3A_199 = arith.constant 0 : i32
      %cond3A_200 = arith.cmpi ne, %convert_element_type3A_198, %cond3A_199 : i32
      scf.if %cond3A_200 {
        %add3A_341 = arith.constant 1 : i32
        %add3A_342 = arith.addi %add3A_179, %add3A_341 : i32
        %mul3A_343 = arith.constant 32 : i32
        %mul3A_344 = arith.muli %add3A_342, %mul3A_343 : i32
        %add3A_345 = arith.addi %mul3A_12, %mul3A_344 : i32
        %dma_wait3A_346 = arith.constant 2 : i32
        %dma_wait3A_347 = arith.constant 0 : i32
        %dma_wait3A_348 = tpu.memref_slice %arg10[%dma_wait3A_346, %dma_wait3A_347] : memref<4x32xi32, #tpu.memory_space<vmem>> -> memref<1x32xi32, #tpu.memory_space<vmem>>
        %dma_wait3A_349 = tpu.memref_squeeze %dma_wait3A_348 : memref<1x32xi32, #tpu.memory_space<vmem>> -> memref<32xi32, #tpu.memory_space<vmem>>
        %dma_wait3A_350 = tpu.memref_slice %arg4[%add3A_345] : memref<323584xi32, #tpu.memory_space<hbm>> -> memref<32xi32, #tpu.memory_space<hbm>>
        %dma_wait3A_351 = arith.constant 0 : i32
        %dma_wait3A_352 = tpu.memref_slice %arg10[%dma_wait3A_346, %dma_wait3A_351] : memref<4x32xi32, #tpu.memory_space<vmem>> -> memref<1x32xi32, #tpu.memory_space<vmem>>
        %dma_wait3A_353 = tpu.memref_squeeze %dma_wait3A_352 : memref<1x32xi32, #tpu.memory_space<vmem>> -> memref<32xi32, #tpu.memory_space<vmem>>
        %dma_wait3A_354 = tpu.memref_slice %arg4[%add3A_345] : memref<323584xi32, #tpu.memory_space<hbm>> -> memref<32xi32, #tpu.memory_space<hbm>>
        tpu.wait_dma2 semaphore(%arg27 : memref<!tpu.dma_semaphore, #tpu.memory_space<semaphore_mem>>) src(%dma_wait3A_354 : memref<32xi32, #tpu.memory_space<hbm>>) dst(%dma_wait3A_353 : memref<32xi32, #tpu.memory_space<vmem>>)
        %dma_wait3A_355 = arith.constant 2 : i32
        %dma_wait3A_356 = arith.constant 0 : i32
        %dma_wait3A_357 = tpu.memref_slice %arg11[%dma_wait3A_355, %dma_wait3A_356] : memref<4x32xi32, #tpu.memory_space<vmem>> -> memref<1x32xi32, #tpu.memory_space<vmem>>
        %dma_wait3A_358 = tpu.memref_squeeze %dma_wait3A_357 : memref<1x32xi32, #tpu.memory_space<vmem>> -> memref<32xi32, #tpu.memory_space<vmem>>
        %dma_wait3A_359 = tpu.memref_slice %arg5[%add3A_345] : memref<323584xi32, #tpu.memory_space<hbm>> -> memref<32xi32, #tpu.memory_space<hbm>>
        %dma_wait3A_360 = arith.constant 0 : i32
        %dma_wait3A_361 = tpu.memref_slice %arg11[%dma_wait3A_355, %dma_wait3A_360] : memref<4x32xi32, #tpu.memory_space<vmem>> -> memref<1x32xi32, #tpu.memory_space<vmem>>
        %dma_wait3A_362 = tpu.memref_squeeze %dma_wait3A_361 : memref<1x32xi32, #tpu.memory_space<vmem>> -> memref<32xi32, #tpu.memory_space<vmem>>
        %dma_wait3A_363 = tpu.memref_slice %arg5[%add3A_345] : memref<323584xi32, #tpu.memory_space<hbm>> -> memref<32xi32, #tpu.memory_space<hbm>>
        tpu.wait_dma2 semaphore(%arg27 : memref<!tpu.dma_semaphore, #tpu.memory_space<semaphore_mem>>) src(%dma_wait3A_363 : memref<32xi32, #tpu.memory_space<hbm>>) dst(%dma_wait3A_362 : memref<32xi32, #tpu.memory_space<vmem>>)
        %dma_start3A_364 = arith.constant 2 : i32
        %dma_start3A_365 = arith.constant 0 : i32
        %dma_start3A_366 = tpu.memref_slice %arg10[%dma_start3A_364, %dma_start3A_365] : memref<4x32xi32, #tpu.memory_space<vmem>> -> memref<1x32xi32, #tpu.memory_space<vmem>>
        %dma_start3A_367 = tpu.memref_squeeze %dma_start3A_366 : memref<1x32xi32, #tpu.memory_space<vmem>> -> memref<32xi32, #tpu.memory_space<vmem>>
        %dma_start3A_368 = arith.constant 0 : i32
        %dma_start3A_369 = arith.constant 0 : i32
        %dma_start3A_370 = tpu.memref_slice %arg2[%dma_start3A_368, %dma_start3A_369] : memref<10000x256xf32, #tpu.memory_space<hbm>> -> memref<10000x256xf32, #tpu.memory_space<hbm>>
        tpu.enqueue_indirect_dma source(%dma_start3A_370 : memref<10000x256xf32, #tpu.memory_space<hbm>>) target(%arg13 : memref<32x256xf32, #tpu.memory_space<vmem>>) offsets(%dma_start3A_367 : memref<32xi32, #tpu.memory_space<vmem>>) semaphore(%arg22 : memref<!tpu.dma_semaphore, #tpu.memory_space<semaphore_mem>>)
        %dma_start3A_371 = arith.constant 2 : i32
        %dma_start3A_372 = arith.constant 0 : i32
        %dma_start3A_373 = tpu.memref_slice %arg11[%dma_start3A_371, %dma_start3A_372] : memref<4x32xi32, #tpu.memory_space<vmem>> -> memref<1x32xi32, #tpu.memory_space<vmem>>
        %dma_start3A_374 = tpu.memref_squeeze %dma_start3A_373 : memref<1x32xi32, #tpu.memory_space<vmem>> -> memref<32xi32, #tpu.memory_space<vmem>>
        %dma_start3A_375 = arith.constant 0 : i32
        %dma_start3A_376 = arith.constant 0 : i32
        %dma_start3A_377 = tpu.memref_slice %arg3[%dma_start3A_375, %dma_start3A_376] : memref<10000x128xf32, #tpu.memory_space<hbm>> -> memref<10000x128xf32, #tpu.memory_space<hbm>>
        tpu.enqueue_indirect_dma source(%dma_start3A_377 : memref<10000x128xf32, #tpu.memory_space<hbm>>) target(%arg14 : memref<32x128xf32, #tpu.memory_space<vmem>>) offsets(%dma_start3A_374 : memref<32xi32, #tpu.memory_space<vmem>>) semaphore(%arg22 : memref<!tpu.dma_semaphore, #tpu.memory_space<semaphore_mem>>)
      } else {
      }
      %gt3A_201 = arith.constant 0 : i32
      %gt3A_202 = arith.cmpi sgt, %add3A_179, %gt3A_201 : i32
      %convert_element_type3A_203 = arith.extui %gt3A_202 : i1 to i32
      %cond3A_204 = arith.constant 0 : i32
      %cond3A_205 = arith.cmpi ne, %convert_element_type3A_203, %cond3A_204 : i32
      scf.if %cond3A_205 {
        %dma_wait3A_341 = arith.constant 0 : i32
        %dma_wait3A_342 = arith.constant 0 : i32
        %dma_wait3A_343 = tpu.memref_slice %arg10[%dma_wait3A_341, %dma_wait3A_342] : memref<4x32xi32, #tpu.memory_space<vmem>> -> memref<1x32xi32, #tpu.memory_space<vmem>>
        %dma_wait3A_344 = tpu.memref_squeeze %dma_wait3A_343 : memref<1x32xi32, #tpu.memory_space<vmem>> -> memref<32xi32, #tpu.memory_space<vmem>>
        %dma_wait3A_345 = arith.constant 0 : i32
        %dma_wait3A_346 = arith.constant 0 : i32
        %dma_wait3A_347 = tpu.memref_slice %arg20[%dma_wait3A_345, %dma_wait3A_346] : memref<10112x128xf32, #tpu.memory_space<vmem_shared>> -> memref<10112x128xf32, #tpu.memory_space<vmem_shared>>
        tpu.wait_indirect_dma semaphore(%arg24 : memref<!tpu.dma_semaphore, #tpu.memory_space<semaphore_mem>>) src(%arg17 : memref<32x128xf32, #tpu.memory_space<vmem>>) dst(%dma_wait3A_347 : memref<10112x128xf32, #tpu.memory_space<vmem_shared>>)
      } else {
      }
      %add3A_206 = arith.constant 3 : i32
      %add3A_207 = arith.addi %add3A_179, %add3A_206 : i32
      %lt3A_208 = arith.constant 316 : i32
      %lt3A_209 = arith.cmpi slt, %add3A_207, %lt3A_208 : i32
      %convert_element_type3A_210 = arith.extui %lt3A_209 : i1 to i32
      %cond3A_211 = arith.constant 0 : i32
      %cond3A_212 = arith.cmpi ne, %convert_element_type3A_210, %cond3A_211 : i32
      scf.if %cond3A_212 {
        %add3A_341 = arith.constant 3 : i32
        %add3A_342 = arith.addi %add3A_179, %add3A_341 : i32
        %mul3A_343 = arith.constant 32 : i32
        %mul3A_344 = arith.muli %add3A_342, %mul3A_343 : i32
        %add3A_345 = arith.addi %mul3A_12, %mul3A_344 : i32
        %dma_start3A_346 = arith.constant 0 : i32
        %dma_start3A_347 = arith.constant 0 : i32
        %dma_start3A_348 = tpu.memref_slice %arg10[%dma_start3A_346, %dma_start3A_347] : memref<4x32xi32, #tpu.memory_space<vmem>> -> memref<1x32xi32, #tpu.memory_space<vmem>>
        %dma_start3A_349 = tpu.memref_squeeze %dma_start3A_348 : memref<1x32xi32, #tpu.memory_space<vmem>> -> memref<32xi32, #tpu.memory_space<vmem>>
        %dma_start3A_350 = tpu.memref_slice %arg4[%add3A_345] : memref<323584xi32, #tpu.memory_space<hbm>> -> memref<32xi32, #tpu.memory_space<hbm>>
        %dma_start3A_351 = arith.constant 0 : i32
        %dma_start3A_352 = tpu.memref_slice %arg10[%dma_start3A_346, %dma_start3A_351] : memref<4x32xi32, #tpu.memory_space<vmem>> -> memref<1x32xi32, #tpu.memory_space<vmem>>
        %dma_start3A_353 = tpu.memref_squeeze %dma_start3A_352 : memref<1x32xi32, #tpu.memory_space<vmem>> -> memref<32xi32, #tpu.memory_space<vmem>>
        %dma_start3A_354 = tpu.memref_slice %arg4[%add3A_345] : memref<323584xi32, #tpu.memory_space<hbm>> -> memref<32xi32, #tpu.memory_space<hbm>>
        tpu.enqueue_dma source(%dma_start3A_354 : memref<32xi32, #tpu.memory_space<hbm>>) target(%dma_start3A_353 : memref<32xi32, #tpu.memory_space<vmem>>) target_semaphore(%arg25 : memref<!tpu.dma_semaphore, #tpu.memory_space<semaphore_mem>>)
        %dma_start3A_355 = arith.constant 0 : i32
        %dma_start3A_356 = arith.constant 0 : i32
        %dma_start3A_357 = tpu.memref_slice %arg11[%dma_start3A_355, %dma_start3A_356] : memref<4x32xi32, #tpu.memory_space<vmem>> -> memref<1x32xi32, #tpu.memory_space<vmem>>
        %dma_start3A_358 = tpu.memref_squeeze %dma_start3A_357 : memref<1x32xi32, #tpu.memory_space<vmem>> -> memref<32xi32, #tpu.memory_space<vmem>>
        %dma_start3A_359 = tpu.memref_slice %arg5[%add3A_345] : memref<323584xi32, #tpu.memory_space<hbm>> -> memref<32xi32, #tpu.memory_space<hbm>>
        %dma_start3A_360 = arith.constant 0 : i32
        %dma_start3A_361 = tpu.memref_slice %arg11[%dma_start3A_355, %dma_start3A_360] : memref<4x32xi32, #tpu.memory_space<vmem>> -> memref<1x32xi32, #tpu.memory_space<vmem>>
        %dma_start3A_362 = tpu.memref_squeeze %dma_start3A_361 : memref<1x32xi32, #tpu.memory_space<vmem>> -> memref<32xi32, #tpu.memory_space<vmem>>
        %dma_start3A_363 = tpu.memref_slice %arg5[%add3A_345] : memref<323584xi32, #tpu.memory_space<hbm>> -> memref<32xi32, #tpu.memory_space<hbm>>
        tpu.enqueue_dma source(%dma_start3A_363 : memref<32xi32, #tpu.memory_space<hbm>>) target(%dma_start3A_362 : memref<32xi32, #tpu.memory_space<vmem>>) target_semaphore(%arg25 : memref<!tpu.dma_semaphore, #tpu.memory_space<semaphore_mem>>)
      } else {
      }
      %parallel_loop3A_213 = arith.constant 0 : i32
      %parallel_loop3A_214 = arith.constant 32 : i32
      %parallel_loop3A_215 = arith.constant 1 : i32
      scf.for %parallel_loop3A_341 = %parallel_loop3A_213 to %parallel_loop3A_214 step %parallel_loop3A_215  : i32 {
        %parallel_loop3A_342 = arith.index_cast %parallel_loop3A_341 : i32 to index
        %parallel_loop3A_343 = arith.constant 0 : index
        %parallel_loop3A_344 = tpu.vector_load %arg15[%parallel_loop3A_342, %parallel_loop3A_343] {strides = array<i32>} : memref<32x256xf32, #tpu.memory_space<vmem>>, vector<16xf32>,
        %parallel_loop3A_345 = arith.index_cast %parallel_loop3A_341 : i32 to index
        %parallel_loop3A_346 = arith.constant 0 : index
        %parallel_loop3A_347 = tpu.vector_load %arg16[%parallel_loop3A_345, %parallel_loop3A_346] {strides = array<i32>} : memref<32x128xf32, #tpu.memory_space<vmem>>, vector<16xf32>,
        %parallel_loop3A_348 = arith.mulf %parallel_loop3A_344, %parallel_loop3A_347 : vector<16xf32>
        %parallel_loop3A_349 = arith.index_cast %parallel_loop3A_341 : i32 to index
        %parallel_loop3A_350 = arith.constant 16 : index
        %parallel_loop3A_351 = tpu.vector_load %arg15[%parallel_loop3A_349, %parallel_loop3A_350] {strides = array<i32>} : memref<32x256xf32, #tpu.memory_space<vmem>>, vector<16xf32>,
        %parallel_loop3A_352 = arith.index_cast %parallel_loop3A_341 : i32 to index
        %parallel_loop3A_353 = arith.constant 16 : index
        %parallel_loop3A_354 = tpu.vector_load %arg16[%parallel_loop3A_352, %parallel_loop3A_353] {strides = array<i32>} : memref<32x128xf32, #tpu.memory_space<vmem>>, vector<16xf32>,
        %parallel_loop3A_355 = arith.mulf %parallel_loop3A_351, %parallel_loop3A_354 : vector<16xf32>
        %parallel_loop3A_356 = arith.index_cast %parallel_loop3A_341 : i32 to index
        %parallel_loop3A_357 = arith.constant 32 : index
        %parallel_loop3A_358 = tpu.vector_load %arg15[%parallel_loop3A_356, %parallel_loop3A_357] {strides = array<i32>} : memref<32x256xf32, #tpu.memory_space<vmem>>, vector<16xf32>,
        %parallel_loop3A_359 = arith.index_cast %parallel_loop3A_341 : i32 to index
        %parallel_loop3A_360 = arith.constant 32 : index
        %parallel_loop3A_361 = tpu.vector_load %arg16[%parallel_loop3A_359, %parallel_loop3A_360] {strides = array<i32>} : memref<32x128xf32, #tpu.memory_space<vmem>>, vector<16xf32>,
        %parallel_loop3A_362 = arith.mulf %parallel_loop3A_358, %parallel_loop3A_361 : vector<16xf32>
        %parallel_loop3A_363 = arith.index_cast %parallel_loop3A_341 : i32 to index
        %parallel_loop3A_364 = arith.constant 48 : index
        %parallel_loop3A_365 = tpu.vector_load %arg15[%parallel_loop3A_363, %parallel_loop3A_364] {strides = array<i32>} : memref<32x256xf32, #tpu.memory_space<vmem>>, vector<16xf32>,
        %parallel_loop3A_366 = arith.index_cast %parallel_loop3A_341 : i32 to index
        %parallel_loop3A_367 = arith.constant 48 : index
        %parallel_loop3A_368 = tpu.vector_load %arg16[%parallel_loop3A_366, %parallel_loop3A_367] {strides = array<i32>} : memref<32x128xf32, #tpu.memory_space<vmem>>, vector<16xf32>,
        %parallel_loop3A_369 = arith.mulf %parallel_loop3A_365, %parallel_loop3A_368 : vector<16xf32>
        %parallel_loop3A_370 = arith.index_cast %parallel_loop3A_341 : i32 to index
        %parallel_loop3A_371 = arith.constant 64 : index
        %parallel_loop3A_372 = tpu.vector_load %arg15[%parallel_loop3A_370, %parallel_loop3A_371] {strides = array<i32>} : memref<32x256xf32, #tpu.memory_space<vmem>>, vector<16xf32>,
        %parallel_loop3A_373 = arith.index_cast %parallel_loop3A_341 : i32 to index
        %parallel_loop3A_374 = arith.constant 64 : index
        %parallel_loop3A_375 = tpu.vector_load %arg16[%parallel_loop3A_373, %parallel_loop3A_374] {strides = array<i32>} : memref<32x128xf32, #tpu.memory_space<vmem>>, vector<16xf32>,
        %parallel_loop3A_376 = arith.mulf %parallel_loop3A_372, %parallel_loop3A_375 : vector<16xf32>
        %parallel_loop3A_377 = arith.index_cast %parallel_loop3A_341 : i32 to index
        %parallel_loop3A_378 = arith.constant 80 : index
        %parallel_loop3A_379 = tpu.vector_load %arg15[%parallel_loop3A_377, %parallel_loop3A_378] {strides = array<i32>} : memref<32x256xf32, #tpu.memory_space<vmem>>, vector<16xf32>,
        %parallel_loop3A_380 = arith.index_cast %parallel_loop3A_341 : i32 to index
        %parallel_loop3A_381 = arith.constant 80 : index
        %parallel_loop3A_382 = tpu.vector_load %arg16[%parallel_loop3A_380, %parallel_loop3A_381] {strides = array<i32>} : memref<32x128xf32, #tpu.memory_space<vmem>>, vector<16xf32>,
        %parallel_loop3A_383 = arith.mulf %parallel_loop3A_379, %parallel_loop3A_382 : vector<16xf32>
        %parallel_loop3A_384 = arith.index_cast %parallel_loop3A_341 : i32 to index
        %parallel_loop3A_385 = arith.constant 96 : index
        %parallel_loop3A_386 = tpu.vector_load %arg15[%parallel_loop3A_384, %parallel_loop3A_385] {strides = array<i32>} : memref<32x256xf32, #tpu.memory_space<vmem>>, vector<16xf32>,
        %parallel_loop3A_387 = arith.index_cast %parallel_loop3A_341 : i32 to index
        %parallel_loop3A_388 = arith.constant 96 : index
        %parallel_loop3A_389 = tpu.vector_load %arg16[%parallel_loop3A_387, %parallel_loop3A_388] {strides = array<i32>} : memref<32x128xf32, #tpu.memory_space<vmem>>, vector<16xf32>,
        %parallel_loop3A_390 = arith.mulf %parallel_loop3A_386, %parallel_loop3A_389 : vector<16xf32>
        %parallel_loop3A_391 = arith.index_cast %parallel_loop3A_341 : i32 to index
        %parallel_loop3A_392 = arith.constant 112 : index
        %parallel_loop3A_393 = tpu.vector_load %arg15[%parallel_loop3A_391, %parallel_loop3A_392] {strides = array<i32>} : memref<32x256xf32, #tpu.memory_space<vmem>>, vector<16xf32>,
        %parallel_loop3A_394 = arith.index_cast %parallel_loop3A_341 : i32 to index
        %parallel_loop3A_395 = arith.constant 112 : index
        %parallel_loop3A_396 = tpu.vector_load %arg16[%parallel_loop3A_394, %parallel_loop3A_395] {strides = array<i32>} : memref<32x128xf32, #tpu.memory_space<vmem>>, vector<16xf32>,
        %parallel_loop3A_397 = arith.mulf %parallel_loop3A_393, %parallel_loop3A_396 : vector<16xf32>
        %parallel_loop3A_398 = arith.addf %parallel_loop3A_348, %parallel_loop3A_355 : vector<16xf32>
        %parallel_loop3A_399 = arith.addf %parallel_loop3A_362, %parallel_loop3A_369 : vector<16xf32>
        %parallel_loop3A_400 = arith.addf %parallel_loop3A_376, %parallel_loop3A_383 : vector<16xf32>
        %parallel_loop3A_401 = arith.addf %parallel_loop3A_390, %parallel_loop3A_397 : vector<16xf32>
        %parallel_loop3A_402 = arith.addf %parallel_loop3A_398, %parallel_loop3A_399 : vector<16xf32>
        %parallel_loop3A_403 = arith.addf %parallel_loop3A_400, %parallel_loop3A_401 : vector<16xf32>
        %parallel_loop3A_404 = arith.addf %parallel_loop3A_402, %parallel_loop3A_403 : vector<16xf32>
        %parallel_loop3A_405 = arith.constant 15 : i32
        %parallel_loop3A_406 = vector.broadcast %parallel_loop3A_405 : i32 to vector<16xi32>
        %parallel_loop3A_407 = tpu.iota {dimensions = array<i32: 0>} : vector<16xi32>
        %parallel_loop3A_408 = arith.subi %parallel_loop3A_406, %parallel_loop3A_407 : vector<16xi32>
        %parallel_loop3A_409 = tpu.dynamic_gather %parallel_loop3A_404[%parallel_loop3A_408] in [0] : vector<16xf32>, vector<16xi32> -> vector<16xf32>
        %parallel_loop3A_410 = arith.addf %parallel_loop3A_404, %parallel_loop3A_409 : vector<16xf32>
        %parallel_loop3A_411 = arith.constant -5.000000e+00 : f32
        %parallel_loop3A_412 = vector.broadcast %parallel_loop3A_411 : f32 to vector<16xf32>
        %parallel_loop3A_413 = arith.maximumf %parallel_loop3A_410, %parallel_loop3A_412 : vector<16xf32>
        %parallel_loop3A_414 = arith.constant 5.000000e+00 : f32
        %parallel_loop3A_415 = vector.broadcast %parallel_loop3A_414 : f32 to vector<16xf32>
        %parallel_loop3A_416 = arith.minimumf %parallel_loop3A_413, %parallel_loop3A_415 : vector<16xf32>
        %parallel_loop3A_417 = math.exp %parallel_loop3A_416 : vector<16xf32>
        %parallel_loop3A_418 = arith.constant 8 : i32
        %parallel_loop3A_419 = vector.broadcast %parallel_loop3A_418 : i32 to vector<16xi32>
        %parallel_loop3A_420 = arith.cmpi slt, %iota3A, %parallel_loop3A_419 : vector<16xi32>
        %parallel_loop3A_421 = arith.constant 0.000000e+00 : f32
        %parallel_loop3A_422 = vector.broadcast %parallel_loop3A_421 : f32 to vector<16xf32>
        %parallel_loop3A_423 = arith.select %parallel_loop3A_420, %parallel_loop3A_417, %parallel_loop3A_422 : vector<16xi1>, vector<16xf32>
        %parallel_loop3A_424 = arith.index_cast %parallel_loop3A_341 : i32 to index
        %parallel_loop3A_425 = arith.constant 0 : index
        %parallel_loop3A_426 = tpu.vector_load %arg19[%parallel_loop3A_424, %parallel_loop3A_425] {strides = array<i32>} : memref<32x16xf32, #tpu.memory_space<vmem>>, vector<16xf32>,
        tpu.vector_store %arg19[%parallel_loop3A_424, %parallel_loop3A_425], %parallel_loop3A_423 {strides = array<i32>} : memref<32x16xf32, #tpu.memory_space<vmem>>, vector<16xf32>,
        %parallel_loop3A_427 = arith.constant 15 : i32
        %parallel_loop3A_428 = vector.broadcast %parallel_loop3A_427 : i32 to vector<16xi32>
        %parallel_loop3A_429 = tpu.iota {dimensions = array<i32: 0>} : vector<16xi32>
        %parallel_loop3A_430 = arith.subi %parallel_loop3A_428, %parallel_loop3A_429 : vector<16xi32>
        %parallel_loop3A_431 = tpu.dynamic_gather %parallel_loop3A_423[%parallel_loop3A_430] in [0] : vector<16xf32>, vector<16xi32> -> vector<16xf32>
        %parallel_loop3A_432 = arith.addf %parallel_loop3A_423, %parallel_loop3A_431 : vector<16xf32>
        %parallel_loop3A_433 = arith.index_cast %parallel_loop3A_341 : i32 to index
        %parallel_loop3A_434 = arith.constant 128 : index
        %parallel_loop3A_435 = tpu.vector_load %arg15[%parallel_loop3A_433, %parallel_loop3A_434] {strides = array<i32>} : memref<32x256xf32, #tpu.memory_space<vmem>>, vector<16xf32>,
        %parallel_loop3A_436 = arith.index_cast %parallel_loop3A_341 : i32 to index
        %parallel_loop3A_437 = arith.constant 144 : index
        %parallel_loop3A_438 = tpu.vector_load %arg15[%parallel_loop3A_436, %parallel_loop3A_437] {strides = array<i32>} : memref<32x256xf32, #tpu.memory_space<vmem>>, vector<16xf32>,
        %parallel_loop3A_439 = arith.index_cast %parallel_loop3A_341 : i32 to index
        %parallel_loop3A_440 = arith.constant 160 : index
        %parallel_loop3A_441 = tpu.vector_load %arg15[%parallel_loop3A_439, %parallel_loop3A_440] {strides = array<i32>} : memref<32x256xf32, #tpu.memory_space<vmem>>, vector<16xf32>,
        %parallel_loop3A_442 = arith.index_cast %parallel_loop3A_341 : i32 to index
        %parallel_loop3A_443 = arith.constant 176 : index
        %parallel_loop3A_444 = tpu.vector_load %arg15[%parallel_loop3A_442, %parallel_loop3A_443] {strides = array<i32>} : memref<32x256xf32, #tpu.memory_space<vmem>>, vector<16xf32>,
        %parallel_loop3A_445 = arith.index_cast %parallel_loop3A_341 : i32 to index
        %parallel_loop3A_446 = arith.constant 192 : index
        %parallel_loop3A_447 = tpu.vector_load %arg15[%parallel_loop3A_445, %parallel_loop3A_446] {strides = array<i32>} : memref<32x256xf32, #tpu.memory_space<vmem>>, vector<16xf32>,
        %parallel_loop3A_448 = arith.index_cast %parallel_loop3A_341 : i32 to index
        %parallel_loop3A_449 = arith.constant 208 : index
        %parallel_loop3A_450 = tpu.vector_load %arg15[%parallel_loop3A_448, %parallel_loop3A_449] {strides = array<i32>} : memref<32x256xf32, #tpu.memory_space<vmem>>, vector<16xf32>,
        %parallel_loop3A_451 = arith.index_cast %parallel_loop3A_341 : i32 to index
        %parallel_loop3A_452 = arith.constant 224 : index
        %parallel_loop3A_453 = tpu.vector_load %arg15[%parallel_loop3A_451, %parallel_loop3A_452] {strides = array<i32>} : memref<32x256xf32, #tpu.memory_space<vmem>>, vector<16xf32>,
        %parallel_loop3A_454 = arith.index_cast %parallel_loop3A_341 : i32 to index
        %parallel_loop3A_455 = arith.constant 240 : index
        %parallel_loop3A_456 = tpu.vector_load %arg15[%parallel_loop3A_454, %parallel_loop3A_455] {strides = array<i32>} : memref<32x256xf32, #tpu.memory_space<vmem>>, vector<16xf32>,
        %parallel_loop3A_457 = arith.mulf %parallel_loop3A_432, %parallel_loop3A_435 : vector<16xf32>
        %parallel_loop3A_458 = arith.index_cast %parallel_loop3A_341 : i32 to index
        %parallel_loop3A_459 = arith.constant 0 : index
        %parallel_loop3A_460 = tpu.vector_load %arg17[%parallel_loop3A_458, %parallel_loop3A_459] {strides = array<i32>} : memref<32x128xf32, #tpu.memory_space<vmem>>, vector<16xf32>,
        tpu.vector_store %arg17[%parallel_loop3A_458, %parallel_loop3A_459], %parallel_loop3A_457 {strides = array<i32>} : memref<32x128xf32, #tpu.memory_space<vmem>>, vector<16xf32>,
        %parallel_loop3A_461 = arith.mulf %parallel_loop3A_432, %parallel_loop3A_438 : vector<16xf32>
        %parallel_loop3A_462 = arith.index_cast %parallel_loop3A_341 : i32 to index
        %parallel_loop3A_463 = arith.constant 16 : index
        %parallel_loop3A_464 = tpu.vector_load %arg17[%parallel_loop3A_462, %parallel_loop3A_463] {strides = array<i32>} : memref<32x128xf32, #tpu.memory_space<vmem>>, vector<16xf32>,
        tpu.vector_store %arg17[%parallel_loop3A_462, %parallel_loop3A_463], %parallel_loop3A_461 {strides = array<i32>} : memref<32x128xf32, #tpu.memory_space<vmem>>, vector<16xf32>,
        %parallel_loop3A_465 = arith.mulf %parallel_loop3A_432, %parallel_loop3A_441 : vector<16xf32>
        %parallel_loop3A_466 = arith.index_cast %parallel_loop3A_341 : i32 to index
        %parallel_loop3A_467 = arith.constant 32 : index
        %parallel_loop3A_468 = tpu.vector_load %arg17[%parallel_loop3A_466, %parallel_loop3A_467] {strides = array<i32>} : memref<32x128xf32, #tpu.memory_space<vmem>>, vector<16xf32>,
        tpu.vector_store %arg17[%parallel_loop3A_466, %parallel_loop3A_467], %parallel_loop3A_465 {strides = array<i32>} : memref<32x128xf32, #tpu.memory_space<vmem>>, vector<16xf32>,
        %parallel_loop3A_469 = arith.mulf %parallel_loop3A_432, %parallel_loop3A_444 : vector<16xf32>
        %parallel_loop3A_470 = arith.index_cast %parallel_loop3A_341 : i32 to index
        %parallel_loop3A_471 = arith.constant 48 : index
        %parallel_loop3A_472 = tpu.vector_load %arg17[%parallel_loop3A_470, %parallel_loop3A_471] {strides = array<i32>} : memref<32x128xf32, #tpu.memory_space<vmem>>, vector<16xf32>,
        tpu.vector_store %arg17[%parallel_loop3A_470, %parallel_loop3A_471], %parallel_loop3A_469 {strides = array<i32>} : memref<32x128xf32, #tpu.memory_space<vmem>>, vector<16xf32>,
        %parallel_loop3A_473 = arith.mulf %parallel_loop3A_432, %parallel_loop3A_447 : vector<16xf32>
        %parallel_loop3A_474 = arith.index_cast %parallel_loop3A_341 : i32 to index
        %parallel_loop3A_475 = arith.constant 64 : index
        %parallel_loop3A_476 = tpu.vector_load %arg17[%parallel_loop3A_474, %parallel_loop3A_475] {strides = array<i32>} : memref<32x128xf32, #tpu.memory_space<vmem>>, vector<16xf32>,
        tpu.vector_store %arg17[%parallel_loop3A_474, %parallel_loop3A_475], %parallel_loop3A_473 {strides = array<i32>} : memref<32x128xf32, #tpu.memory_space<vmem>>, vector<16xf32>,
        %parallel_loop3A_477 = arith.mulf %parallel_loop3A_432, %parallel_loop3A_450 : vector<16xf32>
        %parallel_loop3A_478 = arith.index_cast %parallel_loop3A_341 : i32 to index
        %parallel_loop3A_479 = arith.constant 80 : index
        %parallel_loop3A_480 = tpu.vector_load %arg17[%parallel_loop3A_478, %parallel_loop3A_479] {strides = array<i32>} : memref<32x128xf32, #tpu.memory_space<vmem>>, vector<16xf32>,
        tpu.vector_store %arg17[%parallel_loop3A_478, %parallel_loop3A_479], %parallel_loop3A_477 {strides = array<i32>} : memref<32x128xf32, #tpu.memory_space<vmem>>, vector<16xf32>,
        %parallel_loop3A_481 = arith.mulf %parallel_loop3A_432, %parallel_loop3A_453 : vector<16xf32>
        %parallel_loop3A_482 = arith.index_cast %parallel_loop3A_341 : i32 to index
        %parallel_loop3A_483 = arith.constant 96 : index
        %parallel_loop3A_484 = tpu.vector_load %arg17[%parallel_loop3A_482, %parallel_loop3A_483] {strides = array<i32>} : memref<32x128xf32, #tpu.memory_space<vmem>>, vector<16xf32>,
        tpu.vector_store %arg17[%parallel_loop3A_482, %parallel_loop3A_483], %parallel_loop3A_481 {strides = array<i32>} : memref<32x128xf32, #tpu.memory_space<vmem>>, vector<16xf32>,
        %parallel_loop3A_485 = arith.mulf %parallel_loop3A_432, %parallel_loop3A_456 : vector<16xf32>
        %parallel_loop3A_486 = arith.index_cast %parallel_loop3A_341 : i32 to index
        %parallel_loop3A_487 = arith.constant 112 : index
        %parallel_loop3A_488 = tpu.vector_load %arg17[%parallel_loop3A_486, %parallel_loop3A_487] {strides = array<i32>} : memref<32x128xf32, #tpu.memory_space<vmem>>, vector<16xf32>,
        tpu.vector_store %arg17[%parallel_loop3A_486, %parallel_loop3A_487], %parallel_loop3A_485 {strides = array<i32>} : memref<32x128xf32, #tpu.memory_space<vmem>>, vector<16xf32>,
      } {sc.loop_unroll_factor = 8 : i64, sc.parallel_access}
      %parallel_loop3A_216 = arith.constant 0 : i32
      %parallel_loop3A_217 = arith.constant 2 : i32
      %parallel_loop3A_218 = arith.constant 1 : i32
      %parallel_loop3A_219 = arith.constant 1 : i32
      scf.for %parallel_loop3A_341 = %parallel_loop3A_216 to %parallel_loop3A_217 step %parallel_loop3A_218  : i32 {
        %parallel_loop3A_342 = arith.constant 16 : i32
        %parallel_loop3A_343 = arith.muli %parallel_loop3A_341, %parallel_loop3A_342 : i32
        %parallel_loop3A_344 = vector.broadcast %parallel_loop3A_343 : i32 to vector<16xi32>
        %parallel_loop3A_345 = arith.addi %iota3A, %parallel_loop3A_344 : vector<16xi32>
        %parallel_loop3A_346 = arith.constant 16 : i32
        %parallel_loop3A_347 = arith.muli %parallel_loop3A_341, %parallel_loop3A_346 : i32
        %parallel_loop3A_348 = arith.constant 0 : i32
        %parallel_loop3A_349 = tpu.memref_slice %arg11[%parallel_loop3A_219, %parallel_loop3A_348] : memref<4x32xi32, #tpu.memory_space<vmem>> -> memref<1x32xi32, #tpu.memory_space<vmem>>
        %parallel_loop3A_350 = tpu.memref_squeeze %parallel_loop3A_349 : memref<1x32xi32, #tpu.memory_space<vmem>> -> memref<32xi32, #tpu.memory_space<vmem>>
        %parallel_loop3A_351 = arith.index_cast %parallel_loop3A_347 : i32 to index
        %parallel_loop3A_352 = tpu.vector_load %parallel_loop3A_350[%parallel_loop3A_351] {strides = array<i32>} : memref<32xi32, #tpu.memory_space<vmem>>, vector<16xi32>,
        %parallel_loop3A_353 = arith.constant 4 : i32
        %parallel_loop3A_354 = vector.broadcast %parallel_loop3A_353 : i32 to vector<16xi32>
        %parallel_loop3A_355 = arith.shrui %parallel_loop3A_352, %parallel_loop3A_354 : vector<16xi32>
        %parallel_loop3A_356 = arith.constant 16 : i32
        %parallel_loop3A_357 = arith.muli %parallel_loop3A_341, %parallel_loop3A_356 : i32
        %parallel_loop3A_358 = arith.index_cast %parallel_loop3A_357 : i32 to index
        %parallel_loop3A_359 = tpu.vector_load %arg12[%parallel_loop3A_358] {strides = array<i32>} : memref<32xi32, #tpu.memory_space<vmem>>, vector<16xi32>,
        tpu.vector_store %arg12[%parallel_loop3A_358], %parallel_loop3A_355 {strides = array<i32>} : memref<32xi32, #tpu.memory_space<vmem>>, vector<16xi32>,
        %parallel_loop3A_360 = arith.constant 15 : i32
        %parallel_loop3A_361 = vector.broadcast %parallel_loop3A_360 : i32 to vector<16xi32>
        %parallel_loop3A_362 = arith.andi %parallel_loop3A_352, %parallel_loop3A_361 : vector<16xi32>
        %parallel_loop3A_363 = arith.constant 3 : i32
        %parallel_loop3A_364 = vector.broadcast %parallel_loop3A_363 : i32 to vector<16xi32>
        %parallel_loop3A_365 = arith.shli %parallel_loop3A_362, %parallel_loop3A_364 : vector<16xi32>
        %parallel_loop3A_366 = arith.constant 0 : i32
        %parallel_loop3A_367 = vector.broadcast %parallel_loop3A_366 : i32 to vector<16xi32>
        %parallel_loop3A_368 = tpu.vector_load_idx %arg19[%parallel_loop3A_345, %parallel_loop3A_367] : memref<32x16xf32, #tpu.memory_space<vmem>>[vector<16xi32>, vector<16xi32>], vector<16xf32>,
        %parallel_loop3A_369 = arith.constant 1 : i32
        %parallel_loop3A_370 = vector.broadcast %parallel_loop3A_369 : i32 to vector<16xi32>
        %parallel_loop3A_371 = tpu.vector_load_idx %arg19[%parallel_loop3A_345, %parallel_loop3A_370] : memref<32x16xf32, #tpu.memory_space<vmem>>[vector<16xi32>, vector<16xi32>], vector<16xf32>,
        %parallel_loop3A_372 = arith.constant 2 : i32
        %parallel_loop3A_373 = vector.broadcast %parallel_loop3A_372 : i32 to vector<16xi32>
        %parallel_loop3A_374 = tpu.vector_load_idx %arg19[%parallel_loop3A_345, %parallel_loop3A_373] : memref<32x16xf32, #tpu.memory_space<vmem>>[vector<16xi32>, vector<16xi32>], vector<16xf32>,
        %parallel_loop3A_375 = arith.constant 3 : i32
        %parallel_loop3A_376 = vector.broadcast %parallel_loop3A_375 : i32 to vector<16xi32>
        %parallel_loop3A_377 = tpu.vector_load_idx %arg19[%parallel_loop3A_345, %parallel_loop3A_376] : memref<32x16xf32, #tpu.memory_space<vmem>>[vector<16xi32>, vector<16xi32>], vector<16xf32>,
        %parallel_loop3A_378 = arith.constant 4 : i32
        %parallel_loop3A_379 = vector.broadcast %parallel_loop3A_378 : i32 to vector<16xi32>
        %parallel_loop3A_380 = tpu.vector_load_idx %arg19[%parallel_loop3A_345, %parallel_loop3A_379] : memref<32x16xf32, #tpu.memory_space<vmem>>[vector<16xi32>, vector<16xi32>], vector<16xf32>,
        %parallel_loop3A_381 = arith.constant 5 : i32
        %parallel_loop3A_382 = vector.broadcast %parallel_loop3A_381 : i32 to vector<16xi32>
        %parallel_loop3A_383 = tpu.vector_load_idx %arg19[%parallel_loop3A_345, %parallel_loop3A_382] : memref<32x16xf32, #tpu.memory_space<vmem>>[vector<16xi32>, vector<16xi32>], vector<16xf32>,
        %parallel_loop3A_384 = arith.constant 6 : i32
        %parallel_loop3A_385 = vector.broadcast %parallel_loop3A_384 : i32 to vector<16xi32>
        %parallel_loop3A_386 = tpu.vector_load_idx %arg19[%parallel_loop3A_345, %parallel_loop3A_385] : memref<32x16xf32, #tpu.memory_space<vmem>>[vector<16xi32>, vector<16xi32>], vector<16xf32>,
        %parallel_loop3A_387 = arith.constant 7 : i32
        %parallel_loop3A_388 = vector.broadcast %parallel_loop3A_387 : i32 to vector<16xi32>
        %parallel_loop3A_389 = tpu.vector_load_idx %arg19[%parallel_loop3A_345, %parallel_loop3A_388] : memref<32x16xf32, #tpu.memory_space<vmem>>[vector<16xi32>, vector<16xi32>], vector<16xf32>,
        %parallel_loop3A_390 = arith.constant 0 : i32
        %parallel_loop3A_391 = vector.broadcast %parallel_loop3A_390 : i32 to vector<16xi32>
        %parallel_loop3A_392 = arith.addi %parallel_loop3A_365, %parallel_loop3A_391 : vector<16xi32>
        tpu.vector_store_idx %arg18[%parallel_loop3A_345, %parallel_loop3A_392], %parallel_loop3A_368 : memref<32x128xf32, #tpu.memory_space<vmem>>[vector<16xi32>, vector<16xi32>], vector<16xf32>,
        %parallel_loop3A_393 = arith.constant 1 : i32
        %parallel_loop3A_394 = vector.broadcast %parallel_loop3A_393 : i32 to vector<16xi32>
        %parallel_loop3A_395 = arith.addi %parallel_loop3A_365, %parallel_loop3A_394 : vector<16xi32>
        tpu.vector_store_idx %arg18[%parallel_loop3A_345, %parallel_loop3A_395], %parallel_loop3A_371 : memref<32x128xf32, #tpu.memory_space<vmem>>[vector<16xi32>, vector<16xi32>], vector<16xf32>,
        %parallel_loop3A_396 = arith.constant 2 : i32
        %parallel_loop3A_397 = vector.broadcast %parallel_loop3A_396 : i32 to vector<16xi32>
        %parallel_loop3A_398 = arith.addi %parallel_loop3A_365, %parallel_loop3A_397 : vector<16xi32>
        tpu.vector_store_idx %arg18[%parallel_loop3A_345, %parallel_loop3A_398], %parallel_loop3A_374 : memref<32x128xf32, #tpu.memory_space<vmem>>[vector<16xi32>, vector<16xi32>], vector<16xf32>,
        %parallel_loop3A_399 = arith.constant 3 : i32
        %parallel_loop3A_400 = vector.broadcast %parallel_loop3A_399 : i32 to vector<16xi32>
        %parallel_loop3A_401 = arith.addi %parallel_loop3A_365, %parallel_loop3A_400 : vector<16xi32>
        tpu.vector_store_idx %arg18[%parallel_loop3A_345, %parallel_loop3A_401], %parallel_loop3A_377 : memref<32x128xf32, #tpu.memory_space<vmem>>[vector<16xi32>, vector<16xi32>], vector<16xf32>,
        %parallel_loop3A_402 = arith.constant 4 : i32
        %parallel_loop3A_403 = vector.broadcast %parallel_loop3A_402 : i32 to vector<16xi32>
        %parallel_loop3A_404 = arith.addi %parallel_loop3A_365, %parallel_loop3A_403 : vector<16xi32>
        tpu.vector_store_idx %arg18[%parallel_loop3A_345, %parallel_loop3A_404], %parallel_loop3A_380 : memref<32x128xf32, #tpu.memory_space<vmem>>[vector<16xi32>, vector<16xi32>], vector<16xf32>,
        %parallel_loop3A_405 = arith.constant 5 : i32
        %parallel_loop3A_406 = vector.broadcast %parallel_loop3A_405 : i32 to vector<16xi32>
        %parallel_loop3A_407 = arith.addi %parallel_loop3A_365, %parallel_loop3A_406 : vector<16xi32>
        tpu.vector_store_idx %arg18[%parallel_loop3A_345, %parallel_loop3A_407], %parallel_loop3A_383 : memref<32x128xf32, #tpu.memory_space<vmem>>[vector<16xi32>, vector<16xi32>], vector<16xf32>,
        %parallel_loop3A_408 = arith.constant 6 : i32
        %parallel_loop3A_409 = vector.broadcast %parallel_loop3A_408 : i32 to vector<16xi32>
        %parallel_loop3A_410 = arith.addi %parallel_loop3A_365, %parallel_loop3A_409 : vector<16xi32>
        tpu.vector_store_idx %arg18[%parallel_loop3A_345, %parallel_loop3A_410], %parallel_loop3A_386 : memref<32x128xf32, #tpu.memory_space<vmem>>[vector<16xi32>, vector<16xi32>], vector<16xf32>,
        %parallel_loop3A_411 = arith.constant 7 : i32
        %parallel_loop3A_412 = vector.broadcast %parallel_loop3A_411 : i32 to vector<16xi32>
        %parallel_loop3A_413 = arith.addi %parallel_loop3A_365, %parallel_loop3A_412 : vector<16xi32>
        tpu.vector_store_idx %arg18[%parallel_loop3A_345, %parallel_loop3A_413], %parallel_loop3A_389 : memref<32x128xf32, #tpu.memory_space<vmem>>[vector<16xi32>, vector<16xi32>], vector<16xf32>,
      } {sc.loop_unroll_factor = 2 : i64, sc.parallel_access}
      %dma_start3A_220 = arith.constant 1 : i32
      %dma_start3A_221 = arith.constant 0 : i32
      %dma_start3A_222 = tpu.memref_slice %arg11[%dma_start3A_220, %dma_start3A_221] : memref<4x32xi32, #tpu.memory_space<vmem>> -> memref<1x32xi32, #tpu.memory_space<vmem>>
      %dma_start3A_223 = tpu.memref_squeeze %dma_start3A_222 : memref<1x32xi32, #tpu.memory_space<vmem>> -> memref<32xi32, #tpu.memory_space<vmem>>
      %dma_start3A_224 = arith.constant 0 : i32
      %dma_start3A_225 = arith.constant 0 : i32
      %dma_start3A_226 = tpu.memref_slice %arg20[%dma_start3A_224, %dma_start3A_225] : memref<10112x128xf32, #tpu.memory_space<vmem_shared>> -> memref<10112x128xf32, #tpu.memory_space<vmem_shared>>
      tpu.enqueue_indirect_dma source(%arg17 : memref<32x128xf32, #tpu.memory_space<vmem>>) target(%dma_start3A_226 : memref<10112x128xf32, #tpu.memory_space<vmem_shared>>) offsets(%dma_start3A_223 : memref<32xi32, #tpu.memory_space<vmem>>) semaphore(%arg24 : memref<!tpu.dma_semaphore, #tpu.memory_space<semaphore_mem>>) {add = true}
      "tpu.region"() ({
        %run_scoped3A = tpu.sem_alloc : memref<!tpu.dma_semaphore, #tpu.memory_space<semaphore_mem>>
        %dma_start3A_341 = arith.constant 0 : i32
        %dma_start3A_342 = arith.constant 0 : i32
        %dma_start3A_343 = tpu.memref_slice %arg21[%dma_start3A_341, %dma_start3A_342] : memref<640x128xf32, #tpu.memory_space<vmem_shared>> -> memref<640x128xf32, #tpu.memory_space<vmem_shared>>
        tpu.enqueue_indirect_dma source(%arg18 : memref<32x128xf32, #tpu.memory_space<vmem>>) target(%dma_start3A_343 : memref<640x128xf32, #tpu.memory_space<vmem_shared>>) offsets(%arg12 : memref<32xi32, #tpu.memory_space<vmem>>) semaphore(%run_scoped3A : memref<!tpu.dma_semaphore, #tpu.memory_space<semaphore_mem>>) {add = true}
        %dma_wait3A_344 = arith.constant 0 : i32
        %dma_wait3A_345 = arith.constant 0 : i32
        %dma_wait3A_346 = tpu.memref_slice %arg21[%dma_wait3A_344, %dma_wait3A_345] : memref<640x128xf32, #tpu.memory_space<vmem_shared>> -> memref<640x128xf32, #tpu.memory_space<vmem_shared>>
        tpu.wait_indirect_dma semaphore(%run_scoped3A : memref<!tpu.dma_semaphore, #tpu.memory_space<semaphore_mem>>) src(%arg18 : memref<32x128xf32, #tpu.memory_space<vmem>>) dst(%dma_wait3A_346 : memref<640x128xf32, #tpu.memory_space<vmem_shared>>)
        tpu.yield
      }) : () -> ()
      %parallel_loop3A_227 = arith.constant 0 : i32
      %parallel_loop3A_228 = arith.constant 2 : i32
      %parallel_loop3A_229 = arith.constant 1 : i32
      %parallel_loop3A_230 = arith.constant 1 : i32
      scf.for %parallel_loop3A_341 = %parallel_loop3A_227 to %parallel_loop3A_228 step %parallel_loop3A_229  : i32 {
        %parallel_loop3A_342 = arith.constant 16 : i32
        %parallel_loop3A_343 = arith.muli %parallel_loop3A_341, %parallel_loop3A_342 : i32
        %parallel_loop3A_344 = vector.broadcast %parallel_loop3A_343 : i32 to vector<16xi32>
        %parallel_loop3A_345 = arith.addi %iota3A, %parallel_loop3A_344 : vector<16xi32>
        %parallel_loop3A_346 = arith.constant 16 : i32
        %parallel_loop3A_347 = arith.muli %parallel_loop3A_341, %parallel_loop3A_346 : i32
        %parallel_loop3A_348 = arith.constant 0 : i32
        %parallel_loop3A_349 = tpu.memref_slice %arg11[%parallel_loop3A_230, %parallel_loop3A_348] : memref<4x32xi32, #tpu.memory_space<vmem>> -> memref<1x32xi32, #tpu.memory_space<vmem>>
        %parallel_loop3A_350 = tpu.memref_squeeze %parallel_loop3A_349 : memref<1x32xi32, #tpu.memory_space<vmem>> -> memref<32xi32, #tpu.memory_space<vmem>>
        %parallel_loop3A_351 = arith.index_cast %parallel_loop3A_347 : i32 to index
        %parallel_loop3A_352 = tpu.vector_load %parallel_loop3A_350[%parallel_loop3A_351] {strides = array<i32>} : memref<32xi32, #tpu.memory_space<vmem>>, vector<16xi32>,
        %parallel_loop3A_353 = arith.constant 15 : i32
        %parallel_loop3A_354 = vector.broadcast %parallel_loop3A_353 : i32 to vector<16xi32>
        %parallel_loop3A_355 = arith.andi %parallel_loop3A_352, %parallel_loop3A_354 : vector<16xi32>
        %parallel_loop3A_356 = arith.constant 3 : i32
        %parallel_loop3A_357 = vector.broadcast %parallel_loop3A_356 : i32 to vector<16xi32>
        %parallel_loop3A_358 = arith.shli %parallel_loop3A_355, %parallel_loop3A_357 : vector<16xi32>
        %parallel_loop3A_359 = arith.constant 0 : i32
        %parallel_loop3A_360 = vector.broadcast %parallel_loop3A_359 : i32 to vector<16xi32>
        %parallel_loop3A_361 = arith.addi %parallel_loop3A_358, %parallel_loop3A_360 : vector<16xi32>
        tpu.vector_store_idx %arg18[%parallel_loop3A_345, %parallel_loop3A_361], %broadcast_in_dim3A_5 : memref<32x128xf32, #tpu.memory_space<vmem>>[vector<16xi32>, vector<16xi32>], vector<16xf32>,
        %parallel_loop3A_362 = arith.constant 1 : i32
        %parallel_loop3A_363 = vector.broadcast %parallel_loop3A_362 : i32 to vector<16xi32>
        %parallel_loop3A_364 = arith.addi %parallel_loop3A_358, %parallel_loop3A_363 : vector<16xi32>
        tpu.vector_store_idx %arg18[%parallel_loop3A_345, %parallel_loop3A_364], %broadcast_in_dim3A_5 : memref<32x128xf32, #tpu.memory_space<vmem>>[vector<16xi32>, vector<16xi32>], vector<16xf32>,
        %parallel_loop3A_365 = arith.constant 2 : i32
        %parallel_loop3A_366 = vector.broadcast %parallel_loop3A_365 : i32 to vector<16xi32>
        %parallel_loop3A_367 = arith.addi %parallel_loop3A_358, %parallel_loop3A_366 : vector<16xi32>
        tpu.vector_store_idx %arg18[%parallel_loop3A_345, %parallel_loop3A_367], %broadcast_in_dim3A_5 : memref<32x128xf32, #tpu.memory_space<vmem>>[vector<16xi32>, vector<16xi32>], vector<16xf32>,
        %parallel_loop3A_368 = arith.constant 3 : i32
        %parallel_loop3A_369 = vector.broadcast %parallel_loop3A_368 : i32 to vector<16xi32>
        %parallel_loop3A_370 = arith.addi %parallel_loop3A_358, %parallel_loop3A_369 : vector<16xi32>
        tpu.vector_store_idx %arg18[%parallel_loop3A_345, %parallel_loop3A_370], %broadcast_in_dim3A_5 : memref<32x128xf32, #tpu.memory_space<vmem>>[vector<16xi32>, vector<16xi32>], vector<16xf32>,
        %parallel_loop3A_371 = arith.constant 4 : i32
        %parallel_loop3A_372 = vector.broadcast %parallel_loop3A_371 : i32 to vector<16xi32>
        %parallel_loop3A_373 = arith.addi %parallel_loop3A_358, %parallel_loop3A_372 : vector<16xi32>
        tpu.vector_store_idx %arg18[%parallel_loop3A_345, %parallel_loop3A_373], %broadcast_in_dim3A_5 : memref<32x128xf32, #tpu.memory_space<vmem>>[vector<16xi32>, vector<16xi32>], vector<16xf32>,
        %parallel_loop3A_374 = arith.constant 5 : i32
        %parallel_loop3A_375 = vector.broadcast %parallel_loop3A_374 : i32 to vector<16xi32>
        %parallel_loop3A_376 = arith.addi %parallel_loop3A_358, %parallel_loop3A_375 : vector<16xi32>
        tpu.vector_store_idx %arg18[%parallel_loop3A_345, %parallel_loop3A_376], %broadcast_in_dim3A_5 : memref<32x128xf32, #tpu.memory_space<vmem>>[vector<16xi32>, vector<16xi32>], vector<16xf32>,
        %parallel_loop3A_377 = arith.constant 6 : i32
        %parallel_loop3A_378 = vector.broadcast %parallel_loop3A_377 : i32 to vector<16xi32>
        %parallel_loop3A_379 = arith.addi %parallel_loop3A_358, %parallel_loop3A_378 : vector<16xi32>
        tpu.vector_store_idx %arg18[%parallel_loop3A_345, %parallel_loop3A_379], %broadcast_in_dim3A_5 : memref<32x128xf32, #tpu.memory_space<vmem>>[vector<16xi32>, vector<16xi32>], vector<16xf32>,
        %parallel_loop3A_380 = arith.constant 7 : i32
        %parallel_loop3A_381 = vector.broadcast %parallel_loop3A_380 : i32 to vector<16xi32>
        %parallel_loop3A_382 = arith.addi %parallel_loop3A_358, %parallel_loop3A_381 : vector<16xi32>
        tpu.vector_store_idx %arg18[%parallel_loop3A_345, %parallel_loop3A_382], %broadcast_in_dim3A_5 : memref<32x128xf32, #tpu.memory_space<vmem>>[vector<16xi32>, vector<16xi32>], vector<16xf32>,
      } {sc.loop_unroll_factor = 2 : i64, sc.parallel_access}
      %mul3A_231 = arith.constant 4 : i32
      %mul3A_232 = arith.muli %mul3A_231, %scan3A_125 : i32
      %add3A_233 = arith.constant 2 : i32
      %add3A_234 = arith.addi %mul3A_232, %add3A_233 : i32
      %dma_wait3A_235 = arith.constant 2 : i32
      %dma_wait3A_236 = arith.constant 0 : i32
      %dma_wait3A_237 = tpu.memref_slice %arg10[%dma_wait3A_235, %dma_wait3A_236] : memref<4x32xi32, #tpu.memory_space<vmem>> -> memref<1x32xi32, #tpu.memory_space<vmem>>
      %dma_wait3A_238 = tpu.memref_squeeze %dma_wait3A_237 : memref<1x32xi32, #tpu.memory_space<vmem>> -> memref<32xi32, #tpu.memory_space<vmem>>
      %dma_wait3A_239 = arith.constant 0 : i32
      %dma_wait3A_240 = arith.constant 0 : i32
      %dma_wait3A_241 = tpu.memref_slice %arg2[%dma_wait3A_239, %dma_wait3A_240] : memref<10000x256xf32, #tpu.memory_space<hbm>> -> memref<10000x256xf32, #tpu.memory_space<hbm>>
      tpu.wait_indirect_dma semaphore(%arg22 : memref<!tpu.dma_semaphore, #tpu.memory_space<semaphore_mem>>) src(%dma_wait3A_241 : memref<10000x256xf32, #tpu.memory_space<hbm>>) dst(%arg13 : memref<32x256xf32, #tpu.memory_space<vmem>>)
      %dma_wait3A_242 = arith.constant 2 : i32
      %dma_wait3A_243 = arith.constant 0 : i32
      %dma_wait3A_244 = tpu.memref_slice %arg11[%dma_wait3A_242, %dma_wait3A_243] : memref<4x32xi32, #tpu.memory_space<vmem>> -> memref<1x32xi32, #tpu.memory_space<vmem>>
      %dma_wait3A_245 = tpu.memref_squeeze %dma_wait3A_244 : memref<1x32xi32, #tpu.memory_space<vmem>> -> memref<32xi32, #tpu.memory_space<vmem>>
      %dma_wait3A_246 = arith.constant 0 : i32
      %dma_wait3A_247 = arith.constant 0 : i32
      %dma_wait3A_248 = tpu.memref_slice %arg3[%dma_wait3A_246, %dma_wait3A_247] : memref<10000x128xf32, #tpu.memory_space<hbm>> -> memref<10000x128xf32, #tpu.memory_space<hbm>>
      tpu.wait_indirect_dma semaphore(%arg22 : memref<!tpu.dma_semaphore, #tpu.memory_space<semaphore_mem>>) src(%dma_wait3A_248 : memref<10000x128xf32, #tpu.memory_space<hbm>>) dst(%arg14 : memref<32x128xf32, #tpu.memory_space<vmem>>)
      %add3A_249 = arith.constant 1 : i32
      %add3A_250 = arith.addi %add3A_234, %add3A_249 : i32
      %lt3A_251 = arith.constant 316 : i32
      %lt3A_252 = arith.cmpi slt, %add3A_250, %lt3A_251 : i32
      %convert_element_type3A_253 = arith.extui %lt3A_252 : i1 to i32
      %cond3A_254 = arith.constant 0 : i32
      %cond3A_255 = arith.cmpi ne, %convert_element_type3A_253, %cond3A_254 : i32
      scf.if %cond3A_255 {
        %add3A_341 = arith.constant 1 : i32
        %add3A_342 = arith.addi %add3A_234, %add3A_341 : i32
        %mul3A_343 = arith.constant 32 : i32
        %mul3A_344 = arith.muli %add3A_342, %mul3A_343 : i32
        %add3A_345 = arith.addi %mul3A_12, %mul3A_344 : i32
        %dma_wait3A_346 = arith.constant 3 : i32
        %dma_wait3A_347 = arith.constant 0 : i32
        %dma_wait3A_348 = tpu.memref_slice %arg10[%dma_wait3A_346, %dma_wait3A_347] : memref<4x32xi32, #tpu.memory_space<vmem>> -> memref<1x32xi32, #tpu.memory_space<vmem>>
        %dma_wait3A_349 = tpu.memref_squeeze %dma_wait3A_348 : memref<1x32xi32, #tpu.memory_space<vmem>> -> memref<32xi32, #tpu.memory_space<vmem>>
        %dma_wait3A_350 = tpu.memref_slice %arg4[%add3A_345] : memref<323584xi32, #tpu.memory_space<hbm>> -> memref<32xi32, #tpu.memory_space<hbm>>
        %dma_wait3A_351 = arith.constant 0 : i32
        %dma_wait3A_352 = tpu.memref_slice %arg10[%dma_wait3A_346, %dma_wait3A_351] : memref<4x32xi32, #tpu.memory_space<vmem>> -> memref<1x32xi32, #tpu.memory_space<vmem>>
        %dma_wait3A_353 = tpu.memref_squeeze %dma_wait3A_352 : memref<1x32xi32, #tpu.memory_space<vmem>> -> memref<32xi32, #tpu.memory_space<vmem>>
        %dma_wait3A_354 = tpu.memref_slice %arg4[%add3A_345] : memref<323584xi32, #tpu.memory_space<hbm>> -> memref<32xi32, #tpu.memory_space<hbm>>
        tpu.wait_dma2 semaphore(%arg28 : memref<!tpu.dma_semaphore, #tpu.memory_space<semaphore_mem>>) src(%dma_wait3A_354 : memref<32xi32, #tpu.memory_space<hbm>>) dst(%dma_wait3A_353 : memref<32xi32, #tpu.memory_space<vmem>>)
        %dma_wait3A_355 = arith.constant 3 : i32
        %dma_wait3A_356 = arith.constant 0 : i32
        %dma_wait3A_357 = tpu.memref_slice %arg11[%dma_wait3A_355, %dma_wait3A_356] : memref<4x32xi32, #tpu.memory_space<vmem>> -> memref<1x32xi32, #tpu.memory_space<vmem>>
        %dma_wait3A_358 = tpu.memref_squeeze %dma_wait3A_357 : memref<1x32xi32, #tpu.memory_space<vmem>> -> memref<32xi32, #tpu.memory_space<vmem>>
        %dma_wait3A_359 = tpu.memref_slice %arg5[%add3A_345] : memref<323584xi32, #tpu.memory_space<hbm>> -> memref<32xi32, #tpu.memory_space<hbm>>
        %dma_wait3A_360 = arith.constant 0 : i32
        %dma_wait3A_361 = tpu.memref_slice %arg11[%dma_wait3A_355, %dma_wait3A_360] : memref<4x32xi32, #tpu.memory_space<vmem>> -> memref<1x32xi32, #tpu.memory_space<vmem>>
        %dma_wait3A_362 = tpu.memref_squeeze %dma_wait3A_361 : memref<1x32xi32, #tpu.memory_space<vmem>> -> memref<32xi32, #tpu.memory_space<vmem>>
        %dma_wait3A_363 = tpu.memref_slice %arg5[%add3A_345] : memref<323584xi32, #tpu.memory_space<hbm>> -> memref<32xi32, #tpu.memory_space<hbm>>
        tpu.wait_dma2 semaphore(%arg28 : memref<!tpu.dma_semaphore, #tpu.memory_space<semaphore_mem>>) src(%dma_wait3A_363 : memref<32xi32, #tpu.memory_space<hbm>>) dst(%dma_wait3A_362 : memref<32xi32, #tpu.memory_space<vmem>>)
        %dma_start3A_364 = arith.constant 3 : i32
        %dma_start3A_365 = arith.constant 0 : i32
        %dma_start3A_366 = tpu.memref_slice %arg10[%dma_start3A_364, %dma_start3A_365] : memref<4x32xi32, #tpu.memory_space<vmem>> -> memref<1x32xi32, #tpu.memory_space<vmem>>
        %dma_start3A_367 = tpu.memref_squeeze %dma_start3A_366 : memref<1x32xi32, #tpu.memory_space<vmem>> -> memref<32xi32, #tpu.memory_space<vmem>>
        %dma_start3A_368 = arith.constant 0 : i32
        %dma_start3A_369 = arith.constant 0 : i32
        %dma_start3A_370 = tpu.memref_slice %arg2[%dma_start3A_368, %dma_start3A_369] : memref<10000x256xf32, #tpu.memory_space<hbm>> -> memref<10000x256xf32, #tpu.memory_space<hbm>>
        tpu.enqueue_indirect_dma source(%dma_start3A_370 : memref<10000x256xf32, #tpu.memory_space<hbm>>) target(%arg15 : memref<32x256xf32, #tpu.memory_space<vmem>>) offsets(%dma_start3A_367 : memref<32xi32, #tpu.memory_space<vmem>>) semaphore(%arg23 : memref<!tpu.dma_semaphore, #tpu.memory_space<semaphore_mem>>)
        %dma_start3A_371 = arith.constant 3 : i32
        %dma_start3A_372 = arith.constant 0 : i32
        %dma_start3A_373 = tpu.memref_slice %arg11[%dma_start3A_371, %dma_start3A_372] : memref<4x32xi32, #tpu.memory_space<vmem>> -> memref<1x32xi32, #tpu.memory_space<vmem>>
        %dma_start3A_374 = tpu.memref_squeeze %dma_start3A_373 : memref<1x32xi32, #tpu.memory_space<vmem>> -> memref<32xi32, #tpu.memory_space<vmem>>
        %dma_start3A_375 = arith.constant 0 : i32
        %dma_start3A_376 = arith.constant 0 : i32
        %dma_start3A_377 = tpu.memref_slice %arg3[%dma_start3A_375, %dma_start3A_376] : memref<10000x128xf32, #tpu.memory_space<hbm>> -> memref<10000x128xf32, #tpu.memory_space<hbm>>
        tpu.enqueue_indirect_dma source(%dma_start3A_377 : memref<10000x128xf32, #tpu.memory_space<hbm>>) target(%arg16 : memref<32x128xf32, #tpu.memory_space<vmem>>) offsets(%dma_start3A_374 : memref<32xi32, #tpu.memory_space<vmem>>) semaphore(%arg23 : memref<!tpu.dma_semaphore, #tpu.memory_space<semaphore_mem>>)
      } else {
      }
      %gt3A_256 = arith.constant 0 : i32
      %gt3A_257 = arith.cmpi sgt, %add3A_234, %gt3A_256 : i32
      %convert_element_type3A_258 = arith.extui %gt3A_257 : i1 to i32
      %cond3A_259 = arith.constant 0 : i32
      %cond3A_260 = arith.cmpi ne, %convert_element_type3A_258, %cond3A_259 : i32
      scf.if %cond3A_260 {
        %dma_wait3A_341 = arith.constant 0 : i32
        %dma_wait3A_342 = arith.constant 0 : i32
        %dma_wait3A_343 = tpu.memref_slice %arg10[%dma_wait3A_341, %dma_wait3A_342] : memref<4x32xi32, #tpu.memory_space<vmem>> -> memref<1x32xi32, #tpu.memory_space<vmem>>
        %dma_wait3A_344 = tpu.memref_squeeze %dma_wait3A_343 : memref<1x32xi32, #tpu.memory_space<vmem>> -> memref<32xi32, #tpu.memory_space<vmem>>
        %dma_wait3A_345 = arith.constant 0 : i32
        %dma_wait3A_346 = arith.constant 0 : i32
        %dma_wait3A_347 = tpu.memref_slice %arg20[%dma_wait3A_345, %dma_wait3A_346] : memref<10112x128xf32, #tpu.memory_space<vmem_shared>> -> memref<10112x128xf32, #tpu.memory_space<vmem_shared>>
        tpu.wait_indirect_dma semaphore(%arg24 : memref<!tpu.dma_semaphore, #tpu.memory_space<semaphore_mem>>) src(%arg17 : memref<32x128xf32, #tpu.memory_space<vmem>>) dst(%dma_wait3A_347 : memref<10112x128xf32, #tpu.memory_space<vmem_shared>>)
      } else {
      }
      %add3A_261 = arith.constant 3 : i32
      %add3A_262 = arith.addi %add3A_234, %add3A_261 : i32
      %lt3A_263 = arith.constant 316 : i32
      %lt3A_264 = arith.cmpi slt, %add3A_262, %lt3A_263 : i32
      %convert_element_type3A_265 = arith.extui %lt3A_264 : i1 to i32
      %cond3A_266 = arith.constant 0 : i32
      %cond3A_267 = arith.cmpi ne, %convert_element_type3A_265, %cond3A_266 : i32
      scf.if %cond3A_267 {
        %add3A_341 = arith.constant 3 : i32
        %add3A_342 = arith.addi %add3A_234, %add3A_341 : i32
        %mul3A_343 = arith.constant 32 : i32
        %mul3A_344 = arith.muli %add3A_342, %mul3A_343 : i32
        %add3A_345 = arith.addi %mul3A_12, %mul3A_344 : i32
        %dma_start3A_346 = arith.constant 1 : i32
        %dma_start3A_347 = arith.constant 0 : i32
        %dma_start3A_348 = tpu.memref_slice %arg10[%dma_start3A_346, %dma_start3A_347] : memref<4x32xi32, #tpu.memory_space<vmem>> -> memref<1x32xi32, #tpu.memory_space<vmem>>
        %dma_start3A_349 = tpu.memref_squeeze %dma_start3A_348 : memref<1x32xi32, #tpu.memory_space<vmem>> -> memref<32xi32, #tpu.memory_space<vmem>>
        %dma_start3A_350 = tpu.memref_slice %arg4[%add3A_345] : memref<323584xi32, #tpu.memory_space<hbm>> -> memref<32xi32, #tpu.memory_space<hbm>>
        %dma_start3A_351 = arith.constant 0 : i32
        %dma_start3A_352 = tpu.memref_slice %arg10[%dma_start3A_346, %dma_start3A_351] : memref<4x32xi32, #tpu.memory_space<vmem>> -> memref<1x32xi32, #tpu.memory_space<vmem>>
        %dma_start3A_353 = tpu.memref_squeeze %dma_start3A_352 : memref<1x32xi32, #tpu.memory_space<vmem>> -> memref<32xi32, #tpu.memory_space<vmem>>
        %dma_start3A_354 = tpu.memref_slice %arg4[%add3A_345] : memref<323584xi32, #tpu.memory_space<hbm>> -> memref<32xi32, #tpu.memory_space<hbm>>
        tpu.enqueue_dma source(%dma_start3A_354 : memref<32xi32, #tpu.memory_space<hbm>>) target(%dma_start3A_353 : memref<32xi32, #tpu.memory_space<vmem>>) target_semaphore(%arg26 : memref<!tpu.dma_semaphore, #tpu.memory_space<semaphore_mem>>)
        %dma_start3A_355 = arith.constant 1 : i32
        %dma_start3A_356 = arith.constant 0 : i32
        %dma_start3A_357 = tpu.memref_slice %arg11[%dma_start3A_355, %dma_start3A_356] : memref<4x32xi32, #tpu.memory_space<vmem>> -> memref<1x32xi32, #tpu.memory_space<vmem>>
        %dma_start3A_358 = tpu.memref_squeeze %dma_start3A_357 : memref<1x32xi32, #tpu.memory_space<vmem>> -> memref<32xi32, #tpu.memory_space<vmem>>
        %dma_start3A_359 = tpu.memref_slice %arg5[%add3A_345] : memref<323584xi32, #tpu.memory_space<hbm>> -> memref<32xi32, #tpu.memory_space<hbm>>
        %dma_start3A_360 = arith.constant 0 : i32
        %dma_start3A_361 = tpu.memref_slice %arg11[%dma_start3A_355, %dma_start3A_360] : memref<4x32xi32, #tpu.memory_space<vmem>> -> memref<1x32xi32, #tpu.memory_space<vmem>>
        %dma_start3A_362 = tpu.memref_squeeze %dma_start3A_361 : memref<1x32xi32, #tpu.memory_space<vmem>> -> memref<32xi32, #tpu.memory_space<vmem>>
        %dma_start3A_363 = tpu.memref_slice %arg5[%add3A_345] : memref<323584xi32, #tpu.memory_space<hbm>> -> memref<32xi32, #tpu.memory_space<hbm>>
        tpu.enqueue_dma source(%dma_start3A_363 : memref<32xi32, #tpu.memory_space<hbm>>) target(%dma_start3A_362 : memref<32xi32, #tpu.memory_space<vmem>>) target_semaphore(%arg26 : memref<!tpu.dma_semaphore, #tpu.memory_space<semaphore_mem>>)
      } else {
      }
      %parallel_loop3A_268 = arith.constant 0 : i32
      %parallel_loop3A_269 = arith.constant 32 : i32
      %parallel_loop3A_270 = arith.constant 1 : i32
      scf.for %parallel_loop3A_341 = %parallel_loop3A_268 to %parallel_loop3A_269 step %parallel_loop3A_270  : i32 {
        %parallel_loop3A_342 = arith.index_cast %parallel_loop3A_341 : i32 to index
        %parallel_loop3A_343 = arith.constant 0 : index
        %parallel_loop3A_344 = tpu.vector_load %arg13[%parallel_loop3A_342, %parallel_loop3A_343] {strides = array<i32>} : memref<32x256xf32, #tpu.memory_space<vmem>>, vector<16xf32>,
        %parallel_loop3A_345 = arith.index_cast %parallel_loop3A_341 : i32 to index
        %parallel_loop3A_346 = arith.constant 0 : index
        %parallel_loop3A_347 = tpu.vector_load %arg14[%parallel_loop3A_345, %parallel_loop3A_346] {strides = array<i32>} : memref<32x128xf32, #tpu.memory_space<vmem>>, vector<16xf32>,
        %parallel_loop3A_348 = arith.mulf %parallel_loop3A_344, %parallel_loop3A_347 : vector<16xf32>
        %parallel_loop3A_349 = arith.index_cast %parallel_loop3A_341 : i32 to index
        %parallel_loop3A_350 = arith.constant 16 : index
        %parallel_loop3A_351 = tpu.vector_load %arg13[%parallel_loop3A_349, %parallel_loop3A_350] {strides = array<i32>} : memref<32x256xf32, #tpu.memory_space<vmem>>, vector<16xf32>,
        %parallel_loop3A_352 = arith.index_cast %parallel_loop3A_341 : i32 to index
        %parallel_loop3A_353 = arith.constant 16 : index
        %parallel_loop3A_354 = tpu.vector_load %arg14[%parallel_loop3A_352, %parallel_loop3A_353] {strides = array<i32>} : memref<32x128xf32, #tpu.memory_space<vmem>>, vector<16xf32>,
        %parallel_loop3A_355 = arith.mulf %parallel_loop3A_351, %parallel_loop3A_354 : vector<16xf32>
        %parallel_loop3A_356 = arith.index_cast %parallel_loop3A_341 : i32 to index
        %parallel_loop3A_357 = arith.constant 32 : index
        %parallel_loop3A_358 = tpu.vector_load %arg13[%parallel_loop3A_356, %parallel_loop3A_357] {strides = array<i32>} : memref<32x256xf32, #tpu.memory_space<vmem>>, vector<16xf32>,
        %parallel_loop3A_359 = arith.index_cast %parallel_loop3A_341 : i32 to index
        %parallel_loop3A_360 = arith.constant 32 : index
        %parallel_loop3A_361 = tpu.vector_load %arg14[%parallel_loop3A_359, %parallel_loop3A_360] {strides = array<i32>} : memref<32x128xf32, #tpu.memory_space<vmem>>, vector<16xf32>,
        %parallel_loop3A_362 = arith.mulf %parallel_loop3A_358, %parallel_loop3A_361 : vector<16xf32>
        %parallel_loop3A_363 = arith.index_cast %parallel_loop3A_341 : i32 to index
        %parallel_loop3A_364 = arith.constant 48 : index
        %parallel_loop3A_365 = tpu.vector_load %arg13[%parallel_loop3A_363, %parallel_loop3A_364] {strides = array<i32>} : memref<32x256xf32, #tpu.memory_space<vmem>>, vector<16xf32>,
        %parallel_loop3A_366 = arith.index_cast %parallel_loop3A_341 : i32 to index
        %parallel_loop3A_367 = arith.constant 48 : index
        %parallel_loop3A_368 = tpu.vector_load %arg14[%parallel_loop3A_366, %parallel_loop3A_367] {strides = array<i32>} : memref<32x128xf32, #tpu.memory_space<vmem>>, vector<16xf32>,
        %parallel_loop3A_369 = arith.mulf %parallel_loop3A_365, %parallel_loop3A_368 : vector<16xf32>
        %parallel_loop3A_370 = arith.index_cast %parallel_loop3A_341 : i32 to index
        %parallel_loop3A_371 = arith.constant 64 : index
        %parallel_loop3A_372 = tpu.vector_load %arg13[%parallel_loop3A_370, %parallel_loop3A_371] {strides = array<i32>} : memref<32x256xf32, #tpu.memory_space<vmem>>, vector<16xf32>,
        %parallel_loop3A_373 = arith.index_cast %parallel_loop3A_341 : i32 to index
        %parallel_loop3A_374 = arith.constant 64 : index
        %parallel_loop3A_375 = tpu.vector_load %arg14[%parallel_loop3A_373, %parallel_loop3A_374] {strides = array<i32>} : memref<32x128xf32, #tpu.memory_space<vmem>>, vector<16xf32>,
        %parallel_loop3A_376 = arith.mulf %parallel_loop3A_372, %parallel_loop3A_375 : vector<16xf32>
        %parallel_loop3A_377 = arith.index_cast %parallel_loop3A_341 : i32 to index
        %parallel_loop3A_378 = arith.constant 80 : index
        %parallel_loop3A_379 = tpu.vector_load %arg13[%parallel_loop3A_377, %parallel_loop3A_378] {strides = array<i32>} : memref<32x256xf32, #tpu.memory_space<vmem>>, vector<16xf32>,
        %parallel_loop3A_380 = arith.index_cast %parallel_loop3A_341 : i32 to index
        %parallel_loop3A_381 = arith.constant 80 : index
        %parallel_loop3A_382 = tpu.vector_load %arg14[%parallel_loop3A_380, %parallel_loop3A_381] {strides = array<i32>} : memref<32x128xf32, #tpu.memory_space<vmem>>, vector<16xf32>,
        %parallel_loop3A_383 = arith.mulf %parallel_loop3A_379, %parallel_loop3A_382 : vector<16xf32>
        %parallel_loop3A_384 = arith.index_cast %parallel_loop3A_341 : i32 to index
        %parallel_loop3A_385 = arith.constant 96 : index
        %parallel_loop3A_386 = tpu.vector_load %arg13[%parallel_loop3A_384, %parallel_loop3A_385] {strides = array<i32>} : memref<32x256xf32, #tpu.memory_space<vmem>>, vector<16xf32>,
        %parallel_loop3A_387 = arith.index_cast %parallel_loop3A_341 : i32 to index
        %parallel_loop3A_388 = arith.constant 96 : index
        %parallel_loop3A_389 = tpu.vector_load %arg14[%parallel_loop3A_387, %parallel_loop3A_388] {strides = array<i32>} : memref<32x128xf32, #tpu.memory_space<vmem>>, vector<16xf32>,
        %parallel_loop3A_390 = arith.mulf %parallel_loop3A_386, %parallel_loop3A_389 : vector<16xf32>
        %parallel_loop3A_391 = arith.index_cast %parallel_loop3A_341 : i32 to index
        %parallel_loop3A_392 = arith.constant 112 : index
        %parallel_loop3A_393 = tpu.vector_load %arg13[%parallel_loop3A_391, %parallel_loop3A_392] {strides = array<i32>} : memref<32x256xf32, #tpu.memory_space<vmem>>, vector<16xf32>,
        %parallel_loop3A_394 = arith.index_cast %parallel_loop3A_341 : i32 to index
        %parallel_loop3A_395 = arith.constant 112 : index
        %parallel_loop3A_396 = tpu.vector_load %arg14[%parallel_loop3A_394, %parallel_loop3A_395] {strides = array<i32>} : memref<32x128xf32, #tpu.memory_space<vmem>>, vector<16xf32>,
        %parallel_loop3A_397 = arith.mulf %parallel_loop3A_393, %parallel_loop3A_396 : vector<16xf32>
        %parallel_loop3A_398 = arith.addf %parallel_loop3A_348, %parallel_loop3A_355 : vector<16xf32>
        %parallel_loop3A_399 = arith.addf %parallel_loop3A_362, %parallel_loop3A_369 : vector<16xf32>
        %parallel_loop3A_400 = arith.addf %parallel_loop3A_376, %parallel_loop3A_383 : vector<16xf32>
        %parallel_loop3A_401 = arith.addf %parallel_loop3A_390, %parallel_loop3A_397 : vector<16xf32>
        %parallel_loop3A_402 = arith.addf %parallel_loop3A_398, %parallel_loop3A_399 : vector<16xf32>
        %parallel_loop3A_403 = arith.addf %parallel_loop3A_400, %parallel_loop3A_401 : vector<16xf32>
        %parallel_loop3A_404 = arith.addf %parallel_loop3A_402, %parallel_loop3A_403 : vector<16xf32>
        %parallel_loop3A_405 = arith.constant 15 : i32
        %parallel_loop3A_406 = vector.broadcast %parallel_loop3A_405 : i32 to vector<16xi32>
        %parallel_loop3A_407 = tpu.iota {dimensions = array<i32: 0>} : vector<16xi32>
        %parallel_loop3A_408 = arith.subi %parallel_loop3A_406, %parallel_loop3A_407 : vector<16xi32>
        %parallel_loop3A_409 = tpu.dynamic_gather %parallel_loop3A_404[%parallel_loop3A_408] in [0] : vector<16xf32>, vector<16xi32> -> vector<16xf32>
        %parallel_loop3A_410 = arith.addf %parallel_loop3A_404, %parallel_loop3A_409 : vector<16xf32>
        %parallel_loop3A_411 = arith.constant -5.000000e+00 : f32
        %parallel_loop3A_412 = vector.broadcast %parallel_loop3A_411 : f32 to vector<16xf32>
        %parallel_loop3A_413 = arith.maximumf %parallel_loop3A_410, %parallel_loop3A_412 : vector<16xf32>
        %parallel_loop3A_414 = arith.constant 5.000000e+00 : f32
        %parallel_loop3A_415 = vector.broadcast %parallel_loop3A_414 : f32 to vector<16xf32>
        %parallel_loop3A_416 = arith.minimumf %parallel_loop3A_413, %parallel_loop3A_415 : vector<16xf32>
        %parallel_loop3A_417 = math.exp %parallel_loop3A_416 : vector<16xf32>
        %parallel_loop3A_418 = arith.constant 8 : i32
        %parallel_loop3A_419 = vector.broadcast %parallel_loop3A_418 : i32 to vector<16xi32>
        %parallel_loop3A_420 = arith.cmpi slt, %iota3A, %parallel_loop3A_419 : vector<16xi32>
        %parallel_loop3A_421 = arith.constant 0.000000e+00 : f32
        %parallel_loop3A_422 = vector.broadcast %parallel_loop3A_421 : f32 to vector<16xf32>
        %parallel_loop3A_423 = arith.select %parallel_loop3A_420, %parallel_loop3A_417, %parallel_loop3A_422 : vector<16xi1>, vector<16xf32>
        %parallel_loop3A_424 = arith.index_cast %parallel_loop3A_341 : i32 to index
        %parallel_loop3A_425 = arith.constant 0 : index
        %parallel_loop3A_426 = tpu.vector_load %arg19[%parallel_loop3A_424, %parallel_loop3A_425] {strides = array<i32>} : memref<32x16xf32, #tpu.memory_space<vmem>>, vector<16xf32>,
        tpu.vector_store %arg19[%parallel_loop3A_424, %parallel_loop3A_425], %parallel_loop3A_423 {strides = array<i32>} : memref<32x16xf32, #tpu.memory_space<vmem>>, vector<16xf32>,
        %parallel_loop3A_427 = arith.constant 15 : i32
        %parallel_loop3A_428 = vector.broadcast %parallel_loop3A_427 : i32 to vector<16xi32>
        %parallel_loop3A_429 = tpu.iota {dimensions = array<i32: 0>} : vector<16xi32>
        %parallel_loop3A_430 = arith.subi %parallel_loop3A_428, %parallel_loop3A_429 : vector<16xi32>
        %parallel_loop3A_431 = tpu.dynamic_gather %parallel_loop3A_423[%parallel_loop3A_430] in [0] : vector<16xf32>, vector<16xi32> -> vector<16xf32>
        %parallel_loop3A_432 = arith.addf %parallel_loop3A_423, %parallel_loop3A_431 : vector<16xf32>
        %parallel_loop3A_433 = arith.index_cast %parallel_loop3A_341 : i32 to index
        %parallel_loop3A_434 = arith.constant 128 : index
        %parallel_loop3A_435 = tpu.vector_load %arg13[%parallel_loop3A_433, %parallel_loop3A_434] {strides = array<i32>} : memref<32x256xf32, #tpu.memory_space<vmem>>, vector<16xf32>,
        %parallel_loop3A_436 = arith.index_cast %parallel_loop3A_341 : i32 to index
        %parallel_loop3A_437 = arith.constant 144 : index
        %parallel_loop3A_438 = tpu.vector_load %arg13[%parallel_loop3A_436, %parallel_loop3A_437] {strides = array<i32>} : memref<32x256xf32, #tpu.memory_space<vmem>>, vector<16xf32>,
        %parallel_loop3A_439 = arith.index_cast %parallel_loop3A_341 : i32 to index
        %parallel_loop3A_440 = arith.constant 160 : index
        %parallel_loop3A_441 = tpu.vector_load %arg13[%parallel_loop3A_439, %parallel_loop3A_440] {strides = array<i32>} : memref<32x256xf32, #tpu.memory_space<vmem>>, vector<16xf32>,
        %parallel_loop3A_442 = arith.index_cast %parallel_loop3A_341 : i32 to index
        %parallel_loop3A_443 = arith.constant 176 : index
        %parallel_loop3A_444 = tpu.vector_load %arg13[%parallel_loop3A_442, %parallel_loop3A_443] {strides = array<i32>} : memref<32x256xf32, #tpu.memory_space<vmem>>, vector<16xf32>,
        %parallel_loop3A_445 = arith.index_cast %parallel_loop3A_341 : i32 to index
        %parallel_loop3A_446 = arith.constant 192 : index
        %parallel_loop3A_447 = tpu.vector_load %arg13[%parallel_loop3A_445, %parallel_loop3A_446] {strides = array<i32>} : memref<32x256xf32, #tpu.memory_space<vmem>>, vector<16xf32>,
        %parallel_loop3A_448 = arith.index_cast %parallel_loop3A_341 : i32 to index
        %parallel_loop3A_449 = arith.constant 208 : index
        %parallel_loop3A_450 = tpu.vector_load %arg13[%parallel_loop3A_448, %parallel_loop3A_449] {strides = array<i32>} : memref<32x256xf32, #tpu.memory_space<vmem>>, vector<16xf32>,
        %parallel_loop3A_451 = arith.index_cast %parallel_loop3A_341 : i32 to index
        %parallel_loop3A_452 = arith.constant 224 : index
        %parallel_loop3A_453 = tpu.vector_load %arg13[%parallel_loop3A_451, %parallel_loop3A_452] {strides = array<i32>} : memref<32x256xf32, #tpu.memory_space<vmem>>, vector<16xf32>,
        %parallel_loop3A_454 = arith.index_cast %parallel_loop3A_341 : i32 to index
        %parallel_loop3A_455 = arith.constant 240 : index
        %parallel_loop3A_456 = tpu.vector_load %arg13[%parallel_loop3A_454, %parallel_loop3A_455] {strides = array<i32>} : memref<32x256xf32, #tpu.memory_space<vmem>>, vector<16xf32>,
        %parallel_loop3A_457 = arith.mulf %parallel_loop3A_432, %parallel_loop3A_435 : vector<16xf32>
        %parallel_loop3A_458 = arith.index_cast %parallel_loop3A_341 : i32 to index
        %parallel_loop3A_459 = arith.constant 0 : index
        %parallel_loop3A_460 = tpu.vector_load %arg17[%parallel_loop3A_458, %parallel_loop3A_459] {strides = array<i32>} : memref<32x128xf32, #tpu.memory_space<vmem>>, vector<16xf32>,
        tpu.vector_store %arg17[%parallel_loop3A_458, %parallel_loop3A_459], %parallel_loop3A_457 {strides = array<i32>} : memref<32x128xf32, #tpu.memory_space<vmem>>, vector<16xf32>,
        %parallel_loop3A_461 = arith.mulf %parallel_loop3A_432, %parallel_loop3A_438 : vector<16xf32>
        %parallel_loop3A_462 = arith.index_cast %parallel_loop3A_341 : i32 to index
        %parallel_loop3A_463 = arith.constant 16 : index
        %parallel_loop3A_464 = tpu.vector_load %arg17[%parallel_loop3A_462, %parallel_loop3A_463] {strides = array<i32>} : memref<32x128xf32, #tpu.memory_space<vmem>>, vector<16xf32>,
        tpu.vector_store %arg17[%parallel_loop3A_462, %parallel_loop3A_463], %parallel_loop3A_461 {strides = array<i32>} : memref<32x128xf32, #tpu.memory_space<vmem>>, vector<16xf32>,
        %parallel_loop3A_465 = arith.mulf %parallel_loop3A_432, %parallel_loop3A_441 : vector<16xf32>
        %parallel_loop3A_466 = arith.index_cast %parallel_loop3A_341 : i32 to index
        %parallel_loop3A_467 = arith.constant 32 : index
        %parallel_loop3A_468 = tpu.vector_load %arg17[%parallel_loop3A_466, %parallel_loop3A_467] {strides = array<i32>} : memref<32x128xf32, #tpu.memory_space<vmem>>, vector<16xf32>,
        tpu.vector_store %arg17[%parallel_loop3A_466, %parallel_loop3A_467], %parallel_loop3A_465 {strides = array<i32>} : memref<32x128xf32, #tpu.memory_space<vmem>>, vector<16xf32>,
        %parallel_loop3A_469 = arith.mulf %parallel_loop3A_432, %parallel_loop3A_444 : vector<16xf32>
        %parallel_loop3A_470 = arith.index_cast %parallel_loop3A_341 : i32 to index
        %parallel_loop3A_471 = arith.constant 48 : index
        %parallel_loop3A_472 = tpu.vector_load %arg17[%parallel_loop3A_470, %parallel_loop3A_471] {strides = array<i32>} : memref<32x128xf32, #tpu.memory_space<vmem>>, vector<16xf32>,
        tpu.vector_store %arg17[%parallel_loop3A_470, %parallel_loop3A_471], %parallel_loop3A_469 {strides = array<i32>} : memref<32x128xf32, #tpu.memory_space<vmem>>, vector<16xf32>,
        %parallel_loop3A_473 = arith.mulf %parallel_loop3A_432, %parallel_loop3A_447 : vector<16xf32>
        %parallel_loop3A_474 = arith.index_cast %parallel_loop3A_341 : i32 to index
        %parallel_loop3A_475 = arith.constant 64 : index
        %parallel_loop3A_476 = tpu.vector_load %arg17[%parallel_loop3A_474, %parallel_loop3A_475] {strides = array<i32>} : memref<32x128xf32, #tpu.memory_space<vmem>>, vector<16xf32>,
        tpu.vector_store %arg17[%parallel_loop3A_474, %parallel_loop3A_475], %parallel_loop3A_473 {strides = array<i32>} : memref<32x128xf32, #tpu.memory_space<vmem>>, vector<16xf32>,
        %parallel_loop3A_477 = arith.mulf %parallel_loop3A_432, %parallel_loop3A_450 : vector<16xf32>
        %parallel_loop3A_478 = arith.index_cast %parallel_loop3A_341 : i32 to index
        %parallel_loop3A_479 = arith.constant 80 : index
        %parallel_loop3A_480 = tpu.vector_load %arg17[%parallel_loop3A_478, %parallel_loop3A_479] {strides = array<i32>} : memref<32x128xf32, #tpu.memory_space<vmem>>, vector<16xf32>,
        tpu.vector_store %arg17[%parallel_loop3A_478, %parallel_loop3A_479], %parallel_loop3A_477 {strides = array<i32>} : memref<32x128xf32, #tpu.memory_space<vmem>>, vector<16xf32>,
        %parallel_loop3A_481 = arith.mulf %parallel_loop3A_432, %parallel_loop3A_453 : vector<16xf32>
        %parallel_loop3A_482 = arith.index_cast %parallel_loop3A_341 : i32 to index
        %parallel_loop3A_483 = arith.constant 96 : index
        %parallel_loop3A_484 = tpu.vector_load %arg17[%parallel_loop3A_482, %parallel_loop3A_483] {strides = array<i32>} : memref<32x128xf32, #tpu.memory_space<vmem>>, vector<16xf32>,
        tpu.vector_store %arg17[%parallel_loop3A_482, %parallel_loop3A_483], %parallel_loop3A_481 {strides = array<i32>} : memref<32x128xf32, #tpu.memory_space<vmem>>, vector<16xf32>,
        %parallel_loop3A_485 = arith.mulf %parallel_loop3A_432, %parallel_loop3A_456 : vector<16xf32>
        %parallel_loop3A_486 = arith.index_cast %parallel_loop3A_341 : i32 to index
        %parallel_loop3A_487 = arith.constant 112 : index
        %parallel_loop3A_488 = tpu.vector_load %arg17[%parallel_loop3A_486, %parallel_loop3A_487] {strides = array<i32>} : memref<32x128xf32, #tpu.memory_space<vmem>>, vector<16xf32>,
        tpu.vector_store %arg17[%parallel_loop3A_486, %parallel_loop3A_487], %parallel_loop3A_485 {strides = array<i32>} : memref<32x128xf32, #tpu.memory_space<vmem>>, vector<16xf32>,
      } {sc.loop_unroll_factor = 8 : i64, sc.parallel_access}
      %parallel_loop3A_271 = arith.constant 0 : i32
      %parallel_loop3A_272 = arith.constant 2 : i32
      %parallel_loop3A_273 = arith.constant 1 : i32
      %parallel_loop3A_274 = arith.constant 2 : i32
      scf.for %parallel_loop3A_341 = %parallel_loop3A_271 to %parallel_loop3A_272 step %parallel_loop3A_273  : i32 {
        %parallel_loop3A_342 = arith.constant 16 : i32
        %parallel_loop3A_343 = arith.muli %parallel_loop3A_341, %parallel_loop3A_342 : i32
        %parallel_loop3A_344 = vector.broadcast %parallel_loop3A_343 : i32 to vector<16xi32>
        %parallel_loop3A_345 = arith.addi %iota3A, %parallel_loop3A_344 : vector<16xi32>
        %parallel_loop3A_346 = arith.constant 16 : i32
        %parallel_loop3A_347 = arith.muli %parallel_loop3A_341, %parallel_loop3A_346 : i32
        %parallel_loop3A_348 = arith.constant 0 : i32
        %parallel_loop3A_349 = tpu.memref_slice %arg11[%parallel_loop3A_274, %parallel_loop3A_348] : memref<4x32xi32, #tpu.memory_space<vmem>> -> memref<1x32xi32, #tpu.memory_space<vmem>>
        %parallel_loop3A_350 = tpu.memref_squeeze %parallel_loop3A_349 : memref<1x32xi32, #tpu.memory_space<vmem>> -> memref<32xi32, #tpu.memory_space<vmem>>
        %parallel_loop3A_351 = arith.index_cast %parallel_loop3A_347 : i32 to index
        %parallel_loop3A_352 = tpu.vector_load %parallel_loop3A_350[%parallel_loop3A_351] {strides = array<i32>} : memref<32xi32, #tpu.memory_space<vmem>>, vector<16xi32>,
        %parallel_loop3A_353 = arith.constant 4 : i32
        %parallel_loop3A_354 = vector.broadcast %parallel_loop3A_353 : i32 to vector<16xi32>
        %parallel_loop3A_355 = arith.shrui %parallel_loop3A_352, %parallel_loop3A_354 : vector<16xi32>
        %parallel_loop3A_356 = arith.constant 16 : i32
        %parallel_loop3A_357 = arith.muli %parallel_loop3A_341, %parallel_loop3A_356 : i32
        %parallel_loop3A_358 = arith.index_cast %parallel_loop3A_357 : i32 to index
        %parallel_loop3A_359 = tpu.vector_load %arg12[%parallel_loop3A_358] {strides = array<i32>} : memref<32xi32, #tpu.memory_space<vmem>>, vector<16xi32>,
        tpu.vector_store %arg12[%parallel_loop3A_358], %parallel_loop3A_355 {strides = array<i32>} : memref<32xi32, #tpu.memory_space<vmem>>, vector<16xi32>,
        %parallel_loop3A_360 = arith.constant 15 : i32
        %parallel_loop3A_361 = vector.broadcast %parallel_loop3A_360 : i32 to vector<16xi32>
        %parallel_loop3A_362 = arith.andi %parallel_loop3A_352, %parallel_loop3A_361 : vector<16xi32>
        %parallel_loop3A_363 = arith.constant 3 : i32
        %parallel_loop3A_364 = vector.broadcast %parallel_loop3A_363 : i32 to vector<16xi32>
        %parallel_loop3A_365 = arith.shli %parallel_loop3A_362, %parallel_loop3A_364 : vector<16xi32>
        %parallel_loop3A_366 = arith.constant 0 : i32
        %parallel_loop3A_367 = vector.broadcast %parallel_loop3A_366 : i32 to vector<16xi32>
        %parallel_loop3A_368 = tpu.vector_load_idx %arg19[%parallel_loop3A_345, %parallel_loop3A_367] : memref<32x16xf32, #tpu.memory_space<vmem>>[vector<16xi32>, vector<16xi32>], vector<16xf32>,
        %parallel_loop3A_369 = arith.constant 1 : i32
        %parallel_loop3A_370 = vector.broadcast %parallel_loop3A_369 : i32 to vector<16xi32>
        %parallel_loop3A_371 = tpu.vector_load_idx %arg19[%parallel_loop3A_345, %parallel_loop3A_370] : memref<32x16xf32, #tpu.memory_space<vmem>>[vector<16xi32>, vector<16xi32>], vector<16xf32>,
        %parallel_loop3A_372 = arith.constant 2 : i32
        %parallel_loop3A_373 = vector.broadcast %parallel_loop3A_372 : i32 to vector<16xi32>
        %parallel_loop3A_374 = tpu.vector_load_idx %arg19[%parallel_loop3A_345, %parallel_loop3A_373] : memref<32x16xf32, #tpu.memory_space<vmem>>[vector<16xi32>, vector<16xi32>], vector<16xf32>,
        %parallel_loop3A_375 = arith.constant 3 : i32
        %parallel_loop3A_376 = vector.broadcast %parallel_loop3A_375 : i32 to vector<16xi32>
        %parallel_loop3A_377 = tpu.vector_load_idx %arg19[%parallel_loop3A_345, %parallel_loop3A_376] : memref<32x16xf32, #tpu.memory_space<vmem>>[vector<16xi32>, vector<16xi32>], vector<16xf32>,
        %parallel_loop3A_378 = arith.constant 4 : i32
        %parallel_loop3A_379 = vector.broadcast %parallel_loop3A_378 : i32 to vector<16xi32>
        %parallel_loop3A_380 = tpu.vector_load_idx %arg19[%parallel_loop3A_345, %parallel_loop3A_379] : memref<32x16xf32, #tpu.memory_space<vmem>>[vector<16xi32>, vector<16xi32>], vector<16xf32>,
        %parallel_loop3A_381 = arith.constant 5 : i32
        %parallel_loop3A_382 = vector.broadcast %parallel_loop3A_381 : i32 to vector<16xi32>
        %parallel_loop3A_383 = tpu.vector_load_idx %arg19[%parallel_loop3A_345, %parallel_loop3A_382] : memref<32x16xf32, #tpu.memory_space<vmem>>[vector<16xi32>, vector<16xi32>], vector<16xf32>,
        %parallel_loop3A_384 = arith.constant 6 : i32
        %parallel_loop3A_385 = vector.broadcast %parallel_loop3A_384 : i32 to vector<16xi32>
        %parallel_loop3A_386 = tpu.vector_load_idx %arg19[%parallel_loop3A_345, %parallel_loop3A_385] : memref<32x16xf32, #tpu.memory_space<vmem>>[vector<16xi32>, vector<16xi32>], vector<16xf32>,
        %parallel_loop3A_387 = arith.constant 7 : i32
        %parallel_loop3A_388 = vector.broadcast %parallel_loop3A_387 : i32 to vector<16xi32>
        %parallel_loop3A_389 = tpu.vector_load_idx %arg19[%parallel_loop3A_345, %parallel_loop3A_388] : memref<32x16xf32, #tpu.memory_space<vmem>>[vector<16xi32>, vector<16xi32>], vector<16xf32>,
        %parallel_loop3A_390 = arith.constant 0 : i32
        %parallel_loop3A_391 = vector.broadcast %parallel_loop3A_390 : i32 to vector<16xi32>
        %parallel_loop3A_392 = arith.addi %parallel_loop3A_365, %parallel_loop3A_391 : vector<16xi32>
        tpu.vector_store_idx %arg18[%parallel_loop3A_345, %parallel_loop3A_392], %parallel_loop3A_368 : memref<32x128xf32, #tpu.memory_space<vmem>>[vector<16xi32>, vector<16xi32>], vector<16xf32>,
        %parallel_loop3A_393 = arith.constant 1 : i32
        %parallel_loop3A_394 = vector.broadcast %parallel_loop3A_393 : i32 to vector<16xi32>
        %parallel_loop3A_395 = arith.addi %parallel_loop3A_365, %parallel_loop3A_394 : vector<16xi32>
        tpu.vector_store_idx %arg18[%parallel_loop3A_345, %parallel_loop3A_395], %parallel_loop3A_371 : memref<32x128xf32, #tpu.memory_space<vmem>>[vector<16xi32>, vector<16xi32>], vector<16xf32>,
        %parallel_loop3A_396 = arith.constant 2 : i32
        %parallel_loop3A_397 = vector.broadcast %parallel_loop3A_396 : i32 to vector<16xi32>
        %parallel_loop3A_398 = arith.addi %parallel_loop3A_365, %parallel_loop3A_397 : vector<16xi32>
        tpu.vector_store_idx %arg18[%parallel_loop3A_345, %parallel_loop3A_398], %parallel_loop3A_374 : memref<32x128xf32, #tpu.memory_space<vmem>>[vector<16xi32>, vector<16xi32>], vector<16xf32>,
        %parallel_loop3A_399 = arith.constant 3 : i32
        %parallel_loop3A_400 = vector.broadcast %parallel_loop3A_399 : i32 to vector<16xi32>
        %parallel_loop3A_401 = arith.addi %parallel_loop3A_365, %parallel_loop3A_400 : vector<16xi32>
        tpu.vector_store_idx %arg18[%parallel_loop3A_345, %parallel_loop3A_401], %parallel_loop3A_377 : memref<32x128xf32, #tpu.memory_space<vmem>>[vector<16xi32>, vector<16xi32>], vector<16xf32>,
        %parallel_loop3A_402 = arith.constant 4 : i32
        %parallel_loop3A_403 = vector.broadcast %parallel_loop3A_402 : i32 to vector<16xi32>
        %parallel_loop3A_404 = arith.addi %parallel_loop3A_365, %parallel_loop3A_403 : vector<16xi32>
        tpu.vector_store_idx %arg18[%parallel_loop3A_345, %parallel_loop3A_404], %parallel_loop3A_380 : memref<32x128xf32, #tpu.memory_space<vmem>>[vector<16xi32>, vector<16xi32>], vector<16xf32>,
        %parallel_loop3A_405 = arith.constant 5 : i32
        %parallel_loop3A_406 = vector.broadcast %parallel_loop3A_405 : i32 to vector<16xi32>
        %parallel_loop3A_407 = arith.addi %parallel_loop3A_365, %parallel_loop3A_406 : vector<16xi32>
        tpu.vector_store_idx %arg18[%parallel_loop3A_345, %parallel_loop3A_407], %parallel_loop3A_383 : memref<32x128xf32, #tpu.memory_space<vmem>>[vector<16xi32>, vector<16xi32>], vector<16xf32>,
        %parallel_loop3A_408 = arith.constant 6 : i32
        %parallel_loop3A_409 = vector.broadcast %parallel_loop3A_408 : i32 to vector<16xi32>
        %parallel_loop3A_410 = arith.addi %parallel_loop3A_365, %parallel_loop3A_409 : vector<16xi32>
        tpu.vector_store_idx %arg18[%parallel_loop3A_345, %parallel_loop3A_410], %parallel_loop3A_386 : memref<32x128xf32, #tpu.memory_space<vmem>>[vector<16xi32>, vector<16xi32>], vector<16xf32>,
        %parallel_loop3A_411 = arith.constant 7 : i32
        %parallel_loop3A_412 = vector.broadcast %parallel_loop3A_411 : i32 to vector<16xi32>
        %parallel_loop3A_413 = arith.addi %parallel_loop3A_365, %parallel_loop3A_412 : vector<16xi32>
        tpu.vector_store_idx %arg18[%parallel_loop3A_345, %parallel_loop3A_413], %parallel_loop3A_389 : memref<32x128xf32, #tpu.memory_space<vmem>>[vector<16xi32>, vector<16xi32>], vector<16xf32>,
      } {sc.loop_unroll_factor = 2 : i64, sc.parallel_access}
      %dma_start3A_275 = arith.constant 2 : i32
      %dma_start3A_276 = arith.constant 0 : i32
      %dma_start3A_277 = tpu.memref_slice %arg11[%dma_start3A_275, %dma_start3A_276] : memref<4x32xi32, #tpu.memory_space<vmem>> -> memref<1x32xi32, #tpu.memory_space<vmem>>
      %dma_start3A_278 = tpu.memref_squeeze %dma_start3A_277 : memref<1x32xi32, #tpu.memory_space<vmem>> -> memref<32xi32, #tpu.memory_space<vmem>>
      %dma_start3A_279 = arith.constant 0 : i32
      %dma_start3A_280 = arith.constant 0 : i32
      %dma_start3A_281 = tpu.memref_slice %arg20[%dma_start3A_279, %dma_start3A_280] : memref<10112x128xf32, #tpu.memory_space<vmem_shared>> -> memref<10112x128xf32, #tpu.memory_space<vmem_shared>>
      tpu.enqueue_indirect_dma source(%arg17 : memref<32x128xf32, #tpu.memory_space<vmem>>) target(%dma_start3A_281 : memref<10112x128xf32, #tpu.memory_space<vmem_shared>>) offsets(%dma_start3A_278 : memref<32xi32, #tpu.memory_space<vmem>>) semaphore(%arg24 : memref<!tpu.dma_semaphore, #tpu.memory_space<semaphore_mem>>) {add = true}
      "tpu.region"() ({
        %run_scoped3A = tpu.sem_alloc : memref<!tpu.dma_semaphore, #tpu.memory_space<semaphore_mem>>
        %dma_start3A_341 = arith.constant 0 : i32
        %dma_start3A_342 = arith.constant 0 : i32
        %dma_start3A_343 = tpu.memref_slice %arg21[%dma_start3A_341, %dma_start3A_342] : memref<640x128xf32, #tpu.memory_space<vmem_shared>> -> memref<640x128xf32, #tpu.memory_space<vmem_shared>>
        tpu.enqueue_indirect_dma source(%arg18 : memref<32x128xf32, #tpu.memory_space<vmem>>) target(%dma_start3A_343 : memref<640x128xf32, #tpu.memory_space<vmem_shared>>) offsets(%arg12 : memref<32xi32, #tpu.memory_space<vmem>>) semaphore(%run_scoped3A : memref<!tpu.dma_semaphore, #tpu.memory_space<semaphore_mem>>) {add = true}
        %dma_wait3A_344 = arith.constant 0 : i32
        %dma_wait3A_345 = arith.constant 0 : i32
        %dma_wait3A_346 = tpu.memref_slice %arg21[%dma_wait3A_344, %dma_wait3A_345] : memref<640x128xf32, #tpu.memory_space<vmem_shared>> -> memref<640x128xf32, #tpu.memory_space<vmem_shared>>
        tpu.wait_indirect_dma semaphore(%run_scoped3A : memref<!tpu.dma_semaphore, #tpu.memory_space<semaphore_mem>>) src(%arg18 : memref<32x128xf32, #tpu.memory_space<vmem>>) dst(%dma_wait3A_346 : memref<640x128xf32, #tpu.memory_space<vmem_shared>>)
        tpu.yield
      }) : () -> ()
      %parallel_loop3A_282 = arith.constant 0 : i32
      %parallel_loop3A_283 = arith.constant 2 : i32
      %parallel_loop3A_284 = arith.constant 1 : i32
      %parallel_loop3A_285 = arith.constant 2 : i32
      scf.for %parallel_loop3A_341 = %parallel_loop3A_282 to %parallel_loop3A_283 step %parallel_loop3A_284  : i32 {
        %parallel_loop3A_342 = arith.constant 16 : i32
        %parallel_loop3A_343 = arith.muli %parallel_loop3A_341, %parallel_loop3A_342 : i32
        %parallel_loop3A_344 = vector.broadcast %parallel_loop3A_343 : i32 to vector<16xi32>
        %parallel_loop3A_345 = arith.addi %iota3A, %parallel_loop3A_344 : vector<16xi32>
        %parallel_loop3A_346 = arith.constant 16 : i32
        %parallel_loop3A_347 = arith.muli %parallel_loop3A_341, %parallel_loop3A_346 : i32
        %parallel_loop3A_348 = arith.constant 0 : i32
        %parallel_loop3A_349 = tpu.memref_slice %arg11[%parallel_loop3A_285, %parallel_loop3A_348] : memref<4x32xi32, #tpu.memory_space<vmem>> -> memref<1x32xi32, #tpu.memory_space<vmem>>
        %parallel_loop3A_350 = tpu.memref_squeeze %parallel_loop3A_349 : memref<1x32xi32, #tpu.memory_space<vmem>> -> memref<32xi32, #tpu.memory_space<vmem>>
        %parallel_loop3A_351 = arith.index_cast %parallel_loop3A_347 : i32 to index
        %parallel_loop3A_352 = tpu.vector_load %parallel_loop3A_350[%parallel_loop3A_351] {strides = array<i32>} : memref<32xi32, #tpu.memory_space<vmem>>, vector<16xi32>,
        %parallel_loop3A_353 = arith.constant 15 : i32
        %parallel_loop3A_354 = vector.broadcast %parallel_loop3A_353 : i32 to vector<16xi32>
        %parallel_loop3A_355 = arith.andi %parallel_loop3A_352, %parallel_loop3A_354 : vector<16xi32>
        %parallel_loop3A_356 = arith.constant 3 : i32
        %parallel_loop3A_357 = vector.broadcast %parallel_loop3A_356 : i32 to vector<16xi32>
        %parallel_loop3A_358 = arith.shli %parallel_loop3A_355, %parallel_loop3A_357 : vector<16xi32>
        %parallel_loop3A_359 = arith.constant 0 : i32
        %parallel_loop3A_360 = vector.broadcast %parallel_loop3A_359 : i32 to vector<16xi32>
        %parallel_loop3A_361 = arith.addi %parallel_loop3A_358, %parallel_loop3A_360 : vector<16xi32>
        tpu.vector_store_idx %arg18[%parallel_loop3A_345, %parallel_loop3A_361], %broadcast_in_dim3A_5 : memref<32x128xf32, #tpu.memory_space<vmem>>[vector<16xi32>, vector<16xi32>], vector<16xf32>,
        %parallel_loop3A_362 = arith.constant 1 : i32
        %parallel_loop3A_363 = vector.broadcast %parallel_loop3A_362 : i32 to vector<16xi32>
        %parallel_loop3A_364 = arith.addi %parallel_loop3A_358, %parallel_loop3A_363 : vector<16xi32>
        tpu.vector_store_idx %arg18[%parallel_loop3A_345, %parallel_loop3A_364], %broadcast_in_dim3A_5 : memref<32x128xf32, #tpu.memory_space<vmem>>[vector<16xi32>, vector<16xi32>], vector<16xf32>,
        %parallel_loop3A_365 = arith.constant 2 : i32
        %parallel_loop3A_366 = vector.broadcast %parallel_loop3A_365 : i32 to vector<16xi32>
        %parallel_loop3A_367 = arith.addi %parallel_loop3A_358, %parallel_loop3A_366 : vector<16xi32>
        tpu.vector_store_idx %arg18[%parallel_loop3A_345, %parallel_loop3A_367], %broadcast_in_dim3A_5 : memref<32x128xf32, #tpu.memory_space<vmem>>[vector<16xi32>, vector<16xi32>], vector<16xf32>,
        %parallel_loop3A_368 = arith.constant 3 : i32
        %parallel_loop3A_369 = vector.broadcast %parallel_loop3A_368 : i32 to vector<16xi32>
        %parallel_loop3A_370 = arith.addi %parallel_loop3A_358, %parallel_loop3A_369 : vector<16xi32>
        tpu.vector_store_idx %arg18[%parallel_loop3A_345, %parallel_loop3A_370], %broadcast_in_dim3A_5 : memref<32x128xf32, #tpu.memory_space<vmem>>[vector<16xi32>, vector<16xi32>], vector<16xf32>,
        %parallel_loop3A_371 = arith.constant 4 : i32
        %parallel_loop3A_372 = vector.broadcast %parallel_loop3A_371 : i32 to vector<16xi32>
        %parallel_loop3A_373 = arith.addi %parallel_loop3A_358, %parallel_loop3A_372 : vector<16xi32>
        tpu.vector_store_idx %arg18[%parallel_loop3A_345, %parallel_loop3A_373], %broadcast_in_dim3A_5 : memref<32x128xf32, #tpu.memory_space<vmem>>[vector<16xi32>, vector<16xi32>], vector<16xf32>,
        %parallel_loop3A_374 = arith.constant 5 : i32
        %parallel_loop3A_375 = vector.broadcast %parallel_loop3A_374 : i32 to vector<16xi32>
        %parallel_loop3A_376 = arith.addi %parallel_loop3A_358, %parallel_loop3A_375 : vector<16xi32>
        tpu.vector_store_idx %arg18[%parallel_loop3A_345, %parallel_loop3A_376], %broadcast_in_dim3A_5 : memref<32x128xf32, #tpu.memory_space<vmem>>[vector<16xi32>, vector<16xi32>], vector<16xf32>,
        %parallel_loop3A_377 = arith.constant 6 : i32
        %parallel_loop3A_378 = vector.broadcast %parallel_loop3A_377 : i32 to vector<16xi32>
        %parallel_loop3A_379 = arith.addi %parallel_loop3A_358, %parallel_loop3A_378 : vector<16xi32>
        tpu.vector_store_idx %arg18[%parallel_loop3A_345, %parallel_loop3A_379], %broadcast_in_dim3A_5 : memref<32x128xf32, #tpu.memory_space<vmem>>[vector<16xi32>, vector<16xi32>], vector<16xf32>,
        %parallel_loop3A_380 = arith.constant 7 : i32
        %parallel_loop3A_381 = vector.broadcast %parallel_loop3A_380 : i32 to vector<16xi32>
        %parallel_loop3A_382 = arith.addi %parallel_loop3A_358, %parallel_loop3A_381 : vector<16xi32>
        tpu.vector_store_idx %arg18[%parallel_loop3A_345, %parallel_loop3A_382], %broadcast_in_dim3A_5 : memref<32x128xf32, #tpu.memory_space<vmem>>[vector<16xi32>, vector<16xi32>], vector<16xf32>,
      } {sc.loop_unroll_factor = 2 : i64, sc.parallel_access}
      %mul3A_286 = arith.constant 4 : i32
      %mul3A_287 = arith.muli %mul3A_286, %scan3A_125 : i32
      %add3A_288 = arith.constant 3 : i32
      %add3A_289 = arith.addi %mul3A_287, %add3A_288 : i32
      %dma_wait3A_290 = arith.constant 3 : i32
      %dma_wait3A_291 = arith.constant 0 : i32
      %dma_wait3A_292 = tpu.memref_slice %arg10[%dma_wait3A_290, %dma_wait3A_291] : memref<4x32xi32, #tpu.memory_space<vmem>> -> memref<1x32xi32, #tpu.memory_space<vmem>>
      %dma_wait3A_293 = tpu.memref_squeeze %dma_wait3A_292 : memref<1x32xi32, #tpu.memory_space<vmem>> -> memref<32xi32, #tpu.memory_space<vmem>>
      %dma_wait3A_294 = arith.constant 0 : i32
      %dma_wait3A_295 = arith.constant 0 : i32
      %dma_wait3A_296 = tpu.memref_slice %arg2[%dma_wait3A_294, %dma_wait3A_295] : memref<10000x256xf32, #tpu.memory_space<hbm>> -> memref<10000x256xf32, #tpu.memory_space<hbm>>
      tpu.wait_indirect_dma semaphore(%arg23 : memref<!tpu.dma_semaphore, #tpu.memory_space<semaphore_mem>>) src(%dma_wait3A_296 : memref<10000x256xf32, #tpu.memory_space<hbm>>) dst(%arg15 : memref<32x256xf32, #tpu.memory_space<vmem>>)
      %dma_wait3A_297 = arith.constant 3 : i32
      %dma_wait3A_298 = arith.constant 0 : i32
      %dma_wait3A_299 = tpu.memref_slice %arg11[%dma_wait3A_297, %dma_wait3A_298] : memref<4x32xi32, #tpu.memory_space<vmem>> -> memref<1x32xi32, #tpu.memory_space<vmem>>
      %dma_wait3A_300 = tpu.memref_squeeze %dma_wait3A_299 : memref<1x32xi32, #tpu.memory_space<vmem>> -> memref<32xi32, #tpu.memory_space<vmem>>
      %dma_wait3A_301 = arith.constant 0 : i32
      %dma_wait3A_302 = arith.constant 0 : i32
      %dma_wait3A_303 = tpu.memref_slice %arg3[%dma_wait3A_301, %dma_wait3A_302] : memref<10000x128xf32, #tpu.memory_space<hbm>> -> memref<10000x128xf32, #tpu.memory_space<hbm>>
      tpu.wait_indirect_dma semaphore(%arg23 : memref<!tpu.dma_semaphore, #tpu.memory_space<semaphore_mem>>) src(%dma_wait3A_303 : memref<10000x128xf32, #tpu.memory_space<hbm>>) dst(%arg16 : memref<32x128xf32, #tpu.memory_space<vmem>>)
      %add3A_304 = arith.constant 1 : i32
      %add3A_305 = arith.addi %add3A_289, %add3A_304 : i32
      %lt3A_306 = arith.constant 316 : i32
      %lt3A_307 = arith.cmpi slt, %add3A_305, %lt3A_306 : i32
      %convert_element_type3A_308 = arith.extui %lt3A_307 : i1 to i32
      %cond3A_309 = arith.constant 0 : i32
      %cond3A_310 = arith.cmpi ne, %convert_element_type3A_308, %cond3A_309 : i32
      scf.if %cond3A_310 {
        %add3A_341 = arith.constant 1 : i32
        %add3A_342 = arith.addi %add3A_289, %add3A_341 : i32
        %mul3A_343 = arith.constant 32 : i32
        %mul3A_344 = arith.muli %add3A_342, %mul3A_343 : i32
        %add3A_345 = arith.addi %mul3A_12, %mul3A_344 : i32
        %dma_wait3A_346 = arith.constant 0 : i32
        %dma_wait3A_347 = arith.constant 0 : i32
        %dma_wait3A_348 = tpu.memref_slice %arg10[%dma_wait3A_346, %dma_wait3A_347] : memref<4x32xi32, #tpu.memory_space<vmem>> -> memref<1x32xi32, #tpu.memory_space<vmem>>
        %dma_wait3A_349 = tpu.memref_squeeze %dma_wait3A_348 : memref<1x32xi32, #tpu.memory_space<vmem>> -> memref<32xi32, #tpu.memory_space<vmem>>
        %dma_wait3A_350 = tpu.memref_slice %arg4[%add3A_345] : memref<323584xi32, #tpu.memory_space<hbm>> -> memref<32xi32, #tpu.memory_space<hbm>>
        %dma_wait3A_351 = arith.constant 0 : i32
        %dma_wait3A_352 = tpu.memref_slice %arg10[%dma_wait3A_346, %dma_wait3A_351] : memref<4x32xi32, #tpu.memory_space<vmem>> -> memref<1x32xi32, #tpu.memory_space<vmem>>
        %dma_wait3A_353 = tpu.memref_squeeze %dma_wait3A_352 : memref<1x32xi32, #tpu.memory_space<vmem>> -> memref<32xi32, #tpu.memory_space<vmem>>
        %dma_wait3A_354 = tpu.memref_slice %arg4[%add3A_345] : memref<323584xi32, #tpu.memory_space<hbm>> -> memref<32xi32, #tpu.memory_space<hbm>>
        tpu.wait_dma2 semaphore(%arg25 : memref<!tpu.dma_semaphore, #tpu.memory_space<semaphore_mem>>) src(%dma_wait3A_354 : memref<32xi32, #tpu.memory_space<hbm>>) dst(%dma_wait3A_353 : memref<32xi32, #tpu.memory_space<vmem>>)
        %dma_wait3A_355 = arith.constant 0 : i32
        %dma_wait3A_356 = arith.constant 0 : i32
        %dma_wait3A_357 = tpu.memref_slice %arg11[%dma_wait3A_355, %dma_wait3A_356] : memref<4x32xi32, #tpu.memory_space<vmem>> -> memref<1x32xi32, #tpu.memory_space<vmem>>
        %dma_wait3A_358 = tpu.memref_squeeze %dma_wait3A_357 : memref<1x32xi32, #tpu.memory_space<vmem>> -> memref<32xi32, #tpu.memory_space<vmem>>
        %dma_wait3A_359 = tpu.memref_slice %arg5[%add3A_345] : memref<323584xi32, #tpu.memory_space<hbm>> -> memref<32xi32, #tpu.memory_space<hbm>>
        %dma_wait3A_360 = arith.constant 0 : i32
        %dma_wait3A_361 = tpu.memref_slice %arg11[%dma_wait3A_355, %dma_wait3A_360] : memref<4x32xi32, #tpu.memory_space<vmem>> -> memref<1x32xi32, #tpu.memory_space<vmem>>
        %dma_wait3A_362 = tpu.memref_squeeze %dma_wait3A_361 : memref<1x32xi32, #tpu.memory_space<vmem>> -> memref<32xi32, #tpu.memory_space<vmem>>
        %dma_wait3A_363 = tpu.memref_slice %arg5[%add3A_345] : memref<323584xi32, #tpu.memory_space<hbm>> -> memref<32xi32, #tpu.memory_space<hbm>>
        tpu.wait_dma2 semaphore(%arg25 : memref<!tpu.dma_semaphore, #tpu.memory_space<semaphore_mem>>) src(%dma_wait3A_363 : memref<32xi32, #tpu.memory_space<hbm>>) dst(%dma_wait3A_362 : memref<32xi32, #tpu.memory_space<vmem>>)
        %dma_start3A_364 = arith.constant 0 : i32
        %dma_start3A_365 = arith.constant 0 : i32
        %dma_start3A_366 = tpu.memref_slice %arg10[%dma_start3A_364, %dma_start3A_365] : memref<4x32xi32, #tpu.memory_space<vmem>> -> memref<1x32xi32, #tpu.memory_space<vmem>>
        %dma_start3A_367 = tpu.memref_squeeze %dma_start3A_366 : memref<1x32xi32, #tpu.memory_space<vmem>> -> memref<32xi32, #tpu.memory_space<vmem>>
        %dma_start3A_368 = arith.constant 0 : i32
        %dma_start3A_369 = arith.constant 0 : i32
        %dma_start3A_370 = tpu.memref_slice %arg2[%dma_start3A_368, %dma_start3A_369] : memref<10000x256xf32, #tpu.memory_space<hbm>> -> memref<10000x256xf32, #tpu.memory_space<hbm>>
        tpu.enqueue_indirect_dma source(%dma_start3A_370 : memref<10000x256xf32, #tpu.memory_space<hbm>>) target(%arg13 : memref<32x256xf32, #tpu.memory_space<vmem>>) offsets(%dma_start3A_367 : memref<32xi32, #tpu.memory_space<vmem>>) semaphore(%arg22 : memref<!tpu.dma_semaphore, #tpu.memory_space<semaphore_mem>>)
        %dma_start3A_371 = arith.constant 0 : i32
        %dma_start3A_372 = arith.constant 0 : i32
        %dma_start3A_373 = tpu.memref_slice %arg11[%dma_start3A_371, %dma_start3A_372] : memref<4x32xi32, #tpu.memory_space<vmem>> -> memref<1x32xi32, #tpu.memory_space<vmem>>
        %dma_start3A_374 = tpu.memref_squeeze %dma_start3A_373 : memref<1x32xi32, #tpu.memory_space<vmem>> -> memref<32xi32, #tpu.memory_space<vmem>>
        %dma_start3A_375 = arith.constant 0 : i32
        %dma_start3A_376 = arith.constant 0 : i32
        %dma_start3A_377 = tpu.memref_slice %arg3[%dma_start3A_375, %dma_start3A_376] : memref<10000x128xf32, #tpu.memory_space<hbm>> -> memref<10000x128xf32, #tpu.memory_space<hbm>>
        tpu.enqueue_indirect_dma source(%dma_start3A_377 : memref<10000x128xf32, #tpu.memory_space<hbm>>) target(%arg14 : memref<32x128xf32, #tpu.memory_space<vmem>>) offsets(%dma_start3A_374 : memref<32xi32, #tpu.memory_space<vmem>>) semaphore(%arg22 : memref<!tpu.dma_semaphore, #tpu.memory_space<semaphore_mem>>)
      } else {
      }
      %gt3A_311 = arith.constant 0 : i32
      %gt3A_312 = arith.cmpi sgt, %add3A_289, %gt3A_311 : i32
      %convert_element_type3A_313 = arith.extui %gt3A_312 : i1 to i32
      %cond3A_314 = arith.constant 0 : i32
      %cond3A_315 = arith.cmpi ne, %convert_element_type3A_313, %cond3A_314 : i32
      scf.if %cond3A_315 {
        %dma_wait3A_341 = arith.constant 0 : i32
        %dma_wait3A_342 = arith.constant 0 : i32
        %dma_wait3A_343 = tpu.memref_slice %arg10[%dma_wait3A_341, %dma_wait3A_342] : memref<4x32xi32, #tpu.memory_space<vmem>> -> memref<1x32xi32, #tpu.memory_space<vmem>>
        %dma_wait3A_344 = tpu.memref_squeeze %dma_wait3A_343 : memref<1x32xi32, #tpu.memory_space<vmem>> -> memref<32xi32, #tpu.memory_space<vmem>>
        %dma_wait3A_345 = arith.constant 0 : i32
        %dma_wait3A_346 = arith.constant 0 : i32
        %dma_wait3A_347 = tpu.memref_slice %arg20[%dma_wait3A_345, %dma_wait3A_346] : memref<10112x128xf32, #tpu.memory_space<vmem_shared>> -> memref<10112x128xf32, #tpu.memory_space<vmem_shared>>
        tpu.wait_indirect_dma semaphore(%arg24 : memref<!tpu.dma_semaphore, #tpu.memory_space<semaphore_mem>>) src(%arg17 : memref<32x128xf32, #tpu.memory_space<vmem>>) dst(%dma_wait3A_347 : memref<10112x128xf32, #tpu.memory_space<vmem_shared>>)
      } else {
      }
      %add3A_316 = arith.constant 3 : i32
      %add3A_317 = arith.addi %add3A_289, %add3A_316 : i32
      %lt3A_318 = arith.constant 316 : i32
      %lt3A_319 = arith.cmpi slt, %add3A_317, %lt3A_318 : i32
      %convert_element_type3A_320 = arith.extui %lt3A_319 : i1 to i32
      %cond3A_321 = arith.constant 0 : i32
      %cond3A_322 = arith.cmpi ne, %convert_element_type3A_320, %cond3A_321 : i32
      scf.if %cond3A_322 {
        %add3A_341 = arith.constant 3 : i32
        %add3A_342 = arith.addi %add3A_289, %add3A_341 : i32
        %mul3A_343 = arith.constant 32 : i32
        %mul3A_344 = arith.muli %add3A_342, %mul3A_343 : i32
        %add3A_345 = arith.addi %mul3A_12, %mul3A_344 : i32
        %dma_start3A_346 = arith.constant 2 : i32
        %dma_start3A_347 = arith.constant 0 : i32
        %dma_start3A_348 = tpu.memref_slice %arg10[%dma_start3A_346, %dma_start3A_347] : memref<4x32xi32, #tpu.memory_space<vmem>> -> memref<1x32xi32, #tpu.memory_space<vmem>>
        %dma_start3A_349 = tpu.memref_squeeze %dma_start3A_348 : memref<1x32xi32, #tpu.memory_space<vmem>> -> memref<32xi32, #tpu.memory_space<vmem>>
        %dma_start3A_350 = tpu.memref_slice %arg4[%add3A_345] : memref<323584xi32, #tpu.memory_space<hbm>> -> memref<32xi32, #tpu.memory_space<hbm>>
        %dma_start3A_351 = arith.constant 0 : i32
        %dma_start3A_352 = tpu.memref_slice %arg10[%dma_start3A_346, %dma_start3A_351] : memref<4x32xi32, #tpu.memory_space<vmem>> -> memref<1x32xi32, #tpu.memory_space<vmem>>
        %dma_start3A_353 = tpu.memref_squeeze %dma_start3A_352 : memref<1x32xi32, #tpu.memory_space<vmem>> -> memref<32xi32, #tpu.memory_space<vmem>>
        %dma_start3A_354 = tpu.memref_slice %arg4[%add3A_345] : memref<323584xi32, #tpu.memory_space<hbm>> -> memref<32xi32, #tpu.memory_space<hbm>>
        tpu.enqueue_dma source(%dma_start3A_354 : memref<32xi32, #tpu.memory_space<hbm>>) target(%dma_start3A_353 : memref<32xi32, #tpu.memory_space<vmem>>) target_semaphore(%arg27 : memref<!tpu.dma_semaphore, #tpu.memory_space<semaphore_mem>>)
        %dma_start3A_355 = arith.constant 2 : i32
        %dma_start3A_356 = arith.constant 0 : i32
        %dma_start3A_357 = tpu.memref_slice %arg11[%dma_start3A_355, %dma_start3A_356] : memref<4x32xi32, #tpu.memory_space<vmem>> -> memref<1x32xi32, #tpu.memory_space<vmem>>
        %dma_start3A_358 = tpu.memref_squeeze %dma_start3A_357 : memref<1x32xi32, #tpu.memory_space<vmem>> -> memref<32xi32, #tpu.memory_space<vmem>>
        %dma_start3A_359 = tpu.memref_slice %arg5[%add3A_345] : memref<323584xi32, #tpu.memory_space<hbm>> -> memref<32xi32, #tpu.memory_space<hbm>>
        %dma_start3A_360 = arith.constant 0 : i32
        %dma_start3A_361 = tpu.memref_slice %arg11[%dma_start3A_355, %dma_start3A_360] : memref<4x32xi32, #tpu.memory_space<vmem>> -> memref<1x32xi32, #tpu.memory_space<vmem>>
        %dma_start3A_362 = tpu.memref_squeeze %dma_start3A_361 : memref<1x32xi32, #tpu.memory_space<vmem>> -> memref<32xi32, #tpu.memory_space<vmem>>
        %dma_start3A_363 = tpu.memref_slice %arg5[%add3A_345] : memref<323584xi32, #tpu.memory_space<hbm>> -> memref<32xi32, #tpu.memory_space<hbm>>
        tpu.enqueue_dma source(%dma_start3A_363 : memref<32xi32, #tpu.memory_space<hbm>>) target(%dma_start3A_362 : memref<32xi32, #tpu.memory_space<vmem>>) target_semaphore(%arg27 : memref<!tpu.dma_semaphore, #tpu.memory_space<semaphore_mem>>)
      } else {
      }
      %parallel_loop3A_323 = arith.constant 0 : i32
      %parallel_loop3A_324 = arith.constant 32 : i32
      %parallel_loop3A_325 = arith.constant 1 : i32
      scf.for %parallel_loop3A_341 = %parallel_loop3A_323 to %parallel_loop3A_324 step %parallel_loop3A_325  : i32 {
        %parallel_loop3A_342 = arith.index_cast %parallel_loop3A_341 : i32 to index
        %parallel_loop3A_343 = arith.constant 0 : index
        %parallel_loop3A_344 = tpu.vector_load %arg15[%parallel_loop3A_342, %parallel_loop3A_343] {strides = array<i32>} : memref<32x256xf32, #tpu.memory_space<vmem>>, vector<16xf32>,
        %parallel_loop3A_345 = arith.index_cast %parallel_loop3A_341 : i32 to index
        %parallel_loop3A_346 = arith.constant 0 : index
        %parallel_loop3A_347 = tpu.vector_load %arg16[%parallel_loop3A_345, %parallel_loop3A_346] {strides = array<i32>} : memref<32x128xf32, #tpu.memory_space<vmem>>, vector<16xf32>,
        %parallel_loop3A_348 = arith.mulf %parallel_loop3A_344, %parallel_loop3A_347 : vector<16xf32>
        %parallel_loop3A_349 = arith.index_cast %parallel_loop3A_341 : i32 to index
        %parallel_loop3A_350 = arith.constant 16 : index
        %parallel_loop3A_351 = tpu.vector_load %arg15[%parallel_loop3A_349, %parallel_loop3A_350] {strides = array<i32>} : memref<32x256xf32, #tpu.memory_space<vmem>>, vector<16xf32>,
        %parallel_loop3A_352 = arith.index_cast %parallel_loop3A_341 : i32 to index
        %parallel_loop3A_353 = arith.constant 16 : index
        %parallel_loop3A_354 = tpu.vector_load %arg16[%parallel_loop3A_352, %parallel_loop3A_353] {strides = array<i32>} : memref<32x128xf32, #tpu.memory_space<vmem>>, vector<16xf32>,
        %parallel_loop3A_355 = arith.mulf %parallel_loop3A_351, %parallel_loop3A_354 : vector<16xf32>
        %parallel_loop3A_356 = arith.index_cast %parallel_loop3A_341 : i32 to index
        %parallel_loop3A_357 = arith.constant 32 : index
        %parallel_loop3A_358 = tpu.vector_load %arg15[%parallel_loop3A_356, %parallel_loop3A_357] {strides = array<i32>} : memref<32x256xf32, #tpu.memory_space<vmem>>, vector<16xf32>,
        %parallel_loop3A_359 = arith.index_cast %parallel_loop3A_341 : i32 to index
        %parallel_loop3A_360 = arith.constant 32 : index
        %parallel_loop3A_361 = tpu.vector_load %arg16[%parallel_loop3A_359, %parallel_loop3A_360] {strides = array<i32>} : memref<32x128xf32, #tpu.memory_space<vmem>>, vector<16xf32>,
        %parallel_loop3A_362 = arith.mulf %parallel_loop3A_358, %parallel_loop3A_361 : vector<16xf32>
        %parallel_loop3A_363 = arith.index_cast %parallel_loop3A_341 : i32 to index
        %parallel_loop3A_364 = arith.constant 48 : index
        %parallel_loop3A_365 = tpu.vector_load %arg15[%parallel_loop3A_363, %parallel_loop3A_364] {strides = array<i32>} : memref<32x256xf32, #tpu.memory_space<vmem>>, vector<16xf32>,
        %parallel_loop3A_366 = arith.index_cast %parallel_loop3A_341 : i32 to index
        %parallel_loop3A_367 = arith.constant 48 : index
        %parallel_loop3A_368 = tpu.vector_load %arg16[%parallel_loop3A_366, %parallel_loop3A_367] {strides = array<i32>} : memref<32x128xf32, #tpu.memory_space<vmem>>, vector<16xf32>,
        %parallel_loop3A_369 = arith.mulf %parallel_loop3A_365, %parallel_loop3A_368 : vector<16xf32>
        %parallel_loop3A_370 = arith.index_cast %parallel_loop3A_341 : i32 to index
        %parallel_loop3A_371 = arith.constant 64 : index
        %parallel_loop3A_372 = tpu.vector_load %arg15[%parallel_loop3A_370, %parallel_loop3A_371] {strides = array<i32>} : memref<32x256xf32, #tpu.memory_space<vmem>>, vector<16xf32>,
        %parallel_loop3A_373 = arith.index_cast %parallel_loop3A_341 : i32 to index
        %parallel_loop3A_374 = arith.constant 64 : index
        %parallel_loop3A_375 = tpu.vector_load %arg16[%parallel_loop3A_373, %parallel_loop3A_374] {strides = array<i32>} : memref<32x128xf32, #tpu.memory_space<vmem>>, vector<16xf32>,
        %parallel_loop3A_376 = arith.mulf %parallel_loop3A_372, %parallel_loop3A_375 : vector<16xf32>
        %parallel_loop3A_377 = arith.index_cast %parallel_loop3A_341 : i32 to index
        %parallel_loop3A_378 = arith.constant 80 : index
        %parallel_loop3A_379 = tpu.vector_load %arg15[%parallel_loop3A_377, %parallel_loop3A_378] {strides = array<i32>} : memref<32x256xf32, #tpu.memory_space<vmem>>, vector<16xf32>,
        %parallel_loop3A_380 = arith.index_cast %parallel_loop3A_341 : i32 to index
        %parallel_loop3A_381 = arith.constant 80 : index
        %parallel_loop3A_382 = tpu.vector_load %arg16[%parallel_loop3A_380, %parallel_loop3A_381] {strides = array<i32>} : memref<32x128xf32, #tpu.memory_space<vmem>>, vector<16xf32>,
        %parallel_loop3A_383 = arith.mulf %parallel_loop3A_379, %parallel_loop3A_382 : vector<16xf32>
        %parallel_loop3A_384 = arith.index_cast %parallel_loop3A_341 : i32 to index
        %parallel_loop3A_385 = arith.constant 96 : index
        %parallel_loop3A_386 = tpu.vector_load %arg15[%parallel_loop3A_384, %parallel_loop3A_385] {strides = array<i32>} : memref<32x256xf32, #tpu.memory_space<vmem>>, vector<16xf32>,
        %parallel_loop3A_387 = arith.index_cast %parallel_loop3A_341 : i32 to index
        %parallel_loop3A_388 = arith.constant 96 : index
        %parallel_loop3A_389 = tpu.vector_load %arg16[%parallel_loop3A_387, %parallel_loop3A_388] {strides = array<i32>} : memref<32x128xf32, #tpu.memory_space<vmem>>, vector<16xf32>,
        %parallel_loop3A_390 = arith.mulf %parallel_loop3A_386, %parallel_loop3A_389 : vector<16xf32>
        %parallel_loop3A_391 = arith.index_cast %parallel_loop3A_341 : i32 to index
        %parallel_loop3A_392 = arith.constant 112 : index
        %parallel_loop3A_393 = tpu.vector_load %arg15[%parallel_loop3A_391, %parallel_loop3A_392] {strides = array<i32>} : memref<32x256xf32, #tpu.memory_space<vmem>>, vector<16xf32>,
        %parallel_loop3A_394 = arith.index_cast %parallel_loop3A_341 : i32 to index
        %parallel_loop3A_395 = arith.constant 112 : index
        %parallel_loop3A_396 = tpu.vector_load %arg16[%parallel_loop3A_394, %parallel_loop3A_395] {strides = array<i32>} : memref<32x128xf32, #tpu.memory_space<vmem>>, vector<16xf32>,
        %parallel_loop3A_397 = arith.mulf %parallel_loop3A_393, %parallel_loop3A_396 : vector<16xf32>
        %parallel_loop3A_398 = arith.addf %parallel_loop3A_348, %parallel_loop3A_355 : vector<16xf32>
        %parallel_loop3A_399 = arith.addf %parallel_loop3A_362, %parallel_loop3A_369 : vector<16xf32>
        %parallel_loop3A_400 = arith.addf %parallel_loop3A_376, %parallel_loop3A_383 : vector<16xf32>
        %parallel_loop3A_401 = arith.addf %parallel_loop3A_390, %parallel_loop3A_397 : vector<16xf32>
        %parallel_loop3A_402 = arith.addf %parallel_loop3A_398, %parallel_loop3A_399 : vector<16xf32>
        %parallel_loop3A_403 = arith.addf %parallel_loop3A_400, %parallel_loop3A_401 : vector<16xf32>
        %parallel_loop3A_404 = arith.addf %parallel_loop3A_402, %parallel_loop3A_403 : vector<16xf32>
        %parallel_loop3A_405 = arith.constant 15 : i32
        %parallel_loop3A_406 = vector.broadcast %parallel_loop3A_405 : i32 to vector<16xi32>
        %parallel_loop3A_407 = tpu.iota {dimensions = array<i32: 0>} : vector<16xi32>
        %parallel_loop3A_408 = arith.subi %parallel_loop3A_406, %parallel_loop3A_407 : vector<16xi32>
        %parallel_loop3A_409 = tpu.dynamic_gather %parallel_loop3A_404[%parallel_loop3A_408] in [0] : vector<16xf32>, vector<16xi32> -> vector<16xf32>
        %parallel_loop3A_410 = arith.addf %parallel_loop3A_404, %parallel_loop3A_409 : vector<16xf32>
        %parallel_loop3A_411 = arith.constant -5.000000e+00 : f32
        %parallel_loop3A_412 = vector.broadcast %parallel_loop3A_411 : f32 to vector<16xf32>
        %parallel_loop3A_413 = arith.maximumf %parallel_loop3A_410, %parallel_loop3A_412 : vector<16xf32>
        %parallel_loop3A_414 = arith.constant 5.000000e+00 : f32
        %parallel_loop3A_415 = vector.broadcast %parallel_loop3A_414 : f32 to vector<16xf32>
        %parallel_loop3A_416 = arith.minimumf %parallel_loop3A_413, %parallel_loop3A_415 : vector<16xf32>
        %parallel_loop3A_417 = math.exp %parallel_loop3A_416 : vector<16xf32>
        %parallel_loop3A_418 = arith.constant 8 : i32
        %parallel_loop3A_419 = vector.broadcast %parallel_loop3A_418 : i32 to vector<16xi32>
        %parallel_loop3A_420 = arith.cmpi slt, %iota3A, %parallel_loop3A_419 : vector<16xi32>
        %parallel_loop3A_421 = arith.constant 0.000000e+00 : f32
        %parallel_loop3A_422 = vector.broadcast %parallel_loop3A_421 : f32 to vector<16xf32>
        %parallel_loop3A_423 = arith.select %parallel_loop3A_420, %parallel_loop3A_417, %parallel_loop3A_422 : vector<16xi1>, vector<16xf32>
        %parallel_loop3A_424 = arith.index_cast %parallel_loop3A_341 : i32 to index
        %parallel_loop3A_425 = arith.constant 0 : index
        %parallel_loop3A_426 = tpu.vector_load %arg19[%parallel_loop3A_424, %parallel_loop3A_425] {strides = array<i32>} : memref<32x16xf32, #tpu.memory_space<vmem>>, vector<16xf32>,
        tpu.vector_store %arg19[%parallel_loop3A_424, %parallel_loop3A_425], %parallel_loop3A_423 {strides = array<i32>} : memref<32x16xf32, #tpu.memory_space<vmem>>, vector<16xf32>,
        %parallel_loop3A_427 = arith.constant 15 : i32
        %parallel_loop3A_428 = vector.broadcast %parallel_loop3A_427 : i32 to vector<16xi32>
        %parallel_loop3A_429 = tpu.iota {dimensions = array<i32: 0>} : vector<16xi32>
        %parallel_loop3A_430 = arith.subi %parallel_loop3A_428, %parallel_loop3A_429 : vector<16xi32>
        %parallel_loop3A_431 = tpu.dynamic_gather %parallel_loop3A_423[%parallel_loop3A_430] in [0] : vector<16xf32>, vector<16xi32> -> vector<16xf32>
        %parallel_loop3A_432 = arith.addf %parallel_loop3A_423, %parallel_loop3A_431 : vector<16xf32>
        %parallel_loop3A_433 = arith.index_cast %parallel_loop3A_341 : i32 to index
        %parallel_loop3A_434 = arith.constant 128 : index
        %parallel_loop3A_435 = tpu.vector_load %arg15[%parallel_loop3A_433, %parallel_loop3A_434] {strides = array<i32>} : memref<32x256xf32, #tpu.memory_space<vmem>>, vector<16xf32>,
        %parallel_loop3A_436 = arith.index_cast %parallel_loop3A_341 : i32 to index
        %parallel_loop3A_437 = arith.constant 144 : index
        %parallel_loop3A_438 = tpu.vector_load %arg15[%parallel_loop3A_436, %parallel_loop3A_437] {strides = array<i32>} : memref<32x256xf32, #tpu.memory_space<vmem>>, vector<16xf32>,
        %parallel_loop3A_439 = arith.index_cast %parallel_loop3A_341 : i32 to index
        %parallel_loop3A_440 = arith.constant 160 : index
        %parallel_loop3A_441 = tpu.vector_load %arg15[%parallel_loop3A_439, %parallel_loop3A_440] {strides = array<i32>} : memref<32x256xf32, #tpu.memory_space<vmem>>, vector<16xf32>,
        %parallel_loop3A_442 = arith.index_cast %parallel_loop3A_341 : i32 to index
        %parallel_loop3A_443 = arith.constant 176 : index
        %parallel_loop3A_444 = tpu.vector_load %arg15[%parallel_loop3A_442, %parallel_loop3A_443] {strides = array<i32>} : memref<32x256xf32, #tpu.memory_space<vmem>>, vector<16xf32>,
        %parallel_loop3A_445 = arith.index_cast %parallel_loop3A_341 : i32 to index
        %parallel_loop3A_446 = arith.constant 192 : index
        %parallel_loop3A_447 = tpu.vector_load %arg15[%parallel_loop3A_445, %parallel_loop3A_446] {strides = array<i32>} : memref<32x256xf32, #tpu.memory_space<vmem>>, vector<16xf32>,
        %parallel_loop3A_448 = arith.index_cast %parallel_loop3A_341 : i32 to index
        %parallel_loop3A_449 = arith.constant 208 : index
        %parallel_loop3A_450 = tpu.vector_load %arg15[%parallel_loop3A_448, %parallel_loop3A_449] {strides = array<i32>} : memref<32x256xf32, #tpu.memory_space<vmem>>, vector<16xf32>,
        %parallel_loop3A_451 = arith.index_cast %parallel_loop3A_341 : i32 to index
        %parallel_loop3A_452 = arith.constant 224 : index
        %parallel_loop3A_453 = tpu.vector_load %arg15[%parallel_loop3A_451, %parallel_loop3A_452] {strides = array<i32>} : memref<32x256xf32, #tpu.memory_space<vmem>>, vector<16xf32>,
        %parallel_loop3A_454 = arith.index_cast %parallel_loop3A_341 : i32 to index
        %parallel_loop3A_455 = arith.constant 240 : index
        %parallel_loop3A_456 = tpu.vector_load %arg15[%parallel_loop3A_454, %parallel_loop3A_455] {strides = array<i32>} : memref<32x256xf32, #tpu.memory_space<vmem>>, vector<16xf32>,
        %parallel_loop3A_457 = arith.mulf %parallel_loop3A_432, %parallel_loop3A_435 : vector<16xf32>
        %parallel_loop3A_458 = arith.index_cast %parallel_loop3A_341 : i32 to index
        %parallel_loop3A_459 = arith.constant 0 : index
        %parallel_loop3A_460 = tpu.vector_load %arg17[%parallel_loop3A_458, %parallel_loop3A_459] {strides = array<i32>} : memref<32x128xf32, #tpu.memory_space<vmem>>, vector<16xf32>,
        tpu.vector_store %arg17[%parallel_loop3A_458, %parallel_loop3A_459], %parallel_loop3A_457 {strides = array<i32>} : memref<32x128xf32, #tpu.memory_space<vmem>>, vector<16xf32>,
        %parallel_loop3A_461 = arith.mulf %parallel_loop3A_432, %parallel_loop3A_438 : vector<16xf32>
        %parallel_loop3A_462 = arith.index_cast %parallel_loop3A_341 : i32 to index
        %parallel_loop3A_463 = arith.constant 16 : index
        %parallel_loop3A_464 = tpu.vector_load %arg17[%parallel_loop3A_462, %parallel_loop3A_463] {strides = array<i32>} : memref<32x128xf32, #tpu.memory_space<vmem>>, vector<16xf32>,
        tpu.vector_store %arg17[%parallel_loop3A_462, %parallel_loop3A_463], %parallel_loop3A_461 {strides = array<i32>} : memref<32x128xf32, #tpu.memory_space<vmem>>, vector<16xf32>,
        %parallel_loop3A_465 = arith.mulf %parallel_loop3A_432, %parallel_loop3A_441 : vector<16xf32>
        %parallel_loop3A_466 = arith.index_cast %parallel_loop3A_341 : i32 to index
        %parallel_loop3A_467 = arith.constant 32 : index
        %parallel_loop3A_468 = tpu.vector_load %arg17[%parallel_loop3A_466, %parallel_loop3A_467] {strides = array<i32>} : memref<32x128xf32, #tpu.memory_space<vmem>>, vector<16xf32>,
        tpu.vector_store %arg17[%parallel_loop3A_466, %parallel_loop3A_467], %parallel_loop3A_465 {strides = array<i32>} : memref<32x128xf32, #tpu.memory_space<vmem>>, vector<16xf32>,
        %parallel_loop3A_469 = arith.mulf %parallel_loop3A_432, %parallel_loop3A_444 : vector<16xf32>
        %parallel_loop3A_470 = arith.index_cast %parallel_loop3A_341 : i32 to index
        %parallel_loop3A_471 = arith.constant 48 : index
        %parallel_loop3A_472 = tpu.vector_load %arg17[%parallel_loop3A_470, %parallel_loop3A_471] {strides = array<i32>} : memref<32x128xf32, #tpu.memory_space<vmem>>, vector<16xf32>,
        tpu.vector_store %arg17[%parallel_loop3A_470, %parallel_loop3A_471], %parallel_loop3A_469 {strides = array<i32>} : memref<32x128xf32, #tpu.memory_space<vmem>>, vector<16xf32>,
        %parallel_loop3A_473 = arith.mulf %parallel_loop3A_432, %parallel_loop3A_447 : vector<16xf32>
        %parallel_loop3A_474 = arith.index_cast %parallel_loop3A_341 : i32 to index
        %parallel_loop3A_475 = arith.constant 64 : index
        %parallel_loop3A_476 = tpu.vector_load %arg17[%parallel_loop3A_474, %parallel_loop3A_475] {strides = array<i32>} : memref<32x128xf32, #tpu.memory_space<vmem>>, vector<16xf32>,
        tpu.vector_store %arg17[%parallel_loop3A_474, %parallel_loop3A_475], %parallel_loop3A_473 {strides = array<i32>} : memref<32x128xf32, #tpu.memory_space<vmem>>, vector<16xf32>,
        %parallel_loop3A_477 = arith.mulf %parallel_loop3A_432, %parallel_loop3A_450 : vector<16xf32>
        %parallel_loop3A_478 = arith.index_cast %parallel_loop3A_341 : i32 to index
        %parallel_loop3A_479 = arith.constant 80 : index
        %parallel_loop3A_480 = tpu.vector_load %arg17[%parallel_loop3A_478, %parallel_loop3A_479] {strides = array<i32>} : memref<32x128xf32, #tpu.memory_space<vmem>>, vector<16xf32>,
        tpu.vector_store %arg17[%parallel_loop3A_478, %parallel_loop3A_479], %parallel_loop3A_477 {strides = array<i32>} : memref<32x128xf32, #tpu.memory_space<vmem>>, vector<16xf32>,
        %parallel_loop3A_481 = arith.mulf %parallel_loop3A_432, %parallel_loop3A_453 : vector<16xf32>
        %parallel_loop3A_482 = arith.index_cast %parallel_loop3A_341 : i32 to index
        %parallel_loop3A_483 = arith.constant 96 : index
        %parallel_loop3A_484 = tpu.vector_load %arg17[%parallel_loop3A_482, %parallel_loop3A_483] {strides = array<i32>} : memref<32x128xf32, #tpu.memory_space<vmem>>, vector<16xf32>,
        tpu.vector_store %arg17[%parallel_loop3A_482, %parallel_loop3A_483], %parallel_loop3A_481 {strides = array<i32>} : memref<32x128xf32, #tpu.memory_space<vmem>>, vector<16xf32>,
        %parallel_loop3A_485 = arith.mulf %parallel_loop3A_432, %parallel_loop3A_456 : vector<16xf32>
        %parallel_loop3A_486 = arith.index_cast %parallel_loop3A_341 : i32 to index
        %parallel_loop3A_487 = arith.constant 112 : index
        %parallel_loop3A_488 = tpu.vector_load %arg17[%parallel_loop3A_486, %parallel_loop3A_487] {strides = array<i32>} : memref<32x128xf32, #tpu.memory_space<vmem>>, vector<16xf32>,
        tpu.vector_store %arg17[%parallel_loop3A_486, %parallel_loop3A_487], %parallel_loop3A_485 {strides = array<i32>} : memref<32x128xf32, #tpu.memory_space<vmem>>, vector<16xf32>,
      } {sc.loop_unroll_factor = 8 : i64, sc.parallel_access}
      %parallel_loop3A_326 = arith.constant 0 : i32
      %parallel_loop3A_327 = arith.constant 2 : i32
      %parallel_loop3A_328 = arith.constant 1 : i32
      %parallel_loop3A_329 = arith.constant 3 : i32
      scf.for %parallel_loop3A_341 = %parallel_loop3A_326 to %parallel_loop3A_327 step %parallel_loop3A_328  : i32 {
        %parallel_loop3A_342 = arith.constant 16 : i32
        %parallel_loop3A_343 = arith.muli %parallel_loop3A_341, %parallel_loop3A_342 : i32
        %parallel_loop3A_344 = vector.broadcast %parallel_loop3A_343 : i32 to vector<16xi32>
        %parallel_loop3A_345 = arith.addi %iota3A, %parallel_loop3A_344 : vector<16xi32>
        %parallel_loop3A_346 = arith.constant 16 : i32
        %parallel_loop3A_347 = arith.muli %parallel_loop3A_341, %parallel_loop3A_346 : i32
        %parallel_loop3A_348 = arith.constant 0 : i32
        %parallel_loop3A_349 = tpu.memref_slice %arg11[%parallel_loop3A_329, %parallel_loop3A_348] : memref<4x32xi32, #tpu.memory_space<vmem>> -> memref<1x32xi32, #tpu.memory_space<vmem>>
        %parallel_loop3A_350 = tpu.memref_squeeze %parallel_loop3A_349 : memref<1x32xi32, #tpu.memory_space<vmem>> -> memref<32xi32, #tpu.memory_space<vmem>>
        %parallel_loop3A_351 = arith.index_cast %parallel_loop3A_347 : i32 to index
        %parallel_loop3A_352 = tpu.vector_load %parallel_loop3A_350[%parallel_loop3A_351] {strides = array<i32>} : memref<32xi32, #tpu.memory_space<vmem>>, vector<16xi32>,
        %parallel_loop3A_353 = arith.constant 4 : i32
        %parallel_loop3A_354 = vector.broadcast %parallel_loop3A_353 : i32 to vector<16xi32>
        %parallel_loop3A_355 = arith.shrui %parallel_loop3A_352, %parallel_loop3A_354 : vector<16xi32>
        %parallel_loop3A_356 = arith.constant 16 : i32
        %parallel_loop3A_357 = arith.muli %parallel_loop3A_341, %parallel_loop3A_356 : i32
        %parallel_loop3A_358 = arith.index_cast %parallel_loop3A_357 : i32 to index
        %parallel_loop3A_359 = tpu.vector_load %arg12[%parallel_loop3A_358] {strides = array<i32>} : memref<32xi32, #tpu.memory_space<vmem>>, vector<16xi32>,
        tpu.vector_store %arg12[%parallel_loop3A_358], %parallel_loop3A_355 {strides = array<i32>} : memref<32xi32, #tpu.memory_space<vmem>>, vector<16xi32>,
        %parallel_loop3A_360 = arith.constant 15 : i32
        %parallel_loop3A_361 = vector.broadcast %parallel_loop3A_360 : i32 to vector<16xi32>
        %parallel_loop3A_362 = arith.andi %parallel_loop3A_352, %parallel_loop3A_361 : vector<16xi32>
        %parallel_loop3A_363 = arith.constant 3 : i32
        %parallel_loop3A_364 = vector.broadcast %parallel_loop3A_363 : i32 to vector<16xi32>
        %parallel_loop3A_365 = arith.shli %parallel_loop3A_362, %parallel_loop3A_364 : vector<16xi32>
        %parallel_loop3A_366 = arith.constant 0 : i32
        %parallel_loop3A_367 = vector.broadcast %parallel_loop3A_366 : i32 to vector<16xi32>
        %parallel_loop3A_368 = tpu.vector_load_idx %arg19[%parallel_loop3A_345, %parallel_loop3A_367] : memref<32x16xf32, #tpu.memory_space<vmem>>[vector<16xi32>, vector<16xi32>], vector<16xf32>,
        %parallel_loop3A_369 = arith.constant 1 : i32
        %parallel_loop3A_370 = vector.broadcast %parallel_loop3A_369 : i32 to vector<16xi32>
        %parallel_loop3A_371 = tpu.vector_load_idx %arg19[%parallel_loop3A_345, %parallel_loop3A_370] : memref<32x16xf32, #tpu.memory_space<vmem>>[vector<16xi32>, vector<16xi32>], vector<16xf32>,
        %parallel_loop3A_372 = arith.constant 2 : i32
        %parallel_loop3A_373 = vector.broadcast %parallel_loop3A_372 : i32 to vector<16xi32>
        %parallel_loop3A_374 = tpu.vector_load_idx %arg19[%parallel_loop3A_345, %parallel_loop3A_373] : memref<32x16xf32, #tpu.memory_space<vmem>>[vector<16xi32>, vector<16xi32>], vector<16xf32>,
        %parallel_loop3A_375 = arith.constant 3 : i32
        %parallel_loop3A_376 = vector.broadcast %parallel_loop3A_375 : i32 to vector<16xi32>
        %parallel_loop3A_377 = tpu.vector_load_idx %arg19[%parallel_loop3A_345, %parallel_loop3A_376] : memref<32x16xf32, #tpu.memory_space<vmem>>[vector<16xi32>, vector<16xi32>], vector<16xf32>,
        %parallel_loop3A_378 = arith.constant 4 : i32
        %parallel_loop3A_379 = vector.broadcast %parallel_loop3A_378 : i32 to vector<16xi32>
        %parallel_loop3A_380 = tpu.vector_load_idx %arg19[%parallel_loop3A_345, %parallel_loop3A_379] : memref<32x16xf32, #tpu.memory_space<vmem>>[vector<16xi32>, vector<16xi32>], vector<16xf32>,
        %parallel_loop3A_381 = arith.constant 5 : i32
        %parallel_loop3A_382 = vector.broadcast %parallel_loop3A_381 : i32 to vector<16xi32>
        %parallel_loop3A_383 = tpu.vector_load_idx %arg19[%parallel_loop3A_345, %parallel_loop3A_382] : memref<32x16xf32, #tpu.memory_space<vmem>>[vector<16xi32>, vector<16xi32>], vector<16xf32>,
        %parallel_loop3A_384 = arith.constant 6 : i32
        %parallel_loop3A_385 = vector.broadcast %parallel_loop3A_384 : i32 to vector<16xi32>
        %parallel_loop3A_386 = tpu.vector_load_idx %arg19[%parallel_loop3A_345, %parallel_loop3A_385] : memref<32x16xf32, #tpu.memory_space<vmem>>[vector<16xi32>, vector<16xi32>], vector<16xf32>,
        %parallel_loop3A_387 = arith.constant 7 : i32
        %parallel_loop3A_388 = vector.broadcast %parallel_loop3A_387 : i32 to vector<16xi32>
        %parallel_loop3A_389 = tpu.vector_load_idx %arg19[%parallel_loop3A_345, %parallel_loop3A_388] : memref<32x16xf32, #tpu.memory_space<vmem>>[vector<16xi32>, vector<16xi32>], vector<16xf32>,
        %parallel_loop3A_390 = arith.constant 0 : i32
        %parallel_loop3A_391 = vector.broadcast %parallel_loop3A_390 : i32 to vector<16xi32>
        %parallel_loop3A_392 = arith.addi %parallel_loop3A_365, %parallel_loop3A_391 : vector<16xi32>
        tpu.vector_store_idx %arg18[%parallel_loop3A_345, %parallel_loop3A_392], %parallel_loop3A_368 : memref<32x128xf32, #tpu.memory_space<vmem>>[vector<16xi32>, vector<16xi32>], vector<16xf32>,
        %parallel_loop3A_393 = arith.constant 1 : i32
        %parallel_loop3A_394 = vector.broadcast %parallel_loop3A_393 : i32 to vector<16xi32>
        %parallel_loop3A_395 = arith.addi %parallel_loop3A_365, %parallel_loop3A_394 : vector<16xi32>
        tpu.vector_store_idx %arg18[%parallel_loop3A_345, %parallel_loop3A_395], %parallel_loop3A_371 : memref<32x128xf32, #tpu.memory_space<vmem>>[vector<16xi32>, vector<16xi32>], vector<16xf32>,
        %parallel_loop3A_396 = arith.constant 2 : i32
        %parallel_loop3A_397 = vector.broadcast %parallel_loop3A_396 : i32 to vector<16xi32>
        %parallel_loop3A_398 = arith.addi %parallel_loop3A_365, %parallel_loop3A_397 : vector<16xi32>
        tpu.vector_store_idx %arg18[%parallel_loop3A_345, %parallel_loop3A_398], %parallel_loop3A_374 : memref<32x128xf32, #tpu.memory_space<vmem>>[vector<16xi32>, vector<16xi32>], vector<16xf32>,
        %parallel_loop3A_399 = arith.constant 3 : i32
        %parallel_loop3A_400 = vector.broadcast %parallel_loop3A_399 : i32 to vector<16xi32>
        %parallel_loop3A_401 = arith.addi %parallel_loop3A_365, %parallel_loop3A_400 : vector<16xi32>
        tpu.vector_store_idx %arg18[%parallel_loop3A_345, %parallel_loop3A_401], %parallel_loop3A_377 : memref<32x128xf32, #tpu.memory_space<vmem>>[vector<16xi32>, vector<16xi32>], vector<16xf32>,
        %parallel_loop3A_402 = arith.constant 4 : i32
        %parallel_loop3A_403 = vector.broadcast %parallel_loop3A_402 : i32 to vector<16xi32>
        %parallel_loop3A_404 = arith.addi %parallel_loop3A_365, %parallel_loop3A_403 : vector<16xi32>
        tpu.vector_store_idx %arg18[%parallel_loop3A_345, %parallel_loop3A_404], %parallel_loop3A_380 : memref<32x128xf32, #tpu.memory_space<vmem>>[vector<16xi32>, vector<16xi32>], vector<16xf32>,
        %parallel_loop3A_405 = arith.constant 5 : i32
        %parallel_loop3A_406 = vector.broadcast %parallel_loop3A_405 : i32 to vector<16xi32>
        %parallel_loop3A_407 = arith.addi %parallel_loop3A_365, %parallel_loop3A_406 : vector<16xi32>
        tpu.vector_store_idx %arg18[%parallel_loop3A_345, %parallel_loop3A_407], %parallel_loop3A_383 : memref<32x128xf32, #tpu.memory_space<vmem>>[vector<16xi32>, vector<16xi32>], vector<16xf32>,
        %parallel_loop3A_408 = arith.constant 6 : i32
        %parallel_loop3A_409 = vector.broadcast %parallel_loop3A_408 : i32 to vector<16xi32>
        %parallel_loop3A_410 = arith.addi %parallel_loop3A_365, %parallel_loop3A_409 : vector<16xi32>
        tpu.vector_store_idx %arg18[%parallel_loop3A_345, %parallel_loop3A_410], %parallel_loop3A_386 : memref<32x128xf32, #tpu.memory_space<vmem>>[vector<16xi32>, vector<16xi32>], vector<16xf32>,
        %parallel_loop3A_411 = arith.constant 7 : i32
        %parallel_loop3A_412 = vector.broadcast %parallel_loop3A_411 : i32 to vector<16xi32>
        %parallel_loop3A_413 = arith.addi %parallel_loop3A_365, %parallel_loop3A_412 : vector<16xi32>
        tpu.vector_store_idx %arg18[%parallel_loop3A_345, %parallel_loop3A_413], %parallel_loop3A_389 : memref<32x128xf32, #tpu.memory_space<vmem>>[vector<16xi32>, vector<16xi32>], vector<16xf32>,
      } {sc.loop_unroll_factor = 2 : i64, sc.parallel_access}
      %dma_start3A_330 = arith.constant 3 : i32
      %dma_start3A_331 = arith.constant 0 : i32
      %dma_start3A_332 = tpu.memref_slice %arg11[%dma_start3A_330, %dma_start3A_331] : memref<4x32xi32, #tpu.memory_space<vmem>> -> memref<1x32xi32, #tpu.memory_space<vmem>>
      %dma_start3A_333 = tpu.memref_squeeze %dma_start3A_332 : memref<1x32xi32, #tpu.memory_space<vmem>> -> memref<32xi32, #tpu.memory_space<vmem>>
      %dma_start3A_334 = arith.constant 0 : i32
      %dma_start3A_335 = arith.constant 0 : i32
      %dma_start3A_336 = tpu.memref_slice %arg20[%dma_start3A_334, %dma_start3A_335] : memref<10112x128xf32, #tpu.memory_space<vmem_shared>> -> memref<10112x128xf32, #tpu.memory_space<vmem_shared>>
      tpu.enqueue_indirect_dma source(%arg17 : memref<32x128xf32, #tpu.memory_space<vmem>>) target(%dma_start3A_336 : memref<10112x128xf32, #tpu.memory_space<vmem_shared>>) offsets(%dma_start3A_333 : memref<32xi32, #tpu.memory_space<vmem>>) semaphore(%arg24 : memref<!tpu.dma_semaphore, #tpu.memory_space<semaphore_mem>>) {add = true}
      "tpu.region"() ({
        %run_scoped3A = tpu.sem_alloc : memref<!tpu.dma_semaphore, #tpu.memory_space<semaphore_mem>>
        %dma_start3A_341 = arith.constant 0 : i32
        %dma_start3A_342 = arith.constant 0 : i32
        %dma_start3A_343 = tpu.memref_slice %arg21[%dma_start3A_341, %dma_start3A_342] : memref<640x128xf32, #tpu.memory_space<vmem_shared>> -> memref<640x128xf32, #tpu.memory_space<vmem_shared>>
        tpu.enqueue_indirect_dma source(%arg18 : memref<32x128xf32, #tpu.memory_space<vmem>>) target(%dma_start3A_343 : memref<640x128xf32, #tpu.memory_space<vmem_shared>>) offsets(%arg12 : memref<32xi32, #tpu.memory_space<vmem>>) semaphore(%run_scoped3A : memref<!tpu.dma_semaphore, #tpu.memory_space<semaphore_mem>>) {add = true}
        %dma_wait3A_344 = arith.constant 0 : i32
        %dma_wait3A_345 = arith.constant 0 : i32
        %dma_wait3A_346 = tpu.memref_slice %arg21[%dma_wait3A_344, %dma_wait3A_345] : memref<640x128xf32, #tpu.memory_space<vmem_shared>> -> memref<640x128xf32, #tpu.memory_space<vmem_shared>>
        tpu.wait_indirect_dma semaphore(%run_scoped3A : memref<!tpu.dma_semaphore, #tpu.memory_space<semaphore_mem>>) src(%arg18 : memref<32x128xf32, #tpu.memory_space<vmem>>) dst(%dma_wait3A_346 : memref<640x128xf32, #tpu.memory_space<vmem_shared>>)
        tpu.yield
      }) : () -> ()
      %parallel_loop3A_337 = arith.constant 0 : i32
      %parallel_loop3A_338 = arith.constant 2 : i32
      %parallel_loop3A_339 = arith.constant 1 : i32
      %parallel_loop3A_340 = arith.constant 3 : i32
      scf.for %parallel_loop3A_341 = %parallel_loop3A_337 to %parallel_loop3A_338 step %parallel_loop3A_339  : i32 {
        %parallel_loop3A_342 = arith.constant 16 : i32
        %parallel_loop3A_343 = arith.muli %parallel_loop3A_341, %parallel_loop3A_342 : i32
        %parallel_loop3A_344 = vector.broadcast %parallel_loop3A_343 : i32 to vector<16xi32>
        %parallel_loop3A_345 = arith.addi %iota3A, %parallel_loop3A_344 : vector<16xi32>
        %parallel_loop3A_346 = arith.constant 16 : i32
        %parallel_loop3A_347 = arith.muli %parallel_loop3A_341, %parallel_loop3A_346 : i32
        %parallel_loop3A_348 = arith.constant 0 : i32
        %parallel_loop3A_349 = tpu.memref_slice %arg11[%parallel_loop3A_340, %parallel_loop3A_348] : memref<4x32xi32, #tpu.memory_space<vmem>> -> memref<1x32xi32, #tpu.memory_space<vmem>>
        %parallel_loop3A_350 = tpu.memref_squeeze %parallel_loop3A_349 : memref<1x32xi32, #tpu.memory_space<vmem>> -> memref<32xi32, #tpu.memory_space<vmem>>
        %parallel_loop3A_351 = arith.index_cast %parallel_loop3A_347 : i32 to index
        %parallel_loop3A_352 = tpu.vector_load %parallel_loop3A_350[%parallel_loop3A_351] {strides = array<i32>} : memref<32xi32, #tpu.memory_space<vmem>>, vector<16xi32>,
        %parallel_loop3A_353 = arith.constant 15 : i32
        %parallel_loop3A_354 = vector.broadcast %parallel_loop3A_353 : i32 to vector<16xi32>
        %parallel_loop3A_355 = arith.andi %parallel_loop3A_352, %parallel_loop3A_354 : vector<16xi32>
        %parallel_loop3A_356 = arith.constant 3 : i32
        %parallel_loop3A_357 = vector.broadcast %parallel_loop3A_356 : i32 to vector<16xi32>
        %parallel_loop3A_358 = arith.shli %parallel_loop3A_355, %parallel_loop3A_357 : vector<16xi32>
        %parallel_loop3A_359 = arith.constant 0 : i32
        %parallel_loop3A_360 = vector.broadcast %parallel_loop3A_359 : i32 to vector<16xi32>
        %parallel_loop3A_361 = arith.addi %parallel_loop3A_358, %parallel_loop3A_360 : vector<16xi32>
        tpu.vector_store_idx %arg18[%parallel_loop3A_345, %parallel_loop3A_361], %broadcast_in_dim3A_5 : memref<32x128xf32, #tpu.memory_space<vmem>>[vector<16xi32>, vector<16xi32>], vector<16xf32>,
        %parallel_loop3A_362 = arith.constant 1 : i32
        %parallel_loop3A_363 = vector.broadcast %parallel_loop3A_362 : i32 to vector<16xi32>
        %parallel_loop3A_364 = arith.addi %parallel_loop3A_358, %parallel_loop3A_363 : vector<16xi32>
        tpu.vector_store_idx %arg18[%parallel_loop3A_345, %parallel_loop3A_364], %broadcast_in_dim3A_5 : memref<32x128xf32, #tpu.memory_space<vmem>>[vector<16xi32>, vector<16xi32>], vector<16xf32>,
        %parallel_loop3A_365 = arith.constant 2 : i32
        %parallel_loop3A_366 = vector.broadcast %parallel_loop3A_365 : i32 to vector<16xi32>
        %parallel_loop3A_367 = arith.addi %parallel_loop3A_358, %parallel_loop3A_366 : vector<16xi32>
        tpu.vector_store_idx %arg18[%parallel_loop3A_345, %parallel_loop3A_367], %broadcast_in_dim3A_5 : memref<32x128xf32, #tpu.memory_space<vmem>>[vector<16xi32>, vector<16xi32>], vector<16xf32>,
        %parallel_loop3A_368 = arith.constant 3 : i32
        %parallel_loop3A_369 = vector.broadcast %parallel_loop3A_368 : i32 to vector<16xi32>
        %parallel_loop3A_370 = arith.addi %parallel_loop3A_358, %parallel_loop3A_369 : vector<16xi32>
        tpu.vector_store_idx %arg18[%parallel_loop3A_345, %parallel_loop3A_370], %broadcast_in_dim3A_5 : memref<32x128xf32, #tpu.memory_space<vmem>>[vector<16xi32>, vector<16xi32>], vector<16xf32>,
        %parallel_loop3A_371 = arith.constant 4 : i32
        %parallel_loop3A_372 = vector.broadcast %parallel_loop3A_371 : i32 to vector<16xi32>
        %parallel_loop3A_373 = arith.addi %parallel_loop3A_358, %parallel_loop3A_372 : vector<16xi32>
        tpu.vector_store_idx %arg18[%parallel_loop3A_345, %parallel_loop3A_373], %broadcast_in_dim3A_5 : memref<32x128xf32, #tpu.memory_space<vmem>>[vector<16xi32>, vector<16xi32>], vector<16xf32>,
        %parallel_loop3A_374 = arith.constant 5 : i32
        %parallel_loop3A_375 = vector.broadcast %parallel_loop3A_374 : i32 to vector<16xi32>
        %parallel_loop3A_376 = arith.addi %parallel_loop3A_358, %parallel_loop3A_375 : vector<16xi32>
        tpu.vector_store_idx %arg18[%parallel_loop3A_345, %parallel_loop3A_376], %broadcast_in_dim3A_5 : memref<32x128xf32, #tpu.memory_space<vmem>>[vector<16xi32>, vector<16xi32>], vector<16xf32>,
        %parallel_loop3A_377 = arith.constant 6 : i32
        %parallel_loop3A_378 = vector.broadcast %parallel_loop3A_377 : i32 to vector<16xi32>
        %parallel_loop3A_379 = arith.addi %parallel_loop3A_358, %parallel_loop3A_378 : vector<16xi32>
        tpu.vector_store_idx %arg18[%parallel_loop3A_345, %parallel_loop3A_379], %broadcast_in_dim3A_5 : memref<32x128xf32, #tpu.memory_space<vmem>>[vector<16xi32>, vector<16xi32>], vector<16xf32>,
        %parallel_loop3A_380 = arith.constant 7 : i32
        %parallel_loop3A_381 = vector.broadcast %parallel_loop3A_380 : i32 to vector<16xi32>
        %parallel_loop3A_382 = arith.addi %parallel_loop3A_358, %parallel_loop3A_381 : vector<16xi32>
        tpu.vector_store_idx %arg18[%parallel_loop3A_345, %parallel_loop3A_382], %broadcast_in_dim3A_5 : memref<32x128xf32, #tpu.memory_space<vmem>>[vector<16xi32>, vector<16xi32>], vector<16xf32>,
      } {sc.loop_unroll_factor = 2 : i64, sc.parallel_access}
    }
    %scan3A_110 = arith.constant 79 : i32
    %dma_wait3A_111 = arith.constant 0 : i32
    %dma_wait3A_112 = arith.constant 0 : i32
    %dma_wait3A_113 = tpu.memref_slice %arg10[%dma_wait3A_111, %dma_wait3A_112] : memref<4x32xi32, #tpu.memory_space<vmem>> -> memref<1x32xi32, #tpu.memory_space<vmem>>
    %dma_wait3A_114 = tpu.memref_squeeze %dma_wait3A_113 : memref<1x32xi32, #tpu.memory_space<vmem>> -> memref<32xi32, #tpu.memory_space<vmem>>
    %dma_wait3A_115 = arith.constant 0 : i32
    %dma_wait3A_116 = arith.constant 0 : i32
    %dma_wait3A_117 = tpu.memref_slice %arg20[%dma_wait3A_115, %dma_wait3A_116] : memref<10112x128xf32, #tpu.memory_space<vmem_shared>> -> memref<10112x128xf32, #tpu.memory_space<vmem_shared>>
    tpu.wait_indirect_dma semaphore(%arg24 : memref<!tpu.dma_semaphore, #tpu.memory_space<semaphore_mem>>) src(%arg17 : memref<32x128xf32, #tpu.memory_space<vmem>>) dst(%dma_wait3A_117 : memref<10112x128xf32, #tpu.memory_space<vmem_shared>>)
    %barrier3A_118 = arith.constant 0 : index
    tpu.barrier barrier_id(%barrier3A_118)
    %mul3A_119 = arith.constant 10112 : i32
    %mul3A_120 = arith.muli %arg0, %mul3A_119 : i32
    %add3A_121 = arith.addi %mul3A_120, %mul3A_2 : i32
    "tpu.region"() ({
      %run_scoped3A = tpu.sem_alloc : memref<!tpu.dma_semaphore, #tpu.memory_space<semaphore_mem>>
      %dma_start3A_125 = arith.constant 0 : i32
      %dma_start3A_126 = tpu.memref_slice %arg8[%add3A_121, %dma_start3A_125] : memref<20224x128xf32, #tpu.memory_space<hbm>> -> memref<632x128xf32, #tpu.memory_space<hbm>>
      %dma_start3A_127 = arith.constant 0 : i32
      %dma_start3A_128 = tpu.memref_slice %arg20[%mul3A_2, %dma_start3A_127] : memref<10112x128xf32, #tpu.memory_space<vmem_shared>> -> memref<632x128xf32, #tpu.memory_space<vmem_shared>>
      tpu.enqueue_dma source(%dma_start3A_128 : memref<632x128xf32, #tpu.memory_space<vmem_shared>>) target(%dma_start3A_126 : memref<632x128xf32, #tpu.memory_space<hbm>>) target_semaphore(%run_scoped3A : memref<!tpu.dma_semaphore, #tpu.memory_space<semaphore_mem>>)
      %dma_wait3A_129 = arith.constant 0 : i32
      %dma_wait3A_130 = tpu.memref_slice %arg8[%add3A_121, %dma_wait3A_129] : memref<20224x128xf32, #tpu.memory_space<hbm>> -> memref<632x128xf32, #tpu.memory_space<hbm>>
      %dma_wait3A_131 = arith.constant 0 : i32
      %dma_wait3A_132 = tpu.memref_slice %arg20[%mul3A_2, %dma_wait3A_131] : memref<10112x128xf32, #tpu.memory_space<vmem_shared>> -> memref<632x128xf32, #tpu.memory_space<vmem_shared>>
      tpu.wait_dma2 semaphore(%run_scoped3A : memref<!tpu.dma_semaphore, #tpu.memory_space<semaphore_mem>>) src(%dma_wait3A_132 : memref<632x128xf32, #tpu.memory_space<vmem_shared>>) dst(%dma_wait3A_130 : memref<632x128xf32, #tpu.memory_space<hbm>>)
      tpu.yield
    }) : () -> ()
    %mul3A_122 = arith.constant 640 : i32
    %mul3A_123 = arith.muli %arg0, %mul3A_122 : i32
    %add3A_124 = arith.addi %mul3A_123, %mul3A_4 : i32
    "tpu.region"() ({
      %run_scoped3A = tpu.sem_alloc : memref<!tpu.dma_semaphore, #tpu.memory_space<semaphore_mem>>
      %dma_start3A_125 = arith.constant 0 : i32
      %dma_start3A_126 = tpu.memref_slice %arg9[%add3A_124, %dma_start3A_125] : memref<1280x128xf32, #tpu.memory_space<hbm>> -> memref<40x128xf32, #tpu.memory_space<hbm>>
      %dma_start3A_127 = arith.constant 0 : i32
      %dma_start3A_128 = tpu.memref_slice %arg21[%mul3A_4, %dma_start3A_127] : memref<640x128xf32, #tpu.memory_space<vmem_shared>> -> memref<40x128xf32, #tpu.memory_space<vmem_shared>>
      tpu.enqueue_dma source(%dma_start3A_128 : memref<40x128xf32, #tpu.memory_space<vmem_shared>>) target(%dma_start3A_126 : memref<40x128xf32, #tpu.memory_space<hbm>>) target_semaphore(%run_scoped3A : memref<!tpu.dma_semaphore, #tpu.memory_space<semaphore_mem>>)
      %dma_wait3A_129 = arith.constant 0 : i32
      %dma_wait3A_130 = tpu.memref_slice %arg9[%add3A_124, %dma_wait3A_129] : memref<1280x128xf32, #tpu.memory_space<hbm>> -> memref<40x128xf32, #tpu.memory_space<hbm>>
      %dma_wait3A_131 = arith.constant 0 : i32
      %dma_wait3A_132 = tpu.memref_slice %arg21[%mul3A_4, %dma_wait3A_131] : memref<640x128xf32, #tpu.memory_space<vmem_shared>> -> memref<40x128xf32, #tpu.memory_space<vmem_shared>>
      tpu.wait_dma2 semaphore(%run_scoped3A : memref<!tpu.dma_semaphore, #tpu.memory_space<semaphore_mem>>) src(%dma_wait3A_132 : memref<40x128xf32, #tpu.memory_space<vmem_shared>>) dst(%dma_wait3A_130 : memref<40x128xf32, #tpu.memory_space<hbm>>)
      tpu.yield
    }) : () -> ()
    return
  }
}

#map = affine_map<(d0, d1) -> (0, 0)>
module attributes {stable_mosaic.version = 14 : i64} {
  func.func @_combine_kernel(%arg0: i32, %arg1: i32, %arg2: memref<20224x128xf32, #tpu.memory_space<hbm>>, %arg3: memref<1280x128xf32, #tpu.memory_space<hbm>>, %arg4: memref<10112x128xf32, #tpu.memory_space<hbm>>, %arg5: memref<128x128xf32, #tpu.memory_space<vmem>>, %arg6: memref<128x128xf32, #tpu.memory_space<vmem>>, %arg7: memref<9x128xf32, #tpu.memory_space<vmem>>, %arg8: memref<9x128xf32, #tpu.memory_space<vmem>>, %arg9: memref<128x128xf32, #tpu.memory_space<vmem>>) attributes {dimension_semantics = [#tpu.dimension_semantics<core_parallel>, #tpu.dimension_semantics<subcore_parallel>], iteration_bounds = array<i64: 2, 16>, scalar_prefetch = 0 : i64, scratch_operands = 5 : i64, tpu.core_type = #tpu.core_type<sc_vector_subcore>, window_params = [{transform_indices = #map}, {transform_indices = #map}, {transform_indices = #map}]} {
    %iota3A = tpu.iota {dimensions = array<i32: 0>} : vector<16xi32>
    %mul3A = arith.constant 16 : i32
    %mul3A_0 = arith.muli %arg0, %mul3A : i32
    %add3A = arith.addi %mul3A_0, %arg1 : i32
    %scan3A = arith.constant 0 : i32
    %scan3A_1 = arith.constant 0 : i32
    %scan3A_2 = arith.constant 3 : i32
    %scan3A_3 = arith.addi %scan3A_1, %scan3A_2 : i32
    %scan3A_4 = arith.constant 1 : i32
    scf.for %scan3A_6 = %scan3A_1 to %scan3A_3 step %scan3A_4  : i32 {
      %mul3A_7 = arith.constant 32 : i32
      %mul3A_8 = arith.muli %scan3A_6, %mul3A_7 : i32
      %add3A_9 = arith.addi %add3A, %mul3A_8 : i32
      %lt3A = arith.constant 79 : i32
      %lt3A_10 = arith.cmpi slt, %add3A_9, %lt3A : i32
      %convert_element_type3A = arith.extui %lt3A_10 : i1 to i32
      %cond3A = arith.constant 0 : i32
      %cond3A_11 = arith.cmpi ne, %convert_element_type3A, %cond3A : i32
      scf.if %cond3A_11 {
        %mul3A_12 = arith.constant 128 : i32
        %mul3A_13 = arith.muli %add3A_9, %mul3A_12 : i32
        %mul3A_14 = arith.constant 8 : i32
        %mul3A_15 = arith.muli %add3A_9, %mul3A_14 : i32
        "tpu.region"() ({
          %run_scoped3A = tpu.sem_alloc : memref<!tpu.dma_semaphore, #tpu.memory_space<semaphore_mem>>
          %dma_start3A = arith.constant 0 : i32
          %dma_start3A_26 = tpu.memref_slice %arg2[%mul3A_13, %dma_start3A] : memref<20224x128xf32, #tpu.memory_space<hbm>> -> memref<128x128xf32, #tpu.memory_space<hbm>>
          %dma_start3A_27 = arith.constant 0 : i32
          %dma_start3A_28 = tpu.memref_slice %arg2[%mul3A_13, %dma_start3A_27] : memref<20224x128xf32, #tpu.memory_space<hbm>> -> memref<128x128xf32, #tpu.memory_space<hbm>>
          tpu.enqueue_dma source(%dma_start3A_28 : memref<128x128xf32, #tpu.memory_space<hbm>>) target(%arg5 : memref<128x128xf32, #tpu.memory_space<vmem>>) target_semaphore(%run_scoped3A : memref<!tpu.dma_semaphore, #tpu.memory_space<semaphore_mem>>)
          %dma_wait3A = arith.constant 0 : i32
          %dma_wait3A_29 = tpu.memref_slice %arg2[%mul3A_13, %dma_wait3A] : memref<20224x128xf32, #tpu.memory_space<hbm>> -> memref<128x128xf32, #tpu.memory_space<hbm>>
          %dma_wait3A_30 = arith.constant 0 : i32
          %dma_wait3A_31 = tpu.memref_slice %arg2[%mul3A_13, %dma_wait3A_30] : memref<20224x128xf32, #tpu.memory_space<hbm>> -> memref<128x128xf32, #tpu.memory_space<hbm>>
          tpu.wait_dma2 semaphore(%run_scoped3A : memref<!tpu.dma_semaphore, #tpu.memory_space<semaphore_mem>>) src(%dma_wait3A_31 : memref<128x128xf32, #tpu.memory_space<hbm>>) dst(%arg5 : memref<128x128xf32, #tpu.memory_space<vmem>>)
          tpu.yield
        }) : () -> ()
        %add3A_16 = arith.constant 10112 : i32
        %add3A_17 = arith.addi %add3A_16, %mul3A_13 : i32
        "tpu.region"() ({
          %run_scoped3A = tpu.sem_alloc : memref<!tpu.dma_semaphore, #tpu.memory_space<semaphore_mem>>
          %dma_start3A = arith.constant 0 : i32
          %dma_start3A_26 = tpu.memref_slice %arg2[%add3A_17, %dma_start3A] : memref<20224x128xf32, #tpu.memory_space<hbm>> -> memref<128x128xf32, #tpu.memory_space<hbm>>
          %dma_start3A_27 = arith.constant 0 : i32
          %dma_start3A_28 = tpu.memref_slice %arg2[%add3A_17, %dma_start3A_27] : memref<20224x128xf32, #tpu.memory_space<hbm>> -> memref<128x128xf32, #tpu.memory_space<hbm>>
          tpu.enqueue_dma source(%dma_start3A_28 : memref<128x128xf32, #tpu.memory_space<hbm>>) target(%arg6 : memref<128x128xf32, #tpu.memory_space<vmem>>) target_semaphore(%run_scoped3A : memref<!tpu.dma_semaphore, #tpu.memory_space<semaphore_mem>>)
          %dma_wait3A = arith.constant 0 : i32
          %dma_wait3A_29 = tpu.memref_slice %arg2[%add3A_17, %dma_wait3A] : memref<20224x128xf32, #tpu.memory_space<hbm>> -> memref<128x128xf32, #tpu.memory_space<hbm>>
          %dma_wait3A_30 = arith.constant 0 : i32
          %dma_wait3A_31 = tpu.memref_slice %arg2[%add3A_17, %dma_wait3A_30] : memref<20224x128xf32, #tpu.memory_space<hbm>> -> memref<128x128xf32, #tpu.memory_space<hbm>>
          tpu.wait_dma2 semaphore(%run_scoped3A : memref<!tpu.dma_semaphore, #tpu.memory_space<semaphore_mem>>) src(%dma_wait3A_31 : memref<128x128xf32, #tpu.memory_space<hbm>>) dst(%arg6 : memref<128x128xf32, #tpu.memory_space<vmem>>)
          tpu.yield
        }) : () -> ()
        "tpu.region"() ({
          %run_scoped3A = tpu.sem_alloc : memref<!tpu.dma_semaphore, #tpu.memory_space<semaphore_mem>>
          %dma_start3A = arith.constant 0 : i32
          %dma_start3A_26 = arith.constant 0 : i32
          %dma_start3A_27 = tpu.memref_slice %arg7[%dma_start3A, %dma_start3A_26] : memref<9x128xf32, #tpu.memory_space<vmem>> -> memref<8x128xf32, #tpu.memory_space<vmem>>
          %dma_start3A_28 = arith.constant 0 : i32
          %dma_start3A_29 = tpu.memref_slice %arg3[%mul3A_15, %dma_start3A_28] : memref<1280x128xf32, #tpu.memory_space<hbm>> -> memref<8x128xf32, #tpu.memory_space<hbm>>
          %dma_start3A_30 = arith.constant 0 : i32
          %dma_start3A_31 = arith.constant 0 : i32
          %dma_start3A_32 = tpu.memref_slice %arg7[%dma_start3A_30, %dma_start3A_31] : memref<9x128xf32, #tpu.memory_space<vmem>> -> memref<8x128xf32, #tpu.memory_space<vmem>>
          %dma_start3A_33 = arith.constant 0 : i32
          %dma_start3A_34 = tpu.memref_slice %arg3[%mul3A_15, %dma_start3A_33] : memref<1280x128xf32, #tpu.memory_space<hbm>> -> memref<8x128xf32, #tpu.memory_space<hbm>>
          tpu.enqueue_dma source(%dma_start3A_34 : memref<8x128xf32, #tpu.memory_space<hbm>>) target(%dma_start3A_32 : memref<8x128xf32, #tpu.memory_space<vmem>>) target_semaphore(%run_scoped3A : memref<!tpu.dma_semaphore, #tpu.memory_space<semaphore_mem>>)
          %dma_wait3A = arith.constant 0 : i32
          %dma_wait3A_35 = arith.constant 0 : i32
          %dma_wait3A_36 = tpu.memref_slice %arg7[%dma_wait3A, %dma_wait3A_35] : memref<9x128xf32, #tpu.memory_space<vmem>> -> memref<8x128xf32, #tpu.memory_space<vmem>>
          %dma_wait3A_37 = arith.constant 0 : i32
          %dma_wait3A_38 = tpu.memref_slice %arg3[%mul3A_15, %dma_wait3A_37] : memref<1280x128xf32, #tpu.memory_space<hbm>> -> memref<8x128xf32, #tpu.memory_space<hbm>>
          %dma_wait3A_39 = arith.constant 0 : i32
          %dma_wait3A_40 = arith.constant 0 : i32
          %dma_wait3A_41 = tpu.memref_slice %arg7[%dma_wait3A_39, %dma_wait3A_40] : memref<9x128xf32, #tpu.memory_space<vmem>> -> memref<8x128xf32, #tpu.memory_space<vmem>>
          %dma_wait3A_42 = arith.constant 0 : i32
          %dma_wait3A_43 = tpu.memref_slice %arg3[%mul3A_15, %dma_wait3A_42] : memref<1280x128xf32, #tpu.memory_space<hbm>> -> memref<8x128xf32, #tpu.memory_space<hbm>>
          tpu.wait_dma2 semaphore(%run_scoped3A : memref<!tpu.dma_semaphore, #tpu.memory_space<semaphore_mem>>) src(%dma_wait3A_43 : memref<8x128xf32, #tpu.memory_space<hbm>>) dst(%dma_wait3A_41 : memref<8x128xf32, #tpu.memory_space<vmem>>)
          tpu.yield
        }) : () -> ()
        %add3A_18 = arith.constant 640 : i32
        %add3A_19 = arith.addi %add3A_18, %mul3A_15 : i32
        "tpu.region"() ({
          %run_scoped3A = tpu.sem_alloc : memref<!tpu.dma_semaphore, #tpu.memory_space<semaphore_mem>>
          %dma_start3A = arith.constant 0 : i32
          %dma_start3A_26 = arith.constant 0 : i32
          %dma_start3A_27 = tpu.memref_slice %arg8[%dma_start3A, %dma_start3A_26] : memref<9x128xf32, #tpu.memory_space<vmem>> -> memref<8x128xf32, #tpu.memory_space<vmem>>
          %dma_start3A_28 = arith.constant 0 : i32
          %dma_start3A_29 = tpu.memref_slice %arg3[%add3A_19, %dma_start3A_28] : memref<1280x128xf32, #tpu.memory_space<hbm>> -> memref<8x128xf32, #tpu.memory_space<hbm>>
          %dma_start3A_30 = arith.constant 0 : i32
          %dma_start3A_31 = arith.constant 0 : i32
          %dma_start3A_32 = tpu.memref_slice %arg8[%dma_start3A_30, %dma_start3A_31] : memref<9x128xf32, #tpu.memory_space<vmem>> -> memref<8x128xf32, #tpu.memory_space<vmem>>
          %dma_start3A_33 = arith.constant 0 : i32
          %dma_start3A_34 = tpu.memref_slice %arg3[%add3A_19, %dma_start3A_33] : memref<1280x128xf32, #tpu.memory_space<hbm>> -> memref<8x128xf32, #tpu.memory_space<hbm>>
          tpu.enqueue_dma source(%dma_start3A_34 : memref<8x128xf32, #tpu.memory_space<hbm>>) target(%dma_start3A_32 : memref<8x128xf32, #tpu.memory_space<vmem>>) target_semaphore(%run_scoped3A : memref<!tpu.dma_semaphore, #tpu.memory_space<semaphore_mem>>)
          %dma_wait3A = arith.constant 0 : i32
          %dma_wait3A_35 = arith.constant 0 : i32
          %dma_wait3A_36 = tpu.memref_slice %arg8[%dma_wait3A, %dma_wait3A_35] : memref<9x128xf32, #tpu.memory_space<vmem>> -> memref<8x128xf32, #tpu.memory_space<vmem>>
          %dma_wait3A_37 = arith.constant 0 : i32
          %dma_wait3A_38 = tpu.memref_slice %arg3[%add3A_19, %dma_wait3A_37] : memref<1280x128xf32, #tpu.memory_space<hbm>> -> memref<8x128xf32, #tpu.memory_space<hbm>>
          %dma_wait3A_39 = arith.constant 0 : i32
          %dma_wait3A_40 = arith.constant 0 : i32
          %dma_wait3A_41 = tpu.memref_slice %arg8[%dma_wait3A_39, %dma_wait3A_40] : memref<9x128xf32, #tpu.memory_space<vmem>> -> memref<8x128xf32, #tpu.memory_space<vmem>>
          %dma_wait3A_42 = arith.constant 0 : i32
          %dma_wait3A_43 = tpu.memref_slice %arg3[%add3A_19, %dma_wait3A_42] : memref<1280x128xf32, #tpu.memory_space<hbm>> -> memref<8x128xf32, #tpu.memory_space<hbm>>
          tpu.wait_dma2 semaphore(%run_scoped3A : memref<!tpu.dma_semaphore, #tpu.memory_space<semaphore_mem>>) src(%dma_wait3A_43 : memref<8x128xf32, #tpu.memory_space<hbm>>) dst(%dma_wait3A_41 : memref<8x128xf32, #tpu.memory_space<vmem>>)
          tpu.yield
        }) : () -> ()
        %scan3A_20 = arith.constant 0 : i32
        %scan3A_21 = arith.constant 0 : i32
        %scan3A_22 = arith.constant 128 : i32
        %scan3A_23 = arith.addi %scan3A_21, %scan3A_22 : i32
        %scan3A_24 = arith.constant 1 : i32
        scf.for %scan3A_26 = %scan3A_21 to %scan3A_23 step %scan3A_24  : i32 {
          %shift_right_logical3A = arith.constant 4 : i32
          %shift_right_logical3A_27 = arith.shrui %scan3A_26, %shift_right_logical3A : i32
          %and3A = arith.constant 15 : i32
          %and3A_28 = arith.andi %scan3A_26, %and3A : i32
          %shift_left3A = arith.constant 3 : i32
          %shift_left3A_29 = arith.shli %and3A_28, %shift_left3A : i32
          %get3A = arith.index_cast %shift_right_logical3A_27 : i32 to index
          %get3A_30 = arith.index_cast %shift_left3A_29 : i32 to index
          %get3A_31 = tpu.vector_load %arg7[%get3A, %get3A_30] {strides = array<i32>} : memref<9x128xf32, #tpu.memory_space<vmem>>, vector<16xf32>,
          %get3A_32 = arith.index_cast %shift_right_logical3A_27 : i32 to index
          %get3A_33 = arith.index_cast %shift_left3A_29 : i32 to index
          %get3A_34 = tpu.vector_load %arg8[%get3A_32, %get3A_33] {strides = array<i32>} : memref<9x128xf32, #tpu.memory_space<vmem>>, vector<16xf32>,
          %add3A_35 = arith.addf %get3A_31, %get3A_34 : vector<16xf32>
          %lt3A_36 = arith.constant 8 : i32
          %lt3A_37 = vector.broadcast %lt3A_36 : i32 to vector<16xi32>
          %lt3A_38 = arith.cmpi slt, %iota3A, %lt3A_37 : vector<16xi32>
          %jit3A = arith.constant 0.000000e+00 : f32
          %broadcast_in_dim3A = vector.broadcast %jit3A : f32 to vector<16xf32>
          %select_n3A = arith.select %lt3A_38, %add3A_35, %broadcast_in_dim3A : vector<16xi1>, vector<16xf32>
          %rev3A = arith.constant 15 : i32
          %rev3A_39 = vector.broadcast %rev3A : i32 to vector<16xi32>
          %rev3A_40 = tpu.iota {dimensions = array<i32: 0>} : vector<16xi32>
          %rev3A_41 = arith.subi %rev3A_39, %rev3A_40 : vector<16xi32>
          %rev3A_42 = tpu.dynamic_gather %select_n3A[%rev3A_41] in [0] : vector<16xf32>, vector<16xi32> -> vector<16xf32>
          %add3A_43 = arith.addf %select_n3A, %rev3A_42 : vector<16xf32>
          %div3A = arith.constant 1.000000e+00 : f32
          %div3A_44 = vector.broadcast %div3A : f32 to vector<16xf32>
          %div3A_45 = arith.divf %div3A_44, %add3A_43 : vector<16xf32>
          %get3A_46 = arith.index_cast %scan3A_26 : i32 to index
          %get3A_47 = arith.constant 0 : index
          %get3A_48 = tpu.vector_load %arg5[%get3A_46, %get3A_47] {strides = array<i32>} : memref<128x128xf32, #tpu.memory_space<vmem>>, vector<16xf32>,
          %get3A_49 = arith.index_cast %scan3A_26 : i32 to index
          %get3A_50 = arith.constant 0 : index
          %get3A_51 = tpu.vector_load %arg6[%get3A_49, %get3A_50] {strides = array<i32>} : memref<128x128xf32, #tpu.memory_space<vmem>>, vector<16xf32>,
          %add3A_52 = arith.addf %get3A_48, %get3A_51 : vector<16xf32>
          %mul3A_53 = arith.mulf %add3A_52, %div3A_45 : vector<16xf32>
          %swap3A = arith.index_cast %scan3A_26 : i32 to index
          %swap3A_54 = arith.constant 0 : index
          %swap3A_55 = tpu.vector_load %arg9[%swap3A, %swap3A_54] {strides = array<i32>} : memref<128x128xf32, #tpu.memory_space<vmem>>, vector<16xf32>,
          tpu.vector_store %arg9[%swap3A, %swap3A_54], %mul3A_53 {strides = array<i32>} : memref<128x128xf32, #tpu.memory_space<vmem>>, vector<16xf32>,
          %get3A_56 = arith.index_cast %scan3A_26 : i32 to index
          %get3A_57 = arith.constant 16 : index
          %get3A_58 = tpu.vector_load %arg5[%get3A_56, %get3A_57] {strides = array<i32>} : memref<128x128xf32, #tpu.memory_space<vmem>>, vector<16xf32>,
          %get3A_59 = arith.index_cast %scan3A_26 : i32 to index
          %get3A_60 = arith.constant 16 : index
          %get3A_61 = tpu.vector_load %arg6[%get3A_59, %get3A_60] {strides = array<i32>} : memref<128x128xf32, #tpu.memory_space<vmem>>, vector<16xf32>,
          %add3A_62 = arith.addf %get3A_58, %get3A_61 : vector<16xf32>
          %mul3A_63 = arith.mulf %add3A_62, %div3A_45 : vector<16xf32>
          %swap3A_64 = arith.index_cast %scan3A_26 : i32 to index
          %swap3A_65 = arith.constant 16 : index
          %swap3A_66 = tpu.vector_load %arg9[%swap3A_64, %swap3A_65] {strides = array<i32>} : memref<128x128xf32, #tpu.memory_space<vmem>>, vector<16xf32>,
          tpu.vector_store %arg9[%swap3A_64, %swap3A_65], %mul3A_63 {strides = array<i32>} : memref<128x128xf32, #tpu.memory_space<vmem>>, vector<16xf32>,
          %get3A_67 = arith.index_cast %scan3A_26 : i32 to index
          %get3A_68 = arith.constant 32 : index
          %get3A_69 = tpu.vector_load %arg5[%get3A_67, %get3A_68] {strides = array<i32>} : memref<128x128xf32, #tpu.memory_space<vmem>>, vector<16xf32>,
          %get3A_70 = arith.index_cast %scan3A_26 : i32 to index
          %get3A_71 = arith.constant 32 : index
          %get3A_72 = tpu.vector_load %arg6[%get3A_70, %get3A_71] {strides = array<i32>} : memref<128x128xf32, #tpu.memory_space<vmem>>, vector<16xf32>,
          %add3A_73 = arith.addf %get3A_69, %get3A_72 : vector<16xf32>
          %mul3A_74 = arith.mulf %add3A_73, %div3A_45 : vector<16xf32>
          %swap3A_75 = arith.index_cast %scan3A_26 : i32 to index
          %swap3A_76 = arith.constant 32 : index
          %swap3A_77 = tpu.vector_load %arg9[%swap3A_75, %swap3A_76] {strides = array<i32>} : memref<128x128xf32, #tpu.memory_space<vmem>>, vector<16xf32>,
          tpu.vector_store %arg9[%swap3A_75, %swap3A_76], %mul3A_74 {strides = array<i32>} : memref<128x128xf32, #tpu.memory_space<vmem>>, vector<16xf32>,
          %get3A_78 = arith.index_cast %scan3A_26 : i32 to index
          %get3A_79 = arith.constant 48 : index
          %get3A_80 = tpu.vector_load %arg5[%get3A_78, %get3A_79] {strides = array<i32>} : memref<128x128xf32, #tpu.memory_space<vmem>>, vector<16xf32>,
          %get3A_81 = arith.index_cast %scan3A_26 : i32 to index
          %get3A_82 = arith.constant 48 : index
          %get3A_83 = tpu.vector_load %arg6[%get3A_81, %get3A_82] {strides = array<i32>} : memref<128x128xf32, #tpu.memory_space<vmem>>, vector<16xf32>,
          %add3A_84 = arith.addf %get3A_80, %get3A_83 : vector<16xf32>
          %mul3A_85 = arith.mulf %add3A_84, %div3A_45 : vector<16xf32>
          %swap3A_86 = arith.index_cast %scan3A_26 : i32 to index
          %swap3A_87 = arith.constant 48 : index
          %swap3A_88 = tpu.vector_load %arg9[%swap3A_86, %swap3A_87] {strides = array<i32>} : memref<128x128xf32, #tpu.memory_space<vmem>>, vector<16xf32>,
          tpu.vector_store %arg9[%swap3A_86, %swap3A_87], %mul3A_85 {strides = array<i32>} : memref<128x128xf32, #tpu.memory_space<vmem>>, vector<16xf32>,
          %get3A_89 = arith.index_cast %scan3A_26 : i32 to index
          %get3A_90 = arith.constant 64 : index
          %get3A_91 = tpu.vector_load %arg5[%get3A_89, %get3A_90] {strides = array<i32>} : memref<128x128xf32, #tpu.memory_space<vmem>>, vector<16xf32>,
          %get3A_92 = arith.index_cast %scan3A_26 : i32 to index
          %get3A_93 = arith.constant 64 : index
          %get3A_94 = tpu.vector_load %arg6[%get3A_92, %get3A_93] {strides = array<i32>} : memref<128x128xf32, #tpu.memory_space<vmem>>, vector<16xf32>,
          %add3A_95 = arith.addf %get3A_91, %get3A_94 : vector<16xf32>
          %mul3A_96 = arith.mulf %add3A_95, %div3A_45 : vector<16xf32>
          %swap3A_97 = arith.index_cast %scan3A_26 : i32 to index
          %swap3A_98 = arith.constant 64 : index
          %swap3A_99 = tpu.vector_load %arg9[%swap3A_97, %swap3A_98] {strides = array<i32>} : memref<128x128xf32, #tpu.memory_space<vmem>>, vector<16xf32>,
          tpu.vector_store %arg9[%swap3A_97, %swap3A_98], %mul3A_96 {strides = array<i32>} : memref<128x128xf32, #tpu.memory_space<vmem>>, vector<16xf32>,
          %get3A_100 = arith.index_cast %scan3A_26 : i32 to index
          %get3A_101 = arith.constant 80 : index
          %get3A_102 = tpu.vector_load %arg5[%get3A_100, %get3A_101] {strides = array<i32>} : memref<128x128xf32, #tpu.memory_space<vmem>>, vector<16xf32>,
          %get3A_103 = arith.index_cast %scan3A_26 : i32 to index
          %get3A_104 = arith.constant 80 : index
          %get3A_105 = tpu.vector_load %arg6[%get3A_103, %get3A_104] {strides = array<i32>} : memref<128x128xf32, #tpu.memory_space<vmem>>, vector<16xf32>,
          %add3A_106 = arith.addf %get3A_102, %get3A_105 : vector<16xf32>
          %mul3A_107 = arith.mulf %add3A_106, %div3A_45 : vector<16xf32>
          %swap3A_108 = arith.index_cast %scan3A_26 : i32 to index
          %swap3A_109 = arith.constant 80 : index
          %swap3A_110 = tpu.vector_load %arg9[%swap3A_108, %swap3A_109] {strides = array<i32>} : memref<128x128xf32, #tpu.memory_space<vmem>>, vector<16xf32>,
          tpu.vector_store %arg9[%swap3A_108, %swap3A_109], %mul3A_107 {strides = array<i32>} : memref<128x128xf32, #tpu.memory_space<vmem>>, vector<16xf32>,
          %get3A_111 = arith.index_cast %scan3A_26 : i32 to index
          %get3A_112 = arith.constant 96 : index
          %get3A_113 = tpu.vector_load %arg5[%get3A_111, %get3A_112] {strides = array<i32>} : memref<128x128xf32, #tpu.memory_space<vmem>>, vector<16xf32>,
          %get3A_114 = arith.index_cast %scan3A_26 : i32 to index
          %get3A_115 = arith.constant 96 : index
          %get3A_116 = tpu.vector_load %arg6[%get3A_114, %get3A_115] {strides = array<i32>} : memref<128x128xf32, #tpu.memory_space<vmem>>, vector<16xf32>,
          %add3A_117 = arith.addf %get3A_113, %get3A_116 : vector<16xf32>
          %mul3A_118 = arith.mulf %add3A_117, %div3A_45 : vector<16xf32>
          %swap3A_119 = arith.index_cast %scan3A_26 : i32 to index
          %swap3A_120 = arith.constant 96 : index
          %swap3A_121 = tpu.vector_load %arg9[%swap3A_119, %swap3A_120] {strides = array<i32>} : memref<128x128xf32, #tpu.memory_space<vmem>>, vector<16xf32>,
          tpu.vector_store %arg9[%swap3A_119, %swap3A_120], %mul3A_118 {strides = array<i32>} : memref<128x128xf32, #tpu.memory_space<vmem>>, vector<16xf32>,
          %get3A_122 = arith.index_cast %scan3A_26 : i32 to index
          %get3A_123 = arith.constant 112 : index
          %get3A_124 = tpu.vector_load %arg5[%get3A_122, %get3A_123] {strides = array<i32>} : memref<128x128xf32, #tpu.memory_space<vmem>>, vector<16xf32>,
          %get3A_125 = arith.index_cast %scan3A_26 : i32 to index
          %get3A_126 = arith.constant 112 : index
          %get3A_127 = tpu.vector_load %arg6[%get3A_125, %get3A_126] {strides = array<i32>} : memref<128x128xf32, #tpu.memory_space<vmem>>, vector<16xf32>,
          %add3A_128 = arith.addf %get3A_124, %get3A_127 : vector<16xf32>
          %mul3A_129 = arith.mulf %add3A_128, %div3A_45 : vector<16xf32>
          %swap3A_130 = arith.index_cast %scan3A_26 : i32 to index
          %swap3A_131 = arith.constant 112 : index
          %swap3A_132 = tpu.vector_load %arg9[%swap3A_130, %swap3A_131] {strides = array<i32>} : memref<128x128xf32, #tpu.memory_space<vmem>>, vector<16xf32>,
          tpu.vector_store %arg9[%swap3A_130, %swap3A_131], %mul3A_129 {strides = array<i32>} : memref<128x128xf32, #tpu.memory_space<vmem>>, vector<16xf32>,
        }
        %scan3A_25 = arith.constant 128 : i32
        "tpu.region"() ({
          %run_scoped3A = tpu.sem_alloc : memref<!tpu.dma_semaphore, #tpu.memory_space<semaphore_mem>>
          %dma_start3A = arith.constant 0 : i32
          %dma_start3A_26 = tpu.memref_slice %arg4[%mul3A_13, %dma_start3A] : memref<10112x128xf32, #tpu.memory_space<hbm>> -> memref<128x128xf32, #tpu.memory_space<hbm>>
          %dma_start3A_27 = arith.constant 0 : i32
          %dma_start3A_28 = tpu.memref_slice %arg4[%mul3A_13, %dma_start3A_27] : memref<10112x128xf32, #tpu.memory_space<hbm>> -> memref<128x128xf32, #tpu.memory_space<hbm>>
          tpu.enqueue_dma source(%arg9 : memref<128x128xf32, #tpu.memory_space<vmem>>) target(%dma_start3A_28 : memref<128x128xf32, #tpu.memory_space<hbm>>) target_semaphore(%run_scoped3A : memref<!tpu.dma_semaphore, #tpu.memory_space<semaphore_mem>>)
          %dma_wait3A = arith.constant 0 : i32
          %dma_wait3A_29 = tpu.memref_slice %arg4[%mul3A_13, %dma_wait3A] : memref<10112x128xf32, #tpu.memory_space<hbm>> -> memref<128x128xf32, #tpu.memory_space<hbm>>
          %dma_wait3A_30 = arith.constant 0 : i32
          %dma_wait3A_31 = tpu.memref_slice %arg4[%mul3A_13, %dma_wait3A_30] : memref<10112x128xf32, #tpu.memory_space<hbm>> -> memref<128x128xf32, #tpu.memory_space<hbm>>
          tpu.wait_dma2 semaphore(%run_scoped3A : memref<!tpu.dma_semaphore, #tpu.memory_space<semaphore_mem>>) src(%arg9 : memref<128x128xf32, #tpu.memory_space<vmem>>) dst(%dma_wait3A_31 : memref<128x128xf32, #tpu.memory_space<hbm>>)
          tpu.yield
        }) : () -> ()
      } else {
      }
    }
    %scan3A_5 = arith.constant 3 : i32
    return
  }
}

module attributes {stable_mosaic.version = 14 : i64} {
  func.func @_proj_body(%arg0: i32, %arg1: memref<1000x128xf32, #tpu.memory_space<vmem>>, %arg2: memref<128x128xf32, #tpu.memory_space<vmem>>, %arg3: memref<128x128xf32, #tpu.memory_space<vmem>>, %arg4: memref<128x128xf32, #tpu.memory_space<vmem>>, %arg5: memref<1x128xf32, #tpu.memory_space<vmem>>, %arg6: memref<1x128xf32, #tpu.memory_space<vmem>>, %arg7: memref<1x128xf32, #tpu.memory_space<vmem>>, %arg8: memref<1000x128xf32, #tpu.memory_space<vmem>>, %arg9: memref<1000x256xf32, #tpu.memory_space<vmem>>) attributes {dimension_semantics = [#tpu.dimension_semantics<arbitrary>], iteration_bounds = array<i64: 10>, scalar_prefetch = 0 : i64, scratch_operands = 0 : i64, tpu.core_type = #tpu.core_type<tc>, window_params = [{transform_indices = @transform_0, window_bounds = array<i64: 1000, 128>}, {pipeline_mode = #tpu.pipeline_mode<synchronous>, transform_indices = @transform_1, window_bounds = array<i64: 128, 128>}, {pipeline_mode = #tpu.pipeline_mode<synchronous>, transform_indices = @transform_2, window_bounds = array<i64: 128, 128>}, {pipeline_mode = #tpu.pipeline_mode<synchronous>, transform_indices = @transform_3, window_bounds = array<i64: 128, 128>}, {pipeline_mode = #tpu.pipeline_mode<synchronous>, transform_indices = @transform_4, window_bounds = array<i64: 1, 128>}, {pipeline_mode = #tpu.pipeline_mode<synchronous>, transform_indices = @transform_5, window_bounds = array<i64: 1, 128>}, {pipeline_mode = #tpu.pipeline_mode<synchronous>, transform_indices = @transform_6, window_bounds = array<i64: 1, 128>}, {transform_indices = @transform_7, window_bounds = array<i64: 1000, 128>}, {transform_indices = @transform_8, window_bounds = array<i64: 1000, 256>}]} {
    %get3A = arith.constant 0 : index
    %get3A_0 = arith.constant 0 : index
    %get3A_1 = vector.load %arg1[%get3A, %get3A_0] : memref<1000x128xf32, #tpu.memory_space<vmem>>, vector<1000x128xf32>
    %get3A_2 = arith.constant 0 : index
    %get3A_3 = arith.constant 0 : index
    %get3A_4 = vector.load %arg2[%get3A_2, %get3A_3] : memref<128x128xf32, #tpu.memory_space<vmem>>, vector<128x128xf32>
    %dot_general3A = arith.constant dense<0.000000e+00> : vector<1000x128xf32>
    %dot_general3A_5 = tpu.matmul %get3A_1, %get3A_4, %dot_general3A {dimension_numbers = #tpu.dot_dimension_numbers<[1], [0], [0], [1], [0, 0, 1, 1], [], []>, transpose_lhs_hint = false} : vector<1000x128xf32>, vector<128x128xf32>, vector<1000x128xf32> -> vector<1000x128xf32>
    %get3A_6 = arith.constant 0 : index
    %get3A_7 = arith.constant 0 : index
    %get3A_8 = vector.load %arg5[%get3A_6, %get3A_7] : memref<1x128xf32, #tpu.memory_space<vmem>>, vector<1x128xf32>
    %add3A = vector.broadcast %get3A_8 : vector<1x128xf32> to vector<1000x128xf32>
    %add3A_9 = arith.addf %dot_general3A_5, %add3A : vector<1000x128xf32>
    %mul3A = arith.constant 2.500000e-01 : f32
    %mul3A_10 = vector.broadcast %mul3A : f32 to vector<1000x128xf32>
    %mul3A_11 = arith.mulf %add3A_9, %mul3A_10 : vector<1000x128xf32>
    %swap3A = arith.constant 0 : index
    %swap3A_12 = arith.constant 0 : index
    %swap3A_13 = vector.load %arg8[%swap3A, %swap3A_12] : memref<1000x128xf32, #tpu.memory_space<vmem>>, vector<1000x128xf32>
    tpu.vector_store %arg8[%swap3A, %swap3A_12], %mul3A_11 {strides = array<i32>} : memref<1000x128xf32, #tpu.memory_space<vmem>>, vector<1000x128xf32>,
    %get3A_14 = arith.constant 0 : index
    %get3A_15 = arith.constant 0 : index
    %get3A_16 = vector.load %arg3[%get3A_14, %get3A_15] : memref<128x128xf32, #tpu.memory_space<vmem>>, vector<128x128xf32>
    %dot_general3A_17 = arith.constant dense<0.000000e+00> : vector<1000x128xf32>
    %dot_general3A_18 = tpu.matmul %get3A_1, %get3A_16, %dot_general3A_17 {dimension_numbers = #tpu.dot_dimension_numbers<[1], [0], [0], [1], [0, 0, 1, 1], [], []>, transpose_lhs_hint = false} : vector<1000x128xf32>, vector<128x128xf32>, vector<1000x128xf32> -> vector<1000x128xf32>
    %get3A_19 = arith.constant 0 : index
    %get3A_20 = arith.constant 0 : index
    %get3A_21 = vector.load %arg6[%get3A_19, %get3A_20] : memref<1x128xf32, #tpu.memory_space<vmem>>, vector<1x128xf32>
    %add3A_22 = vector.broadcast %get3A_21 : vector<1x128xf32> to vector<1000x128xf32>
    %add3A_23 = arith.addf %dot_general3A_18, %add3A_22 : vector<1000x128xf32>
    %swap3A_24 = arith.constant 0 : index
    %swap3A_25 = arith.constant 0 : index
    %swap3A_26 = vector.load %arg9[%swap3A_24, %swap3A_25] : memref<1000x256xf32, #tpu.memory_space<vmem>>, vector<1000x128xf32>
    tpu.vector_store %arg9[%swap3A_24, %swap3A_25], %add3A_23 {strides = array<i32>} : memref<1000x256xf32, #tpu.memory_space<vmem>>, vector<1000x128xf32>,
    %get3A_27 = arith.constant 0 : index
    %get3A_28 = arith.constant 0 : index
    %get3A_29 = vector.load %arg4[%get3A_27, %get3A_28] : memref<128x128xf32, #tpu.memory_space<vmem>>, vector<128x128xf32>
    %dot_general3A_30 = arith.constant dense<0.000000e+00> : vector<1000x128xf32>
    %dot_general3A_31 = tpu.matmul %get3A_1, %get3A_29, %dot_general3A_30 {dimension_numbers = #tpu.dot_dimension_numbers<[1], [0], [0], [1], [0, 0, 1, 1], [], []>, transpose_lhs_hint = false} : vector<1000x128xf32>, vector<128x128xf32>, vector<1000x128xf32> -> vector<1000x128xf32>
    %get3A_32 = arith.constant 0 : index
    %get3A_33 = arith.constant 0 : index
    %get3A_34 = vector.load %arg7[%get3A_32, %get3A_33] : memref<1x128xf32, #tpu.memory_space<vmem>>, vector<1x128xf32>
    %add3A_35 = vector.broadcast %get3A_34 : vector<1x128xf32> to vector<1000x128xf32>
    %add3A_36 = arith.addf %dot_general3A_31, %add3A_35 : vector<1000x128xf32>
    %swap3A_37 = arith.constant 0 : index
    %swap3A_38 = arith.constant 128 : index
    %swap3A_39 = vector.load %arg9[%swap3A_37, %swap3A_38] : memref<1000x256xf32, #tpu.memory_space<vmem>>, vector<1000x128xf32>
    tpu.vector_store %arg9[%swap3A_37, %swap3A_38], %add3A_36 {strides = array<i32>} : memref<1000x256xf32, #tpu.memory_space<vmem>>, vector<1000x128xf32>,
    return
  }
  func.func @transform_0(%arg0: i32) -> (i32, i32) {
    %c0_i32 = arith.constant 0 : i32
    %c0_i32_0 = arith.constant 0 : i32
    return %arg0, %c0_i32 : i32, i32
  }
  func.func @transform_1(%arg0: i32) -> (i32, i32) {
    %c0_i32 = arith.constant 0 : i32
    %c0_i32_0 = arith.constant 0 : i32
    %c0_i32_1 = arith.constant 0 : i32
    return %c0_i32, %c0_i32_0 : i32, i32
  }
  func.func @transform_2(%arg0: i32) -> (i32, i32) {
    %c0_i32 = arith.constant 0 : i32
    %c0_i32_0 = arith.constant 0 : i32
    %c0_i32_1 = arith.constant 0 : i32
    return %c0_i32, %c0_i32_0 : i32, i32
  }
  func.func @transform_3(%arg0: i32) -> (i32, i32) {
    %c0_i32 = arith.constant 0 : i32
    %c0_i32_0 = arith.constant 0 : i32
    %c0_i32_1 = arith.constant 0 : i32
    return %c0_i32, %c0_i32_0 : i32, i32
  }
  func.func @transform_4(%arg0: i32) -> (i32, i32) {
    %c0_i32 = arith.constant 0 : i32
    %c0_i32_0 = arith.constant 0 : i32
    %c0_i32_1 = arith.constant 0 : i32
    return %c0_i32, %c0_i32_0 : i32, i32
  }
  func.func @transform_5(%arg0: i32) -> (i32, i32) {
    %c0_i32 = arith.constant 0 : i32
    %c0_i32_0 = arith.constant 0 : i32
    %c0_i32_1 = arith.constant 0 : i32
    return %c0_i32, %c0_i32_0 : i32, i32
  }
  func.func @transform_6(%arg0: i32) -> (i32, i32) {
    %c0_i32 = arith.constant 0 : i32
    %c0_i32_0 = arith.constant 0 : i32
    %c0_i32_1 = arith.constant 0 : i32
    return %c0_i32, %c0_i32_0 : i32, i32
  }
  func.func @transform_7(%arg0: i32) -> (i32, i32) {
    %c0_i32 = arith.constant 0 : i32
    %c0_i32_0 = arith.constant 0 : i32
    return %arg0, %c0_i32 : i32, i32
  }
  func.func @transform_8(%arg0: i32) -> (i32, i32) {
    %c0_i32 = arith.constant 0 : i32
    %c0_i32_0 = arith.constant 0 : i32
    return %arg0, %c0_i32 : i32, i32
  }
}

</mosaic_0001>

<sc_bundles>
// kernel: kernel.5.cloned.1.call-start
scs
__scs_entry_jumppad:
0x0: {  	(pc) =	sbr.rel $0x88, $3  }
0x1: {  	(tag) =	ssettag $0x0;
	lr =	simm.s32 $0x1  }
0x2: {  	[smem:$0x3F99] =	sst lr;
	_ =	strace $0xD0000000  }
0x3: {  	_ = 	snop  }
0x4: {  	_ = 	snop  }
0x5: {  	_ = 	snop  }
0x6: {  	_ = 	snop  }
0x7: {  	_ = 	snop  }
__scs_overlays_trampoline_lowered:
0x8: {  	[smem:$0x3FA8] =	sst s0  }
0x9: {  	[smem:$0x3FA9] =	sst s1  }
0xa: {  	[smem:$0x3FAA] =	sst s2  }
0xb: {  	[smem:$0x3FAB] =	sst s3  }
0xc: {  	[smem:$0x3FAC] =	sst s4  }
0xd: {  	[smem:$0x3FAD] =	sst s5  }
0xe: {  	[smem:$0x3FAE] =	sst s6  }
0xf: {  	[smem:$0x3FAF] =	sst s7  }
0x10: {  	[smem:$0x3FB0] =	sst s8  }
0x11: {  	[smem:$0x3FB1] =	sst s9;
	s0 =	simm.s32 @!p0 $0x0  }
0x12: {  	s1 =	sld [smem:$0x3F97];
	s0 =	simm.s32 @p0 $0x1  }
0x13: {  	[smem:$0x3FB2] =	sst s0;
	s0 =	simm.s32 @!p1 $0x0  }
0x14: {  	s2 =	sld [smem:$0x3F96];
	s0 =	simm.s32 @p1 $0x1  }
0x15: {  	[smem:$0x3FB3] =	sst s0;
	s0 =	simm.s32 @!p2 $0x0  }
0x16: {  	s3 =	sld [smem:$0x3FDB];
	s0 =	simm.s32 @p2 $0x1  }
0x17: {  	s4 =	simm.s32 $0x1BF5;
	[smem:$0x3FB5] =	sst s0  }
0x18: {  	s0 =	sld [smem:$0x3F98];
	_ =	swait.ge [sflag:s4], $0x0  }
0x19: {  	s7 =	sld [smem:$0x3F99]  }
0x1a: {  	s8 =	sadd.s32 $0xFFFFE003, lr  }
0x1b: {  	s9 =	sadd.s32 $0xFFFFFEF7, lr;
	s5 =	simm.s32 $0xFFFFFFFF;
	p2 =	slt.u32 s8, $0xFFFFF086  }
0x1c: {  	p1 =	slt.u32 s9, $0xF7A;
	s5 =	simm.s32 @!p2 $0x0  }
0x1d: {  	s5 =	simm.s32 @p1 $0x1;
	p0 =	seq.s32 s7, s2  }
0x1e: {  	s7 =	smul.u32 @!p0 $0xF7A, s2;
	p2 =	seq.s32 @!p0 s5, $0x0  }
0x1f: {  	s9 =	smul.u32 $0xF7A, s1;
	s8 =	simm.s32 @!p0 $0x1BF5;
	p2 =	por !p2, p0  }
0x20: {  	[sflag:s8] =	ssyncset.s32 @!p0 $0xFFFFF086;
	s6 =	sadd.s32 @!p0 s3, s7;
	s7 =	simm.s32 @!p0 $0x108  }
0x21: {  	s3 =	sadd.s32 s3, s9;
	s6 =	sadd.s32 @!p0 $0x88, s6;
	s7 =	simm.s32 @p2 $0x1082  }
0x22: {  	[simem:s7], [sflag:s8] =	dma.local @!p0 [hbm:s6], $0xF7A  }
0x23: {  	s9 =	sor.u32 $0xD0000000, s2;
	s6 =	simm.s32 $0x108;
	_ =	swait.ge @!p0 [sflag:s8], $0x0  }
0x24: {  	s3 =	sadd.s32 $0x88, s3;
	s6 =	simm.s32 @!p1 $0x1082;
	[sflag:s4] =	ssyncset.s32 $0xFFFFF086  }
0x25: {  	[simem:s6], [sflag:s4] =	dma.local [hbm:s3], $0xF7A  }
0x26: {  	[smem:$0x3F99] =	sst s1;
	(tag) =	ssettag s2;
	_ =	strace s9  }
0x27: {  	s1 =	sld [smem:$0x3FA9]  }
0x28: {  	s2 =	sld [smem:$0x3FAA]  }
0x29: {  	s4 =	sld [smem:$0x3FAC]  }
0x2a: {  	p0 =	seq.s32 s5, $0x0;
	s5 =	sld [smem:$0x3FAD]  }
0x2b: {  	s6 =	sld [smem:$0x3FAE]  }
0x2c: {  	s7 =	sld [smem:$0x3FAF]  }
0x2d: {  	s3 =	simm.s32 $0x108;
	s8 =	sld [smem:$0x3FB0]  }
0x2e: {  	s3 =	simm.s32 @!p0 $0x1082;
	s9 =	sld [smem:$0x3FB1]  }
0x2f: {  	lr =	sadd.s32 s0, s3;
	s0 =	sld [smem:$0x3FA8]  }
0x30: {  	s3 =	sld [smem:$0x3FAB]  }
0x31: {  	[smem:$0x3FB4] =	sst s10  }
0x32: {  	s10 =	sld [smem:$0x3FB2];
	_ =	sdelay $0x3  }
0x33: {  	p0 =	seq.s32 s10, $0x1;
	s10 =	sld [smem:$0x3FB4];
	_ =	sdelay $0x3  }
0x34: {  	[smem:$0x3FB4] =	sst s10  }
0x35: {  	s10 =	sld [smem:$0x3FB3];
	_ =	sdelay $0x3  }
0x36: {  	p1 =	seq.s32 s10, $0x1;
	s10 =	sld [smem:$0x3FB4];
	_ =	sdelay $0x3  }
0x37: {  	[smem:$0x3FB4] =	sst s10  }
0x38: {  	s10 =	sld [smem:$0x3FB5]  }
0x39: {  	_ = 	snop;
	(pc) =	sbr.ind lr, $3  }
0x3a: {  	_ = 	snop  }
0x3b: {  	_ = 	snop  }
0x3c: {  	p2 =	seq.s32 s10, $0x1;
	s10 =	sld [smem:$0x3FB4]  }
0x3d: {  	_ =	shalt  }
0x3e: {  	_ =	shalt  }
0x3f: {  	_ =	shalt  }
0x40: {  	_ =	shalt  }
0x41: {  	_ =	shalt  }
0x42: {  	_ =	shalt  }
0x43: {  	_ =	shalt  }
0x44: {  	_ =	shalt  }
0x45: {  	_ =	shalt  }
0x46: {  	_ =	shalt  }
0x47: {  	_ =	shalt  }
0x48: {  	_ =	shalt  }
0x49: {  	_ =	shalt  }
0x4a: {  	_ =	shalt  }
0x4b: {  	_ =	shalt  }
0x4c: {  	_ =	shalt  }
0x4d: {  	_ =	shalt  }
0x4e: {  	_ =	shalt  }
0x4f: {  	_ =	shalt  }
0x50: {  	_ =	shalt  }
0x51: {  	_ =	shalt  }
0x52: {  	_ =	shalt  }
0x53: {  	_ =	shalt  }
0x54: {  	_ =	shalt  }
0x55: {  	_ =	shalt  }
0x56: {  	_ =	shalt  }
0x57: {  	_ =	shalt  }
0x58: {  	_ =	shalt  }
0x59: {  	_ =	shalt  }
0x5a: {  	_ =	shalt  }
0x5b: {  	_ =	shalt  }
0x5c: {  	_ =	shalt  }
0x5d: {  	_ =	shalt  }
0x5e: {  	_ =	shalt  }
0x5f: {  	_ =	shalt  }
0x60: {  	_ =	shalt  }
0x61: {  	_ =	shalt  }
0x62: {  	_ =	shalt  }
0x63: {  	_ =	shalt  }
0x64: {  	_ =	shalt  }
0x65: {  	_ =	shalt  }
0x66: {  	_ =	shalt  }
0x67: {  	_ =	shalt  }
0x68: {  	_ =	shalt  }
0x69: {  	_ =	shalt  }
0x6a: {  	_ =	shalt  }
0x6b: {  	_ =	shalt  }
0x6c: {  	_ =	shalt  }
0x6d: {  	_ =	shalt  }
0x6e: {  	_ =	shalt  }
0x6f: {  	_ =	shalt  }
0x70: {  	_ =	shalt  }
0x71: {  	_ =	shalt  }
0x72: {  	_ =	shalt  }
0x73: {  	_ =	shalt  }
0x74: {  	_ =	shalt  }
0x75: {  	_ =	shalt  }
0x76: {  	_ =	shalt  }
0x77: {  	_ =	shalt  }
0x78: {  	_ =	shalt  }
0x79: {  	_ =	shalt  }
0x7a: {  	_ =	shalt  }
0x7b: {  	_ =	shalt  }
0x7c: {  	_ =	shalt  }
0x7d: {  	_ =	shalt  }
0x7e: {  	_ =	shalt  }
0x7f: {  	_ =	shalt  }
0x80: {  	_ =	shalt  }
0x81: {  	_ =	shalt  }
0x82: {  	_ =	shalt  }
0x83: {  	_ =	shalt  }
0x84: {  	_ =	shalt  }
0x85: {  	_ =	shalt  }
0x86: {  	_ =	shalt  }
0x87: {  	_ =	shalt  }
.Lfunc_end0:
.L_simem_size_0:
called_computation_lowered:
.L_overlay_start_0:
0x88: {  	s2 =	sld [smem:$0x3FD9]  }
0x89: {  	s3 =	sld [smem:$0x3FFE];
	_ =	sdelay $0x1  }
0x8a: {  	s1 =	srdreg.scid  }
0x8b: {  	s0 =	sand.u32 $0x1, s1  }
0x8c: {  	s17 =	sshll.u32 s0, $0xA;
	s2 =	sadd.s32 s3, s2  }
0x8d: {  	s2 =	sadd.s32 s2, s17  }
0x8e: {  	[smem:$0x3FC0] =	sst s2  }
0x8f: {  	_ = 	snop  }
0x90: {  	s2 =	sld [smem:$0x3FD0];
	(tm) =	ssettm $0x1  }
0x91: {  	s18 =	sld [smem:$0x3FFB];
	_ =	sdelay $0x3  }
0x92: {  	_ =	strace s18  }
0x93: {  	s3 =	sld [smem:$0x3FFC];
	_ =	sdelay $0x3  }
0x94: {  	_ =	strace s3  }
0x95: {  	s3 =	sld [smem:$0x3FFD];
	_ =	sdelay $0x3  }
0x96: {  	_ =	strace s3  }
0x97: {  	_ =	strace $0x8FFFFFFF  }
0x98: {  	s19 =	sld [smem:$0x3FDB];
	_ =	sdelay $0x1  }
0x99: {  	s4 =	simm.s32 $_scs_section_size  }
0x9a: {  	s5 =	simm.s32 $_size__tile_overlayer_lowered;
	s6 =	simm.s32 $_tile_overlayer_lowered  }
0x9b: {  	s22 =	simm.s32 $0x1BFF;
	s21 =	sshll.u32 s6, $0x1;
	s3 =	sadd.s32 s4, s19  }
0x9c: {  	s7 =	simm.s32 $0x0;
	s20 =	sshll.u32 s5, $0x1;
	s5 =	sadd.s32 s21, s3  }
0x9d: {  	[timem:s7], [sflag:s22] =	dma.local [hbm:s5], s20  }
0x9e: {  	_ =	swait.ge [sflag:s22], s20  }
0x9f: {  	s4 =	ssub.s32 $0x0, s20;
	[sflag:s22] =	ssyncset.done $0x0  }
0xa0: {  	[sflag:s22] =	ssyncadd.s32 s4;
	_ =	sdelay $0x1  }
0xa1: {  	s23 =	simm.s32 $0x1B8B  }
0xa2: {  	_ =	swait.ge [sflag:s23], $0x1  }
0xa3: {  	[sflag:s23] =	ssyncset.done $0x0  }
0xa4: {  	s25 =	simm.s32 $0x1B8E;
	s24 =	sld [smem:$0x3FFE];
	[sflag:s23] =	ssyncadd.s32 $0xFFFFFFFF  }
0xa5: {  	s26 =	simm.s32 $execute0_lowered;
	[smem:$0x3FD2] =	sst s25  }
0xa6: {  	s5 =	sshll.u32 s26, $0x1;
	_ =	strace $0x80000046;
	[dreg:$0x1] =	wrdreg $0xFFFFFFFF  }
0xa7: {  	s28 =	simm.s32 $_size_execute0_lowered;
	s3 =	sadd.s32 s3, s5;
	[dreg:$0x0] =	wrdreg $0x0  }
0xa8: {  	s5 =	sshll.u32 s28, $0x1;
	[dreg:$0x2] =	wrdreg s3  }
0xa9: {  	[dreg:$0x3] =	wrdreg s5  }
0xaa: {  	[dreg:$0x4] =	wrdreg $0xC0  }
0xab: {  	_ =	task [dreg:s7], $0x5FFFF  }
0xac: {  	[dreg:$0x1] =	wrdreg $0xFFFFFFFF  }
0xad: {  	[dreg:$0x0] =	wrdreg $0x60  }
0xae: {  	[dreg:$0x2] =	wrdreg s24  }
0xaf: {  	[dreg:$0x3] =	wrdreg s2  }
0xb0: {  	[dreg:$0x4] =	wrdreg $0x94800  }
0xb1: {  	[dreg:$0x5] =	wrdreg $0x1D0800  }
0xb2: {  	[dreg:$0x6] =	wrdreg $0x9  }
0xb3: {  	_ =	task.clear_ibuf [dreg:s7], $0x7FFFF;
	_ =	strace $0x90000046  }
0xb4: {  	s29 =	simm.s32 $0x9;
	_ =	strace $0x80000048  }
0xb5: {  	_ =	swait.ge [sflag:s29], $0x1  }
0xb6: {  	[sflag:s29] =	ssyncadd.s32 $0xFFFFFFFF  }
0xb7: {  	_ =	strace $0x90000048  }
0xb8: {  	_ =	sfence  }
0xb9: {  	s30 =	sld [smem:$0x0];
	_ =	sdelay $0x2  }
0xba: {  	s31 =	sshll.u32 s1, $0xD;
	s1 =	sshrl.u32 s1, $0x2  }
0xbb: {  	s3 =	sand.u32 $0x4000, s31;
	s1 =	sadd.s32 s1, s30  }
0xbc: {  	s0 =	sor.u32 s3, s0;
	s1 =	sshll.u32 s1, $0x11  }
0xbd: {  	s0 =	sor.u32 s1, s0  }
0xbe: {  	s0 =	sadd.s32 $0x8F2B, s0  }
0xbf: {  	[sflag:s0] =	ssyncadd.remote.s32 $0x1  }
0xc0: {  	_ =	sfence.sel $0xFFFF  }
0xc1: {  	[dreg:$0x0] =	wrdreg $0xFFFFFFFF;
	(pc) =	sbr.abs _section_cstart, $3  }
0xc2: {  	[dreg:$0x1] =	wrdreg $0xFFFFFFFF  }
0xc3: {  	_ =	task.clear_ibuf [dreg:s7], $0x2FFFF;
	_ =	strace $0x9FFFFFFF  }
0xc4: {  	(tm) =	ssettm $0x7FFFFFFF  }
0xc5: {  	_ =	shalt  }
tec
execute0_lowered:
.L_overlay_start_1:
0x0: {  	(tag) =	ssettag $0x1  }
0x1: {  	s0 =	rddreg [dreg:$0x0]  }
0x2: {  	s1 =	rddreg [dreg:$0x1]  }
0x3: {  	s2 =	rddreg [dreg:$0x2]  }
0x4: {  	s4 =	rddreg [dreg:$0x3];
	s5 =	simm.s32 $0x0;
	s3 =	srdreg.scid  }
0x5: {  	s15 =	stileid.u32;
	s28 =	simm.s32 $0x8;
	s31 =	simm.s32 $0x280  }
0x6: {  	s30 =	simm.s32 $0x380;
	s29 =	simm.s32 $0x7;
	s9 =	smul.u32 $0x2780, s15  }
0x7: {  	[smem:$0x7FF] =	sst s5;
	s3 =	sand.u32 $0x1, s3;
	s11 =	smul.u32 $0x280, s15  }
0x8: {  	s6 =	sadd.s32 $0x15800, s0;
	s7 =	sadd.s32 $0x1C00, s0;
	s22 =	smul.u32 $0x4F000, s15  }
0x9: {  	s8 =	sadd.s32 $0xBA00, s0;
	s12 =	sadd.s32 $0x63A00, s0;
	s13 =	smul.u32 $0x5000, s15  }
0xa: {  	s20 =	sadd.s32 $0x66200, s0;
	s24 =	sshll.u32 s15, $0x6;
	s10 =	smul.u32 $0x27800, s3  }
0xb: {  	_ =	strace $0x80000047;
	s19 =	smul.u32 $0x2800, s3;
	[dreg:$0x5] =	wrdreg s12  }
0xc: {  	v4 =	vlaneseq.u32;
	[dreg:$0x6] =	wrdreg s20;
	s21 =	sshll.u32 s3, $0x4;
	s3 =	ssub.s32 $0x2, s3  }
0xd: {  	v0 =	vand.u32 $0x7, v4;
	s18 =	sor.u32 $0x1C08, s24;
	s14 =	sshrl.u32 s3, $0x1;
	s12 =	sshrl.u32 s22, $0x2  }
0xe: {  	v2 =	vshrl.u32 v4, $0x3;
	v49 =	vmul.u32 $0x80, v4;
	v1 =	vor.u32 $0x8, v4;
	[tilespmem:$0x1FED0] =	vst v0;
	s25 =	sshrl.u32 s13, $0x2;
	s13 =	simm.s32 $0x20;
	[dreg:$0x8] =	wrdreg s18  }
0xf: {  	v48 =	vmul.u32 $0x8, v2;
	[tilespmem:$0x1FEF0] =	vst v1;
	s9 =	sadd.s32 s9, s10;
	s10 =	sadd.s32 s11, s19;
	s11 =	sor.u32 s15, s21  }
0x10: {  	[tilespmem:$0x1FFE0] =	vst v49;
	s3 =	ssub.s32 s3, s14;
	s23 =	sadd.s32 s12, s2;
	s12 =	sadd.s32 s25, s4  }
0x11: {  	v50 =	vor.u32 $0x1, v49;
	[tilespmem:$0x1FEE0] =	vst v48;
	s9 =	sadd.s32 s9, s0;
	s11 =	smul.u32 $0x2780, s11;
	[dreg:$0x7] =	wrdreg s23  }
0x12: {  	v51 =	vor.u32 $0x2, v49;
	[tilespmem:$0x1FF00] =	vst v50;
	s0 =	sadd.s32 s10, s0;
	[dreg:$0x9] =	wrdreg s12;
	s9 =	sadd.s32 $0x66600, s9  }
0x13: {  	v52 =	vor.u32 $0x3, v49;
	[tilespmem:$0x1FF10] =	vst v51;
	s12 =	simm.s32 $0x8480;
	s0 =	sadd.s32 $0xB5600, s0;
	[dreg:$0x14] =	wrdreg s9  }
0x14: {  	v53 =	vor.u32 $0x4, v49;
	[tilespmem:$0x1FF20] =	vst v52;
	s26 =	sshrl.u32 s11, $0x3;
	s22 =	sor.u32 $0x60, s11;
	[dreg:$0x15] =	wrdreg s0  }
0x15: {  	v54 =	vor.u32 $0x5, v49;
	[tilespmem:$0x1FF30] =	vst v53;
	s23 =	sadd.s32 $0x80, s11;
	s24 =	sadd.s32 $0xA0, s11;
	[dreg:$0x10] =	wrdreg s22  }
0x16: {  	v55 =	vor.u32 $0x6, v49;
	[tilespmem:$0x1FF40] =	vst v54;
	s25 =	sadd.s32 $0xC0, s11;
	s0 =	simm.s32 $0x6480;
	[dreg:$0x11] =	wrdreg s23  }
0x17: {  	v56 =	vor.u32 $0x7, v49;
	[tilespmem:$0x1FF50] =	vst v55;
	s9 =	simm.s32 $0x400;
	s11 =	simm.s32 $0x6;
	[dreg:$0x12] =	wrdreg s24  }
0x18: {  	v57 =	vor.u32 $0x800, v49;
	[tilespmem:$0x1FF60] =	vst v56;
	s14 =	sadd.s32 s7, s26;
	s15 =	sadd.s32 s8, s26;
	[dreg:$0x13] =	wrdreg s25  }
0x19: {  	v58 =	vor.u32 $0x801, v49;
	[tilespmem:$0x1FF70] =	vst v57;
	s16 =	sor.u32 $0x4, s26;
	s17 =	sor.u32 $0x8, s26;
	[dreg:$0xa] =	wrdreg s14  }
0x1a: {  	v59 =	vor.u32 $0x802, v49;
	[tilespmem:$0x1FF80] =	vst v58;
	s26 =	smax.u32 s3, $0x1;
	s3 =	simm.s32 $0x300;
	[dreg:$0xb] =	wrdreg s15  }
0x1b: {  	v60 =	vor.u32 $0x803, v49;
	[tilespmem:$0x1FF90] =	vst v59;
	s24 =	simm.s32 $0x4C80;
	s19 =	sadd.s32 s7, s16;
	[dreg:$0x16] =	wrdreg s26  }
0x1c: {  	v61 =	vor.u32 $0x804, v49;
	[tilespmem:$0x1FFA0] =	vst v60;
	s25 =	simm.s32 $0x5480;
	s10 =	sadd.s32 s8, s16;
	[dreg:$0xc] =	wrdreg s19  }
0x1d: {  	v62 =	vor.u32 $0x805, v49;
	[tilespmem:$0x1FFB0] =	vst v61;
	s20 =	sadd.s32 s7, s17;
	s21 =	sadd.s32 s8, s17;
	[dreg:$0xd] =	wrdreg s10  }
0x1e: {  	v5 =	vmul.u32 $0xFFFFFFFF, v4;
	v63 =	vor.u32 $0x806, v49;
	[tilespmem:$0x1FFC0] =	vst v62;
	s15 =	simm.s32 $0x1;
	s16 =	simm.s32 $0x5;
	[dreg:$0xe] =	wrdreg s20  }
0x1f: {  	v8 =	vimm.f32 $0.0e+00;
	v0 =	vor.u32 $0x807, v49;
	[tilespmem:$0x1FFD0] =	vst v63;
	s26 =	simm.s32 $0x7480;
	s14 =	simm.s32 $0x3;
	[dreg:$0xf] =	wrdreg s21  }
0x20: {  	vm0 =	vmmov $0xffff;
	vm1 =	vmmov $0xff;
	v5 =	vadd.s32 $0xF, v5;
	[tilespmem:$0x1FFF0] =	vst v0;
	s10 =	simm.s32 $0x2;
	s19 =	simm.s32 $0x0;
	s20 =	simm.s32 $0x0  }
.LBB2_1:
0x21: {  	[dreg:$0x17] =	wrdreg s19  }
0x22: {  	s17 =	rddreg [dreg:$0x7]  }
0x23: {  	s23 =	rddreg [dreg:$0x5];
	s22 =	sshrl.u32 s17, $0x3  }
0x24: {  	[dreg:$0x18] =	wrdreg s22  }
0x25: {  	[spmem:s22], [sflag:s18] =	dma.local [hbm:s23], $0x2780  }
0x26: {  	_ =	swait.ge [sflag:s28], $0x2780  }
0x27: {  	s21 =	rddreg [dreg:$0x9]  }
0x28: {  	[sflag:s28] =	ssyncset.done $0x0;
	s23 =	rddreg [dreg:$0x6];
	s22 =	sshrl.u32 s21, $0x3  }
0x29: {  	[sflag:s28] =	ssyncadd.s32 $0xFFFFD880;
	[dreg:$0x19] =	wrdreg s22  }
0x2a: {  	[spmem:s22], [sflag:s18] =	dma.local [hbm:s23], $0x280  }
0x2b: {  	_ =	swait.ge [sflag:s28], $0x280  }
0x2c: {  	[sflag:s28] =	ssyncset.done $0x0  }
0x2d: {  	[sflag:s28] =	ssyncadd.s32 $0xFFFFFD80  }
0x2e: {  	s17 =	simm.s32 $0x0;
	s18 =	simm.s32 $0x200;
	[bflag:$0x0] =	sbarrier.arrive $0xFFFF  }
.LBB2_2:
0x2f: {  	p0 =	sne.s32 s18, $0x3E00;
	[tilespmem:s17+$0x74F0] =	vst v8  }
0x30: {  	[tilespmem:s17+$0x7480] =	vst v8  }
0x31: {  	[tilespmem:s17+$0x7490] =	vst v8  }
.Ltmp0:
0x32: {  	[tilespmem:s17+$0x74A0] =	vst v8;
	(pc) =	sbr.rel @p0 .LBB2_2-.Ltmp0, $4  }
0x33: {  	[tilespmem:s17+$0x74B0] =	vst v8  }
0x34: {  	[tilespmem:s17+$0x74C0] =	vst v8  }
0x35: {  	[tilespmem:s17+$0x74D0] =	vst v8  }
0x36: {  	[tilespmem:s17+$0x74E0] =	vst v8;
	s17 =	sshra.s32 s18, $0x2;
	s18 =	sadd.s32 $0x200, s18  }
0x37: {  	[tilespmem:s17+$0x74F0] =	vst v8  }
0x38: {  	[tilespmem:s17+$0x7480] =	vst v8  }
0x39: {  	[tilespmem:s17+$0x7490] =	vst v8  }
0x3a: {  	[tilespmem:s17+$0x74A0] =	vst v8  }
0x3b: {  	[tilespmem:s17+$0x74B0] =	vst v8  }
0x3c: {  	[tilespmem:s17+$0x74C0] =	vst v8  }
0x3d: {  	[tilespmem:s17+$0x74D0] =	vst v8  }
0x3e: {  	[tilespmem:s17+$0x74E0] =	vst v8;
	s21 =	rddreg [dreg:$0xa]  }
0x3f: {  	[tilespmem:s20], [sflag:$0x4] =	stream.linear.gather [hbm4b:s21+s20], $0x20, $0x38;
	[tilespmem:$0x1E480] =	vst v63  }
0x40: {  	s22 =	rddreg [dreg:$0xb];
	s18 =	simm.s32 $0x200  }
0x41: {  	[tilespmem:s18], [sflag:$0x4] =	stream.linear.gather [hbm4b:s22+s20], $0x20, $0x38;
	[tilespmem:$0x1E480] =	vst v63  }
0x42: {  	s23 =	rddreg [dreg:$0xc];
	s19 =	simm.s32 $0x80  }
0x43: {  	[tilespmem:s19], [sflag:$0x5] =	stream.linear.gather [hbm4b:s23+s20], $0x20, $0x38;
	[tilespmem:$0x1E480] =	vst v63  }
0x44: {  	s21 =	rddreg [dreg:$0xd]  }
0x45: {  	[tilespmem:s31], [sflag:$0x5] =	stream.linear.gather [hbm4b:s21+s20], $0x20, $0x38;
	[tilespmem:$0x1E480] =	vst v63  }
0x46: {  	s22 =	rddreg [dreg:$0xe];
	s23 =	simm.s32 $0x100  }
0x47: {  	[tilespmem:s23], [sflag:$0x6] =	stream.linear.gather [hbm4b:s22+s20], $0x20, $0x38;
	[tilespmem:$0x1E480] =	vst v63  }
0x48: {  	s21 =	rddreg [dreg:$0xf];
	s22 =	simm.s32 $0x4  }
0x49: {  	[tilespmem:s3], [sflag:$0x6] =	stream.linear.gather [hbm4b:s21+s20], $0x20, $0x38;
	[tilespmem:$0x1E480] =	vst v63  }
0x4a: {  	_ =	swait.ge [sflag:s22], $0x20  }
0x4b: {  	[sflag:s22] =	ssyncset.done $0x0  }
0x4c: {  	[sflag:s22] =	ssyncadd.s32 $0xFFFFFFE0  }
0x4d: {  	_ =	swait.ge [sflag:s22], $0x20  }
0x4e: {  	[sflag:s22] =	ssyncset.done $0x0  }
0x4f: {  	[sflag:s22] =	ssyncadd.s32 $0xFFFFFFE0  }
0x50: {  	v21 =	vld [tilespmem:$0x0];
	_ =	sdelay $0x2  }
0x51: {  	v0 =	vld [tilespmem:$0x1FED0]  }
0x52: {  	v1 =	vld [tilespmem:$0x1FEE0]  }
0x53: {  	v2 =	vld [tilespmem:$0x1FEF0];
	v22 =	vshll.u32 v21, $0x1  }
0x54: {  	v21 =	vand.u32 $0x7, v21;
	v22 =	vand.u32 $0xFFFFFFF0, v22  }
0x55: {  	v21 =	vor.u32 v21, v22  }
0x56: {  	v22 =	vperm.xlane v21, v0;
	_ =	sdelay $0x1  }
0x57: {  	v21 =	vperm.xlane v21, v2;
	v22 =	vadd.s32 v1, v22;
	_ =	sdelay $0x1  }
0x58: {  	v21 =	vadd.s32 v1, v21;
	_ =	sdelay $0x1  }
0x59: {  	s23 =	simm.s32 $0x480  }
0x5a: {  	[tilespmem:s23], [sflag:$0x1] =	stream.indirect_vreg.gather [hbm4b:s6+s20], $0x80, v22, vm0, $0xb8;
	[tilespmem:$0x1E480] =	vst v63  }
0x5b: {  	s19 =	simm.s32 $0xC80  }
0x5c: {  	[tilespmem:s19], [sflag:$0x1] =	stream.indirect_vreg.gather [hbm4b:s6+s20], $0x80, v21, vm0, $0xb8;
	[tilespmem:$0x1E480] =	vst v63  }
0x5d: {  	v21 =	vld [tilespmem:$0x10];
	_ =	sdelay $0x4  }
0x5e: {  	v63 =	vshll.u32 v21, $0x1  }
0x5f: {  	v21 =	vand.u32 $0x7, v21;
	v22 =	vand.u32 $0xFFFFFFF0, v63  }
0x60: {  	v21 =	vor.u32 v21, v22  }
0x61: {  	v22 =	vperm.xlane v21, v0;
	_ =	sdelay $0x1  }
0x62: {  	v21 =	vperm.xlane v21, v2;
	v22 =	vadd.s32 v1, v22;
	_ =	sdelay $0x1  }
0x63: {  	v21 =	vadd.s32 v1, v21;
	_ =	sdelay $0x1  }
0x64: {  	s21 =	simm.s32 $0x1480  }
0x65: {  	[tilespmem:s21], [sflag:$0x1] =	stream.indirect_vreg.gather [hbm4b:s6+s20], $0x80, v22, vm0, $0xb8;
	[tilespmem:$0x1E480] =	vst v63  }
0x66: {  	s22 =	simm.s32 $0x1C80  }
0x67: {  	[tilespmem:s22], [sflag:$0x1] =	stream.indirect_vreg.gather [hbm4b:s6+s20], $0x80, v21, vm0, $0xb8;
	[tilespmem:$0x1E480] =	vst v63  }
0x68: {  	s23 =	simm.s32 $0x2480;
	s21 =	simm.s32 $0x0  }
0x69: {  	[tilespmem:s23], [sflag:$0x1] =	stream.indirect.gather [hbm4b:s1+s13], $0x80, s18, s13, $0xb8;
	[tilespmem:$0x1E480] =	vst v63  }
.LBB2_4:
0x6a: {  	_ =	swait.ge [sflag:s15], $0x2000  }
0x6b: {  	[sflag:s15] =	ssyncset.done $0x0  }
0x6c: {  	[sflag:s15] =	ssyncadd.s32 $0xFFFFE000  }
0x6d: {  	_ =	swait.ge [sflag:s15], $0x1000  }
0x6e: {  	[sflag:s15] =	ssyncset.done $0x0  }
0x6f: {  	[sflag:s15] =	ssyncadd.s32 $0xFFFFF000  }
0x70: {  	_ =	swait.ge [sflag:s16], $0x20  }
0x71: {  	[sflag:s16] =	ssyncset.done $0x0  }
0x72: {  	[sflag:s16] =	ssyncadd.s32 $0xFFFFFFE0  }
0x73: {  	_ =	swait.ge [sflag:s16], $0x20  }
0x74: {  	[sflag:s16] =	ssyncset.done $0x0  }
0x75: {  	[sflag:s16] =	ssyncadd.s32 $0xFFFFFFE0  }
0x76: {  	v21 =	vld [tilespmem:$0x80];
	_ =	sdelay $0x2  }
0x77: {  	v0 =	vld [tilespmem:$0x1FED0]  }
0x78: {  	v1 =	vld [tilespmem:$0x1FEE0]  }
0x79: {  	v2 =	vld [tilespmem:$0x1FEF0];
	v22 =	vshll.u32 v21, $0x1  }
0x7a: {  	v21 =	vand.u32 $0x7, v21;
	v22 =	vand.u32 $0xFFFFFFF0, v22  }
0x7b: {  	v21 =	vor.u32 v21, v22  }
0x7c: {  	v22 =	vperm.xlane v21, v0;
	_ =	sdelay $0x1  }
0x7d: {  	v21 =	vperm.xlane v21, v2;
	v22 =	vadd.s32 v1, v22;
	_ =	sdelay $0x1  }
0x7e: {  	v21 =	vadd.s32 v1, v21;
	_ =	sdelay $0x1  }
0x7f: {  	s17 =	simm.s32 $0x3480  }
0x80: {  	[tilespmem:s17], [sflag:$0x2] =	stream.indirect_vreg.gather [hbm4b:s6+s5], $0x80, v22, vm0, $0xb8;
	[tilespmem:$0x1E480] =	vst v63  }
0x81: {  	s19 =	simm.s32 $0x3C80  }
0x82: {  	[tilespmem:s19], [sflag:$0x2] =	stream.indirect_vreg.gather [hbm4b:s6+s5], $0x80, v21, vm0, $0xb8;
	[tilespmem:$0x1E480] =	vst v63  }
0x83: {  	v21 =	vld [tilespmem:$0x90];
	_ =	sdelay $0x4  }
0x84: {  	v63 =	vshll.u32 v21, $0x1  }
0x85: {  	v21 =	vand.u32 $0x7, v21;
	v22 =	vand.u32 $0xFFFFFFF0, v63  }
0x86: {  	v21 =	vor.u32 v21, v22  }
0x87: {  	v22 =	vperm.xlane v21, v0;
	_ =	sdelay $0x1  }
0x88: {  	v21 =	vperm.xlane v21, v2;
	v22 =	vadd.s32 v1, v22;
	_ =	sdelay $0x1  }
0x89: {  	v21 =	vadd.s32 v1, v21;
	_ =	sdelay $0x1  }
0x8a: {  	s22 =	simm.s32 $0x4480  }
0x8b: {  	[tilespmem:s22], [sflag:$0x2] =	stream.indirect_vreg.gather [hbm4b:s6+s5], $0x80, v22, vm0, $0xb8;
	[tilespmem:$0x1E480] =	vst v63  }
0x8c: {  	p0 =	seq.s32 s21, $0x0  }
0x8d: {  	[tilespmem:s24], [sflag:$0x2] =	stream.indirect_vreg.gather [hbm4b:s6+s5], $0x80, v21, vm0, $0xb8;
	[tilespmem:$0x1E480] =	vst v63  }
0x8e: {  	s17 =	simm.s32 @!p0 $0x3  }
0x8f: {  	[tilespmem:s25], [sflag:$0x2] =	stream.indirect.gather [hbm4b:s1+s13], $0x80, s31, s13, $0xb8;
	[tilespmem:$0x1E480] =	vst v63  }
0x90: {  	_ =	swait.ge @!p0 [sflag:s17], $0x1000  }
0x91: {  	s22 =	sshll.u32 s21, $0x7;
	s18 =	rddreg [dreg:$0x10]  }
0x92: {  	s18 =	sadd.s32 s22, s18  }
0x93: {  	[sflag:s17] =	ssyncset.done @!p0 $0x0;
	s18 =	sshrl.u32 s18, $0x3  }
0x94: {  	s19 =	simm.s32 $0x180;
	[sflag:s17] =	ssyncadd.s32 @!p0 $0xFFFFF000;
	s23 =	sadd.s32 s7, s18  }
0x95: {  	[tilespmem:s19], [sflag:$0x7] =	stream.linear.gather [hbm4b:s23+s20], $0x20, $0x38;
	[tilespmem:$0x1E480] =	vst v63  }
0x96: {  	s23 =	sadd.s32 s8, s18  }
0x97: {  	[tilespmem:s30], [sflag:$0x7] =	stream.linear.gather [hbm4b:s23+s20], $0x20, $0x38;
	[tilespmem:$0x1E480] =	vst v63  }
0x98: {  	s23 =	simm.s32 $0x0  }
.LBB2_5:
0x99: {  	s17 =	sshll.u32 s23, $0x8  }
0x9a: {  	s18 =	sand.u32 $0x3FFFFF00, s17  }
0x9b: {  	s17 =	sshll.u32 s23, $0x7;
	v21 =	vld [tilespmem:s18+$0x480]  }
0x9c: {  	v22 =	vld [tilespmem:s17+$0x2480]  }
0x9d: {  	v23 =	vld [tilespmem:s18+$0x490]  }
0x9e: {  	v24 =	vld [tilespmem:s17+$0x2490]  }
0x9f: {  	v25 =	vld [tilespmem:s18+$0x4A0]  }
0xa0: {  	v26 =	vld [tilespmem:s17+$0x24A0]  }
0xa1: {  	v27 =	vld [tilespmem:s18+$0x4B0]  }
0xa2: {  	v28 =	vld [tilespmem:s17+$0x24B0]  }
0xa3: {  	v29 =	vld [tilespmem:s18+$0x4C0]  }
0xa4: {  	v30 =	vld [tilespmem:s17+$0x24C0]  }
0xa5: {  	v31 =	vld [tilespmem:s18+$0x4D0]  }
0xa6: {  	v32 =	vld [tilespmem:s17+$0x24D0]  }
0xa7: {  	v33 =	vld [tilespmem:s18+$0x4E0]  }
0xa8: {  	v34 =	vld [tilespmem:s17+$0x24E0]  }
0xa9: {  	v35 =	vld [tilespmem:s18+$0x4F0]  }
0xaa: {  	v36 =	vld [tilespmem:s17+$0x24F0]  }
0xab: {  	v37 =	vld [tilespmem:s18+$0x500]  }
0xac: {  	v38 =	vld [tilespmem:s17+$0x2500]  }
0xad: {  	v39 =	vld [tilespmem:s18+$0x510]  }
0xae: {  	v40 =	vld [tilespmem:s17+$0x2510]  }
0xaf: {  	v41 =	vld [tilespmem:s18+$0x520]  }
0xb0: {  	v42 =	vld [tilespmem:s17+$0x2520]  }
0xb1: {  	v43 =	vld [tilespmem:s18+$0x530]  }
0xb2: {  	v44 =	vld [tilespmem:s17+$0x2530]  }
0xb3: {  	v45 =	vld [tilespmem:s18+$0x540]  }
0xb4: {  	v46 =	vld [tilespmem:s17+$0x2540]  }
0xb5: {  	v47 =	vld [tilespmem:s18+$0x550]  }
0xb6: {  	v48 =	vld [tilespmem:s17+$0x2550]  }
0xb7: {  	v49 =	vld [tilespmem:s18+$0x560]  }
0xb8: {  	v50 =	vld [tilespmem:s17+$0x2560]  }
0xb9: {  	v51 =	vld [tilespmem:s18+$0x570]  }
0xba: {  	v52 =	vld [tilespmem:s17+$0x2570]  }
0xbb: {  	v53 =	vld [tilespmem:s18+$0x580]  }
0xbc: {  	v54 =	vld [tilespmem:s17+$0x2580]  }
0xbd: {  	v55 =	vld [tilespmem:s18+$0x590]  }
0xbe: {  	v56 =	vld [tilespmem:s17+$0x2590]  }
0xbf: {  	v19 =	vld [tilespmem:s18+$0x5D0]  }
0xc0: {  	v57 =	vld [tilespmem:s17+$0x25D0]  }
0xc1: {  	v60 =	vld [tilespmem:s18+$0x5E0]  }
0xc2: {  	v62 =	vld [tilespmem:s17+$0x25E0]  }
0xc3: {  	v63 =	vld [tilespmem:s18+$0x5F0]  }
0xc4: {  	v0 =	vld [tilespmem:s17+$0x25F0]  }
0xc5: {  	v1 =	vld [tilespmem:s18+$0x600]  }
0xc6: {  	v4 =	vld [tilespmem:s18+$0x6E0]  }
0xc7: {  	v3 =	vld [tilespmem:s17+$0x26E0]  }
0xc8: {  	v6 =	vld [tilespmem:s18+$0x6F0]  }
0xc9: {  	v7 =	vld [tilespmem:s17+$0x26F0]  }
0xca: {  	v20 =	vld [tilespmem:s17+$0x2760]  }
0xcb: {  	v21 =	vmul.f32 v22, v21;
	v22 =	vld [tilespmem:s18+$0x5A0]  }
0xcc: {  	v2 =	vmul.f32 v26, v25;
	v25 =	vld [tilespmem:s17+$0x25A0]  }
0xcd: {  	v8 =	vmul.f32 v28, v27;
	v28 =	vld [tilespmem:s18+$0x5B0]  }
0xce: {  	v10 =	vmul.f32 v32, v31;
	v31 =	vld [tilespmem:s17+$0x25B0]  }
0xcf: {  	v23 =	vmul.f32 v24, v23;
	v24 =	vld [tilespmem:s18+$0x5C0]  }
0xd0: {  	v11 =	vmul.f32 v34, v33;
	v33 =	vld [tilespmem:s17+$0x25C0]  }
0xd1: {  	v15 =	vmul.f32 v38, v37;
	v37 =	vld [tilespmem:s18+$0x640]  }
0xd2: {  	v17 =	vmul.f32 v42, v41;
	v41 =	vld [tilespmem:s17+$0x2640]  }
0xd3: {  	v42 =	vld [tilespmem:s18+$0x650]  }
0xd4: {  	v18 =	vmul.f32 v44, v43;
	v44 =	vld [tilespmem:s17+$0x2650]  }
0xd5: {  	v46 =	vmul.f32 v46, v45;
	v45 =	vld [tilespmem:s18+$0x660]  }
0xd6: {  	v48 =	vmul.f32 v48, v47;
	v47 =	vld [tilespmem:s18+$0x670]  }
0xd7: {  	v32 =	vmul.f32 v62, v60;
	v60 =	vld [tilespmem:s17+$0x26B0]  }
0xd8: {  	v9 =	vmul.f32 v30, v29;
	v62 =	vld [tilespmem:s17+$0x26C0]  }
0xd9: {  	v3 =	vmul.f32 v3, v4;
	v4 =	vmul.f32 v7, v6;
	v6 =	vld [tilespmem:s18+$0x790]  }
0xda: {  	v13 =	vadd.f32 v8, v2;
	v2 =	vld [tilespmem:s17+$0x2600]  }
0xdb: {  	v12 =	vmul.f32 v36, v35;
	v14 =	vadd.f32 v10, v9;
	v9 =	vld [tilespmem:s18+$0x610]  }
0xdc: {  	v16 =	vmul.f32 v40, v39;
	v10 =	vld [tilespmem:s17+$0x2610]  }
0xdd: {  	v30 =	vadd.f32 v12, v11;
	v12 =	vld [tilespmem:s18+$0x620]  }
0xde: {  	v27 =	vadd.f32 v16, v15;
	v15 =	vld [tilespmem:s17+$0x2620]  }
0xdf: {  	v61 =	vadd.f32 v18, v17;
	v17 =	vld [tilespmem:s18+$0x630]  }
0xe0: {  	v18 =	vmul.f32 v57, v19;
	v19 =	vld [tilespmem:s17+$0x2630]  }
0xe1: {  	v21 =	vadd.f32 v23, v21;
	v23 =	vadd.f32 v48, v46;
	v46 =	vld [tilespmem:s17+$0x2660]  }
0xe2: {  	v58 =	vmul.f32 v50, v49;
	v59 =	vmul.f32 v52, v51;
	v48 =	vld [tilespmem:s17+$0x2670];
	v3 =	vadd.f32 v4, v3  }
0xe3: {  	v4 =	vld [tilespmem:s18+$0x7A0];
	v21 =	vadd.f32 v13, v21;
	v26 =	vadd.f32 v30, v14  }
0xe4: {  	v30 =	vadd.f32 v59, v58;
	v27 =	vadd.f32 v61, v27;
	v13 =	vmul.f32 v54, v53;
	v58 =	vld [tilespmem:s17+$0x26A0]  }
0xe5: {  	v14 =	vmul.f32 v56, v55;
	v59 =	vld [tilespmem:s18+$0x6B0];
	v22 =	vmul.f32 v25, v22;
	v21 =	vadd.f32 v26, v21  }
0xe6: {  	v61 =	vld [tilespmem:s18+$0x6C0];
	v16 =	vmul.f32 v31, v28;
	v24 =	vmul.f32 v33, v24;
	v23 =	vadd.f32 v30, v23  }
0xe7: {  	v26 =	vmul.f32 v0, v63;
	v39 =	vadd.f32 v14, v13;
	v63 =	vld [tilespmem:s18+$0x6D0];
	v8 =	vperm.xlane v21, v5  }
0xe8: {  	v25 =	vmul.f32 v41, v37;
	v13 =	vld [tilespmem:s17+$0x2720];
	v22 =	vadd.f32 v16, v22;
	v23 =	vadd.f32 v23, v27  }
0xe9: {  	v14 =	vld [tilespmem:s18+$0x730];
	v24 =	vadd.f32 v18, v24;
	v29 =	vmul.f32 v2, v1;
	v21 =	vadd.f32 v21, v8  }
0xea: {  	v50 =	vmul.f32 v15, v12;
	v1 =	vld [tilespmem:s17+$0x26D0];
	v26 =	vadd.f32 v26, v32;
	v11 =	vperm.xlane v23, v5  }
0xeb: {  	v28 =	vmul.f32 v19, v17;
	v12 =	vld [tilespmem:s18+$0x720];
	v22 =	vadd.f32 v22, v39;
	v21 =	vmax.f32 v21, $-5.000000000e+00  }
0xec: {  	v15 =	vld [tilespmem:s17+$0x2730];
	v24 =	vadd.f32 v26, v24;
	v23 =	vadd.f32 v23, v11;
	v21 =	vmin.f32 v21, $5.000000000e+00  }
0xed: {  	v51 =	vmul.f32 v46, v45;
	v2 =	vld [tilespmem:s18+$0x740];
	v21 =	vmul.f32 $1.442695020e+00, v21  }
0xee: {  	v16 =	vld [tilespmem:s17+$0x2740];
	v27 =	vmul.f32 v10, v9;
	v22 =	vadd.f32 v24, v22;
	v23 =	vmax.f32 v23, $-5.000000000e+00  }
0xef: {  	v17 =	vld [tilespmem:s18+$0x750];
	v24 =	vmul.f32 v48, v47;
	v23 =	vmin.f32 v23, $5.000000000e+00;
	(erf) = vpow2.f32 v21  }
0xf0: {  	v18 =	vld [tilespmem:s17+$0x2750];
	v23 =	vmul.f32 $1.442695020e+00, v23;
	v21 =	vmul.f32 v44, v42  }
0xf1: {  	v19 =	vld [tilespmem:s18+$0x760];
	v28 =	vadd.f32 v28, v50;
	v27 =	vadd.f32 v27, v29  }
0xf2: {  	v9 =	vld [tilespmem:s17+$0x2700];
	(erf) = vpow2.f32 v23;
	v21 =	vadd.f32 v21, v25;
	v23 =	vadd.f32 v24, v51  }
0xf3: {  	v8 =	vld [tilespmem:s18+$0x700]  }
0xf4: {  	v10 =	vld [tilespmem:s18+$0x710];
	v53 =	vadd.f32 v28, v27;
	v21 =	vadd.f32 v23, v21  }
0xf5: {  	v11 =	vld [tilespmem:s17+$0x2710]  }
0xf6: {  	v12 =	vmul.f32 v13, v12;
	v13 =	vld [tilespmem:s18+$0x7D0];
	v21 =	vadd.f32 v21, v53  }
0xf7: {  	v14 =	vmul.f32 v15, v14;
	v15 =	vld [tilespmem:s17+$0x27D0]  }
0xf8: {  	v8 =	vmul.f32 v9, v8;
	v9 =	vld [tilespmem:s18+$0x800];
	v54 =	vperm.xlane v21, v5;
	v52 =	vpop (erf)  }
0xf9: {  	v53 =	vld [tilespmem:s18+$0x680];
	v37 =	vnsel vm1, $0x0, v52  }
0xfa: {  	v21 =	vadd.f32 v21, v54;
	v54 =	vld [tilespmem:s17+$0x2680];
	[tilespmem:s17+$0x8480] =	vst v37  }
0xfb: {  	v38 =	vld [tilespmem:s18+$0x880]  }
0xfc: {  	v39 =	vld [tilespmem:s18+$0x890]  }
0xfd: {  	v40 =	vld [tilespmem:s18+$0x8A0]  }
0xfe: {  	v49 =	vperm.xlane v22, v5;
	v41 =	vld [tilespmem:s18+$0x8B0]  }
0xff: {  	v42 =	vld [tilespmem:s18+$0x8C0]  }
0x100: {  	v22 =	vadd.f32 v22, v49;
	v43 =	vld [tilespmem:s18+$0x8D0]  }
0x101: {  	v44 =	vld [tilespmem:s18+$0x8E0]  }
0x102: {  	v22 =	vmax.f32 v22, $-5.000000000e+00;
	v55 =	vpop (erf);
	v0 =	vperm.xlane v37, v5;
	v46 =	vld [tilespmem:s18+$0x8F0]  }
0x103: {  	v22 =	vmin.f32 v22, $5.000000000e+00;
	v45 =	vnsel vm1, $0x0, v55;
	v55 =	vld [tilespmem:s18+$0x690]  }
0x104: {  	[tilespmem:s17+$0x8500] =	vst v45;
	v0 =	vadd.f32 v37, v0;
	v37 =	vmul.f32 v62, v61;
	v62 =	vmul.f32 v11, v10;
	v10 =	vld [tilespmem:s17+$0x27C0]  }
0x105: {  	v22 =	vmul.f32 $1.442695020e+00, v22;
	v47 =	vld [tilespmem:s18+$0x900]  }
0x106: {  	v48 =	vld [tilespmem:s18+$0x910]  }
0x107: {  	(erf) = vpow2.f32 v22;
	v49 =	vld [tilespmem:s18+$0x920]  }
0x108: {  	v50 =	vld [tilespmem:s18+$0x930]  }
0x109: {  	v21 =	vmax.f32 v21, $-5.000000000e+00;
	v51 =	vld [tilespmem:s18+$0x940]  }
0x10a: {  	v21 =	vmin.f32 v21, $5.000000000e+00;
	v35 =	vld [tilespmem:s18+$0x950]  }
0x10b: {  	v1 =	vmul.f32 v1, v63;
	v21 =	vmul.f32 $1.442695020e+00, v21;
	v52 =	vld [tilespmem:s18+$0x960]  }
0x10c: {  	v61 =	vperm.xlane v45, v5;
	v36 =	vld [tilespmem:s18+$0x970];
	v53 =	vmul.f32 v54, v53  }
0x10d: {  	v54 =	vld [tilespmem:s18+$0x770];
	v1 =	vadd.f32 v1, v37;
	v8 =	vadd.f32 v62, v8;
	(erf) = vpow2.f32 v21  }
0x10e: {  	v62 =	vadd.f32 v14, v12;
	v12 =	vld [tilespmem:s17+$0x27E0];
	v38 =	vmul.f32 v0, v38;
	v39 =	vmul.f32 v0, v39  }
0x10f: {  	v45 =	vadd.f32 v45, v61;
	v37 =	vmul.f32 v0, v40;
	v40 =	vmul.f32 v0, v41;
	v41 =	vld [tilespmem:s17+$0x27A0]  }
0x110: {  	v42 =	vmul.f32 v0, v42;
	v1 =	vadd.f32 v3, v1;
	v3 =	vld [tilespmem:s18+$0x7B0];
	v43 =	vmul.f32 v0, v43;
	v56 =	vpop (erf)  }
0x111: {  	v44 =	vmul.f32 v0, v44;
	v0 =	vmul.f32 v46, v0;
	v34 =	vnsel vm1, $0x0, v56;
	v56 =	vld [tilespmem:s17+$0x2690]  }
0x112: {  	v46 =	vmul.f32 v45, v48;
	[tilespmem:s17+$0x64B0] =	vst v40;
	v48 =	vmul.f32 v45, v49;
	v49 =	vld [tilespmem:s17+$0x27F0]  }
0x113: {  	[tilespmem:s17+$0x64D0] =	vst v43;
	v40 =	vld [tilespmem:s18+$0x810]  }
0x114: {  	[tilespmem:s17+$0x64E0] =	vst v44;
	v43 =	vld [tilespmem:s17+$0x2830]  }
0x115: {  	v44 =	vld [tilespmem:s18+$0x840];
	[tilespmem:s17+$0x8580] =	vst v34  }
0x116: {  	v32 =	vld [tilespmem:s18+$0x980]  }
0x117: {  	v33 =	vld [tilespmem:s18+$0x990]  }
0x118: {  	v30 =	vld [tilespmem:s18+$0x9A0]  }
0x119: {  	v31 =	vld [tilespmem:s18+$0x9B0]  }
0x11a: {  	v29 =	vld [tilespmem:s18+$0x9C0]  }
0x11b: {  	v28 =	vld [tilespmem:s18+$0x9D0];
	v57 =	vpop (erf)  }
0x11c: {  	v25 =	vnsel vm1, $0x0, v57;
	v57 =	vld [tilespmem:s18+$0x6A0]  }
0x11d: {  	v27 =	vld [tilespmem:s18+$0x9E0];
	v55 =	vmul.f32 v56, v55  }
0x11e: {  	v26 =	vld [tilespmem:s18+$0x9F0]  }
0x11f: {  	v51 =	vmul.f32 v45, v51;
	v7 =	vadd.f32 v55, v53;
	v53 =	vld [tilespmem:s17+$0x27B0]  }
0x120: {  	v2 =	vmul.f32 v16, v2;
	v56 =	vld [tilespmem:s17+$0x2770]  }
0x121: {  	[tilespmem:s17+$0x6540] =	vst v51;
	v51 =	vld [tilespmem:s17+$0x2850];
	v57 =	vmul.f32 v58, v57;
	v58 =	vmul.f32 v60, v59  }
0x122: {  	v50 =	vmul.f32 v45, v50;
	v35 =	vmul.f32 v45, v35;
	v55 =	vld [tilespmem:s17+$0x2790]  }
0x123: {  	v4 =	vmul.f32 v41, v4;
	v41 =	vmul.f32 v15, v13;
	v59 =	vld [tilespmem:s18+$0x780];
	v58 =	vadd.f32 v58, v57  }
0x124: {  	v60 =	vld [tilespmem:s17+$0x2780];
	v3 =	vmul.f32 v53, v3;
	v57 =	vmul.f32 v18, v17  }
0x125: {  	[tilespmem:s17+$0x8600] =	vst v25;
	v61 =	vmul.f32 v56, v54;
	v17 =	vld [tilespmem:s18+$0x7E0];
	v7 =	vadd.f32 v58, v7;
	v58 =	vmul.f32 v20, v19  }
0x126: {  	[tilespmem:s17+$0x6480] =	vst v38;
	v24 =	vld [tilespmem:s18+$0xA00];
	v54 =	vmul.f32 v45, v52;
	v3 =	vadd.f32 v3, v4;
	v2 =	vadd.f32 v57, v2  }
0x127: {  	[tilespmem:s17+$0x6490] =	vst v39;
	v56 =	vmul.f32 v36, v45;
	v4 =	vld [tilespmem:s17+$0x2840];
	v1 =	vadd.f32 v1, v7;
	v16 =	vadd.f32 v61, v58  }
0x128: {  	v8 =	vadd.f32 v62, v8;
	[tilespmem:s17+$0x64A0] =	vst v37;
	v6 =	vmul.f32 v55, v6;
	v55 =	vperm.xlane v25, v5;
	v7 =	vld [tilespmem:s18+$0x7C0]  }
0x129: {  	[tilespmem:s17+$0x64C0] =	vst v42;
	v23 =	vld [tilespmem:s18+$0xA10];
	v60 =	vmul.f32 v60, v59;
	v63 =	vperm.xlane v1, v5;
	v2 =	vadd.f32 v16, v2  }
0x12a: {  	[tilespmem:s17+$0x64F0] =	vst v0;
	v22 =	vld [tilespmem:s18+$0xA20];
	v58 =	vperm.xlane v34, v5;
	v12 =	vmul.f32 v12, v17  }
0x12b: {  	[tilespmem:s17+$0x6510] =	vst v46;
	v1 =	vadd.f32 v1, v63;
	v63 =	vmul.f32 v45, v47;
	v47 =	vld [tilespmem:s18+$0x7F0];
	v57 =	vadd.f32 v2, v8  }
0x12c: {  	[tilespmem:s17+$0x6560] =	vst v54;
	v54 =	vld [tilespmem:s17+$0x2860];
	v6 =	vadd.f32 v6, v60;
	v4 =	vmul.f32 v4, v44;
	v8 =	vadd.f32 v34, v58  }
0x12d: {  	[tilespmem:s17+$0x6570] =	vst v56;
	v56 =	vld [tilespmem:s18+$0x870];
	v7 =	vmul.f32 v10, v7;
	v1 =	vmax.f32 v1, $-5.000000000e+00;
	v62 =	vperm.xlane v57, v5  }
0x12e: {  	[tilespmem:s17+$0x6520] =	vst v48;
	v61 =	vld [tilespmem:s18+$0x820];
	v45 =	vmul.f32 v8, v32;
	v46 =	vmul.f32 v8, v33;
	v1 =	vmin.f32 v1, $5.000000000e+00  }
0x12f: {  	[tilespmem:s17+$0x6530] =	vst v50;
	v60 =	vld [tilespmem:s18+$0xA40];
	v3 =	vadd.f32 v3, v6;
	v48 =	vmul.f32 v8, v31;
	v1 =	vmul.f32 $1.442695020e+00, v1  }
0x130: {  	[tilespmem:s17+$0x6550] =	vst v35;
	v6 =	vld [tilespmem:s18+$0x860];
	v58 =	vadd.f32 v25, v55;
	v50 =	vmul.f32 v8, v29;
	v11 =	vmul.f32 v49, v47  }
0x131: {  	v16 =	vld [tilespmem:s17+$0x2800];
	[tilespmem:s17+$0x6500] =	vst v63;
	v52 =	vmul.f32 v8, v28;
	v7 =	vadd.f32 v41, v7;
	(erf) = vpow2.f32 v1  }
0x132: {  	v2 =	vld [tilespmem:s17+$0x2810];
	v53 =	vmul.f32 v8, v27;
	[tilespmem:s17+$0x6580] =	vst v45;
	v1 =	vadd.f32 v57, v62;
	v11 =	vadd.f32 v11, v12  }
0x133: {  	v34 =	vld [tilespmem:s18+$0x830];
	v20 =	vmul.f32 v58, v24;
	v28 =	vmul.f32 v58, v23;
	[tilespmem:s17+$0x6590] =	vst v46  }
0x134: {  	v63 =	vld [tilespmem:s17+$0x2820];
	v29 =	vmul.f32 v58, v22;
	[tilespmem:s17+$0x65B0] =	vst v48;
	v1 =	vmax.f32 v1, $-5.000000000e+00;
	v7 =	vadd.f32 v11, v7  }
0x135: {  	v31 =	vmul.f32 v58, v60;
	[tilespmem:s17+$0x65C0] =	vst v50;
	v6 =	vmul.f32 v54, v6;
	v49 =	vld [tilespmem:s18+$0x850];
	v1 =	vmin.f32 v1, $5.000000000e+00  }
0x136: {  	[tilespmem:s17+$0x65D0] =	vst v52;
	v47 =	vmul.f32 v8, v30;
	v1 =	vmul.f32 $1.442695020e+00, v1;
	v57 =	vadd.f32 v7, v3;
	v7 =	vld [tilespmem:s17+$0x2870]  }
0x137: {  	v21 =	vld [tilespmem:s18+$0xA30];
	[tilespmem:s17+$0x65E0] =	vst v53;
	v8 =	vmul.f32 v26, v8;
	v2 =	vmul.f32 v2, v40  }
0x138: {  	v25 =	vld [tilespmem:s18+$0xA70];
	v13 =	vmul.f32 v43, v34;
	[tilespmem:s17+$0x65A0] =	vst v47;
	(erf) = vpow2.f32 v1  }
0x139: {  	v59 =	vmul.f32 v63, v61;
	v61 =	vld [tilespmem:s18+$0xA50];
	[tilespmem:s17+$0x65F0] =	vst v8;
	v3 =	vmul.f32 v16, v9  }
0x13a: {  	v63 =	vld [tilespmem:s18+$0xA60];
	[tilespmem:s17+$0x6600] =	vst v20;
	v24 =	vmul.f32 v51, v49;
	v62 =	vperm.xlane v57, v5;
	v27 =	vpop (erf)  }
0x13b: {  	[tilespmem:s17+$0x6610] =	vst v28;
	v2 =	vadd.f32 v2, v3;
	v7 =	vmul.f32 v7, v56;
	v11 =	vnsel vm1, $0x0, v27  }
0x13c: {  	v30 =	vmul.f32 v58, v21;
	v3 =	vadd.f32 v13, v59;
	v1 =	vadd.f32 v57, v62;
	[tilespmem:s17+$0x8680] =	vst v11  }
0x13d: {  	v0 =	vmul.f32 v25, v58;
	[tilespmem:s17+$0x6620] =	vst v29;
	v4 =	vadd.f32 v24, v4;
	v6 =	vadd.f32 v7, v6;
	v7 =	vld [tilespmem:s18+$0xA80]  }
0x13e: {  	[tilespmem:s17+$0x6630] =	vst v30;
	v2 =	vadd.f32 v3, v2;
	v32 =	vperm.xlane v11, v5;
	v1 =	vmax.f32 v1, $-5.000000000e+00;
	v3 =	vld [tilespmem:s18+$0xA90]  }
0x13f: {  	[tilespmem:s17+$0x6640] =	vst v31;
	v33 =	vmul.f32 v58, v61;
	v1 =	vmin.f32 v1, $5.000000000e+00;
	v4 =	vadd.f32 v6, v4;
	v6 =	vld [tilespmem:s18+$0xAA0]  }
0x140: {  	[tilespmem:s17+$0x6670] =	vst v0;
	v34 =	vmul.f32 v58, v63;
	v35 =	vld [tilespmem:s18+$0xAB0];
	v11 =	vadd.f32 v11, v32;
	v1 =	vmul.f32 $1.442695020e+00, v1  }
0x141: {  	[tilespmem:s17+$0x6650] =	vst v33;
	v36 =	vld [tilespmem:s18+$0xAC0];
	v37 =	vpop (erf);
	v2 =	vadd.f32 v4, v2  }
0x142: {  	[tilespmem:s17+$0x6660] =	vst v34;
	v38 =	vld [tilespmem:s18+$0xAE0];
	(erf) = vpow2.f32 v1;
	v9 =	vnsel vm1, $0x0, v37;
	v7 =	vmul.f32 v11, v7  }
0x143: {  	v40 =	vld [tilespmem:s18+$0xAF0];
	v3 =	vmul.f32 v11, v3;
	[tilespmem:s17+$0x8700] =	vst v9;
	v39 =	vperm.xlane v2, v5  }
0x144: {  	v4 =	vld [tilespmem:s18+$0xAD0];
	[tilespmem:s17+$0x6680] =	vst v7;
	v6 =	vmul.f32 v11, v6  }
0x145: {  	v41 =	vmul.f32 v11, v35;
	v7 =	vld [tilespmem:s18+$0xB00];
	[tilespmem:s17+$0x6690] =	vst v3;
	v1 =	vadd.f32 v2, v39  }
0x146: {  	v42 =	vperm.xlane v9, v5;
	v43 =	vld [tilespmem:s18+$0xB20];
	[tilespmem:s17+$0x66A0] =	vst v6;
	v6 =	vmul.f32 v11, v36  }
0x147: {  	v0 =	vmul.f32 v11, v38;
	v3 =	vld [tilespmem:s18+$0xB10];
	[tilespmem:s17+$0x66B0] =	vst v41;
	v1 =	vmax.f32 v1, $-5.000000000e+00  }
0x148: {  	v46 =	vmul.f32 v40, v11;
	v48 =	vld [tilespmem:s18+$0xB60];
	v1 =	vmin.f32 v1, $5.000000000e+00;
	[tilespmem:s17+$0x66C0] =	vst v6;
	v6 =	vadd.f32 v9, v42  }
0x149: {  	[tilespmem:s17+$0x66E0] =	vst v0;
	v44 =	vmul.f32 v11, v4;
	v4 =	vld [tilespmem:s18+$0xB30];
	v1 =	vmul.f32 $1.442695020e+00, v1  }
0x14a: {  	v45 =	vld [tilespmem:s18+$0xB40];
	[tilespmem:s17+$0x66F0] =	vst v46;
	v7 =	vmul.f32 v6, v7  }
0x14b: {  	v47 =	vld [tilespmem:s18+$0xB50];
	[tilespmem:s17+$0x66D0] =	vst v44;
	v49 =	vpop (erf);
	(erf) = vpow2.f32 v1  }
0x14c: {  	v50 =	vld [tilespmem:s18+$0xB70];
	v3 =	vmul.f32 v6, v3;
	v1 =	vnsel vm1, $0x0, v49;
	[tilespmem:s17+$0x6700] =	vst v7  }
0x14d: {  	v0 =	vmul.f32 v6, v48;
	[tilespmem:s17+$0x8780] =	vst v1  }
0x14e: {  	v7 =	vmul.f32 v6, v43;
	[tilespmem:s17+$0x6710] =	vst v3;
	v3 =	vmul.f32 v6, v4;
	v4 =	vld [tilespmem:s18+$0xB80]  }
0x14f: {  	v52 =	vperm.xlane v1, v5;
	[tilespmem:s17+$0x6760] =	vst v0;
	v51 =	vld [tilespmem:s18+$0xB90]  }
0x150: {  	v53 =	vld [tilespmem:s18+$0xBA0];
	[tilespmem:s17+$0x6720] =	vst v7;
	v7 =	vmul.f32 v6, v45  }
0x151: {  	v54 =	vld [tilespmem:s18+$0xBD0];
	[tilespmem:s17+$0x6730] =	vst v3;
	v3 =	vmul.f32 v6, v47;
	v1 =	vadd.f32 v1, v52  }
0x152: {  	v2 =	vmul.f32 v50, v6;
	[tilespmem:s17+$0x6740] =	vst v7;
	v7 =	vld [tilespmem:s18+$0xBB0]  }
0x153: {  	[tilespmem:s17+$0x6750] =	vst v3;
	v3 =	vld [tilespmem:s18+$0xBC0];
	v4 =	vmul.f32 v1, v4  }
0x154: {  	[tilespmem:s17+$0x6770] =	vst v2;
	v55 =	vld [tilespmem:s18+$0xBE0];
	v6 =	vpop (erf)  }
0x155: {  	v56 =	vld [tilespmem:s18+$0xBF0];
	v8 =	vmul.f32 v1, v51;
	[tilespmem:s17+$0x6780] =	vst v4;
	v6 =	vnsel vm1, $0x0, v6  }
0x156: {  	v4 =	vmul.f32 v1, v53;
	[tilespmem:s17+$0x8800] =	vst v6  }
0x157: {  	[tilespmem:s17+$0x6790] =	vst v8;
	v7 =	vmul.f32 v1, v7;
	v57 =	vld [tilespmem:s18+$0xC00]  }
0x158: {  	v3 =	vmul.f32 v1, v3;
	[tilespmem:s17+$0x67A0] =	vst v4;
	v4 =	vperm.xlane v6, v5;
	v58 =	vld [tilespmem:s18+$0xC10]  }
0x159: {  	v0 =	vmul.f32 v1, v54;
	[tilespmem:s17+$0x67B0] =	vst v7;
	v7 =	vld [tilespmem:s18+$0xC30]  }
0x15a: {  	v2 =	vmul.f32 v1, v55;
	[tilespmem:s17+$0x67C0] =	vst v3;
	v61 =	vld [tilespmem:s18+$0xC50];
	v3 =	vadd.f32 v6, v4  }
0x15b: {  	v60 =	vmul.f32 v56, v1;
	[tilespmem:s17+$0x67D0] =	vst v0;
	v62 =	vld [tilespmem:s18+$0xC60]  }
0x15c: {  	[tilespmem:s17+$0x67E0] =	vst v2;
	v63 =	vld [tilespmem:s18+$0xC70];
	v6 =	vmul.f32 v3, v57  }
0x15d: {  	[tilespmem:s17+$0x67F0] =	vst v60;
	v4 =	vld [tilespmem:s18+$0xC40];
	v8 =	vmul.f32 v3, v58  }
0x15e: {  	v59 =	vld [tilespmem:s18+$0xC20];
	v7 =	vmul.f32 v3, v7;
	[tilespmem:s17+$0x6800] =	vst v6  }
0x15f: {  	v1 =	vmul.f32 v3, v61;
	[tilespmem:s17+$0x6810] =	vst v8  }
0x160: {  	p0 =	slt.u32 s23, $0x18;
	v2 =	vmul.f32 v3, v62;
	[tilespmem:s17+$0x6830] =	vst v7  }
.Ltmp1:
0x161: {  	v0 =	vmul.f32 v63, v3;
	[tilespmem:s17+$0x6850] =	vst v1;
	(pc) =	sbr.rel @p0 .LBB2_5-.Ltmp1, $4  }
0x162: {  	v4 =	vmul.f32 v3, v4;
	[tilespmem:s17+$0x6860] =	vst v2  }
0x163: {  	v6 =	vmul.f32 v3, v59;
	[tilespmem:s17+$0x6870] =	vst v0  }
0x164: {  	s19 =	sadd.s32 $0x8, s23;
	[tilespmem:s17+$0x6840] =	vst v4  }
0x165: {  	s23 =	smov.u32 s19;
	[tilespmem:s17+$0x6820] =	vst v6  }
0x166: {  	v0 =	vld [tilespmem:$0x200]  }
0x167: {  	v16 =	vld [tilespmem:$0x1FFE0]  }
0x168: {  	v17 =	vld [tilespmem:$0x1FF00]  }
0x169: {  	v3 =	vld [tilespmem:$0x210]  }
0x16a: {  	v18 =	vld [tilespmem:$0x1FF10]  }
0x16b: {  	v19 =	vld [tilespmem:$0x1FF20]  }
0x16c: {  	v20 =	vld [tilespmem:$0x1FF30]  }
0x16d: {  	v21 =	vld [tilespmem:$0x1FF40]  }
0x16e: {  	v22 =	vld [tilespmem:$0x1FF50]  }
0x16f: {  	v23 =	vld [tilespmem:$0x1FF60]  }
0x170: {  	v24 =	vld [tilespmem:$0x1FF70]  }
0x171: {  	v25 =	vld [tilespmem:$0x1FF80]  }
0x172: {  	v26 =	vld [tilespmem:$0x1FF90]  }
0x173: {  	v27 =	vld [tilespmem:$0x1FFA0]  }
0x174: {  	v28 =	vld [tilespmem:$0x1FFB0]  }
0x175: {  	v29 =	vld [tilespmem:$0x1FFC0]  }
0x176: {  	v30 =	vld [tilespmem:$0x1FFD0];
	v1 =	vshrl.u32 v0, $0x4  }
0x177: {  	v46 =	vld [tilespmem:$0x1FFF0];
	[tilespmem:$0x400] =	vst v1  }
0x178: {  	v1 =	vld.idx.msk [tilespmem:v16+s12+$0x0], $0xffff  }
0x179: {  	v2 =	vld.idx.msk [tilespmem:v17+s12+$0x0], $0xffff  }
0x17a: {  	v0 =	vshll.u32 v0, $0x3;
	v4 =	vld.idx.msk [tilespmem:v18+s12+$0x0], $0xffff  }
0x17b: {  	v0 =	vand.u32 $0x78, v0;
	v6 =	vld.idx.msk [tilespmem:v19+s12+$0x0], $0xffff  }
0x17c: {  	v7 =	vor.u32 v16, v0;
	v8 =	vld.idx.msk [tilespmem:v20+s12+$0x0], $0xffff  }
0x17d: {  	v9 =	vor.u32 v17, v0;
	v10 =	vld.idx.msk [tilespmem:v21+s12+$0x0], $0xffff  }
0x17e: {  	v14 =	vshrl.u32 v3, $0x4;
	v11 =	vor.u32 v18, v0;
	v12 =	vld.idx.msk [tilespmem:v22+s12+$0x0], $0xffff  }
0x17f: {  	[tilespmem:$0x410] =	vst v14;
	v13 =	vor.u32 v19, v0;
	v15 =	vld.idx.msk [tilespmem:v23+s12+$0x0], $0xffff  }
0x180: {  	v3 =	vshll.u32 v3, $0x3;
	v35 =	vor.u32 v20, v0;
	v38 =	vld.idx.msk [tilespmem:v25+s12+$0x0], $0xffff  }
0x181: {  	v3 =	vand.u32 $0x78, v3;
	v36 =	vor.u32 v21, v0;
	v40 =	vld.idx.msk [tilespmem:v28+s12+$0x0], $0xffff;
	[tilespmem:v7+s26+$0x0] =	vst.idx.msk $0xffff, v1  }
0x182: {  	v39 =	vor.u32 v24, v3;
	v7 =	vld.idx.msk [tilespmem:v24+s12+$0x0], $0xffff;
	[tilespmem:v9+s26+$0x0] =	vst.idx.msk $0xffff, v2  }
0x183: {  	v37 =	vor.u32 v22, v0;
	v42 =	vld.idx.msk [tilespmem:v29+s12+$0x0], $0xffff;
	[tilespmem:v11+s26+$0x0] =	vst.idx.msk $0xffff, v4  }
0x184: {  	v41 =	vor.u32 v25, v3;
	v44 =	vld.idx.msk [tilespmem:v30+s12+$0x0], $0xffff;
	[tilespmem:v13+s26+$0x0] =	vst.idx.msk $0xffff, v6  }
0x185: {  	v0 =	vor.u32 v23, v0;
	v47 =	vld.idx.msk [tilespmem:v46+s12+$0x0], $0xffff;
	[tilespmem:v35+s26+$0x0] =	vst.idx.msk $0xffff, v8  }
0x186: {  	v43 =	vor.u32 v26, v3;
	v4 =	vld.idx.msk [tilespmem:v26+s12+$0x0], $0xffff;
	[tilespmem:v36+s26+$0x0] =	vst.idx.msk $0xffff, v10  }
0x187: {  	v45 =	vor.u32 v27, v3;
	v6 =	vld.idx.msk [tilespmem:v27+s12+$0x0], $0xffff;
	[tilespmem:v39+s26+$0x0] =	vst.idx.msk $0xffff, v7  }
0x188: {  	v48 =	vor.u32 v28, v3;
	[tilespmem:v37+s26+$0x0] =	vst.idx.msk $0xffff, v12  }
0x189: {  	v7 =	vor.u32 v29, v3;
	[tilespmem:v41+s26+$0x0] =	vst.idx.msk $0xffff, v38  }
0x18a: {  	v49 =	vor.u32 v30, v3;
	[tilespmem:v0+s26+$0x0] =	vst.idx.msk $0xffff, v15  }
0x18b: {  	v3 =	vor.u32 v46, v3;
	[tilespmem:v43+s26+$0x0] =	vst.idx.msk $0xffff, v4  }
0x18c: {  	[tilespmem:v45+s26+$0x0] =	vst.idx.msk $0xffff, v6  }
0x18d: {  	[tilespmem:v48+s26+$0x0] =	vst.idx.msk $0xffff, v40  }
0x18e: {  	[tilespmem:v7+s26+$0x0] =	vst.idx.msk $0xffff, v42  }
0x18f: {  	[tilespmem:v49+s26+$0x0] =	vst.idx.msk $0xffff, v44  }
0x190: {  	s17 =	simm.s32 $0x200;
	[tilespmem:v3+s26+$0x0] =	vst.idx.msk $0xffff, v47  }
0x191: {  	[spmem:s2] =	stream.indirect.scatter.add.f32 [tilespmem:s0], [sflag:$0x3], $0x80, s17, s13, $0xb8;
	[tilespmem:$0x1E480] =	vst v63  }
0x192: {  	_ = 	snop  }
0x193: {  	[spmem:s4] =	stream.indirect.scatter.add.f32 [tilespmem:s26], [sflag:$0x8], $0x80, s9, s13, $0xb8;
	[tilespmem:$0x1E480] =	vst v63  }
0x194: {  	_ =	swait.ge [sflag:s28], $0x1000  }
0x195: {  	[sflag:s28] =	ssyncset.done $0x0  }
0x196: {  	[sflag:s28] =	ssyncadd.s32 $0xFFFFF000  }
0x197: {  	v50 =	vld [tilespmem:$0x200];
	_ =	sdelay $0x4  }
0x198: {  	v0 =	vshll.u32 v50, $0x3  }
0x199: {  	v0 =	vand.u32 $0x78, v0  }
0x19a: {  	v51 =	vor.u32 v16, v0  }
0x19b: {  	v3 =	vld [tilespmem:$0x210];
	v52 =	vor.u32 v17, v0  }
0x19c: {  	v4 =	vor.u32 v18, v0  }
0x19d: {  	v6 =	vor.u32 v19, v0  }
0x19e: {  	v53 =	vimm.f32 $0.0e+00;
	v7 =	vor.u32 v20, v0  }
0x19f: {  	v54 =	vor.u32 v21, v0;
	[tilespmem:v51+s26+$0x0] =	vst.idx.msk $0xffff, v53  }
0x1a0: {  	v3 =	vshll.u32 v3, $0x3;
	v55 =	vor.u32 v22, v0;
	[tilespmem:v52+s26+$0x0] =	vst.idx.msk $0xffff, v53  }
0x1a1: {  	v3 =	vand.u32 $0x78, v3;
	v0 =	vor.u32 v23, v0;
	[tilespmem:v4+s26+$0x0] =	vst.idx.msk $0xffff, v53  }
0x1a2: {  	v4 =	vor.u32 v24, v3;
	[tilespmem:v6+s26+$0x0] =	vst.idx.msk $0xffff, v53  }
0x1a3: {  	v6 =	vor.u32 v25, v3;
	[tilespmem:v7+s26+$0x0] =	vst.idx.msk $0xffff, v53  }
0x1a4: {  	v56 =	vor.u32 v26, v3;
	[tilespmem:v54+s26+$0x0] =	vst.idx.msk $0xffff, v53  }
0x1a5: {  	v57 =	vor.u32 v27, v3;
	[tilespmem:v55+s26+$0x0] =	vst.idx.msk $0xffff, v53  }
0x1a6: {  	v58 =	vor.u32 v28, v3;
	[tilespmem:v0+s26+$0x0] =	vst.idx.msk $0xffff, v53  }
0x1a7: {  	[tilespmem:v4+s26+$0x0] =	vst.idx.msk $0xffff, v53;
	v4 =	vor.u32 v29, v3  }
0x1a8: {  	[tilespmem:v6+s26+$0x0] =	vst.idx.msk $0xffff, v53;
	v6 =	vor.u32 v30, v3  }
0x1a9: {  	v59 =	vor.u32 v46, v3;
	[tilespmem:v56+s26+$0x0] =	vst.idx.msk $0xffff, v53  }
0x1aa: {  	[tilespmem:v57+s26+$0x0] =	vst.idx.msk $0xffff, v53  }
0x1ab: {  	[tilespmem:v58+s26+$0x0] =	vst.idx.msk $0xffff, v53  }
0x1ac: {  	[tilespmem:v4+s26+$0x0] =	vst.idx.msk $0xffff, v53  }
0x1ad: {  	[tilespmem:v6+s26+$0x0] =	vst.idx.msk $0xffff, v53  }
0x1ae: {  	[tilespmem:v59+s26+$0x0] =	vst.idx.msk $0xffff, v53  }
0x1af: {  	_ =	swait.ge [sflag:s10], $0x2000  }
0x1b0: {  	[sflag:s10] =	ssyncset.done $0x0  }
0x1b1: {  	[sflag:s10] =	ssyncadd.s32 $0xFFFFE000  }
0x1b2: {  	_ =	swait.ge [sflag:s10], $0x1000  }
0x1b3: {  	[sflag:s10] =	ssyncset.done $0x0  }
0x1b4: {  	[sflag:s10] =	ssyncadd.s32 $0xFFFFF000  }
0x1b5: {  	_ =	swait.ge [sflag:s11], $0x20  }
0x1b6: {  	[sflag:s11] =	ssyncset.done $0x0  }
0x1b7: {  	[sflag:s11] =	ssyncadd.s32 $0xFFFFFFE0  }
0x1b8: {  	_ =	swait.ge [sflag:s11], $0x20  }
0x1b9: {  	[sflag:s11] =	ssyncset.done $0x0  }
0x1ba: {  	[sflag:s11] =	ssyncadd.s32 $0xFFFFFFE0  }
0x1bb: {  	v60 =	vld [tilespmem:$0x100];
	_ =	sdelay $0x2  }
0x1bc: {  	v62 =	vld [tilespmem:$0x1FED0]  }
0x1bd: {  	v3 =	vld [tilespmem:$0x1FEE0]  }
0x1be: {  	v4 =	vld [tilespmem:$0x1FEF0];
	v61 =	vshll.u32 v60, $0x1  }
0x1bf: {  	v0 =	vand.u32 $0x7, v60;
	v1 =	vand.u32 $0xFFFFFFF0, v61  }
0x1c0: {  	v0 =	vor.u32 v0, v1  }
0x1c1: {  	v1 =	vperm.xlane v0, v62;
	_ =	sdelay $0x1  }
0x1c2: {  	v0 =	vperm.xlane v0, v4;
	v1 =	vadd.s32 v3, v1;
	_ =	sdelay $0x1  }
0x1c3: {  	v0 =	vadd.s32 v3, v0;
	_ =	sdelay $0x1  }
0x1c4: {  	s19 =	simm.s32 $0x480  }
0x1c5: {  	[tilespmem:s19], [sflag:$0x1] =	stream.indirect_vreg.gather [hbm4b:s6+s5], $0x80, v1, vm0, $0xb8;
	[tilespmem:$0x1E480] =	vst v63  }
0x1c6: {  	s23 =	simm.s32 $0xC80  }
0x1c7: {  	[tilespmem:s23], [sflag:$0x1] =	stream.indirect_vreg.gather [hbm4b:s6+s5], $0x80, v0, vm0, $0xb8;
	[tilespmem:$0x1E480] =	vst v63  }
0x1c8: {  	v0 =	vld [tilespmem:$0x110];
	_ =	sdelay $0x4  }
0x1c9: {  	v63 =	vshll.u32 v0, $0x1  }
0x1ca: {  	v0 =	vand.u32 $0x7, v0;
	v1 =	vand.u32 $0xFFFFFFF0, v63  }
0x1cb: {  	v0 =	vor.u32 v0, v1  }
0x1cc: {  	v1 =	vperm.xlane v0, v62;
	_ =	sdelay $0x1  }
0x1cd: {  	v0 =	vperm.xlane v0, v4;
	v1 =	vadd.s32 v3, v1;
	_ =	sdelay $0x1  }
0x1ce: {  	v0 =	vadd.s32 v3, v0;
	_ =	sdelay $0x1  }
0x1cf: {  	s18 =	simm.s32 $0x1480  }
0x1d0: {  	[tilespmem:s18], [sflag:$0x1] =	stream.indirect_vreg.gather [hbm4b:s6+s5], $0x80, v1, vm0, $0xb8;
	[tilespmem:$0x1E480] =	vst v63  }
0x1d1: {  	s19 =	simm.s32 $0x1C80  }
0x1d2: {  	[tilespmem:s19], [sflag:$0x1] =	stream.indirect_vreg.gather [hbm4b:s6+s5], $0x80, v0, vm0, $0xb8;
	[tilespmem:$0x1E480] =	vst v63  }
0x1d3: {  	s23 =	simm.s32 $0x2480  }
0x1d4: {  	[tilespmem:s23], [sflag:$0x1] =	stream.indirect.gather [hbm4b:s1+s13], $0x80, s3, s13, $0xb8;
	[tilespmem:$0x1E480] =	vst v63  }
0x1d5: {  	_ =	swait.ge [sflag:s14], $0x1000  }
0x1d6: {  	p0 =	seq.s32 s21, $0x4E;
	s17 =	rddreg [dreg:$0x11]  }
0x1d7: {  	s17 =	sadd.s32 @!p0 s22, s17  }
0x1d8: {  	[sflag:s14] =	ssyncset.done $0x0;
	s17 =	sshrl.u32 @!p0 s17, $0x3  }
0x1d9: {  	s23 =	simm.s32 @!p0 $0x0;
	[sflag:s14] =	ssyncadd.s32 $0xFFFFF000;
	s18 =	sadd.s32 @!p0 s7, s17  }
0x1da: {  	[tilespmem:s23], [sflag:$0x4] =	stream.linear.gather @!p0 [hbm4b:s18+s23], $0x20, $0x38;
	[tilespmem:$0x1E480] =	vst v63  }
0x1db: {  	s17 =	sadd.s32 @!p0 s8, s17;
	s18 =	simm.s32 @!p0 $0x200  }
0x1dc: {  	[tilespmem:s18], [sflag:$0x4] =	stream.linear.gather @!p0 [hbm4b:s17+s23], $0x20, $0x38;
	[tilespmem:$0x1E480] =	vst v63  }
0x1dd: {  	s23 =	simm.s32 $0x0  }
.LBB2_7:
0x1de: {  	s17 =	sshll.u32 s23, $0x8  }
0x1df: {  	s18 =	sand.u32 $0x3FFFFF00, s17  }
0x1e0: {  	s17 =	sshll.u32 s23, $0x7;
	v0 =	vld [tilespmem:s18+$0x3480]  }
0x1e1: {  	v1 =	vld [tilespmem:s17+$0x5480]  }
0x1e2: {  	v2 =	vld [tilespmem:s18+$0x3490]  }
0x1e3: {  	v3 =	vld [tilespmem:s17+$0x5490]  }
0x1e4: {  	v4 =	vld [tilespmem:s18+$0x34A0]  }
0x1e5: {  	v6 =	vld [tilespmem:s17+$0x54A0]  }
0x1e6: {  	v7 =	vld [tilespmem:s18+$0x34B0]  }
0x1e7: {  	v8 =	vld [tilespmem:s17+$0x54B0]  }
0x1e8: {  	v9 =	vld [tilespmem:s18+$0x34C0]  }
0x1e9: {  	v10 =	vld [tilespmem:s17+$0x54C0]  }
0x1ea: {  	v11 =	vld [tilespmem:s18+$0x34D0]  }
0x1eb: {  	v12 =	vld [tilespmem:s17+$0x54D0]  }
0x1ec: {  	v13 =	vld [tilespmem:s18+$0x34E0]  }
0x1ed: {  	v14 =	vld [tilespmem:s17+$0x54E0]  }
0x1ee: {  	v15 =	vld [tilespmem:s18+$0x34F0]  }
0x1ef: {  	v16 =	vld [tilespmem:s17+$0x54F0]  }
0x1f0: {  	v17 =	vld [tilespmem:s18+$0x3500]  }
0x1f1: {  	v18 =	vld [tilespmem:s17+$0x5500]  }
0x1f2: {  	v19 =	vld [tilespmem:s18+$0x3510]  }
0x1f3: {  	v20 =	vld [tilespmem:s17+$0x5510]  }
0x1f4: {  	v21 =	vld [tilespmem:s18+$0x3520]  }
0x1f5: {  	v22 =	vld [tilespmem:s17+$0x5520]  }
0x1f6: {  	v23 =	vld [tilespmem:s18+$0x3530]  }
0x1f7: {  	v24 =	vld [tilespmem:s17+$0x5530]  }
0x1f8: {  	v25 =	vld [tilespmem:s18+$0x3540]  }
0x1f9: {  	v26 =	vld [tilespmem:s17+$0x5540]  }
0x1fa: {  	v27 =	vld [tilespmem:s18+$0x3550]  }
0x1fb: {  	v28 =	vld [tilespmem:s17+$0x5550]  }
0x1fc: {  	v29 =	vld [tilespmem:s18+$0x3560]  }
0x1fd: {  	v30 =	vld [tilespmem:s17+$0x5560]  }
0x1fe: {  	v31 =	vld [tilespmem:s18+$0x3570]  }
0x1ff: {  	v32 =	vld [tilespmem:s17+$0x5570]  }
0x200: {  	v33 =	vld [tilespmem:s18+$0x3580]  }
0x201: {  	v34 =	vld [tilespmem:s17+$0x5580]  }
0x202: {  	v35 =	vld [tilespmem:s18+$0x3590]  }
0x203: {  	v36 =	vld [tilespmem:s17+$0x5590]  }
0x204: {  	v42 =	vld [tilespmem:s18+$0x35A0]  }
0x205: {  	v43 =	vld [tilespmem:s18+$0x35B0]  }
0x206: {  	v46 =	vld [tilespmem:s17+$0x55B0]  }
0x207: {  	v50 =	vld [tilespmem:s17+$0x55C0]  }
0x208: {  	v53 =	vld [tilespmem:s18+$0x35D0]  }
0x209: {  	v56 =	vld [tilespmem:s17+$0x55D0]  }
0x20a: {  	v59 =	vld [tilespmem:s18+$0x35E0]  }
0x20b: {  	v61 =	vld [tilespmem:s17+$0x55E0]  }
0x20c: {  	v62 =	vld [tilespmem:s18+$0x35F0]  }
0x20d: {  	v63 =	vld [tilespmem:s18+$0x3600]  }
0x20e: {  	v37 =	vld [tilespmem:s18+$0x3650]  }
0x20f: {  	v38 =	vld [tilespmem:s17+$0x5650]  }
0x210: {  	v39 =	vld [tilespmem:s17+$0x5660]  }
0x211: {  	v40 =	vld [tilespmem:s17+$0x5670]  }
0x212: {  	v2 =	vmul.f32 v3, v2;
	v3 =	vmul.f32 v6, v4;
	v4 =	vld [tilespmem:s17+$0x55A0]  }
0x213: {  	v52 =	vmul.f32 v24, v23;
	v24 =	vld [tilespmem:s17+$0x5600]  }
0x214: {  	v54 =	vmul.f32 v26, v25;
	v26 =	vld [tilespmem:s17+$0x5610]  }
0x215: {  	v55 =	vmul.f32 v28, v27;
	v28 =	vld [tilespmem:s18+$0x3620]  }
0x216: {  	v58 =	vmul.f32 v32, v31;
	v31 =	vld [tilespmem:s17+$0x5620]  }
0x217: {  	v32 =	vld [tilespmem:s18+$0x3630]  }
0x218: {  	v57 =	vmul.f32 v30, v29;
	v29 =	vmul.f32 v34, v33;
	v34 =	vld [tilespmem:s17+$0x5630]  }
0x219: {  	v30 =	vmul.f32 v36, v35;
	v35 =	vld [tilespmem:s18+$0x3640]  }
0x21a: {  	v49 =	vmul.f32 v20, v19;
	v19 =	vld [tilespmem:s18+$0x3690]  }
0x21b: {  	v20 =	vld [tilespmem:s17+$0x5690]  }
0x21c: {  	v0 =	vmul.f32 v1, v0;
	v33 =	vmul.f32 v56, v53;
	v53 =	vld [tilespmem:s18+$0x3720]  }
0x21d: {  	v6 =	vmul.f32 v8, v7;
	v7 =	vmul.f32 v10, v9;
	v56 =	vld [tilespmem:s17+$0x5730]  }
0x21e: {  	v44 =	vmul.f32 v12, v11;
	v12 =	vmul.f32 v61, v59;
	v59 =	vld [tilespmem:s18+$0x3750]  }
0x21f: {  	v45 =	vmul.f32 v14, v13;
	v47 =	vmul.f32 v16, v15;
	v61 =	vld [tilespmem:s18+$0x3760]  }
0x220: {  	v51 =	vmul.f32 v22, v21;
	v0 =	vadd.f32 v2, v0;
	v48 =	vadd.f32 v6, v3;
	v3 =	vld [tilespmem:s18+$0x35C0]  }
0x221: {  	v6 =	vadd.f32 v44, v7;
	v7 =	vmul.f32 v18, v17;
	v10 =	vadd.f32 v47, v45;
	v18 =	vld [tilespmem:s17+$0x5680]  }
0x222: {  	v60 =	vadd.f32 v52, v51;
	v51 =	vld [tilespmem:s18+$0x3710]  }
0x223: {  	v52 =	vld [tilespmem:s17+$0x5710];
	v0 =	vadd.f32 v48, v0;
	v6 =	vadd.f32 v10, v6  }
0x224: {  	v2 =	vadd.f32 v55, v54;
	v54 =	vld [tilespmem:s17+$0x5720]  }
0x225: {  	v0 =	vadd.f32 v6, v0;
	v6 =	vld [tilespmem:s17+$0x55F0]  }
0x226: {  	v55 =	vld [tilespmem:s18+$0x3730]  }
0x227: {  	v36 =	vadd.f32 v30, v29;
	v48 =	vld [tilespmem:s17+$0x56F0];
	v1 =	vmul.f32 v4, v42  }
0x228: {  	v7 =	vadd.f32 v49, v7;
	v49 =	vld [tilespmem:s18+$0x3700];
	v4 =	vmul.f32 v46, v43;
	v25 =	vperm.xlane v0, v5  }
0x229: {  	v10 =	vadd.f32 v58, v57;
	v57 =	vld [tilespmem:s18+$0x3740];
	v42 =	vmul.f32 v31, v28;
	v8 =	vmul.f32 v34, v32  }
0x22a: {  	v58 =	vld [tilespmem:s17+$0x5740];
	v3 =	vmul.f32 v50, v3;
	v0 =	vadd.f32 v0, v25;
	v6 =	vmul.f32 v6, v62  }
0x22b: {  	v19 =	vmul.f32 v20, v19;
	v20 =	vld [tilespmem:s17+$0x5770];
	v7 =	vadd.f32 v60, v7;
	v1 =	vadd.f32 v4, v1  }
0x22c: {  	v60 =	vld [tilespmem:s17+$0x5750];
	v3 =	vadd.f32 v33, v3;
	v0 =	vmax.f32 v0, $-5.000000000e+00;
	v6 =	vadd.f32 v6, v12  }
0x22d: {  	v2 =	vadd.f32 v10, v2;
	v4 =	vld [tilespmem:s17+$0x5640];
	v8 =	vadd.f32 v8, v42;
	v0 =	vmin.f32 v0, $5.000000000e+00  }
0x22e: {  	v42 =	vld [tilespmem:s17+$0x56C0];
	v1 =	vadd.f32 v1, v36;
	v0 =	vmul.f32 $1.442695020e+00, v0;
	v3 =	vadd.f32 v6, v3  }
0x22f: {  	v2 =	vadd.f32 v2, v7;
	v6 =	vld [tilespmem:s18+$0x3660]  }
0x230: {  	(erf) = vpow2.f32 v0;
	v1 =	vadd.f32 v3, v1;
	v3 =	vld [tilespmem:s18+$0x3670]  }
0x231: {  	v7 =	vld [tilespmem:s18+$0x3610];
	v27 =	vperm.xlane v2, v5  }
0x232: {  	v0 =	vmul.f32 v38, v37;
	v37 =	vld [tilespmem:s18+$0x36A0]  }
0x233: {  	v2 =	vadd.f32 v2, v27;
	v38 =	vld [tilespmem:s17+$0x56A0]  }
0x234: {  	v41 =	vperm.xlane v1, v5;
	v43 =	vmul.f32 v39, v6;
	v39 =	vld [tilespmem:s18+$0x36B0]  }
0x235: {  	v2 =	vmax.f32 v2, $-5.000000000e+00;
	v3 =	vmul.f32 v40, v3;
	v40 =	vld [tilespmem:s17+$0x56B0]  }
0x236: {  	v2 =	vmin.f32 v2, $5.000000000e+00;
	v1 =	vadd.f32 v1, v41;
	v41 =	vld [tilespmem:s18+$0x36C0]  }
0x237: {  	v50 =	vld [tilespmem:s17+$0x5700];
	v2 =	vmul.f32 $1.442695020e+00, v2  }
0x238: {  	v9 =	vmul.f32 v24, v63;
	v62 =	vld [tilespmem:s17+$0x5760];
	v4 =	vmul.f32 v4, v35  }
0x239: {  	v7 =	vmul.f32 v26, v7;
	(erf) = vpow2.f32 v2;
	v2 =	vadd.f32 v3, v43;
	v43 =	vld [tilespmem:s18+$0x36D0];
	v6 =	vpop (erf)  }
0x23a: {  	v37 =	vmul.f32 v38, v37;
	v6 =	vnsel vm1, $0x0, v6;
	v38 =	vmul.f32 v40, v39;
	v39 =	vld [tilespmem:s18+$0x3780]  }
0x23b: {  	v7 =	vadd.f32 v7, v9;
	v0 =	vadd.f32 v0, v4;
	[tilespmem:s17+$0x8480] =	vst v6;
	v40 =	vmul.f32 v42, v41;
	v42 =	vld [tilespmem:s17+$0x5780]  }
0x23c: {  	v3 =	vld [tilespmem:s18+$0x3880]  }
0x23d: {  	v4 =	vadd.f32 v8, v7;
	v0 =	vadd.f32 v2, v0;
	v2 =	vld [tilespmem:s18+$0x3890]  }
0x23e: {  	v7 =	vld [tilespmem:s18+$0x38A0]  }
0x23f: {  	v1 =	vmax.f32 v1, $-5.000000000e+00;
	v0 =	vadd.f32 v0, v4;
	v4 =	vld [tilespmem:s18+$0x38B0]  }
0x240: {  	v1 =	vmin.f32 v1, $5.000000000e+00;
	v8 =	vld [tilespmem:s18+$0x38C0]  }
0x241: {  	v1 =	vmul.f32 $1.442695020e+00, v1;
	v9 =	vld [tilespmem:s18+$0x38D0]  }
0x242: {  	v11 =	vld [tilespmem:s18+$0x38E0]  }
0x243: {  	(erf) = vpow2.f32 v1;
	v45 =	vpop (erf);
	v63 =	vperm.xlane v6, v5;
	v1 =	vld [tilespmem:s18+$0x38F0]  }
0x244: {  	v10 =	vnsel vm1, $0x0, v45;
	v45 =	vld [tilespmem:s18+$0x36E0]  }
0x245: {  	v6 =	vadd.f32 v6, v63;
	v63 =	vadd.f32 v38, v37;
	v37 =	vld [tilespmem:s17+$0x5790]  }
0x246: {  	[tilespmem:s17+$0x8500] =	vst v10;
	v38 =	vld [tilespmem:s18+$0x37B0]  }
0x247: {  	v12 =	vld [tilespmem:s18+$0x3900]  }
0x248: {  	v13 =	vld [tilespmem:s18+$0x3910]  }
0x249: {  	v14 =	vld [tilespmem:s18+$0x3920]  }
0x24a: {  	v44 =	vperm.xlane v0, v5;
	v15 =	vld [tilespmem:s18+$0x3930]  }
0x24b: {  	v16 =	vld [tilespmem:s18+$0x3940]  }
0x24c: {  	v0 =	vadd.f32 v0, v44;
	v44 =	vld [tilespmem:s17+$0x56D0]  }
0x24d: {  	v35 =	vld [tilespmem:s18+$0x3950]  }
0x24e: {  	v17 =	vld [tilespmem:s18+$0x3960];
	v0 =	vmax.f32 v0, $-5.000000000e+00  }
0x24f: {  	v36 =	vld [tilespmem:s18+$0x3970];
	v0 =	vmin.f32 v0, $5.000000000e+00;
	v46 =	vpop (erf)  }
0x250: {  	v0 =	vmul.f32 $1.442695020e+00, v0;
	v34 =	vnsel vm1, $0x0, v46;
	v46 =	vld [tilespmem:s17+$0x56E0]  }
0x251: {  	v41 =	vmul.f32 v44, v43;
	v44 =	vmul.f32 v50, v49;
	v50 =	vld [tilespmem:s18+$0x37D0]  }
0x252: {  	v49 =	vmul.f32 v54, v53;
	v53 =	vld [tilespmem:s18+$0x37E0]  }
0x253: {  	(erf) = vpow2.f32 v0;
	[tilespmem:s17+$0x8580] =	vst v34;
	v0 =	vld [tilespmem:s18+$0x3680]  }
0x254: {  	v32 =	vld [tilespmem:s18+$0x3980]  }
0x255: {  	v3 =	vmul.f32 v6, v3;
	v33 =	vld [tilespmem:s18+$0x3990]  }
0x256: {  	v2 =	vmul.f32 v6, v2;
	v7 =	vmul.f32 v6, v7;
	v30 =	vld [tilespmem:s18+$0x39A0]  }
0x257: {  	v4 =	vmul.f32 v6, v4;
	v8 =	vmul.f32 v6, v8;
	v31 =	vld [tilespmem:s18+$0x39B0]  }
0x258: {  	v9 =	vmul.f32 v6, v9;
	v11 =	vmul.f32 v6, v11;
	v29 =	vld [tilespmem:s18+$0x39C0]  }
0x259: {  	v1 =	vmul.f32 v1, v6;
	v6 =	vperm.xlane v10, v5;
	v28 =	vld [tilespmem:s18+$0x39D0]  }
0x25a: {  	v56 =	vmul.f32 v56, v55;
	v27 =	vld [tilespmem:s18+$0x39E0]  }
0x25b: {  	v6 =	vadd.f32 v10, v6;
	v26 =	vld [tilespmem:s18+$0x39F0]  }
0x25c: {  	v10 =	vadd.f32 v56, v49;
	v49 =	vld [tilespmem:s17+$0x57F0]  }
0x25d: {  	v56 =	vmul.f32 v6, v17;
	v17 =	vld [tilespmem:s18+$0x3810];
	v47 =	vpop (erf)  }
0x25e: {  	v54 =	vmul.f32 v6, v16;
	v25 =	vnsel vm1, $0x0, v47;
	v47 =	vld [tilespmem:s18+$0x36F0]  }
0x25f: {  	v0 =	vmul.f32 v18, v0;
	v18 =	vld [tilespmem:s18+$0x3770]  }
0x260: {  	[tilespmem:s17+$0x6540] =	vst v54;
	v54 =	vld [tilespmem:s17+$0x5860]  }
0x261: {  	[tilespmem:s17+$0x6560] =	vst v56;
	v56 =	vld [tilespmem:s18+$0x3870]  }
0x262: {  	v58 =	vmul.f32 v58, v57;
	v43 =	vmul.f32 v46, v45;
	v45 =	vld [tilespmem:s18+$0x3790]  }
0x263: {  	v61 =	vmul.f32 v62, v61;
	v46 =	vadd.f32 v41, v40;
	v41 =	vld [tilespmem:s18+$0x37A0];
	v48 =	vmul.f32 v48, v47  }
0x264: {  	[tilespmem:s17+$0x6480] =	vst v3;
	v3 =	vmul.f32 v60, v59;
	v40 =	vld [tilespmem:s17+$0x57B0];
	v62 =	vmul.f32 v20, v18  }
0x265: {  	[tilespmem:s17+$0x6490] =	vst v2;
	v0 =	vadd.f32 v19, v0;
	v19 =	vld [tilespmem:s18+$0x37C0];
	v47 =	vadd.f32 v48, v43  }
0x266: {  	v3 =	vadd.f32 v3, v58;
	v20 =	vld [tilespmem:s17+$0x57E0];
	[tilespmem:s17+$0x8600] =	vst v25;
	v2 =	vadd.f32 v62, v61  }
0x267: {  	[tilespmem:s17+$0x64A0] =	vst v7;
	v0 =	vadd.f32 v63, v0;
	v24 =	vld [tilespmem:s18+$0x3A00];
	v48 =	vadd.f32 v47, v46  }
0x268: {  	[tilespmem:s17+$0x64B0] =	vst v4;
	v7 =	vmul.f32 v6, v12;
	v4 =	vmul.f32 v6, v14;
	v2 =	vadd.f32 v2, v3;
	v3 =	vld [tilespmem:s17+$0x5800]  }
0x269: {  	v55 =	vmul.f32 v6, v35;
	v57 =	vmul.f32 v36, v6;
	v47 =	vld [tilespmem:s17+$0x57C0];
	v0 =	vadd.f32 v48, v0  }
0x26a: {  	[tilespmem:s17+$0x6500] =	vst v7;
	v7 =	vmul.f32 v42, v39;
	v46 =	vmul.f32 v52, v51;
	v52 =	vld [tilespmem:s17+$0x57D0]  }
0x26b: {  	v51 =	vmul.f32 v6, v15;
	v15 =	vld [tilespmem:s18+$0x3800];
	v63 =	vperm.xlane v0, v5  }
0x26c: {  	[tilespmem:s17+$0x6550] =	vst v55;
	v60 =	vmul.f32 v37, v45;
	v55 =	vperm.xlane v25, v5;
	v43 =	vld [tilespmem:s17+$0x57A0]  }
0x26d: {  	v23 =	vld [tilespmem:s18+$0x3A10];
	v62 =	vmul.f32 v40, v38;
	v42 =	vmul.f32 v20, v53;
	v0 =	vadd.f32 v0, v63  }
0x26e: {  	v61 =	vld [tilespmem:s17+$0x5820];
	v63 =	vadd.f32 v46, v44;
	v44 =	vmul.f32 v6, v13;
	v6 =	vperm.xlane v34, v5  }
0x26f: {  	[tilespmem:s17+$0x6530] =	vst v51;
	v51 =	vld [tilespmem:s17+$0x5850];
	v39 =	vmul.f32 v47, v19;
	v40 =	vmul.f32 v52, v50  }
0x270: {  	[tilespmem:s17+$0x6520] =	vst v4;
	v3 =	vmul.f32 v3, v15;
	v46 =	vld [tilespmem:s18+$0x37F0];
	v0 =	vmax.f32 v0, $-5.000000000e+00;
	v4 =	vadd.f32 v34, v6  }
0x271: {  	[tilespmem:s17+$0x64C0] =	vst v8;
	v10 =	vadd.f32 v10, v63;
	v6 =	vmul.f32 v43, v41;
	v63 =	vld [tilespmem:s18+$0x3830];
	v0 =	vmin.f32 v0, $5.000000000e+00  }
0x272: {  	[tilespmem:s17+$0x6510] =	vst v44;
	v41 =	vld [tilespmem:s17+$0x5830];
	v0 =	vmul.f32 $1.442695020e+00, v0;
	v44 =	vmul.f32 v4, v32  }
0x273: {  	[tilespmem:s17+$0x64D0] =	vst v9;
	v43 =	vld [tilespmem:s18+$0x3840];
	v58 =	vadd.f32 v2, v10;
	v45 =	vmul.f32 v4, v33;
	v47 =	vmul.f32 v4, v30  }
0x274: {  	[tilespmem:s17+$0x64E0] =	vst v11;
	v7 =	vadd.f32 v60, v7;
	v2 =	vld [tilespmem:s17+$0x5810];
	v48 =	vmul.f32 v4, v31;
	v50 =	vmul.f32 v4, v29  }
0x275: {  	[tilespmem:s17+$0x64F0] =	vst v1;
	v8 =	vadd.f32 v40, v39;
	v10 =	vld [tilespmem:s18+$0x3820];
	v13 =	vmul.f32 v49, v46;
	v59 =	vperm.xlane v58, v5  }
0x276: {  	[tilespmem:s17+$0x6570] =	vst v57;
	v6 =	vadd.f32 v62, v6;
	v52 =	vmul.f32 v4, v28;
	v46 =	vld [tilespmem:s17+$0x5840];
	(erf) = vpow2.f32 v0  }
0x277: {  	v53 =	vmul.f32 v4, v27;
	v49 =	vld [tilespmem:s18+$0x3850];
	[tilespmem:s17+$0x6580] =	vst v44;
	v9 =	vadd.f32 v13, v42;
	v0 =	vadd.f32 v58, v59  }
0x278: {  	v22 =	vld [tilespmem:s18+$0x3A20];
	v4 =	vmul.f32 v26, v4;
	v6 =	vadd.f32 v6, v7;
	[tilespmem:s17+$0x6590] =	vst v45;
	v62 =	vmul.f32 v41, v63  }
0x279: {  	v21 =	vld [tilespmem:s18+$0x3A30];
	[tilespmem:s17+$0x65A0] =	vst v47;
	v58 =	vadd.f32 v25, v55;
	v8 =	vadd.f32 v9, v8;
	v0 =	vmax.f32 v0, $-5.000000000e+00  }
0x27a: {  	v7 =	vld [tilespmem:s18+$0x3860];
	[tilespmem:s17+$0x65B0] =	vst v48;
	v2 =	vmul.f32 v2, v17;
	v59 =	vmul.f32 v61, v10;
	v0 =	vmin.f32 v0, $5.000000000e+00  }
0x27b: {  	[tilespmem:s17+$0x65C0] =	vst v50;
	v14 =	vmul.f32 v46, v43;
	v57 =	vadd.f32 v8, v6;
	v6 =	vld [tilespmem:s17+$0x5870];
	v0 =	vmul.f32 $1.442695020e+00, v0  }
0x27c: {  	v60 =	vld [tilespmem:s18+$0x3A40];
	[tilespmem:s17+$0x65F0] =	vst v4;
	v27 =	vmul.f32 v58, v24;
	v4 =	vmul.f32 v51, v49  }
0x27d: {  	v28 =	vld [tilespmem:s18+$0x3A70];
	[tilespmem:s17+$0x65D0] =	vst v52;
	v30 =	vmul.f32 v58, v23;
	(erf) = vpow2.f32 v0  }
0x27e: {  	[tilespmem:s17+$0x65E0] =	vst v53;
	v25 =	vld [tilespmem:s18+$0x3A60];
	v31 =	vmul.f32 v58, v22;
	v32 =	vmul.f32 v58, v21  }
0x27f: {  	v61 =	vld [tilespmem:s18+$0x3A50];
	v7 =	vmul.f32 v54, v7;
	[tilespmem:s17+$0x6600] =	vst v27;
	v63 =	vperm.xlane v57, v5;
	v29 =	vpop (erf)  }
0x280: {  	v2 =	vadd.f32 v2, v3;
	[tilespmem:s17+$0x6610] =	vst v30;
	v6 =	vmul.f32 v6, v56;
	v9 =	vnsel vm1, $0x0, v29  }
0x281: {  	v33 =	vmul.f32 v58, v60;
	v3 =	vadd.f32 v62, v59;
	v0 =	vadd.f32 v57, v63;
	[tilespmem:s17+$0x8680] =	vst v9  }
0x282: {  	v1 =	vmul.f32 v28, v58;
	v4 =	vadd.f32 v4, v14;
	[tilespmem:s17+$0x6620] =	vst v31;
	v6 =	vadd.f32 v6, v7;
	v7 =	vld [tilespmem:s18+$0x3A80]  }
0x283: {  	[tilespmem:s17+$0x6630] =	vst v32;
	v2 =	vadd.f32 v3, v2;
	v34 =	vperm.xlane v9, v5;
	v0 =	vmax.f32 v0, $-5.000000000e+00;
	v3 =	vld [tilespmem:s18+$0x3A90]  }
0x284: {  	[tilespmem:s17+$0x6640] =	vst v33;
	v35 =	vmul.f32 v58, v25;
	v0 =	vmin.f32 v0, $5.000000000e+00;
	v4 =	vadd.f32 v6, v4;
	v6 =	vld [tilespmem:s18+$0x3AA0]  }
0x285: {  	[tilespmem:s17+$0x6670] =	vst v1;
	v11 =	vmul.f32 v58, v61;
	v36 =	vld [tilespmem:s18+$0x3AB0];
	v9 =	vadd.f32 v9, v34;
	v0 =	vmul.f32 $1.442695020e+00, v0  }
0x286: {  	[tilespmem:s17+$0x6660] =	vst v35;
	v37 =	vld [tilespmem:s18+$0x3AC0];
	v2 =	vadd.f32 v4, v2;
	v38 =	vpop (erf)  }
0x287: {  	[tilespmem:s17+$0x6650] =	vst v11;
	v39 =	vld [tilespmem:s18+$0x3AE0];
	(erf) = vpow2.f32 v0;
	v7 =	vmul.f32 v9, v7;
	v8 =	vnsel vm1, $0x0, v38  }
0x288: {  	v41 =	vld [tilespmem:s18+$0x3AF0];
	v3 =	vmul.f32 v9, v3;
	v40 =	vperm.xlane v2, v5;
	[tilespmem:s17+$0x8700] =	vst v8  }
0x289: {  	v4 =	vld [tilespmem:s18+$0x3AD0];
	[tilespmem:s17+$0x6680] =	vst v7;
	v6 =	vmul.f32 v9, v6  }
0x28a: {  	v42 =	vmul.f32 v9, v36;
	[tilespmem:s17+$0x6690] =	vst v3;
	v7 =	vld [tilespmem:s18+$0x3B00];
	v0 =	vadd.f32 v2, v40  }
0x28b: {  	v43 =	vperm.xlane v8, v5;
	v3 =	vld [tilespmem:s18+$0x3B10];
	[tilespmem:s17+$0x66A0] =	vst v6;
	v6 =	vmul.f32 v9, v37  }
0x28c: {  	v1 =	vmul.f32 v9, v39;
	[tilespmem:s17+$0x66B0] =	vst v42;
	v44 =	vld [tilespmem:s18+$0x3B20];
	v0 =	vmax.f32 v0, $-5.000000000e+00  }
0x28d: {  	v47 =	vmul.f32 v41, v9;
	v49 =	vld [tilespmem:s18+$0x3B60];
	v0 =	vmin.f32 v0, $5.000000000e+00;
	[tilespmem:s17+$0x66C0] =	vst v6;
	v6 =	vadd.f32 v8, v43  }
0x28e: {  	[tilespmem:s17+$0x66E0] =	vst v1;
	v45 =	vmul.f32 v9, v4;
	v4 =	vld [tilespmem:s18+$0x3B30];
	v0 =	vmul.f32 $1.442695020e+00, v0  }
0x28f: {  	[tilespmem:s17+$0x66F0] =	vst v47;
	v46 =	vld [tilespmem:s18+$0x3B40];
	v7 =	vmul.f32 v6, v7  }
0x290: {  	v48 =	vld [tilespmem:s18+$0x3B50];
	[tilespmem:s17+$0x66D0] =	vst v45;
	v50 =	vpop (erf);
	(erf) = vpow2.f32 v0  }
0x291: {  	v51 =	vld [tilespmem:s18+$0x3B70];
	v3 =	vmul.f32 v6, v3;
	v0 =	vnsel vm1, $0x0, v50;
	[tilespmem:s17+$0x6700] =	vst v7  }
0x292: {  	v1 =	vmul.f32 v6, v49;
	[tilespmem:s17+$0x8780] =	vst v0  }
0x293: {  	v7 =	vmul.f32 v6, v44;
	[tilespmem:s17+$0x6710] =	vst v3;
	v3 =	vmul.f32 v6, v4;
	v4 =	vld [tilespmem:s18+$0x3B80]  }
0x294: {  	v53 =	vperm.xlane v0, v5;
	[tilespmem:s17+$0x6760] =	vst v1;
	v52 =	vld [tilespmem:s18+$0x3B90]  }
0x295: {  	v54 =	vld [tilespmem:s18+$0x3BA0];
	[tilespmem:s17+$0x6720] =	vst v7;
	v7 =	vmul.f32 v6, v46  }
0x296: {  	v55 =	vld [tilespmem:s18+$0x3BD0];
	[tilespmem:s17+$0x6730] =	vst v3;
	v3 =	vmul.f32 v6, v48;
	v0 =	vadd.f32 v0, v53  }
0x297: {  	v2 =	vmul.f32 v51, v6;
	[tilespmem:s17+$0x6740] =	vst v7;
	v7 =	vld [tilespmem:s18+$0x3BB0]  }
0x298: {  	[tilespmem:s17+$0x6750] =	vst v3;
	v3 =	vld [tilespmem:s18+$0x3BC0];
	v4 =	vmul.f32 v0, v4  }
0x299: {  	[tilespmem:s17+$0x6770] =	vst v2;
	v56 =	vld [tilespmem:s18+$0x3BE0];
	v6 =	vpop (erf)  }
0x29a: {  	v57 =	vld [tilespmem:s18+$0x3BF0];
	v8 =	vmul.f32 v0, v52;
	[tilespmem:s17+$0x6780] =	vst v4;
	v6 =	vnsel vm1, $0x0, v6  }
0x29b: {  	v4 =	vmul.f32 v0, v54;
	[tilespmem:s17+$0x8800] =	vst v6  }
0x29c: {  	[tilespmem:s17+$0x6790] =	vst v8;
	v7 =	vmul.f32 v0, v7;
	v58 =	vld [tilespmem:s18+$0x3C00]  }
0x29d: {  	v3 =	vmul.f32 v0, v3;
	[tilespmem:s17+$0x67A0] =	vst v4;
	v4 =	vperm.xlane v6, v5;
	v59 =	vld [tilespmem:s18+$0x3C10]  }
0x29e: {  	v1 =	vmul.f32 v0, v55;
	[tilespmem:s17+$0x67B0] =	vst v7;
	v7 =	vld [tilespmem:s18+$0x3C30]  }
0x29f: {  	v2 =	vmul.f32 v0, v56;
	[tilespmem:s17+$0x67C0] =	vst v3;
	v61 =	vld [tilespmem:s18+$0x3C50];
	v3 =	vadd.f32 v6, v4  }
0x2a0: {  	[tilespmem:s17+$0x67D0] =	vst v1;
	v0 =	vmul.f32 v57, v0;
	v62 =	vld [tilespmem:s18+$0x3C60]  }
0x2a1: {  	[tilespmem:s17+$0x67E0] =	vst v2;
	v63 =	vld [tilespmem:s18+$0x3C70];
	v6 =	vmul.f32 v3, v58  }
0x2a2: {  	[tilespmem:s17+$0x67F0] =	vst v0;
	v4 =	vld [tilespmem:s18+$0x3C40];
	v8 =	vmul.f32 v3, v59  }
0x2a3: {  	v60 =	vld [tilespmem:s18+$0x3C20];
	v7 =	vmul.f32 v3, v7;
	[tilespmem:s17+$0x6800] =	vst v6  }
0x2a4: {  	v1 =	vmul.f32 v3, v61;
	[tilespmem:s17+$0x6810] =	vst v8  }
0x2a5: {  	p1 =	slt.u32 s23, $0x18;
	v2 =	vmul.f32 v3, v62;
	[tilespmem:s17+$0x6830] =	vst v7  }
.Ltmp2:
0x2a6: {  	v0 =	vmul.f32 v63, v3;
	[tilespmem:s17+$0x6850] =	vst v1;
	(pc) =	sbr.rel @p1 .LBB2_7-.Ltmp2, $4  }
0x2a7: {  	v4 =	vmul.f32 v3, v4;
	[tilespmem:s17+$0x6860] =	vst v2  }
0x2a8: {  	v6 =	vmul.f32 v3, v60;
	[tilespmem:s17+$0x6870] =	vst v0  }
0x2a9: {  	s19 =	sadd.s32 $0x8, s23;
	[tilespmem:s17+$0x6840] =	vst v4  }
0x2aa: {  	s23 =	smov.u32 s19;
	[tilespmem:s17+$0x6820] =	vst v6  }
0x2ab: {  	v0 =	vld [tilespmem:$0x280]  }
0x2ac: {  	v16 =	vld [tilespmem:$0x1FFE0]  }
0x2ad: {  	v17 =	vld [tilespmem:$0x1FF00]  }
0x2ae: {  	v3 =	vld [tilespmem:$0x290]  }
0x2af: {  	v18 =	vld [tilespmem:$0x1FF10]  }
0x2b0: {  	v19 =	vld [tilespmem:$0x1FF20]  }
0x2b1: {  	v20 =	vld [tilespmem:$0x1FF30]  }
0x2b2: {  	v21 =	vld [tilespmem:$0x1FF40]  }
0x2b3: {  	v22 =	vld [tilespmem:$0x1FF50]  }
0x2b4: {  	v23 =	vld [tilespmem:$0x1FF60]  }
0x2b5: {  	v24 =	vld [tilespmem:$0x1FF70]  }
0x2b6: {  	v25 =	vld [tilespmem:$0x1FF80]  }
0x2b7: {  	v26 =	vld [tilespmem:$0x1FF90]  }
0x2b8: {  	v27 =	vld [tilespmem:$0x1FFA0]  }
0x2b9: {  	v28 =	vld [tilespmem:$0x1FFB0]  }
0x2ba: {  	v29 =	vld [tilespmem:$0x1FFC0]  }
0x2bb: {  	v30 =	vld [tilespmem:$0x1FFD0];
	v1 =	vshrl.u32 v0, $0x4  }
0x2bc: {  	v46 =	vld [tilespmem:$0x1FFF0];
	[tilespmem:$0x400] =	vst v1  }
0x2bd: {  	v1 =	vld.idx.msk [tilespmem:v16+s12+$0x0], $0xffff  }
0x2be: {  	v2 =	vld.idx.msk [tilespmem:v17+s12+$0x0], $0xffff  }
0x2bf: {  	v0 =	vshll.u32 v0, $0x3;
	v4 =	vld.idx.msk [tilespmem:v18+s12+$0x0], $0xffff  }
0x2c0: {  	v0 =	vand.u32 $0x78, v0;
	v6 =	vld.idx.msk [tilespmem:v19+s12+$0x0], $0xffff  }
0x2c1: {  	v7 =	vor.u32 v16, v0;
	v8 =	vld.idx.msk [tilespmem:v20+s12+$0x0], $0xffff  }
0x2c2: {  	v9 =	vor.u32 v17, v0;
	v10 =	vld.idx.msk [tilespmem:v21+s12+$0x0], $0xffff  }
0x2c3: {  	v14 =	vshrl.u32 v3, $0x4;
	v11 =	vor.u32 v18, v0;
	v12 =	vld.idx.msk [tilespmem:v22+s12+$0x0], $0xffff  }
0x2c4: {  	[tilespmem:$0x410] =	vst v14;
	v13 =	vor.u32 v19, v0;
	v15 =	vld.idx.msk [tilespmem:v23+s12+$0x0], $0xffff  }
0x2c5: {  	v3 =	vshll.u32 v3, $0x3;
	v35 =	vor.u32 v20, v0;
	v38 =	vld.idx.msk [tilespmem:v25+s12+$0x0], $0xffff  }
0x2c6: {  	v3 =	vand.u32 $0x78, v3;
	v36 =	vor.u32 v21, v0;
	v40 =	vld.idx.msk [tilespmem:v28+s12+$0x0], $0xffff;
	[tilespmem:v7+s26+$0x0] =	vst.idx.msk $0xffff, v1  }
0x2c7: {  	v39 =	vor.u32 v24, v3;
	v7 =	vld.idx.msk [tilespmem:v24+s12+$0x0], $0xffff;
	[tilespmem:v9+s26+$0x0] =	vst.idx.msk $0xffff, v2  }
0x2c8: {  	v37 =	vor.u32 v22, v0;
	v42 =	vld.idx.msk [tilespmem:v29+s12+$0x0], $0xffff;
	[tilespmem:v11+s26+$0x0] =	vst.idx.msk $0xffff, v4  }
0x2c9: {  	v41 =	vor.u32 v25, v3;
	v44 =	vld.idx.msk [tilespmem:v30+s12+$0x0], $0xffff;
	[tilespmem:v13+s26+$0x0] =	vst.idx.msk $0xffff, v6  }
0x2ca: {  	v0 =	vor.u32 v23, v0;
	v47 =	vld.idx.msk [tilespmem:v46+s12+$0x0], $0xffff;
	[tilespmem:v35+s26+$0x0] =	vst.idx.msk $0xffff, v8  }
0x2cb: {  	v43 =	vor.u32 v26, v3;
	v4 =	vld.idx.msk [tilespmem:v26+s12+$0x0], $0xffff;
	[tilespmem:v36+s26+$0x0] =	vst.idx.msk $0xffff, v10  }
0x2cc: {  	v45 =	vor.u32 v27, v3;
	v6 =	vld.idx.msk [tilespmem:v27+s12+$0x0], $0xffff;
	[tilespmem:v39+s26+$0x0] =	vst.idx.msk $0xffff, v7  }
0x2cd: {  	v48 =	vor.u32 v28, v3;
	[tilespmem:v37+s26+$0x0] =	vst.idx.msk $0xffff, v12  }
0x2ce: {  	v7 =	vor.u32 v29, v3;
	[tilespmem:v41+s26+$0x0] =	vst.idx.msk $0xffff, v38  }
0x2cf: {  	v49 =	vor.u32 v30, v3;
	[tilespmem:v0+s26+$0x0] =	vst.idx.msk $0xffff, v15  }
0x2d0: {  	v3 =	vor.u32 v46, v3;
	[tilespmem:v43+s26+$0x0] =	vst.idx.msk $0xffff, v4  }
0x2d1: {  	[tilespmem:v45+s26+$0x0] =	vst.idx.msk $0xffff, v6  }
0x2d2: {  	[tilespmem:v48+s26+$0x0] =	vst.idx.msk $0xffff, v40  }
0x2d3: {  	[tilespmem:v7+s26+$0x0] =	vst.idx.msk $0xffff, v42  }
0x2d4: {  	[tilespmem:v49+s26+$0x0] =	vst.idx.msk $0xffff, v44  }
0x2d5: {  	[tilespmem:v3+s26+$0x0] =	vst.idx.msk $0xffff, v47  }
0x2d6: {  	[spmem:s2] =	stream.indirect.scatter.add.f32 [tilespmem:s0], [sflag:$0x3], $0x80, s31, s13, $0xb8;
	[tilespmem:$0x1E480] =	vst v63  }
0x2d7: {  	_ = 	snop  }
0x2d8: {  	[spmem:s4] =	stream.indirect.scatter.add.f32 [tilespmem:s26], [sflag:$0x8], $0x80, s9, s13, $0xb8;
	[tilespmem:$0x1E480] =	vst v63  }
0x2d9: {  	_ =	swait.ge [sflag:s28], $0x1000  }
0x2da: {  	[sflag:s28] =	ssyncset.done $0x0  }
0x2db: {  	[sflag:s28] =	ssyncadd.s32 $0xFFFFF000  }
0x2dc: {  	v50 =	vld [tilespmem:$0x280];
	_ =	sdelay $0x4  }
0x2dd: {  	v0 =	vshll.u32 v50, $0x3  }
0x2de: {  	v0 =	vand.u32 $0x78, v0  }
0x2df: {  	v51 =	vor.u32 v16, v0  }
0x2e0: {  	v3 =	vld [tilespmem:$0x290];
	v52 =	vor.u32 v17, v0  }
0x2e1: {  	v4 =	vor.u32 v18, v0  }
0x2e2: {  	v6 =	vor.u32 v19, v0  }
0x2e3: {  	v53 =	vimm.f32 $0.0e+00;
	v7 =	vor.u32 v20, v0  }
0x2e4: {  	v54 =	vor.u32 v21, v0;
	[tilespmem:v51+s26+$0x0] =	vst.idx.msk $0xffff, v53  }
0x2e5: {  	v3 =	vshll.u32 v3, $0x3;
	v55 =	vor.u32 v22, v0;
	[tilespmem:v52+s26+$0x0] =	vst.idx.msk $0xffff, v53  }
0x2e6: {  	v3 =	vand.u32 $0x78, v3;
	v0 =	vor.u32 v23, v0;
	[tilespmem:v4+s26+$0x0] =	vst.idx.msk $0xffff, v53  }
0x2e7: {  	v4 =	vor.u32 v24, v3;
	[tilespmem:v6+s26+$0x0] =	vst.idx.msk $0xffff, v53  }
0x2e8: {  	v6 =	vor.u32 v25, v3;
	[tilespmem:v7+s26+$0x0] =	vst.idx.msk $0xffff, v53  }
0x2e9: {  	v56 =	vor.u32 v26, v3;
	[tilespmem:v54+s26+$0x0] =	vst.idx.msk $0xffff, v53  }
0x2ea: {  	v57 =	vor.u32 v27, v3;
	[tilespmem:v55+s26+$0x0] =	vst.idx.msk $0xffff, v53  }
0x2eb: {  	v58 =	vor.u32 v28, v3;
	[tilespmem:v0+s26+$0x0] =	vst.idx.msk $0xffff, v53  }
0x2ec: {  	[tilespmem:v4+s26+$0x0] =	vst.idx.msk $0xffff, v53;
	v4 =	vor.u32 v29, v3  }
0x2ed: {  	[tilespmem:v6+s26+$0x0] =	vst.idx.msk $0xffff, v53;
	v6 =	vor.u32 v30, v3  }
0x2ee: {  	v59 =	vor.u32 v46, v3;
	[tilespmem:v56+s26+$0x0] =	vst.idx.msk $0xffff, v53  }
0x2ef: {  	[tilespmem:v57+s26+$0x0] =	vst.idx.msk $0xffff, v53  }
0x2f0: {  	[tilespmem:v58+s26+$0x0] =	vst.idx.msk $0xffff, v53  }
0x2f1: {  	[tilespmem:v4+s26+$0x0] =	vst.idx.msk $0xffff, v53  }
0x2f2: {  	[tilespmem:v6+s26+$0x0] =	vst.idx.msk $0xffff, v53  }
0x2f3: {  	[tilespmem:v59+s26+$0x0] =	vst.idx.msk $0xffff, v53  }
0x2f4: {  	_ =	swait.ge [sflag:s15], $0x2000  }
0x2f5: {  	[sflag:s15] =	ssyncset.done $0x0  }
0x2f6: {  	[sflag:s15] =	ssyncadd.s32 $0xFFFFE000  }
0x2f7: {  	_ =	swait.ge [sflag:s15], $0x1000  }
0x2f8: {  	[sflag:s15] =	ssyncset.done $0x0  }
0x2f9: {  	[sflag:s15] =	ssyncadd.s32 $0xFFFFF000  }
0x2fa: {  	_ =	swait.ge [sflag:s29], $0x20  }
0x2fb: {  	[sflag:s29] =	ssyncset.done $0x0  }
0x2fc: {  	[sflag:s29] =	ssyncadd.s32 $0xFFFFFFE0  }
0x2fd: {  	_ =	swait.ge [sflag:s29], $0x20  }
0x2fe: {  	[sflag:s29] =	ssyncset.done $0x0  }
0x2ff: {  	[sflag:s29] =	ssyncadd.s32 $0xFFFFFFE0  }
0x300: {  	v60 =	vld [tilespmem:$0x180];
	_ =	sdelay $0x2  }
0x301: {  	v62 =	vld [tilespmem:$0x1FED0]  }
0x302: {  	v3 =	vld [tilespmem:$0x1FEE0]  }
0x303: {  	v4 =	vld [tilespmem:$0x1FEF0];
	v61 =	vshll.u32 v60, $0x1  }
0x304: {  	v0 =	vand.u32 $0x7, v60;
	v1 =	vand.u32 $0xFFFFFFF0, v61  }
0x305: {  	v0 =	vor.u32 v0, v1  }
0x306: {  	v1 =	vperm.xlane v0, v62;
	_ =	sdelay $0x1  }
0x307: {  	v0 =	vperm.xlane v0, v4;
	v1 =	vadd.s32 v3, v1;
	_ =	sdelay $0x1  }
0x308: {  	v0 =	vadd.s32 v3, v0;
	_ =	sdelay $0x1  }
0x309: {  	s17 =	simm.s32 $0x3480  }
0x30a: {  	[tilespmem:s17], [sflag:$0x2] =	stream.indirect_vreg.gather [hbm4b:s6+s5], $0x80, v1, vm0, $0xb8;
	[tilespmem:$0x1E480] =	vst v63  }
0x30b: {  	s19 =	simm.s32 $0x3C80  }
0x30c: {  	[tilespmem:s19], [sflag:$0x2] =	stream.indirect_vreg.gather [hbm4b:s6+s5], $0x80, v0, vm0, $0xb8;
	[tilespmem:$0x1E480] =	vst v63  }
0x30d: {  	v0 =	vld [tilespmem:$0x190];
	_ =	sdelay $0x4  }
0x30e: {  	v63 =	vshll.u32 v0, $0x1  }
0x30f: {  	v0 =	vand.u32 $0x7, v0;
	v1 =	vand.u32 $0xFFFFFFF0, v63  }
0x310: {  	v0 =	vor.u32 v0, v1  }
0x311: {  	v1 =	vperm.xlane v0, v62;
	_ =	sdelay $0x1  }
0x312: {  	v0 =	vperm.xlane v0, v4;
	v1 =	vadd.s32 v3, v1;
	_ =	sdelay $0x1  }
0x313: {  	v0 =	vadd.s32 v3, v0;
	_ =	sdelay $0x1  }
0x314: {  	s23 =	simm.s32 $0x4480  }
0x315: {  	[tilespmem:s23], [sflag:$0x2] =	stream.indirect_vreg.gather [hbm4b:s6+s5], $0x80, v1, vm0, $0xb8;
	[tilespmem:$0x1E480] =	vst v63  }
0x316: {  	_ = 	snop  }
0x317: {  	[tilespmem:s24], [sflag:$0x2] =	stream.indirect_vreg.gather [hbm4b:s6+s5], $0x80, v0, vm0, $0xb8;
	[tilespmem:$0x1E480] =	vst v63  }
0x318: {  	_ = 	snop  }
0x319: {  	[tilespmem:s25], [sflag:$0x2] =	stream.indirect.gather [hbm4b:s1+s13], $0x80, s30, s13, $0xb8;
	[tilespmem:$0x1E480] =	vst v63  }
0x31a: {  	_ =	swait.ge [sflag:s14], $0x1000  }
0x31b: {  	s17 =	rddreg [dreg:$0x12]  }
0x31c: {  	s17 =	sadd.s32 @!p0 s22, s17  }
0x31d: {  	s19 =	simm.s32 @!p0 $0x80;
	[sflag:s14] =	ssyncset.done $0x0;
	s17 =	sshrl.u32 @!p0 s17, $0x3  }
0x31e: {  	s23 =	simm.s32 @!p0 $0x0;
	[sflag:s14] =	ssyncadd.s32 $0xFFFFF000;
	s18 =	sadd.s32 @!p0 s7, s17  }
0x31f: {  	[tilespmem:s19], [sflag:$0x5] =	stream.linear.gather @!p0 [hbm4b:s18+s23], $0x20, $0x38;
	[tilespmem:$0x1E480] =	vst v63  }
0x320: {  	s17 =	sadd.s32 @!p0 s8, s17;
	s18 =	simm.s32 @!p0 $0x280  }
0x321: {  	[tilespmem:s18], [sflag:$0x5] =	stream.linear.gather @!p0 [hbm4b:s17+s23], $0x20, $0x38;
	[tilespmem:$0x1E480] =	vst v63  }
0x322: {  	s23 =	simm.s32 $0x0  }
.LBB2_9:
0x323: {  	s17 =	sshll.u32 s23, $0x8  }
0x324: {  	s18 =	sand.u32 $0x3FFFFF00, s17  }
0x325: {  	s17 =	sshll.u32 s23, $0x7;
	v0 =	vld [tilespmem:s18+$0x480]  }
0x326: {  	v1 =	vld [tilespmem:s17+$0x2480]  }
0x327: {  	v2 =	vld [tilespmem:s18+$0x490]  }
0x328: {  	v3 =	vld [tilespmem:s17+$0x2490]  }
0x329: {  	v4 =	vld [tilespmem:s18+$0x4A0]  }
0x32a: {  	v6 =	vld [tilespmem:s17+$0x24A0]  }
0x32b: {  	v7 =	vld [tilespmem:s18+$0x4B0]  }
0x32c: {  	v8 =	vld [tilespmem:s17+$0x24B0]  }
0x32d: {  	v9 =	vld [tilespmem:s18+$0x4C0]  }
0x32e: {  	v10 =	vld [tilespmem:s17+$0x24C0]  }
0x32f: {  	v11 =	vld [tilespmem:s18+$0x4D0]  }
0x330: {  	v12 =	vld [tilespmem:s17+$0x24D0]  }
0x331: {  	v13 =	vld [tilespmem:s18+$0x4E0]  }
0x332: {  	v14 =	vld [tilespmem:s17+$0x24E0]  }
0x333: {  	v15 =	vld [tilespmem:s18+$0x4F0]  }
0x334: {  	v16 =	vld [tilespmem:s17+$0x24F0]  }
0x335: {  	v17 =	vld [tilespmem:s18+$0x500]  }
0x336: {  	v18 =	vld [tilespmem:s17+$0x2500]  }
0x337: {  	v19 =	vld [tilespmem:s18+$0x510]  }
0x338: {  	v20 =	vld [tilespmem:s17+$0x2510]  }
0x339: {  	v21 =	vld [tilespmem:s18+$0x520]  }
0x33a: {  	v22 =	vld [tilespmem:s17+$0x2520]  }
0x33b: {  	v23 =	vld [tilespmem:s18+$0x530]  }
0x33c: {  	v24 =	vld [tilespmem:s17+$0x2530]  }
0x33d: {  	v25 =	vld [tilespmem:s18+$0x540]  }
0x33e: {  	v26 =	vld [tilespmem:s17+$0x2540]  }
0x33f: {  	v27 =	vld [tilespmem:s18+$0x550]  }
0x340: {  	v28 =	vld [tilespmem:s17+$0x2550]  }
0x341: {  	v29 =	vld [tilespmem:s18+$0x560]  }
0x342: {  	v30 =	vld [tilespmem:s17+$0x2560]  }
0x343: {  	v31 =	vld [tilespmem:s18+$0x570]  }
0x344: {  	v32 =	vld [tilespmem:s17+$0x2570]  }
0x345: {  	v33 =	vld [tilespmem:s18+$0x580]  }
0x346: {  	v34 =	vld [tilespmem:s17+$0x2580]  }
0x347: {  	v35 =	vld [tilespmem:s18+$0x590]  }
0x348: {  	v36 =	vld [tilespmem:s17+$0x2590]  }
0x349: {  	v42 =	vld [tilespmem:s18+$0x5A0]  }
0x34a: {  	v43 =	vld [tilespmem:s18+$0x5B0]  }
0x34b: {  	v46 =	vld [tilespmem:s17+$0x25B0]  }
0x34c: {  	v50 =	vld [tilespmem:s17+$0x25C0]  }
0x34d: {  	v53 =	vld [tilespmem:s18+$0x5D0]  }
0x34e: {  	v56 =	vld [tilespmem:s17+$0x25D0]  }
0x34f: {  	v59 =	vld [tilespmem:s18+$0x5E0]  }
0x350: {  	v61 =	vld [tilespmem:s17+$0x25E0]  }
0x351: {  	v62 =	vld [tilespmem:s18+$0x5F0]  }
0x352: {  	v63 =	vld [tilespmem:s18+$0x600]  }
0x353: {  	v37 =	vld [tilespmem:s18+$0x650]  }
0x354: {  	v38 =	vld [tilespmem:s17+$0x2650]  }
0x355: {  	v39 =	vld [tilespmem:s17+$0x2660]  }
0x356: {  	v40 =	vld [tilespmem:s17+$0x2670]  }
0x357: {  	v2 =	vmul.f32 v3, v2;
	v3 =	vmul.f32 v6, v4;
	v4 =	vld [tilespmem:s17+$0x25A0]  }
0x358: {  	v52 =	vmul.f32 v24, v23;
	v24 =	vld [tilespmem:s17+$0x2600]  }
0x359: {  	v54 =	vmul.f32 v26, v25;
	v26 =	vld [tilespmem:s17+$0x2610]  }
0x35a: {  	v55 =	vmul.f32 v28, v27;
	v28 =	vld [tilespmem:s18+$0x620]  }
0x35b: {  	v58 =	vmul.f32 v32, v31;
	v31 =	vld [tilespmem:s17+$0x2620]  }
0x35c: {  	v32 =	vld [tilespmem:s18+$0x630]  }
0x35d: {  	v57 =	vmul.f32 v30, v29;
	v29 =	vmul.f32 v34, v33;
	v34 =	vld [tilespmem:s17+$0x2630]  }
0x35e: {  	v30 =	vmul.f32 v36, v35;
	v35 =	vld [tilespmem:s18+$0x640]  }
0x35f: {  	v49 =	vmul.f32 v20, v19;
	v19 =	vld [tilespmem:s18+$0x690]  }
0x360: {  	v20 =	vld [tilespmem:s17+$0x2690]  }
0x361: {  	v0 =	vmul.f32 v1, v0;
	v33 =	vmul.f32 v56, v53;
	v53 =	vld [tilespmem:s18+$0x720]  }
0x362: {  	v6 =	vmul.f32 v8, v7;
	v7 =	vmul.f32 v10, v9;
	v56 =	vld [tilespmem:s17+$0x2730]  }
0x363: {  	v44 =	vmul.f32 v12, v11;
	v12 =	vmul.f32 v61, v59;
	v59 =	vld [tilespmem:s18+$0x750]  }
0x364: {  	v45 =	vmul.f32 v14, v13;
	v47 =	vmul.f32 v16, v15;
	v61 =	vld [tilespmem:s18+$0x760]  }
0x365: {  	v51 =	vmul.f32 v22, v21;
	v0 =	vadd.f32 v2, v0;
	v48 =	vadd.f32 v6, v3;
	v3 =	vld [tilespmem:s18+$0x5C0]  }
0x366: {  	v6 =	vadd.f32 v44, v7;
	v7 =	vmul.f32 v18, v17;
	v10 =	vadd.f32 v47, v45;
	v18 =	vld [tilespmem:s17+$0x2680]  }
0x367: {  	v60 =	vadd.f32 v52, v51;
	v51 =	vld [tilespmem:s18+$0x710]  }
0x368: {  	v52 =	vld [tilespmem:s17+$0x2710];
	v0 =	vadd.f32 v48, v0;
	v6 =	vadd.f32 v10, v6  }
0x369: {  	v2 =	vadd.f32 v55, v54;
	v54 =	vld [tilespmem:s17+$0x2720]  }
0x36a: {  	v0 =	vadd.f32 v6, v0;
	v6 =	vld [tilespmem:s17+$0x25F0]  }
0x36b: {  	v55 =	vld [tilespmem:s18+$0x730]  }
0x36c: {  	v36 =	vadd.f32 v30, v29;
	v48 =	vld [tilespmem:s17+$0x26F0];
	v1 =	vmul.f32 v4, v42  }
0x36d: {  	v7 =	vadd.f32 v49, v7;
	v49 =	vld [tilespmem:s18+$0x700];
	v4 =	vmul.f32 v46, v43;
	v25 =	vperm.xlane v0, v5  }
0x36e: {  	v10 =	vadd.f32 v58, v57;
	v57 =	vld [tilespmem:s18+$0x740];
	v42 =	vmul.f32 v31, v28;
	v8 =	vmul.f32 v34, v32  }
0x36f: {  	v58 =	vld [tilespmem:s17+$0x2740];
	v3 =	vmul.f32 v50, v3;
	v0 =	vadd.f32 v0, v25;
	v6 =	vmul.f32 v6, v62  }
0x370: {  	v19 =	vmul.f32 v20, v19;
	v20 =	vld [tilespmem:s17+$0x2770];
	v7 =	vadd.f32 v60, v7;
	v1 =	vadd.f32 v4, v1  }
0x371: {  	v60 =	vld [tilespmem:s17+$0x2750];
	v3 =	vadd.f32 v33, v3;
	v0 =	vmax.f32 v0, $-5.000000000e+00;
	v6 =	vadd.f32 v6, v12  }
0x372: {  	v2 =	vadd.f32 v10, v2;
	v4 =	vld [tilespmem:s17+$0x2640];
	v8 =	vadd.f32 v8, v42;
	v0 =	vmin.f32 v0, $5.000000000e+00  }
0x373: {  	v42 =	vld [tilespmem:s17+$0x26C0];
	v1 =	vadd.f32 v1, v36;
	v0 =	vmul.f32 $1.442695020e+00, v0;
	v3 =	vadd.f32 v6, v3  }
0x374: {  	v2 =	vadd.f32 v2, v7;
	v6 =	vld [tilespmem:s18+$0x660]  }
0x375: {  	(erf) = vpow2.f32 v0;
	v1 =	vadd.f32 v3, v1;
	v3 =	vld [tilespmem:s18+$0x670]  }
0x376: {  	v7 =	vld [tilespmem:s18+$0x610];
	v27 =	vperm.xlane v2, v5  }
0x377: {  	v0 =	vmul.f32 v38, v37;
	v37 =	vld [tilespmem:s18+$0x6A0]  }
0x378: {  	v2 =	vadd.f32 v2, v27;
	v38 =	vld [tilespmem:s17+$0x26A0]  }
0x379: {  	v41 =	vperm.xlane v1, v5;
	v43 =	vmul.f32 v39, v6;
	v39 =	vld [tilespmem:s18+$0x6B0]  }
0x37a: {  	v2 =	vmax.f32 v2, $-5.000000000e+00;
	v3 =	vmul.f32 v40, v3;
	v40 =	vld [tilespmem:s17+$0x26B0]  }
0x37b: {  	v2 =	vmin.f32 v2, $5.000000000e+00;
	v1 =	vadd.f32 v1, v41;
	v41 =	vld [tilespmem:s18+$0x6C0]  }
0x37c: {  	v50 =	vld [tilespmem:s17+$0x2700];
	v2 =	vmul.f32 $1.442695020e+00, v2  }
0x37d: {  	v9 =	vmul.f32 v24, v63;
	v62 =	vld [tilespmem:s17+$0x2760];
	v4 =	vmul.f32 v4, v35  }
0x37e: {  	v7 =	vmul.f32 v26, v7;
	(erf) = vpow2.f32 v2;
	v2 =	vadd.f32 v3, v43;
	v43 =	vld [tilespmem:s18+$0x6D0];
	v6 =	vpop (erf)  }
0x37f: {  	v37 =	vmul.f32 v38, v37;
	v6 =	vnsel vm1, $0x0, v6;
	v38 =	vmul.f32 v40, v39;
	v39 =	vld [tilespmem:s18+$0x780]  }
0x380: {  	v7 =	vadd.f32 v7, v9;
	v0 =	vadd.f32 v0, v4;
	[tilespmem:s17+$0x8480] =	vst v6;
	v40 =	vmul.f32 v42, v41;
	v42 =	vld [tilespmem:s17+$0x2780]  }
0x381: {  	v3 =	vld [tilespmem:s18+$0x880]  }
0x382: {  	v4 =	vadd.f32 v8, v7;
	v0 =	vadd.f32 v2, v0;
	v2 =	vld [tilespmem:s18+$0x890]  }
0x383: {  	v7 =	vld [tilespmem:s18+$0x8A0]  }
0x384: {  	v1 =	vmax.f32 v1, $-5.000000000e+00;
	v0 =	vadd.f32 v0, v4;
	v4 =	vld [tilespmem:s18+$0x8B0]  }
0x385: {  	v1 =	vmin.f32 v1, $5.000000000e+00;
	v8 =	vld [tilespmem:s18+$0x8C0]  }
0x386: {  	v1 =	vmul.f32 $1.442695020e+00, v1;
	v9 =	vld [tilespmem:s18+$0x8D0]  }
0x387: {  	v11 =	vld [tilespmem:s18+$0x8E0]  }
0x388: {  	(erf) = vpow2.f32 v1;
	v45 =	vpop (erf);
	v63 =	vperm.xlane v6, v5;
	v1 =	vld [tilespmem:s18+$0x8F0]  }
0x389: {  	v10 =	vnsel vm1, $0x0, v45;
	v45 =	vld [tilespmem:s18+$0x6E0]  }
0x38a: {  	v6 =	vadd.f32 v6, v63;
	v63 =	vadd.f32 v38, v37;
	v37 =	vld [tilespmem:s17+$0x2790]  }
0x38b: {  	[tilespmem:s17+$0x8500] =	vst v10;
	v38 =	vld [tilespmem:s18+$0x7B0]  }
0x38c: {  	v12 =	vld [tilespmem:s18+$0x900]  }
0x38d: {  	v13 =	vld [tilespmem:s18+$0x910]  }
0x38e: {  	v14 =	vld [tilespmem:s18+$0x920]  }
0x38f: {  	v44 =	vperm.xlane v0, v5;
	v15 =	vld [tilespmem:s18+$0x930]  }
0x390: {  	v16 =	vld [tilespmem:s18+$0x940]  }
0x391: {  	v0 =	vadd.f32 v0, v44;
	v44 =	vld [tilespmem:s17+$0x26D0]  }
0x392: {  	v35 =	vld [tilespmem:s18+$0x950]  }
0x393: {  	v17 =	vld [tilespmem:s18+$0x960];
	v0 =	vmax.f32 v0, $-5.000000000e+00  }
0x394: {  	v36 =	vld [tilespmem:s18+$0x970];
	v0 =	vmin.f32 v0, $5.000000000e+00;
	v46 =	vpop (erf)  }
0x395: {  	v0 =	vmul.f32 $1.442695020e+00, v0;
	v34 =	vnsel vm1, $0x0, v46;
	v46 =	vld [tilespmem:s17+$0x26E0]  }
0x396: {  	v41 =	vmul.f32 v44, v43;
	v44 =	vmul.f32 v50, v49;
	v50 =	vld [tilespmem:s18+$0x7D0]  }
0x397: {  	v49 =	vmul.f32 v54, v53;
	v53 =	vld [tilespmem:s18+$0x7E0]  }
0x398: {  	(erf) = vpow2.f32 v0;
	[tilespmem:s17+$0x8580] =	vst v34;
	v0 =	vld [tilespmem:s18+$0x680]  }
0x399: {  	v32 =	vld [tilespmem:s18+$0x980]  }
0x39a: {  	v3 =	vmul.f32 v6, v3;
	v33 =	vld [tilespmem:s18+$0x990]  }
0x39b: {  	v2 =	vmul.f32 v6, v2;
	v7 =	vmul.f32 v6, v7;
	v30 =	vld [tilespmem:s18+$0x9A0]  }
0x39c: {  	v4 =	vmul.f32 v6, v4;
	v8 =	vmul.f32 v6, v8;
	v31 =	vld [tilespmem:s18+$0x9B0]  }
0x39d: {  	v9 =	vmul.f32 v6, v9;
	v11 =	vmul.f32 v6, v11;
	v29 =	vld [tilespmem:s18+$0x9C0]  }
0x39e: {  	v1 =	vmul.f32 v1, v6;
	v6 =	vperm.xlane v10, v5;
	v28 =	vld [tilespmem:s18+$0x9D0]  }
0x39f: {  	v56 =	vmul.f32 v56, v55;
	v27 =	vld [tilespmem:s18+$0x9E0]  }
0x3a0: {  	v6 =	vadd.f32 v10, v6;
	v26 =	vld [tilespmem:s18+$0x9F0]  }
0x3a1: {  	v10 =	vadd.f32 v56, v49;
	v49 =	vld [tilespmem:s17+$0x27F0]  }
0x3a2: {  	v56 =	vmul.f32 v6, v17;
	v17 =	vld [tilespmem:s18+$0x810];
	v47 =	vpop (erf)  }
0x3a3: {  	v54 =	vmul.f32 v6, v16;
	v25 =	vnsel vm1, $0x0, v47;
	v47 =	vld [tilespmem:s18+$0x6F0]  }
0x3a4: {  	v0 =	vmul.f32 v18, v0;
	v18 =	vld [tilespmem:s18+$0x770]  }
0x3a5: {  	[tilespmem:s17+$0x6540] =	vst v54;
	v54 =	vld [tilespmem:s17+$0x2860]  }
0x3a6: {  	[tilespmem:s17+$0x6560] =	vst v56;
	v56 =	vld [tilespmem:s18+$0x870]  }
0x3a7: {  	v58 =	vmul.f32 v58, v57;
	v43 =	vmul.f32 v46, v45;
	v45 =	vld [tilespmem:s18+$0x790]  }
0x3a8: {  	v61 =	vmul.f32 v62, v61;
	v46 =	vadd.f32 v41, v40;
	v41 =	vld [tilespmem:s18+$0x7A0];
	v48 =	vmul.f32 v48, v47  }
0x3a9: {  	[tilespmem:s17+$0x6480] =	vst v3;
	v3 =	vmul.f32 v60, v59;
	v40 =	vld [tilespmem:s17+$0x27B0];
	v62 =	vmul.f32 v20, v18  }
0x3aa: {  	[tilespmem:s17+$0x6490] =	vst v2;
	v0 =	vadd.f32 v19, v0;
	v19 =	vld [tilespmem:s18+$0x7C0];
	v47 =	vadd.f32 v48, v43  }
0x3ab: {  	v3 =	vadd.f32 v3, v58;
	v20 =	vld [tilespmem:s17+$0x27E0];
	[tilespmem:s17+$0x8600] =	vst v25;
	v2 =	vadd.f32 v62, v61  }
0x3ac: {  	[tilespmem:s17+$0x64A0] =	vst v7;
	v0 =	vadd.f32 v63, v0;
	v24 =	vld [tilespmem:s18+$0xA00];
	v48 =	vadd.f32 v47, v46  }
0x3ad: {  	[tilespmem:s17+$0x64B0] =	vst v4;
	v7 =	vmul.f32 v6, v12;
	v4 =	vmul.f32 v6, v14;
	v2 =	vadd.f32 v2, v3;
	v3 =	vld [tilespmem:s17+$0x2800]  }
0x3ae: {  	v55 =	vmul.f32 v6, v35;
	v57 =	vmul.f32 v36, v6;
	v47 =	vld [tilespmem:s17+$0x27C0];
	v0 =	vadd.f32 v48, v0  }
0x3af: {  	[tilespmem:s17+$0x6500] =	vst v7;
	v7 =	vmul.f32 v42, v39;
	v46 =	vmul.f32 v52, v51;
	v52 =	vld [tilespmem:s17+$0x27D0]  }
0x3b0: {  	v51 =	vmul.f32 v6, v15;
	v15 =	vld [tilespmem:s18+$0x800];
	v63 =	vperm.xlane v0, v5  }
0x3b1: {  	[tilespmem:s17+$0x6550] =	vst v55;
	v60 =	vmul.f32 v37, v45;
	v55 =	vperm.xlane v25, v5;
	v43 =	vld [tilespmem:s17+$0x27A0]  }
0x3b2: {  	v23 =	vld [tilespmem:s18+$0xA10];
	v62 =	vmul.f32 v40, v38;
	v42 =	vmul.f32 v20, v53;
	v0 =	vadd.f32 v0, v63  }
0x3b3: {  	v61 =	vld [tilespmem:s17+$0x2820];
	v63 =	vadd.f32 v46, v44;
	v44 =	vmul.f32 v6, v13;
	v6 =	vperm.xlane v34, v5  }
0x3b4: {  	[tilespmem:s17+$0x6530] =	vst v51;
	v51 =	vld [tilespmem:s17+$0x2850];
	v39 =	vmul.f32 v47, v19;
	v40 =	vmul.f32 v52, v50  }
0x3b5: {  	[tilespmem:s17+$0x6520] =	vst v4;
	v3 =	vmul.f32 v3, v15;
	v46 =	vld [tilespmem:s18+$0x7F0];
	v0 =	vmax.f32 v0, $-5.000000000e+00;
	v4 =	vadd.f32 v34, v6  }
0x3b6: {  	[tilespmem:s17+$0x64C0] =	vst v8;
	v10 =	vadd.f32 v10, v63;
	v6 =	vmul.f32 v43, v41;
	v63 =	vld [tilespmem:s18+$0x830];
	v0 =	vmin.f32 v0, $5.000000000e+00  }
0x3b7: {  	[tilespmem:s17+$0x6510] =	vst v44;
	v41 =	vld [tilespmem:s17+$0x2830];
	v0 =	vmul.f32 $1.442695020e+00, v0;
	v44 =	vmul.f32 v4, v32  }
0x3b8: {  	[tilespmem:s17+$0x64D0] =	vst v9;
	v43 =	vld [tilespmem:s18+$0x840];
	v58 =	vadd.f32 v2, v10;
	v45 =	vmul.f32 v4, v33;
	v47 =	vmul.f32 v4, v30  }
0x3b9: {  	[tilespmem:s17+$0x64E0] =	vst v11;
	v7 =	vadd.f32 v60, v7;
	v2 =	vld [tilespmem:s17+$0x2810];
	v48 =	vmul.f32 v4, v31;
	v50 =	vmul.f32 v4, v29  }
0x3ba: {  	[tilespmem:s17+$0x64F0] =	vst v1;
	v8 =	vadd.f32 v40, v39;
	v10 =	vld [tilespmem:s18+$0x820];
	v13 =	vmul.f32 v49, v46;
	v59 =	vperm.xlane v58, v5  }
0x3bb: {  	[tilespmem:s17+$0x6570] =	vst v57;
	v6 =	vadd.f32 v62, v6;
	v52 =	vmul.f32 v4, v28;
	v46 =	vld [tilespmem:s17+$0x2840];
	(erf) = vpow2.f32 v0  }
0x3bc: {  	v53 =	vmul.f32 v4, v27;
	v49 =	vld [tilespmem:s18+$0x850];
	[tilespmem:s17+$0x6580] =	vst v44;
	v9 =	vadd.f32 v13, v42;
	v0 =	vadd.f32 v58, v59  }
0x3bd: {  	v22 =	vld [tilespmem:s18+$0xA20];
	v4 =	vmul.f32 v26, v4;
	v6 =	vadd.f32 v6, v7;
	[tilespmem:s17+$0x6590] =	vst v45;
	v62 =	vmul.f32 v41, v63  }
0x3be: {  	v21 =	vld [tilespmem:s18+$0xA30];
	[tilespmem:s17+$0x65A0] =	vst v47;
	v58 =	vadd.f32 v25, v55;
	v8 =	vadd.f32 v9, v8;
	v0 =	vmax.f32 v0, $-5.000000000e+00  }
0x3bf: {  	v7 =	vld [tilespmem:s18+$0x860];
	[tilespmem:s17+$0x65B0] =	vst v48;
	v2 =	vmul.f32 v2, v17;
	v59 =	vmul.f32 v61, v10;
	v0 =	vmin.f32 v0, $5.000000000e+00  }
0x3c0: {  	[tilespmem:s17+$0x65C0] =	vst v50;
	v14 =	vmul.f32 v46, v43;
	v57 =	vadd.f32 v8, v6;
	v6 =	vld [tilespmem:s17+$0x2870];
	v0 =	vmul.f32 $1.442695020e+00, v0  }
0x3c1: {  	v60 =	vld [tilespmem:s18+$0xA40];
	[tilespmem:s17+$0x65F0] =	vst v4;
	v27 =	vmul.f32 v58, v24;
	v4 =	vmul.f32 v51, v49  }
0x3c2: {  	v28 =	vld [tilespmem:s18+$0xA70];
	[tilespmem:s17+$0x65D0] =	vst v52;
	v30 =	vmul.f32 v58, v23;
	(erf) = vpow2.f32 v0  }
0x3c3: {  	[tilespmem:s17+$0x65E0] =	vst v53;
	v25 =	vld [tilespmem:s18+$0xA60];
	v31 =	vmul.f32 v58, v22;
	v32 =	vmul.f32 v58, v21  }
0x3c4: {  	v61 =	vld [tilespmem:s18+$0xA50];
	v7 =	vmul.f32 v54, v7;
	[tilespmem:s17+$0x6600] =	vst v27;
	v63 =	vperm.xlane v57, v5;
	v29 =	vpop (erf)  }
0x3c5: {  	v2 =	vadd.f32 v2, v3;
	[tilespmem:s17+$0x6610] =	vst v30;
	v6 =	vmul.f32 v6, v56;
	v9 =	vnsel vm1, $0x0, v29  }
0x3c6: {  	v33 =	vmul.f32 v58, v60;
	v3 =	vadd.f32 v62, v59;
	v0 =	vadd.f32 v57, v63;
	[tilespmem:s17+$0x8680] =	vst v9  }
0x3c7: {  	v1 =	vmul.f32 v28, v58;
	v4 =	vadd.f32 v4, v14;
	[tilespmem:s17+$0x6620] =	vst v31;
	v6 =	vadd.f32 v6, v7;
	v7 =	vld [tilespmem:s18+$0xA80]  }
0x3c8: {  	[tilespmem:s17+$0x6630] =	vst v32;
	v2 =	vadd.f32 v3, v2;
	v34 =	vperm.xlane v9, v5;
	v0 =	vmax.f32 v0, $-5.000000000e+00;
	v3 =	vld [tilespmem:s18+$0xA90]  }
0x3c9: {  	[tilespmem:s17+$0x6640] =	vst v33;
	v35 =	vmul.f32 v58, v25;
	v0 =	vmin.f32 v0, $5.000000000e+00;
	v4 =	vadd.f32 v6, v4;
	v6 =	vld [tilespmem:s18+$0xAA0]  }
0x3ca: {  	[tilespmem:s17+$0x6670] =	vst v1;
	v11 =	vmul.f32 v58, v61;
	v36 =	vld [tilespmem:s18+$0xAB0];
	v9 =	vadd.f32 v9, v34;
	v0 =	vmul.f32 $1.442695020e+00, v0  }
0x3cb: {  	[tilespmem:s17+$0x6660] =	vst v35;
	v37 =	vld [tilespmem:s18+$0xAC0];
	v2 =	vadd.f32 v4, v2;
	v38 =	vpop (erf)  }
0x3cc: {  	[tilespmem:s17+$0x6650] =	vst v11;
	v39 =	vld [tilespmem:s18+$0xAE0];
	(erf) = vpow2.f32 v0;
	v7 =	vmul.f32 v9, v7;
	v8 =	vnsel vm1, $0x0, v38  }
0x3cd: {  	v41 =	vld [tilespmem:s18+$0xAF0];
	v3 =	vmul.f32 v9, v3;
	v40 =	vperm.xlane v2, v5;
	[tilespmem:s17+$0x8700] =	vst v8  }
0x3ce: {  	v4 =	vld [tilespmem:s18+$0xAD0];
	[tilespmem:s17+$0x6680] =	vst v7;
	v6 =	vmul.f32 v9, v6  }
0x3cf: {  	v42 =	vmul.f32 v9, v36;
	[tilespmem:s17+$0x6690] =	vst v3;
	v7 =	vld [tilespmem:s18+$0xB00];
	v0 =	vadd.f32 v2, v40  }
0x3d0: {  	v43 =	vperm.xlane v8, v5;
	v3 =	vld [tilespmem:s18+$0xB10];
	[tilespmem:s17+$0x66A0] =	vst v6;
	v6 =	vmul.f32 v9, v37  }
0x3d1: {  	v1 =	vmul.f32 v9, v39;
	[tilespmem:s17+$0x66B0] =	vst v42;
	v44 =	vld [tilespmem:s18+$0xB20];
	v0 =	vmax.f32 v0, $-5.000000000e+00  }
0x3d2: {  	v47 =	vmul.f32 v41, v9;
	v49 =	vld [tilespmem:s18+$0xB60];
	v0 =	vmin.f32 v0, $5.000000000e+00;
	[tilespmem:s17+$0x66C0] =	vst v6;
	v6 =	vadd.f32 v8, v43  }
0x3d3: {  	[tilespmem:s17+$0x66E0] =	vst v1;
	v45 =	vmul.f32 v9, v4;
	v4 =	vld [tilespmem:s18+$0xB30];
	v0 =	vmul.f32 $1.442695020e+00, v0  }
0x3d4: {  	[tilespmem:s17+$0x66F0] =	vst v47;
	v46 =	vld [tilespmem:s18+$0xB40];
	v7 =	vmul.f32 v6, v7  }
0x3d5: {  	v48 =	vld [tilespmem:s18+$0xB50];
	[tilespmem:s17+$0x66D0] =	vst v45;
	v50 =	vpop (erf);
	(erf) = vpow2.f32 v0  }
0x3d6: {  	v51 =	vld [tilespmem:s18+$0xB70];
	v3 =	vmul.f32 v6, v3;
	v0 =	vnsel vm1, $0x0, v50;
	[tilespmem:s17+$0x6700] =	vst v7  }
0x3d7: {  	v1 =	vmul.f32 v6, v49;
	[tilespmem:s17+$0x8780] =	vst v0  }
0x3d8: {  	v7 =	vmul.f32 v6, v44;
	[tilespmem:s17+$0x6710] =	vst v3;
	v3 =	vmul.f32 v6, v4;
	v4 =	vld [tilespmem:s18+$0xB80]  }
0x3d9: {  	v53 =	vperm.xlane v0, v5;
	[tilespmem:s17+$0x6760] =	vst v1;
	v52 =	vld [tilespmem:s18+$0xB90]  }
0x3da: {  	v54 =	vld [tilespmem:s18+$0xBA0];
	[tilespmem:s17+$0x6720] =	vst v7;
	v7 =	vmul.f32 v6, v46  }
0x3db: {  	v55 =	vld [tilespmem:s18+$0xBD0];
	[tilespmem:s17+$0x6730] =	vst v3;
	v3 =	vmul.f32 v6, v48;
	v0 =	vadd.f32 v0, v53  }
0x3dc: {  	v2 =	vmul.f32 v51, v6;
	[tilespmem:s17+$0x6740] =	vst v7;
	v7 =	vld [tilespmem:s18+$0xBB0]  }
0x3dd: {  	[tilespmem:s17+$0x6750] =	vst v3;
	v3 =	vld [tilespmem:s18+$0xBC0];
	v4 =	vmul.f32 v0, v4  }
0x3de: {  	[tilespmem:s17+$0x6770] =	vst v2;
	v56 =	vld [tilespmem:s18+$0xBE0];
	v6 =	vpop (erf)  }
0x3df: {  	v57 =	vld [tilespmem:s18+$0xBF0];
	v8 =	vmul.f32 v0, v52;
	[tilespmem:s17+$0x6780] =	vst v4;
	v6 =	vnsel vm1, $0x0, v6  }
0x3e0: {  	v4 =	vmul.f32 v0, v54;
	[tilespmem:s17+$0x8800] =	vst v6  }
0x3e1: {  	[tilespmem:s17+$0x6790] =	vst v8;
	v7 =	vmul.f32 v0, v7;
	v58 =	vld [tilespmem:s18+$0xC00]  }
0x3e2: {  	v3 =	vmul.f32 v0, v3;
	[tilespmem:s17+$0x67A0] =	vst v4;
	v4 =	vperm.xlane v6, v5;
	v59 =	vld [tilespmem:s18+$0xC10]  }
0x3e3: {  	v1 =	vmul.f32 v0, v55;
	[tilespmem:s17+$0x67B0] =	vst v7;
	v7 =	vld [tilespmem:s18+$0xC30]  }
0x3e4: {  	v2 =	vmul.f32 v0, v56;
	[tilespmem:s17+$0x67C0] =	vst v3;
	v61 =	vld [tilespmem:s18+$0xC50];
	v3 =	vadd.f32 v6, v4  }
0x3e5: {  	[tilespmem:s17+$0x67D0] =	vst v1;
	v0 =	vmul.f32 v57, v0;
	v62 =	vld [tilespmem:s18+$0xC60]  }
0x3e6: {  	[tilespmem:s17+$0x67E0] =	vst v2;
	v63 =	vld [tilespmem:s18+$0xC70];
	v6 =	vmul.f32 v3, v58  }
0x3e7: {  	[tilespmem:s17+$0x67F0] =	vst v0;
	v4 =	vld [tilespmem:s18+$0xC40];
	v8 =	vmul.f32 v3, v59  }
0x3e8: {  	v60 =	vld [tilespmem:s18+$0xC20];
	v7 =	vmul.f32 v3, v7;
	[tilespmem:s17+$0x6800] =	vst v6  }
0x3e9: {  	v1 =	vmul.f32 v3, v61;
	[tilespmem:s17+$0x6810] =	vst v8  }
0x3ea: {  	p0 =	slt.u32 s23, $0x18;
	v2 =	vmul.f32 v3, v62;
	[tilespmem:s17+$0x6830] =	vst v7  }
.Ltmp3:
0x3eb: {  	v0 =	vmul.f32 v63, v3;
	[tilespmem:s17+$0x6850] =	vst v1;
	(pc) =	sbr.rel @p0 .LBB2_9-.Ltmp3, $4  }
0x3ec: {  	v4 =	vmul.f32 v3, v4;
	[tilespmem:s17+$0x6860] =	vst v2  }
0x3ed: {  	v6 =	vmul.f32 v3, v60;
	[tilespmem:s17+$0x6870] =	vst v0  }
0x3ee: {  	s19 =	sadd.s32 $0x8, s23;
	[tilespmem:s17+$0x6840] =	vst v4  }
0x3ef: {  	s23 =	smov.u32 s19;
	[tilespmem:s17+$0x6820] =	vst v6  }
0x3f0: {  	v0 =	vld [tilespmem:$0x300]  }
0x3f1: {  	v16 =	vld [tilespmem:$0x1FFE0]  }
0x3f2: {  	v17 =	vld [tilespmem:$0x1FF00]  }
0x3f3: {  	v3 =	vld [tilespmem:$0x310]  }
0x3f4: {  	v18 =	vld [tilespmem:$0x1FF10]  }
0x3f5: {  	v19 =	vld [tilespmem:$0x1FF20]  }
0x3f6: {  	v20 =	vld [tilespmem:$0x1FF30]  }
0x3f7: {  	v21 =	vld [tilespmem:$0x1FF40]  }
0x3f8: {  	v22 =	vld [tilespmem:$0x1FF50]  }
0x3f9: {  	v23 =	vld [tilespmem:$0x1FF60]  }
0x3fa: {  	v24 =	vld [tilespmem:$0x1FF70]  }
0x3fb: {  	v25 =	vld [tilespmem:$0x1FF80]  }
0x3fc: {  	v26 =	vld [tilespmem:$0x1FF90]  }
0x3fd: {  	v27 =	vld [tilespmem:$0x1FFA0]  }
0x3fe: {  	v28 =	vld [tilespmem:$0x1FFB0]  }
0x3ff: {  	v29 =	vld [tilespmem:$0x1FFC0]  }
0x400: {  	v30 =	vld [tilespmem:$0x1FFD0];
	v1 =	vshrl.u32 v0, $0x4  }
0x401: {  	v50 =	vld [tilespmem:$0x1FFF0];
	[tilespmem:$0x400] =	vst v1  }
0x402: {  	v1 =	vld.idx.msk [tilespmem:v16+s12+$0x0], $0xffff  }
0x403: {  	v2 =	vld.idx.msk [tilespmem:v17+s12+$0x0], $0xffff  }
0x404: {  	v0 =	vshll.u32 v0, $0x3;
	v4 =	vld.idx.msk [tilespmem:v18+s12+$0x0], $0xffff  }
0x405: {  	v0 =	vand.u32 $0x78, v0;
	v6 =	vld.idx.msk [tilespmem:v19+s12+$0x0], $0xffff  }
0x406: {  	v7 =	vor.u32 v16, v0;
	v8 =	vld.idx.msk [tilespmem:v20+s12+$0x0], $0xffff  }
0x407: {  	v9 =	vor.u32 v17, v0;
	v10 =	vld.idx.msk [tilespmem:v21+s12+$0x0], $0xffff  }
0x408: {  	v14 =	vshrl.u32 v3, $0x4;
	v11 =	vor.u32 v18, v0;
	v12 =	vld.idx.msk [tilespmem:v22+s12+$0x0], $0xffff  }
0x409: {  	[tilespmem:$0x410] =	vst v14;
	v13 =	vor.u32 v19, v0;
	v15 =	vld.idx.msk [tilespmem:v23+s12+$0x0], $0xffff  }
0x40a: {  	v3 =	vshll.u32 v3, $0x3;
	v39 =	vor.u32 v20, v0;
	v42 =	vld.idx.msk [tilespmem:v25+s12+$0x0], $0xffff  }
0x40b: {  	v3 =	vand.u32 $0x78, v3;
	v40 =	vor.u32 v21, v0;
	v44 =	vld.idx.msk [tilespmem:v28+s12+$0x0], $0xffff;
	[tilespmem:v7+s26+$0x0] =	vst.idx.msk $0xffff, v1  }
0x40c: {  	v43 =	vor.u32 v24, v3;
	v7 =	vld.idx.msk [tilespmem:v24+s12+$0x0], $0xffff;
	[tilespmem:v9+s26+$0x0] =	vst.idx.msk $0xffff, v2  }
0x40d: {  	v41 =	vor.u32 v22, v0;
	v46 =	vld.idx.msk [tilespmem:v29+s12+$0x0], $0xffff;
	[tilespmem:v11+s26+$0x0] =	vst.idx.msk $0xffff, v4  }
0x40e: {  	v45 =	vor.u32 v25, v3;
	v48 =	vld.idx.msk [tilespmem:v30+s12+$0x0], $0xffff;
	[tilespmem:v13+s26+$0x0] =	vst.idx.msk $0xffff, v6  }
0x40f: {  	v0 =	vor.u32 v23, v0;
	v51 =	vld.idx.msk [tilespmem:v50+s12+$0x0], $0xffff;
	[tilespmem:v39+s26+$0x0] =	vst.idx.msk $0xffff, v8  }
0x410: {  	v47 =	vor.u32 v26, v3;
	v4 =	vld.idx.msk [tilespmem:v26+s12+$0x0], $0xffff;
	[tilespmem:v40+s26+$0x0] =	vst.idx.msk $0xffff, v10  }
0x411: {  	v49 =	vor.u32 v27, v3;
	v6 =	vld.idx.msk [tilespmem:v27+s12+$0x0], $0xffff;
	[tilespmem:v43+s26+$0x0] =	vst.idx.msk $0xffff, v7  }
0x412: {  	v52 =	vor.u32 v28, v3;
	[tilespmem:v41+s26+$0x0] =	vst.idx.msk $0xffff, v12  }
0x413: {  	v7 =	vor.u32 v29, v3;
	[tilespmem:v45+s26+$0x0] =	vst.idx.msk $0xffff, v42  }
0x414: {  	v53 =	vor.u32 v30, v3;
	[tilespmem:v0+s26+$0x0] =	vst.idx.msk $0xffff, v15  }
0x415: {  	v3 =	vor.u32 v50, v3;
	[tilespmem:v47+s26+$0x0] =	vst.idx.msk $0xffff, v4  }
0x416: {  	[tilespmem:v49+s26+$0x0] =	vst.idx.msk $0xffff, v6  }
0x417: {  	[tilespmem:v52+s26+$0x0] =	vst.idx.msk $0xffff, v44  }
0x418: {  	[tilespmem:v7+s26+$0x0] =	vst.idx.msk $0xffff, v46  }
0x419: {  	[tilespmem:v53+s26+$0x0] =	vst.idx.msk $0xffff, v48  }
0x41a: {  	[tilespmem:v3+s26+$0x0] =	vst.idx.msk $0xffff, v51  }
0x41b: {  	[spmem:s2] =	stream.indirect.scatter.add.f32 [tilespmem:s0], [sflag:$0x3], $0x80, s3, s13, $0xb8;
	[tilespmem:$0x1E480] =	vst v63  }
0x41c: {  	_ = 	snop  }
0x41d: {  	[spmem:s4] =	stream.indirect.scatter.add.f32 [tilespmem:s26], [sflag:$0x8], $0x80, s9, s13, $0xb8;
	[tilespmem:$0x1E480] =	vst v63  }
0x41e: {  	_ =	swait.ge [sflag:s28], $0x1000  }
0x41f: {  	[sflag:s28] =	ssyncset.done $0x0  }
0x420: {  	[sflag:s28] =	ssyncadd.s32 $0xFFFFF000  }
0x421: {  	v54 =	vld [tilespmem:$0x300];
	_ =	sdelay $0x4  }
0x422: {  	v0 =	vshll.u32 v54, $0x3  }
0x423: {  	v0 =	vand.u32 $0x78, v0  }
0x424: {  	v55 =	vor.u32 v16, v0  }
0x425: {  	v3 =	vld [tilespmem:$0x310];
	v56 =	vor.u32 v17, v0  }
0x426: {  	v4 =	vor.u32 v18, v0  }
0x427: {  	v6 =	vor.u32 v19, v0  }
0x428: {  	v57 =	vimm.f32 $0.0e+00;
	v7 =	vor.u32 v20, v0  }
0x429: {  	v58 =	vor.u32 v21, v0;
	[tilespmem:v55+s26+$0x0] =	vst.idx.msk $0xffff, v57  }
0x42a: {  	v3 =	vshll.u32 v3, $0x3;
	v59 =	vor.u32 v22, v0;
	[tilespmem:v56+s26+$0x0] =	vst.idx.msk $0xffff, v57  }
0x42b: {  	v3 =	vand.u32 $0x78, v3;
	v0 =	vor.u32 v23, v0;
	[tilespmem:v4+s26+$0x0] =	vst.idx.msk $0xffff, v57  }
0x42c: {  	v4 =	vor.u32 v24, v3;
	[tilespmem:v6+s26+$0x0] =	vst.idx.msk $0xffff, v57  }
0x42d: {  	v6 =	vor.u32 v25, v3;
	[tilespmem:v7+s26+$0x0] =	vst.idx.msk $0xffff, v57  }
0x42e: {  	v60 =	vor.u32 v26, v3;
	[tilespmem:v58+s26+$0x0] =	vst.idx.msk $0xffff, v57  }
0x42f: {  	v61 =	vor.u32 v27, v3;
	[tilespmem:v59+s26+$0x0] =	vst.idx.msk $0xffff, v57  }
0x430: {  	v62 =	vor.u32 v28, v3;
	[tilespmem:v0+s26+$0x0] =	vst.idx.msk $0xffff, v57  }
0x431: {  	[tilespmem:v4+s26+$0x0] =	vst.idx.msk $0xffff, v57;
	v4 =	vor.u32 v29, v3  }
0x432: {  	[tilespmem:v6+s26+$0x0] =	vst.idx.msk $0xffff, v57;
	v6 =	vor.u32 v30, v3  }
0x433: {  	v63 =	vor.u32 v50, v3;
	[tilespmem:v60+s26+$0x0] =	vst.idx.msk $0xffff, v57  }
0x434: {  	[tilespmem:v61+s26+$0x0] =	vst.idx.msk $0xffff, v57  }
0x435: {  	[tilespmem:v62+s26+$0x0] =	vst.idx.msk $0xffff, v57  }
0x436: {  	[tilespmem:v4+s26+$0x0] =	vst.idx.msk $0xffff, v57  }
0x437: {  	[tilespmem:v6+s26+$0x0] =	vst.idx.msk $0xffff, v57  }
0x438: {  	[tilespmem:v63+s26+$0x0] =	vst.idx.msk $0xffff, v57  }
0x439: {  	_ =	swait.ge [sflag:s10], $0x2000  }
0x43a: {  	[sflag:s10] =	ssyncset.done $0x0  }
0x43b: {  	[sflag:s10] =	ssyncadd.s32 $0xFFFFE000  }
0x43c: {  	_ =	swait.ge [sflag:s10], $0x1000  }
0x43d: {  	p0 =	sne.s32 s21, $0x4E;
	[sflag:s10] =	ssyncset.done $0x0  }
0x43e: {  	s17 =	simm.s32 @p0 $0x4;
	[sflag:s10] =	ssyncadd.s32 $0xFFFFF000  }
0x43f: {  	_ =	swait.ge @p0 [sflag:s17], $0x20  }
0x440: {  	[sflag:s17] =	ssyncset.done @p0 $0x0  }
0x441: {  	[sflag:s17] =	ssyncadd.s32 @p0 $0xFFFFFFE0  }
0x442: {  	_ =	swait.ge @p0 [sflag:s17], $0x20  }
0x443: {  	[sflag:s17] =	ssyncset.done @p0 $0x0  }
0x444: {  	[sflag:s17] =	ssyncadd.s32 @p0 $0xFFFFFFE0  }
0x445: {  	v0 =	vld @p0 [tilespmem:$0x0];
	_ =	sdelay $0x4  }
0x446: {  	v1 =	vshll.u32 @p0 v0, $0x1  }
0x447: {  	v2 =	vlaneseq.u32 @p0;
	v0 =	vand.u32 @p0 $0x7, v0;
	v1 =	vand.u32 @p0 $0xFFFFFFF0, v1  }
0x448: {  	v3 =	vshrl.u32 @p0 v2, $0x3;
	v0 =	vor.u32 @p0 v0, v1;
	v1 =	vand.u32 @p0 $0x7, v2  }
0x449: {  	v3 =	vmul.u32 @p0 $0x8, v3;
	v4 =	vperm.xlane @p0 v0, v1  }
0x44a: {  	v2 =	vor.u32 @p0 $0x8, v2  }
0x44b: {  	v0 =	vperm.xlane @p0 v0, v2;
	v4 =	vadd.s32 @p0 v3, v4;
	_ =	sdelay $0x1  }
0x44c: {  	v0 =	vadd.s32 @p0 v3, v0;
	_ =	sdelay $0x1  }
0x44d: {  	vm2 =	vmmov @p0 $0xffff;
	s18 =	simm.s32 @p0 $0x480;
	s17 =	simm.s32 @p0 $0x0  }
0x44e: {  	[tilespmem:s18], [sflag:$0x1] =	stream.indirect_vreg.gather @p0 [hbm4b:s6+s17], $0x80, v4, vm2, $0xb8;
	[tilespmem:$0x1E480] =	vst v63  }
0x44f: {  	s18 =	simm.s32 @p0 $0xC80  }
0x450: {  	[tilespmem:s18], [sflag:$0x1] =	stream.indirect_vreg.gather @p0 [hbm4b:s6+s17], $0x80, v0, vm2, $0xb8;
	[tilespmem:$0x1E480] =	vst v63  }
0x451: {  	v0 =	vld @p0 [tilespmem:$0x10];
	_ =	sdelay $0x4  }
0x452: {  	v4 =	vshll.u32 @p0 v0, $0x1  }
0x453: {  	v0 =	vand.u32 @p0 $0x7, v0;
	v4 =	vand.u32 @p0 $0xFFFFFFF0, v4  }
0x454: {  	v0 =	vor.u32 @p0 v0, v4  }
0x455: {  	v1 =	vperm.xlane @p0 v0, v1;
	_ =	sdelay $0x1  }
0x456: {  	v0 =	vperm.xlane @p0 v0, v2;
	v1 =	vadd.s32 @p0 v3, v1;
	_ =	sdelay $0x1  }
0x457: {  	v0 =	vadd.s32 @p0 v3, v0;
	_ =	sdelay $0x1  }
0x458: {  	s18 =	simm.s32 @p0 $0x1480  }
0x459: {  	[tilespmem:s18], [sflag:$0x1] =	stream.indirect_vreg.gather @p0 [hbm4b:s6+s17], $0x80, v1, vm2, $0xb8;
	[tilespmem:$0x1E480] =	vst v63  }
0x45a: {  	s18 =	simm.s32 @p0 $0x1C80  }
0x45b: {  	[tilespmem:s18], [sflag:$0x1] =	stream.indirect_vreg.gather @p0 [hbm4b:s6+s17], $0x80, v0, vm2, $0xb8;
	[tilespmem:$0x1E480] =	vst v63  }
0x45c: {  	s19 =	simm.s32 @p0 $0x200;
	s23 =	simm.s32 @p0 $0x2480;
	s18 =	simm.s32 @p0 $0x20  }
0x45d: {  	[tilespmem:s23], [sflag:$0x1] =	stream.indirect.gather @p0 [hbm4b:s1+s18], $0x80, s19, s18, $0xb8;
	[tilespmem:$0x1E480] =	vst v63  }
0x45e: {  	s18 =	simm.s32 @p0 $0x3  }
0x45f: {  	_ =	swait.ge @p0 [sflag:s18], $0x1000  }
0x460: {  	s19 =	rddreg [dreg:$0x13]  }
0x461: {  	s19 =	sadd.s32 @p0 s22, s19  }
0x462: {  	[sflag:s18] =	ssyncset.done @p0 $0x0;
	s19 =	sshrl.u32 @p0 s19, $0x3  }
0x463: {  	[sflag:s18] =	ssyncadd.s32 @p0 $0xFFFFF000;
	s22 =	simm.s32 @p0 $0x100;
	s18 =	sadd.s32 @p0 s7, s19  }
0x464: {  	[tilespmem:s22], [sflag:$0x6] =	stream.linear.gather @p0 [hbm4b:s18+s17], $0x20, $0x38;
	[tilespmem:$0x1E480] =	vst v63  }
0x465: {  	s18 =	sadd.s32 @p0 s8, s19;
	s19 =	simm.s32 @p0 $0x300  }
0x466: {  	[tilespmem:s19], [sflag:$0x6] =	stream.linear.gather @p0 [hbm4b:s18+s17], $0x20, $0x38;
	[tilespmem:$0x1E480] =	vst v63  }
0x467: {  	s17 =	simm.s32 @!p0 $0x3  }
0x468: {  	_ =	swait.ge @!p0 [sflag:s17], $0x1000  }
0x469: {  	[sflag:s17] =	ssyncset.done @!p0 $0x0  }
0x46a: {  	s22 =	simm.s32 $0x0;
	[sflag:s17] =	ssyncadd.s32 @!p0 $0xFFFFF000  }
.LBB2_11:
0x46b: {  	s19 =	sshll.u32 s22, $0x7  }
0x46c: {  	v1 =	vld [tilespmem:s19+$0x5480]  }
0x46d: {  	v3 =	vld [tilespmem:s19+$0x5490]  }
0x46e: {  	v6 =	vld [tilespmem:s19+$0x54A0]  }
0x46f: {  	v8 =	vld [tilespmem:s19+$0x54B0]  }
0x470: {  	v10 =	vld [tilespmem:s19+$0x54C0]  }
0x471: {  	v12 =	vld [tilespmem:s19+$0x54D0]  }
0x472: {  	v14 =	vld [tilespmem:s19+$0x54E0]  }
0x473: {  	v16 =	vld [tilespmem:s19+$0x54F0]  }
0x474: {  	v18 =	vld [tilespmem:s19+$0x5500]  }
0x475: {  	v20 =	vld [tilespmem:s19+$0x5510]  }
0x476: {  	v22 =	vld [tilespmem:s19+$0x5520]  }
0x477: {  	v24 =	vld [tilespmem:s19+$0x5530]  }
0x478: {  	v26 =	vld [tilespmem:s19+$0x5540]  }
0x479: {  	v28 =	vld [tilespmem:s19+$0x5550]  }
0x47a: {  	v30 =	vld [tilespmem:s19+$0x5560]  }
0x47b: {  	v32 =	vld [tilespmem:s19+$0x5570]  }
0x47c: {  	v34 =	vld [tilespmem:s19+$0x5580]  }
0x47d: {  	v36 =	vld [tilespmem:s19+$0x5590]  }
0x47e: {  	v46 =	vld [tilespmem:s19+$0x55B0]  }
0x47f: {  	v50 =	vld [tilespmem:s19+$0x55C0]  }
0x480: {  	v56 =	vld [tilespmem:s19+$0x55D0]  }
0x481: {  	v61 =	vld [tilespmem:s19+$0x55E0]  }
0x482: {  	v38 =	vld [tilespmem:s19+$0x5650]  }
0x483: {  	s17 =	sshll.u32 s22, $0x8;
	v39 =	vld [tilespmem:s19+$0x5660]  }
0x484: {  	s18 =	sand.u32 $0x3FFFFF00, s17;
	v40 =	vld [tilespmem:s19+$0x5670]  }
0x485: {  	v0 =	vld [tilespmem:s18+$0x3480]  }
0x486: {  	v2 =	vld [tilespmem:s18+$0x3490]  }
0x487: {  	v4 =	vld [tilespmem:s18+$0x34A0]  }
0x488: {  	v7 =	vld [tilespmem:s18+$0x34B0]  }
0x489: {  	v9 =	vld [tilespmem:s18+$0x34C0]  }
0x48a: {  	v11 =	vld [tilespmem:s18+$0x34D0]  }
0x48b: {  	v13 =	vld [tilespmem:s18+$0x34E0]  }
0x48c: {  	v15 =	vld [tilespmem:s18+$0x34F0]  }
0x48d: {  	v17 =	vld [tilespmem:s18+$0x3500]  }
0x48e: {  	v19 =	vld [tilespmem:s18+$0x3510]  }
0x48f: {  	v21 =	vld [tilespmem:s18+$0x3520]  }
0x490: {  	v23 =	vld [tilespmem:s18+$0x3530]  }
0x491: {  	v25 =	vld [tilespmem:s18+$0x3540]  }
0x492: {  	v27 =	vld [tilespmem:s18+$0x3550]  }
0x493: {  	v29 =	vld [tilespmem:s18+$0x3560]  }
0x494: {  	v31 =	vld [tilespmem:s18+$0x3570]  }
0x495: {  	v33 =	vld [tilespmem:s18+$0x3580]  }
0x496: {  	v35 =	vld [tilespmem:s18+$0x3590]  }
0x497: {  	v42 =	vld [tilespmem:s18+$0x35A0]  }
0x498: {  	v43 =	vld [tilespmem:s18+$0x35B0]  }
0x499: {  	v53 =	vld [tilespmem:s18+$0x35D0]  }
0x49a: {  	v59 =	vld [tilespmem:s18+$0x35E0]  }
0x49b: {  	v62 =	vld [tilespmem:s18+$0x35F0]  }
0x49c: {  	v63 =	vld [tilespmem:s18+$0x3600]  }
0x49d: {  	v37 =	vld [tilespmem:s18+$0x3650]  }
0x49e: {  	v2 =	vmul.f32 v3, v2;
	v3 =	vmul.f32 v6, v4;
	v4 =	vld [tilespmem:s19+$0x55A0]  }
0x49f: {  	v52 =	vmul.f32 v24, v23;
	v24 =	vld [tilespmem:s19+$0x5600]  }
0x4a0: {  	v54 =	vmul.f32 v26, v25;
	v26 =	vld [tilespmem:s19+$0x5610]  }
0x4a1: {  	v55 =	vmul.f32 v28, v27;
	v28 =	vld [tilespmem:s18+$0x3620]  }
0x4a2: {  	v58 =	vmul.f32 v32, v31;
	v31 =	vld [tilespmem:s19+$0x5620]  }
0x4a3: {  	v32 =	vld [tilespmem:s18+$0x3630]  }
0x4a4: {  	v57 =	vmul.f32 v30, v29;
	v29 =	vmul.f32 v34, v33;
	v34 =	vld [tilespmem:s19+$0x5630]  }
0x4a5: {  	v30 =	vmul.f32 v36, v35;
	v35 =	vld [tilespmem:s18+$0x3640]  }
0x4a6: {  	v49 =	vmul.f32 v20, v19;
	v19 =	vld [tilespmem:s18+$0x3690]  }
0x4a7: {  	v20 =	vld [tilespmem:s19+$0x5690]  }
0x4a8: {  	v0 =	vmul.f32 v1, v0;
	v33 =	vmul.f32 v56, v53;
	v53 =	vld [tilespmem:s18+$0x3720]  }
0x4a9: {  	v6 =	vmul.f32 v8, v7;
	v7 =	vmul.f32 v10, v9;
	v56 =	vld [tilespmem:s19+$0x5730]  }
0x4aa: {  	v44 =	vmul.f32 v12, v11;
	v12 =	vmul.f32 v61, v59;
	v59 =	vld [tilespmem:s18+$0x3750]  }
0x4ab: {  	v45 =	vmul.f32 v14, v13;
	v47 =	vmul.f32 v16, v15;
	v61 =	vld [tilespmem:s18+$0x3760]  }
0x4ac: {  	v51 =	vmul.f32 v22, v21;
	v0 =	vadd.f32 v2, v0;
	v48 =	vadd.f32 v6, v3;
	v3 =	vld [tilespmem:s18+$0x35C0]  }
0x4ad: {  	v6 =	vadd.f32 v44, v7;
	v7 =	vmul.f32 v18, v17;
	v10 =	vadd.f32 v47, v45;
	v18 =	vld [tilespmem:s19+$0x5680]  }
0x4ae: {  	v60 =	vadd.f32 v52, v51;
	v51 =	vld [tilespmem:s18+$0x3710]  }
0x4af: {  	v52 =	vld [tilespmem:s19+$0x5710];
	v0 =	vadd.f32 v48, v0;
	v6 =	vadd.f32 v10, v6  }
0x4b0: {  	v2 =	vadd.f32 v55, v54;
	v54 =	vld [tilespmem:s19+$0x5720]  }
0x4b1: {  	v0 =	vadd.f32 v6, v0;
	v6 =	vld [tilespmem:s19+$0x55F0]  }
0x4b2: {  	v55 =	vld [tilespmem:s18+$0x3730]  }
0x4b3: {  	v36 =	vadd.f32 v30, v29;
	v48 =	vld [tilespmem:s19+$0x56F0];
	v1 =	vmul.f32 v4, v42  }
0x4b4: {  	v7 =	vadd.f32 v49, v7;
	v49 =	vld [tilespmem:s18+$0x3700];
	v4 =	vmul.f32 v46, v43;
	v25 =	vperm.xlane v0, v5  }
0x4b5: {  	v10 =	vadd.f32 v58, v57;
	v57 =	vld [tilespmem:s18+$0x3740];
	v42 =	vmul.f32 v31, v28;
	v8 =	vmul.f32 v34, v32  }
0x4b6: {  	v58 =	vld [tilespmem:s19+$0x5740];
	v3 =	vmul.f32 v50, v3;
	v0 =	vadd.f32 v0, v25;
	v6 =	vmul.f32 v6, v62  }
0x4b7: {  	v19 =	vmul.f32 v20, v19;
	v20 =	vld [tilespmem:s19+$0x5770];
	v7 =	vadd.f32 v60, v7;
	v1 =	vadd.f32 v4, v1  }
0x4b8: {  	v60 =	vld [tilespmem:s19+$0x5750];
	v3 =	vadd.f32 v33, v3;
	v0 =	vmax.f32 v0, $-5.000000000e+00;
	v6 =	vadd.f32 v6, v12  }
0x4b9: {  	v2 =	vadd.f32 v10, v2;
	v4 =	vld [tilespmem:s19+$0x5640];
	v8 =	vadd.f32 v8, v42;
	v0 =	vmin.f32 v0, $5.000000000e+00  }
0x4ba: {  	v42 =	vld [tilespmem:s19+$0x56C0];
	v1 =	vadd.f32 v1, v36;
	v0 =	vmul.f32 $1.442695020e+00, v0;
	v3 =	vadd.f32 v6, v3  }
0x4bb: {  	v2 =	vadd.f32 v2, v7;
	v6 =	vld [tilespmem:s18+$0x3660]  }
0x4bc: {  	(erf) = vpow2.f32 v0;
	v1 =	vadd.f32 v3, v1;
	v3 =	vld [tilespmem:s18+$0x3670]  }
0x4bd: {  	v7 =	vld [tilespmem:s18+$0x3610];
	v27 =	vperm.xlane v2, v5  }
0x4be: {  	v0 =	vmul.f32 v38, v37;
	v37 =	vld [tilespmem:s18+$0x36A0]  }
0x4bf: {  	v2 =	vadd.f32 v2, v27;
	v38 =	vld [tilespmem:s19+$0x56A0]  }
0x4c0: {  	v41 =	vperm.xlane v1, v5;
	v43 =	vmul.f32 v39, v6;
	v39 =	vld [tilespmem:s18+$0x36B0]  }
0x4c1: {  	v2 =	vmax.f32 v2, $-5.000000000e+00;
	v3 =	vmul.f32 v40, v3;
	v40 =	vld [tilespmem:s19+$0x56B0]  }
0x4c2: {  	v2 =	vmin.f32 v2, $5.000000000e+00;
	v1 =	vadd.f32 v1, v41;
	v41 =	vld [tilespmem:s18+$0x36C0]  }
0x4c3: {  	v50 =	vld [tilespmem:s19+$0x5700];
	v2 =	vmul.f32 $1.442695020e+00, v2  }
0x4c4: {  	v9 =	vmul.f32 v24, v63;
	v62 =	vld [tilespmem:s19+$0x5760];
	v4 =	vmul.f32 v4, v35  }
0x4c5: {  	v7 =	vmul.f32 v26, v7;
	(erf) = vpow2.f32 v2;
	v2 =	vadd.f32 v3, v43;
	v43 =	vld [tilespmem:s18+$0x36D0];
	v6 =	vpop (erf)  }
0x4c6: {  	v37 =	vmul.f32 v38, v37;
	v6 =	vnsel vm1, $0x0, v6;
	v38 =	vmul.f32 v40, v39;
	v39 =	vld [tilespmem:s18+$0x3780]  }
0x4c7: {  	v7 =	vadd.f32 v7, v9;
	v0 =	vadd.f32 v0, v4;
	[tilespmem:s19+$0x8480] =	vst v6;
	v40 =	vmul.f32 v42, v41;
	v42 =	vld [tilespmem:s19+$0x5780]  }
0x4c8: {  	v3 =	vld [tilespmem:s18+$0x3880]  }
0x4c9: {  	v4 =	vadd.f32 v8, v7;
	v0 =	vadd.f32 v2, v0;
	v2 =	vld [tilespmem:s18+$0x3890]  }
0x4ca: {  	v7 =	vld [tilespmem:s18+$0x38A0]  }
0x4cb: {  	v1 =	vmax.f32 v1, $-5.000000000e+00;
	v0 =	vadd.f32 v0, v4;
	v4 =	vld [tilespmem:s18+$0x38B0]  }
0x4cc: {  	v1 =	vmin.f32 v1, $5.000000000e+00;
	v8 =	vld [tilespmem:s18+$0x38C0]  }
0x4cd: {  	v1 =	vmul.f32 $1.442695020e+00, v1;
	v9 =	vld [tilespmem:s18+$0x38D0]  }
0x4ce: {  	v11 =	vld [tilespmem:s18+$0x38E0]  }
0x4cf: {  	(erf) = vpow2.f32 v1;
	v45 =	vpop (erf);
	v63 =	vperm.xlane v6, v5;
	v1 =	vld [tilespmem:s18+$0x38F0]  }
0x4d0: {  	v10 =	vnsel vm1, $0x0, v45;
	v45 =	vld [tilespmem:s18+$0x36E0]  }
0x4d1: {  	v6 =	vadd.f32 v6, v63;
	v63 =	vadd.f32 v38, v37;
	v37 =	vld [tilespmem:s19+$0x5790]  }
0x4d2: {  	[tilespmem:s19+$0x8500] =	vst v10;
	v38 =	vld [tilespmem:s18+$0x37B0]  }
0x4d3: {  	v12 =	vld [tilespmem:s18+$0x3900]  }
0x4d4: {  	v13 =	vld [tilespmem:s18+$0x3910]  }
0x4d5: {  	v14 =	vld [tilespmem:s18+$0x3920]  }
0x4d6: {  	v44 =	vperm.xlane v0, v5;
	v15 =	vld [tilespmem:s18+$0x3930]  }
0x4d7: {  	v16 =	vld [tilespmem:s18+$0x3940]  }
0x4d8: {  	v0 =	vadd.f32 v0, v44;
	v44 =	vld [tilespmem:s19+$0x56D0]  }
0x4d9: {  	v35 =	vld [tilespmem:s18+$0x3950]  }
0x4da: {  	v17 =	vld [tilespmem:s18+$0x3960];
	v0 =	vmax.f32 v0, $-5.000000000e+00  }
0x4db: {  	v36 =	vld [tilespmem:s18+$0x3970];
	v0 =	vmin.f32 v0, $5.000000000e+00;
	v46 =	vpop (erf)  }
0x4dc: {  	v0 =	vmul.f32 $1.442695020e+00, v0;
	v34 =	vnsel vm1, $0x0, v46;
	v46 =	vld [tilespmem:s19+$0x56E0]  }
0x4dd: {  	v41 =	vmul.f32 v44, v43;
	v44 =	vmul.f32 v50, v49;
	v50 =	vld [tilespmem:s18+$0x37D0]  }
0x4de: {  	v49 =	vmul.f32 v54, v53;
	v53 =	vld [tilespmem:s18+$0x37E0]  }
0x4df: {  	(erf) = vpow2.f32 v0;
	[tilespmem:s19+$0x8580] =	vst v34;
	v0 =	vld [tilespmem:s18+$0x3680]  }
0x4e0: {  	v32 =	vld [tilespmem:s18+$0x3980]  }
0x4e1: {  	v3 =	vmul.f32 v6, v3;
	v33 =	vld [tilespmem:s18+$0x3990]  }
0x4e2: {  	v2 =	vmul.f32 v6, v2;
	v7 =	vmul.f32 v6, v7;
	v30 =	vld [tilespmem:s18+$0x39A0]  }
0x4e3: {  	v4 =	vmul.f32 v6, v4;
	v8 =	vmul.f32 v6, v8;
	v31 =	vld [tilespmem:s18+$0x39B0]  }
0x4e4: {  	v9 =	vmul.f32 v6, v9;
	v11 =	vmul.f32 v6, v11;
	v29 =	vld [tilespmem:s18+$0x39C0]  }
0x4e5: {  	v1 =	vmul.f32 v1, v6;
	v6 =	vperm.xlane v10, v5;
	v28 =	vld [tilespmem:s18+$0x39D0]  }
0x4e6: {  	v56 =	vmul.f32 v56, v55;
	v27 =	vld [tilespmem:s18+$0x39E0]  }
0x4e7: {  	v6 =	vadd.f32 v10, v6;
	v26 =	vld [tilespmem:s18+$0x39F0]  }
0x4e8: {  	v10 =	vadd.f32 v56, v49;
	v49 =	vld [tilespmem:s19+$0x57F0]  }
0x4e9: {  	v56 =	vmul.f32 v6, v17;
	v17 =	vld [tilespmem:s18+$0x3810];
	v47 =	vpop (erf)  }
0x4ea: {  	v54 =	vmul.f32 v6, v16;
	v25 =	vnsel vm1, $0x0, v47;
	v47 =	vld [tilespmem:s18+$0x36F0]  }
0x4eb: {  	v0 =	vmul.f32 v18, v0;
	v18 =	vld [tilespmem:s18+$0x3770]  }
0x4ec: {  	[tilespmem:s19+$0x6540] =	vst v54;
	v54 =	vld [tilespmem:s19+$0x5860]  }
0x4ed: {  	[tilespmem:s19+$0x6560] =	vst v56;
	v56 =	vld [tilespmem:s18+$0x3870]  }
0x4ee: {  	v58 =	vmul.f32 v58, v57;
	v43 =	vmul.f32 v46, v45;
	v45 =	vld [tilespmem:s18+$0x3790]  }
0x4ef: {  	v61 =	vmul.f32 v62, v61;
	v46 =	vadd.f32 v41, v40;
	v41 =	vld [tilespmem:s18+$0x37A0];
	v48 =	vmul.f32 v48, v47  }
0x4f0: {  	[tilespmem:s19+$0x6480] =	vst v3;
	v3 =	vmul.f32 v60, v59;
	v40 =	vld [tilespmem:s19+$0x57B0];
	v62 =	vmul.f32 v20, v18  }
0x4f1: {  	[tilespmem:s19+$0x6490] =	vst v2;
	v0 =	vadd.f32 v19, v0;
	v19 =	vld [tilespmem:s18+$0x37C0];
	v47 =	vadd.f32 v48, v43  }
0x4f2: {  	v3 =	vadd.f32 v3, v58;
	v20 =	vld [tilespmem:s19+$0x57E0];
	[tilespmem:s19+$0x8600] =	vst v25;
	v2 =	vadd.f32 v62, v61  }
0x4f3: {  	[tilespmem:s19+$0x64A0] =	vst v7;
	v0 =	vadd.f32 v63, v0;
	v24 =	vld [tilespmem:s18+$0x3A00];
	v48 =	vadd.f32 v47, v46  }
0x4f4: {  	[tilespmem:s19+$0x64B0] =	vst v4;
	v7 =	vmul.f32 v6, v12;
	v4 =	vmul.f32 v6, v14;
	v2 =	vadd.f32 v2, v3;
	v3 =	vld [tilespmem:s19+$0x5800]  }
0x4f5: {  	v55 =	vmul.f32 v6, v35;
	v57 =	vmul.f32 v36, v6;
	v47 =	vld [tilespmem:s19+$0x57C0];
	v0 =	vadd.f32 v48, v0  }
0x4f6: {  	[tilespmem:s19+$0x6500] =	vst v7;
	v7 =	vmul.f32 v42, v39;
	v46 =	vmul.f32 v52, v51;
	v52 =	vld [tilespmem:s19+$0x57D0]  }
0x4f7: {  	v51 =	vmul.f32 v6, v15;
	v15 =	vld [tilespmem:s18+$0x3800];
	v63 =	vperm.xlane v0, v5  }
0x4f8: {  	[tilespmem:s19+$0x6550] =	vst v55;
	v60 =	vmul.f32 v37, v45;
	v55 =	vperm.xlane v25, v5;
	v43 =	vld [tilespmem:s19+$0x57A0]  }
0x4f9: {  	v23 =	vld [tilespmem:s18+$0x3A10];
	v62 =	vmul.f32 v40, v38;
	v42 =	vmul.f32 v20, v53;
	v0 =	vadd.f32 v0, v63  }
0x4fa: {  	v61 =	vld [tilespmem:s19+$0x5820];
	v63 =	vadd.f32 v46, v44;
	v44 =	vmul.f32 v6, v13;
	v6 =	vperm.xlane v34, v5  }
0x4fb: {  	[tilespmem:s19+$0x6530] =	vst v51;
	v51 =	vld [tilespmem:s19+$0x5850];
	v39 =	vmul.f32 v47, v19;
	v40 =	vmul.f32 v52, v50  }
0x4fc: {  	[tilespmem:s19+$0x6520] =	vst v4;
	v3 =	vmul.f32 v3, v15;
	v46 =	vld [tilespmem:s18+$0x37F0];
	v0 =	vmax.f32 v0, $-5.000000000e+00;
	v4 =	vadd.f32 v34, v6  }
0x4fd: {  	[tilespmem:s19+$0x64C0] =	vst v8;
	v10 =	vadd.f32 v10, v63;
	v6 =	vmul.f32 v43, v41;
	v63 =	vld [tilespmem:s18+$0x3830];
	v0 =	vmin.f32 v0, $5.000000000e+00  }
0x4fe: {  	[tilespmem:s19+$0x6510] =	vst v44;
	v41 =	vld [tilespmem:s19+$0x5830];
	v0 =	vmul.f32 $1.442695020e+00, v0;
	v44 =	vmul.f32 v4, v32  }
0x4ff: {  	[tilespmem:s19+$0x64D0] =	vst v9;
	v43 =	vld [tilespmem:s18+$0x3840];
	v58 =	vadd.f32 v2, v10;
	v45 =	vmul.f32 v4, v33;
	v47 =	vmul.f32 v4, v30  }
0x500: {  	[tilespmem:s19+$0x64E0] =	vst v11;
	v7 =	vadd.f32 v60, v7;
	v2 =	vld [tilespmem:s19+$0x5810];
	v48 =	vmul.f32 v4, v31;
	v50 =	vmul.f32 v4, v29  }
0x501: {  	[tilespmem:s19+$0x64F0] =	vst v1;
	v8 =	vadd.f32 v40, v39;
	v10 =	vld [tilespmem:s18+$0x3820];
	v13 =	vmul.f32 v49, v46;
	v59 =	vperm.xlane v58, v5  }
0x502: {  	[tilespmem:s19+$0x6570] =	vst v57;
	v6 =	vadd.f32 v62, v6;
	v52 =	vmul.f32 v4, v28;
	v46 =	vld [tilespmem:s19+$0x5840];
	(erf) = vpow2.f32 v0  }
0x503: {  	v53 =	vmul.f32 v4, v27;
	v49 =	vld [tilespmem:s18+$0x3850];
	[tilespmem:s19+$0x6580] =	vst v44;
	v9 =	vadd.f32 v13, v42;
	v0 =	vadd.f32 v58, v59  }
0x504: {  	v22 =	vld [tilespmem:s18+$0x3A20];
	v4 =	vmul.f32 v26, v4;
	v6 =	vadd.f32 v6, v7;
	[tilespmem:s19+$0x6590] =	vst v45;
	v62 =	vmul.f32 v41, v63  }
0x505: {  	v21 =	vld [tilespmem:s18+$0x3A30];
	[tilespmem:s19+$0x65A0] =	vst v47;
	v58 =	vadd.f32 v25, v55;
	v8 =	vadd.f32 v9, v8;
	v0 =	vmax.f32 v0, $-5.000000000e+00  }
0x506: {  	v7 =	vld [tilespmem:s18+$0x3860];
	[tilespmem:s19+$0x65B0] =	vst v48;
	v2 =	vmul.f32 v2, v17;
	v59 =	vmul.f32 v61, v10;
	v0 =	vmin.f32 v0, $5.000000000e+00  }
0x507: {  	[tilespmem:s19+$0x65C0] =	vst v50;
	v14 =	vmul.f32 v46, v43;
	v57 =	vadd.f32 v8, v6;
	v6 =	vld [tilespmem:s19+$0x5870];
	v0 =	vmul.f32 $1.442695020e+00, v0  }
0x508: {  	v60 =	vld [tilespmem:s18+$0x3A40];
	[tilespmem:s19+$0x65F0] =	vst v4;
	v27 =	vmul.f32 v58, v24;
	v4 =	vmul.f32 v51, v49  }
0x509: {  	v28 =	vld [tilespmem:s18+$0x3A70];
	[tilespmem:s19+$0x65D0] =	vst v52;
	v30 =	vmul.f32 v58, v23;
	(erf) = vpow2.f32 v0  }
0x50a: {  	[tilespmem:s19+$0x65E0] =	vst v53;
	v25 =	vld [tilespmem:s18+$0x3A60];
	v31 =	vmul.f32 v58, v22;
	v32 =	vmul.f32 v58, v21  }
0x50b: {  	v61 =	vld [tilespmem:s18+$0x3A50];
	v7 =	vmul.f32 v54, v7;
	[tilespmem:s19+$0x6600] =	vst v27;
	v63 =	vperm.xlane v57, v5;
	v29 =	vpop (erf)  }
0x50c: {  	v2 =	vadd.f32 v2, v3;
	[tilespmem:s19+$0x6610] =	vst v30;
	v6 =	vmul.f32 v6, v56;
	v9 =	vnsel vm1, $0x0, v29  }
0x50d: {  	v33 =	vmul.f32 v58, v60;
	v3 =	vadd.f32 v62, v59;
	v0 =	vadd.f32 v57, v63;
	[tilespmem:s19+$0x8680] =	vst v9  }
0x50e: {  	v1 =	vmul.f32 v28, v58;
	v4 =	vadd.f32 v4, v14;
	[tilespmem:s19+$0x6620] =	vst v31;
	v6 =	vadd.f32 v6, v7;
	v7 =	vld [tilespmem:s18+$0x3A80]  }
0x50f: {  	[tilespmem:s19+$0x6630] =	vst v32;
	v2 =	vadd.f32 v3, v2;
	v34 =	vperm.xlane v9, v5;
	v0 =	vmax.f32 v0, $-5.000000000e+00;
	v3 =	vld [tilespmem:s18+$0x3A90]  }
0x510: {  	[tilespmem:s19+$0x6640] =	vst v33;
	v35 =	vmul.f32 v58, v25;
	v0 =	vmin.f32 v0, $5.000000000e+00;
	v4 =	vadd.f32 v6, v4;
	v6 =	vld [tilespmem:s18+$0x3AA0]  }
0x511: {  	[tilespmem:s19+$0x6670] =	vst v1;
	v11 =	vmul.f32 v58, v61;
	v36 =	vld [tilespmem:s18+$0x3AB0];
	v9 =	vadd.f32 v9, v34;
	v0 =	vmul.f32 $1.442695020e+00, v0  }
0x512: {  	[tilespmem:s19+$0x6660] =	vst v35;
	v37 =	vld [tilespmem:s18+$0x3AC0];
	v2 =	vadd.f32 v4, v2;
	v38 =	vpop (erf)  }
0x513: {  	[tilespmem:s19+$0x6650] =	vst v11;
	v39 =	vld [tilespmem:s18+$0x3AE0];
	(erf) = vpow2.f32 v0;
	v7 =	vmul.f32 v9, v7;
	v8 =	vnsel vm1, $0x0, v38  }
0x514: {  	v41 =	vld [tilespmem:s18+$0x3AF0];
	v3 =	vmul.f32 v9, v3;
	v40 =	vperm.xlane v2, v5;
	[tilespmem:s19+$0x8700] =	vst v8  }
0x515: {  	v4 =	vld [tilespmem:s18+$0x3AD0];
	[tilespmem:s19+$0x6680] =	vst v7;
	v6 =	vmul.f32 v9, v6  }
0x516: {  	v42 =	vmul.f32 v9, v36;
	[tilespmem:s19+$0x6690] =	vst v3;
	v7 =	vld [tilespmem:s18+$0x3B00];
	v0 =	vadd.f32 v2, v40  }
0x517: {  	v43 =	vperm.xlane v8, v5;
	v3 =	vld [tilespmem:s18+$0x3B10];
	[tilespmem:s19+$0x66A0] =	vst v6;
	v6 =	vmul.f32 v9, v37  }
0x518: {  	v1 =	vmul.f32 v9, v39;
	[tilespmem:s19+$0x66B0] =	vst v42;
	v44 =	vld [tilespmem:s18+$0x3B20];
	v0 =	vmax.f32 v0, $-5.000000000e+00  }
0x519: {  	v47 =	vmul.f32 v41, v9;
	v49 =	vld [tilespmem:s18+$0x3B60];
	v0 =	vmin.f32 v0, $5.000000000e+00;
	[tilespmem:s19+$0x66C0] =	vst v6;
	v6 =	vadd.f32 v8, v43  }
0x51a: {  	[tilespmem:s19+$0x66E0] =	vst v1;
	v45 =	vmul.f32 v9, v4;
	v4 =	vld [tilespmem:s18+$0x3B30];
	v0 =	vmul.f32 $1.442695020e+00, v0  }
0x51b: {  	[tilespmem:s19+$0x66F0] =	vst v47;
	v46 =	vld [tilespmem:s18+$0x3B40];
	v7 =	vmul.f32 v6, v7  }
0x51c: {  	v48 =	vld [tilespmem:s18+$0x3B50];
	[tilespmem:s19+$0x66D0] =	vst v45;
	v50 =	vpop (erf);
	(erf) = vpow2.f32 v0  }
0x51d: {  	v51 =	vld [tilespmem:s18+$0x3B70];
	v3 =	vmul.f32 v6, v3;
	v0 =	vnsel vm1, $0x0, v50;
	[tilespmem:s19+$0x6700] =	vst v7  }
0x51e: {  	v1 =	vmul.f32 v6, v49;
	[tilespmem:s19+$0x8780] =	vst v0  }
0x51f: {  	v7 =	vmul.f32 v6, v44;
	[tilespmem:s19+$0x6710] =	vst v3;
	v3 =	vmul.f32 v6, v4;
	v4 =	vld [tilespmem:s18+$0x3B80]  }
0x520: {  	v53 =	vperm.xlane v0, v5;
	[tilespmem:s19+$0x6760] =	vst v1;
	v52 =	vld [tilespmem:s18+$0x3B90]  }
0x521: {  	v54 =	vld [tilespmem:s18+$0x3BA0];
	[tilespmem:s19+$0x6720] =	vst v7;
	v7 =	vmul.f32 v6, v46  }
0x522: {  	v55 =	vld [tilespmem:s18+$0x3BD0];
	[tilespmem:s19+$0x6730] =	vst v3;
	v3 =	vmul.f32 v6, v48;
	v0 =	vadd.f32 v0, v53  }
0x523: {  	v2 =	vmul.f32 v51, v6;
	[tilespmem:s19+$0x6740] =	vst v7;
	v7 =	vld [tilespmem:s18+$0x3BB0]  }
0x524: {  	[tilespmem:s19+$0x6750] =	vst v3;
	v3 =	vld [tilespmem:s18+$0x3BC0];
	v4 =	vmul.f32 v0, v4  }
0x525: {  	[tilespmem:s19+$0x6770] =	vst v2;
	v56 =	vld [tilespmem:s18+$0x3BE0];
	v6 =	vpop (erf)  }
0x526: {  	v57 =	vld [tilespmem:s18+$0x3BF0];
	v8 =	vmul.f32 v0, v52;
	[tilespmem:s19+$0x6780] =	vst v4;
	v6 =	vnsel vm1, $0x0, v6  }
0x527: {  	v4 =	vmul.f32 v0, v54;
	[tilespmem:s19+$0x8800] =	vst v6  }
0x528: {  	[tilespmem:s19+$0x6790] =	vst v8;
	v7 =	vmul.f32 v0, v7;
	v58 =	vld [tilespmem:s18+$0x3C00]  }
0x529: {  	v3 =	vmul.f32 v0, v3;
	[tilespmem:s19+$0x67A0] =	vst v4;
	v4 =	vperm.xlane v6, v5;
	v59 =	vld [tilespmem:s18+$0x3C10]  }
0x52a: {  	v1 =	vmul.f32 v0, v55;
	[tilespmem:s19+$0x67B0] =	vst v7;
	v7 =	vld [tilespmem:s18+$0x3C30]  }
0x52b: {  	v2 =	vmul.f32 v0, v56;
	[tilespmem:s19+$0x67C0] =	vst v3;
	v61 =	vld [tilespmem:s18+$0x3C50];
	v3 =	vadd.f32 v6, v4  }
0x52c: {  	[tilespmem:s19+$0x67D0] =	vst v1;
	v0 =	vmul.f32 v57, v0;
	v62 =	vld [tilespmem:s18+$0x3C60]  }
0x52d: {  	[tilespmem:s19+$0x67E0] =	vst v2;
	v63 =	vld [tilespmem:s18+$0x3C70];
	v6 =	vmul.f32 v3, v58  }
0x52e: {  	[tilespmem:s19+$0x67F0] =	vst v0;
	v4 =	vld [tilespmem:s18+$0x3C40];
	v8 =	vmul.f32 v3, v59  }
0x52f: {  	v60 =	vld [tilespmem:s18+$0x3C20];
	v7 =	vmul.f32 v3, v7;
	[tilespmem:s19+$0x6800] =	vst v6  }
0x530: {  	v1 =	vmul.f32 v3, v61;
	[tilespmem:s19+$0x6810] =	vst v8  }
0x531: {  	p0 =	slt.u32 s22, $0x18;
	v2 =	vmul.f32 v3, v62;
	[tilespmem:s19+$0x6830] =	vst v7  }
.Ltmp4:
0x532: {  	v0 =	vmul.f32 v63, v3;
	[tilespmem:s19+$0x6850] =	vst v1;
	(pc) =	sbr.rel @p0 .LBB2_11-.Ltmp4, $4  }
0x533: {  	v4 =	vmul.f32 v3, v4;
	[tilespmem:s19+$0x6860] =	vst v2  }
0x534: {  	v6 =	vmul.f32 v3, v60;
	[tilespmem:s19+$0x6870] =	vst v0  }
0x535: {  	s23 =	sadd.s32 $0x8, s22;
	[tilespmem:s19+$0x6840] =	vst v4  }
0x536: {  	s22 =	smov.u32 s23;
	[tilespmem:s19+$0x6820] =	vst v6  }
0x537: {  	v0 =	vld [tilespmem:$0x380]  }
0x538: {  	v16 =	vld [tilespmem:$0x1FFE0]  }
0x539: {  	v17 =	vld [tilespmem:$0x1FF00]  }
0x53a: {  	v3 =	vld [tilespmem:$0x390]  }
0x53b: {  	v18 =	vld [tilespmem:$0x1FF10]  }
0x53c: {  	v19 =	vld [tilespmem:$0x1FF20]  }
0x53d: {  	v20 =	vld [tilespmem:$0x1FF30]  }
0x53e: {  	v21 =	vld [tilespmem:$0x1FF40]  }
0x53f: {  	v22 =	vld [tilespmem:$0x1FF50]  }
0x540: {  	v23 =	vld [tilespmem:$0x1FF60]  }
0x541: {  	v24 =	vld [tilespmem:$0x1FF70]  }
0x542: {  	v25 =	vld [tilespmem:$0x1FF80]  }
0x543: {  	v26 =	vld [tilespmem:$0x1FF90]  }
0x544: {  	v27 =	vld [tilespmem:$0x1FFA0]  }
0x545: {  	v28 =	vld [tilespmem:$0x1FFB0]  }
0x546: {  	v29 =	vld [tilespmem:$0x1FFC0]  }
0x547: {  	v30 =	vld [tilespmem:$0x1FFD0];
	v1 =	vshrl.u32 v0, $0x4  }
0x548: {  	v52 =	vld [tilespmem:$0x1FFF0];
	[tilespmem:$0x400] =	vst v1  }
0x549: {  	v0 =	vshll.u32 v0, $0x3;
	v1 =	vld.idx.msk [tilespmem:v16+s12+$0x0], $0xffff  }
0x54a: {  	v0 =	vand.u32 $0x78, v0;
	v2 =	vld.idx.msk [tilespmem:v17+s12+$0x0], $0xffff  }
0x54b: {  	v7 =	vor.u32 v16, v0;
	v4 =	vld.idx.msk [tilespmem:v18+s12+$0x0], $0xffff  }
0x54c: {  	v9 =	vor.u32 v17, v0;
	v6 =	vld.idx.msk [tilespmem:v19+s12+$0x0], $0xffff  }
0x54d: {  	v11 =	vor.u32 v18, v0;
	v8 =	vld.idx.msk [tilespmem:v20+s12+$0x0], $0xffff  }
0x54e: {  	v14 =	vshrl.u32 v3, $0x4;
	v13 =	vor.u32 v19, v0;
	v10 =	vld.idx.msk [tilespmem:v21+s12+$0x0], $0xffff  }
0x54f: {  	[tilespmem:$0x410] =	vst v14;
	v45 =	vor.u32 v20, v0;
	v12 =	vld.idx.msk [tilespmem:v22+s12+$0x0], $0xffff  }
0x550: {  	v46 =	vor.u32 v21, v0;
	v15 =	vld.idx.msk [tilespmem:v23+s12+$0x0], $0xffff;
	[tilespmem:v7+s26+$0x0] =	vst.idx.msk $0xffff, v1  }
0x551: {  	v3 =	vshll.u32 v3, $0x3;
	v47 =	vor.u32 v22, v0;
	v49 =	vld.idx.msk [tilespmem:v29+s12+$0x0], $0xffff;
	[tilespmem:v9+s26+$0x0] =	vst.idx.msk $0xffff, v2  }
0x552: {  	v3 =	vand.u32 $0x78, v3;
	v0 =	vor.u32 v23, v0;
	v50 =	vld.idx.msk [tilespmem:v30+s12+$0x0], $0xffff;
	[tilespmem:v11+s26+$0x0] =	vst.idx.msk $0xffff, v4  }
0x553: {  	v7 =	vld.idx.msk [tilespmem:v24+s12+$0x0], $0xffff;
	v11 =	vor.u32 v24, v3;
	[tilespmem:v13+s26+$0x0] =	vst.idx.msk $0xffff, v6  }
0x554: {  	v48 =	vor.u32 v25, v3;
	v9 =	vld.idx.msk [tilespmem:v25+s12+$0x0], $0xffff;
	[tilespmem:v45+s26+$0x0] =	vst.idx.msk $0xffff, v8  }
0x555: {  	v4 =	vld.idx.msk [tilespmem:v26+s12+$0x0], $0xffff;
	[tilespmem:v46+s26+$0x0] =	vst.idx.msk $0xffff, v10;
	v10 =	vor.u32 v26, v3  }
0x556: {  	v51 =	vor.u32 v27, v3;
	v6 =	vld.idx.msk [tilespmem:v27+s12+$0x0], $0xffff;
	[tilespmem:v47+s26+$0x0] =	vst.idx.msk $0xffff, v12  }
0x557: {  	v54 =	vor.u32 v28, v3;
	v8 =	vld.idx.msk [tilespmem:v28+s12+$0x0], $0xffff;
	[tilespmem:v0+s26+$0x0] =	vst.idx.msk $0xffff, v15  }
0x558: {  	v53 =	vld.idx.msk [tilespmem:v52+s12+$0x0], $0xffff;
	[tilespmem:v11+s26+$0x0] =	vst.idx.msk $0xffff, v7;
	v7 =	vor.u32 v29, v3  }
0x559: {  	[tilespmem:v48+s26+$0x0] =	vst.idx.msk $0xffff, v9;
	v9 =	vor.u32 v30, v3  }
0x55a: {  	v3 =	vor.u32 v52, v3;
	[tilespmem:v10+s26+$0x0] =	vst.idx.msk $0xffff, v4  }
0x55b: {  	[tilespmem:v51+s26+$0x0] =	vst.idx.msk $0xffff, v6  }
0x55c: {  	[tilespmem:v54+s26+$0x0] =	vst.idx.msk $0xffff, v8  }
0x55d: {  	[tilespmem:v7+s26+$0x0] =	vst.idx.msk $0xffff, v49  }
0x55e: {  	[tilespmem:v9+s26+$0x0] =	vst.idx.msk $0xffff, v50  }
0x55f: {  	[tilespmem:v3+s26+$0x0] =	vst.idx.msk $0xffff, v53  }
0x560: {  	[spmem:s2] =	stream.indirect.scatter.add.f32 [tilespmem:s0], [sflag:$0x3], $0x80, s30, s13, $0xb8;
	[tilespmem:$0x1E480] =	vst v63  }
0x561: {  	_ = 	snop  }
0x562: {  	[spmem:s4] =	stream.indirect.scatter.add.f32 [tilespmem:s26], [sflag:$0x8], $0x80, s9, s13, $0xb8;
	[tilespmem:$0x1E480] =	vst v63  }
0x563: {  	_ =	swait.ge [sflag:s28], $0x1000  }
0x564: {  	[sflag:s28] =	ssyncset.done $0x0  }
0x565: {  	[sflag:s28] =	ssyncadd.s32 $0xFFFFF000  }
0x566: {  	v55 =	vld [tilespmem:$0x380];
	_ =	sdelay $0x4  }
0x567: {  	v0 =	vshll.u32 v55, $0x3  }
0x568: {  	v0 =	vand.u32 $0x78, v0  }
0x569: {  	v56 =	vor.u32 v16, v0  }
0x56a: {  	v3 =	vld [tilespmem:$0x390];
	v57 =	vor.u32 v17, v0  }
0x56b: {  	v4 =	vor.u32 v18, v0  }
0x56c: {  	v6 =	vor.u32 v19, v0  }
0x56d: {  	v8 =	vimm.f32 $0.0e+00;
	v7 =	vor.u32 v20, v0  }
0x56e: {  	v58 =	vor.u32 v21, v0;
	[tilespmem:v56+s26+$0x0] =	vst.idx.msk $0xffff, v8  }
0x56f: {  	v3 =	vshll.u32 v3, $0x3;
	v59 =	vor.u32 v22, v0;
	[tilespmem:v57+s26+$0x0] =	vst.idx.msk $0xffff, v8  }
0x570: {  	v3 =	vand.u32 $0x78, v3;
	v0 =	vor.u32 v23, v0;
	[tilespmem:v4+s26+$0x0] =	vst.idx.msk $0xffff, v8  }
0x571: {  	v4 =	vor.u32 v24, v3;
	[tilespmem:v6+s26+$0x0] =	vst.idx.msk $0xffff, v8  }
0x572: {  	v6 =	vor.u32 v25, v3;
	[tilespmem:v7+s26+$0x0] =	vst.idx.msk $0xffff, v8  }
0x573: {  	v60 =	vor.u32 v26, v3;
	[tilespmem:v58+s26+$0x0] =	vst.idx.msk $0xffff, v8  }
0x574: {  	v61 =	vor.u32 v27, v3;
	[tilespmem:v59+s26+$0x0] =	vst.idx.msk $0xffff, v8  }
0x575: {  	v62 =	vor.u32 v28, v3;
	[tilespmem:v0+s26+$0x0] =	vst.idx.msk $0xffff, v8  }
0x576: {  	[tilespmem:v4+s26+$0x0] =	vst.idx.msk $0xffff, v8;
	v4 =	vor.u32 v29, v3  }
0x577: {  	s21 =	sadd.s32 $0x1, s21;
	[tilespmem:v6+s26+$0x0] =	vst.idx.msk $0xffff, v8;
	v6 =	vor.u32 v30, v3  }
0x578: {  	p0 =	sne.s32 s21, $0x4F;
	v63 =	vor.u32 v52, v3;
	[tilespmem:v60+s26+$0x0] =	vst.idx.msk $0xffff, v8  }
.Ltmp5:
0x579: {  	[tilespmem:v61+s26+$0x0] =	vst.idx.msk $0xffff, v8;
	(pc) =	sbr.rel @p0 .LBB2_4-.Ltmp5, $4  }
0x57a: {  	[tilespmem:v62+s26+$0x0] =	vst.idx.msk $0xffff, v8  }
0x57b: {  	[tilespmem:v4+s26+$0x0] =	vst.idx.msk $0xffff, v8  }
0x57c: {  	[tilespmem:v6+s26+$0x0] =	vst.idx.msk $0xffff, v8  }
0x57d: {  	[tilespmem:v63+s26+$0x0] =	vst.idx.msk $0xffff, v8  }
0x57e: {  	_ =	swait.ge [sflag:s14], $0x1000  }
0x57f: {  	[sflag:s14] =	ssyncset.done $0x0  }
0x580: {  	[sflag:s14] =	ssyncadd.s32 $0xFFFFF000  }
0x581: {  	[bflag:$0x0] =	sbarrier.arrive $0xFFFF  }
0x582: {  	s18 =	rddreg [dreg:$0x8]  }
0x583: {  	s17 =	rddreg [dreg:$0x14]  }
0x584: {  	s19 =	rddreg [dreg:$0x18]  }
0x585: {  	[hbm:s17], [sflag:s18] =	dma.local [spmem:s19], $0x2780  }
0x586: {  	_ =	swait.ge [sflag:s28], $0x2780  }
0x587: {  	[sflag:s28] =	ssyncset.done $0x0;
	s19 =	rddreg [dreg:$0x15]  }
0x588: {  	s21 =	rddreg [dreg:$0x19];
	[sflag:s28] =	ssyncadd.s32 $0xFFFFD880  }
0x589: {  	[hbm:s19], [sflag:s18] =	dma.local [spmem:s21], $0x280  }
0x58a: {  	_ =	swait.ge [sflag:s28], $0x280  }
0x58b: {  	s22 =	rddreg [dreg:$0x17]  }
0x58c: {  	s23 =	rddreg [dreg:$0x16];
	s19 =	sadd.s32 $0x1, s22  }
0x58d: {  	p0 =	sne.s32 s19, s23  }
.Ltmp6:
0x58e: {  	_ = 	snop;
	(pc) =	sbr.rel @p0 .LBB2_1-.Ltmp6, $3  }
0x58f: {  	_ =	sdelay $0x1  }
0x590: {  	[sflag:s28] =	ssyncset.done $0x0  }
0x591: {  	[sflag:s28] =	ssyncadd.s32 $0xFFFFFD80  }
0x592: {  	_ =	sfence.sel $0x180000  }
0x593: {  	[bflag:$0x0] =	sbarrier.arrive $0xFFFF  }
0x594: {  	_ =	strace $0x90000047  }
0x595: {  	s0 =	stileid.u32;
	[bflag:$0x2] =	sbarrier.arrive $0xFFFF  }
0x596: {  	p0 =	sne.s32 s0, $0x0;
	s0 =	rddreg [dreg:$0x4]  }
0x597: {  	s0 =	sadd.s32 @!p0 $0x100000, s0  }
0x598: {  	[sflag:s0] =	ssyncadd.tile.s32 @!p0 $0x1;
	_ =	shalt  }
.Lfunc_end2:
_tile_overlayer_lowered:
.L_overlay_start_2:
0x599: {  	(tag) =	ssettag $0x2  }
0x59a: {  	s0 =	rddreg [dreg:$0x0];
	s2 =	stileid.u32  }
0x59b: {  	s1 =	rddreg [dreg:$0x1];
	p0 =	sne.s32 s2, $0x0  }
0x59c: {  	s3 =	rddreg [dreg:$0x2];
	[bflag:$0x3] =	sbarrier.arrive $0xFFFF;
	s2 =	simm.s32 @!p0 $0x1C08  }
0x59d: {  	[timem:s3], [sflag:s2] =	dma.local @!p0 [hbm:s0], s1  }
0x59e: {  	s0 =	simm.s32 @!p0 $0x8  }
0x59f: {  	_ =	swait.ge @!p0 [sflag:s0], s1  }
0x5a0: {  	s1 =	ssub.s32 @!p0 $0x0, s1;
	[sflag:s0] =	ssyncset.done @!p0 $0x0  }
0x5a1: {  	[sflag:s0] =	ssyncadd.s32 @!p0 s1  }
0x5a2: {  	[bflag:$0x3] =	sbarrier.arrive $0xFFFF  }
0x5a3: {  	_ =	shalt  }

// kernel: kernel.8.cloned.1.call-start
scs
__scs_entry_jumppad:
0x0: {  	(pc) =	sbr.rel $0x88, $3  }
0x1: {  	(tag) =	ssettag $0x0;
	lr =	simm.s32 $0x1  }
0x2: {  	[smem:$0x3F99] =	sst lr;
	_ =	strace $0xD0000000  }
0x3: {  	_ = 	snop  }
0x4: {  	_ = 	snop  }
0x5: {  	_ = 	snop  }
0x6: {  	_ = 	snop  }
0x7: {  	_ = 	snop  }
__scs_overlays_trampoline_lowered:
0x8: {  	[smem:$0x3FA8] =	sst s0  }
0x9: {  	[smem:$0x3FA9] =	sst s1  }
0xa: {  	[smem:$0x3FAA] =	sst s2  }
0xb: {  	[smem:$0x3FAB] =	sst s3  }
0xc: {  	[smem:$0x3FAC] =	sst s4  }
0xd: {  	[smem:$0x3FAD] =	sst s5  }
0xe: {  	[smem:$0x3FAE] =	sst s6  }
0xf: {  	[smem:$0x3FAF] =	sst s7  }
0x10: {  	[smem:$0x3FB0] =	sst s8  }
0x11: {  	[smem:$0x3FB1] =	sst s9;
	s0 =	simm.s32 @!p0 $0x0  }
0x12: {  	s1 =	sld [smem:$0x3F97];
	s0 =	simm.s32 @p0 $0x1  }
0x13: {  	[smem:$0x3FB2] =	sst s0;
	s0 =	simm.s32 @!p1 $0x0  }
0x14: {  	s2 =	sld [smem:$0x3F96];
	s0 =	simm.s32 @p1 $0x1  }
0x15: {  	[smem:$0x3FB3] =	sst s0;
	s0 =	simm.s32 @!p2 $0x0  }
0x16: {  	s3 =	sld [smem:$0x3FDB];
	s0 =	simm.s32 @p2 $0x1  }
0x17: {  	s4 =	simm.s32 $0x1BF5;
	[smem:$0x3FB5] =	sst s0  }
0x18: {  	s0 =	sld [smem:$0x3F98];
	_ =	swait.ge [sflag:s4], $0x0  }
0x19: {  	s7 =	sld [smem:$0x3F99]  }
0x1a: {  	s8 =	sadd.s32 $0xFFFFE003, lr  }
0x1b: {  	s9 =	sadd.s32 $0xFFFFFEF7, lr;
	s5 =	simm.s32 $0xFFFFFFFF;
	p2 =	slt.u32 s8, $0xFFFFF086  }
0x1c: {  	p1 =	slt.u32 s9, $0xF7A;
	s5 =	simm.s32 @!p2 $0x0  }
0x1d: {  	s5 =	simm.s32 @p1 $0x1;
	p0 =	seq.s32 s7, s2  }
0x1e: {  	s7 =	smul.u32 @!p0 $0xF7A, s2;
	p2 =	seq.s32 @!p0 s5, $0x0  }
0x1f: {  	s9 =	smul.u32 $0xF7A, s1;
	s8 =	simm.s32 @!p0 $0x1BF5;
	p2 =	por !p2, p0  }
0x20: {  	[sflag:s8] =	ssyncset.s32 @!p0 $0xFFFFF086;
	s6 =	sadd.s32 @!p0 s3, s7;
	s7 =	simm.s32 @!p0 $0x108  }
0x21: {  	s3 =	sadd.s32 s3, s9;
	s6 =	sadd.s32 @!p0 $0x88, s6;
	s7 =	simm.s32 @p2 $0x1082  }
0x22: {  	[simem:s7], [sflag:s8] =	dma.local @!p0 [hbm:s6], $0xF7A  }
0x23: {  	s9 =	sor.u32 $0xD0000000, s2;
	s6 =	simm.s32 $0x108;
	_ =	swait.ge @!p0 [sflag:s8], $0x0  }
0x24: {  	s3 =	sadd.s32 $0x88, s3;
	s6 =	simm.s32 @!p1 $0x1082;
	[sflag:s4] =	ssyncset.s32 $0xFFFFF086  }
0x25: {  	[simem:s6], [sflag:s4] =	dma.local [hbm:s3], $0xF7A  }
0x26: {  	[smem:$0x3F99] =	sst s1;
	(tag) =	ssettag s2;
	_ =	strace s9  }
0x27: {  	s1 =	sld [smem:$0x3FA9]  }
0x28: {  	s2 =	sld [smem:$0x3FAA]  }
0x29: {  	s4 =	sld [smem:$0x3FAC]  }
0x2a: {  	p0 =	seq.s32 s5, $0x0;
	s5 =	sld [smem:$0x3FAD]  }
0x2b: {  	s6 =	sld [smem:$0x3FAE]  }
0x2c: {  	s7 =	sld [smem:$0x3FAF]  }
0x2d: {  	s3 =	simm.s32 $0x108;
	s8 =	sld [smem:$0x3FB0]  }
0x2e: {  	s3 =	simm.s32 @!p0 $0x1082;
	s9 =	sld [smem:$0x3FB1]  }
0x2f: {  	lr =	sadd.s32 s0, s3;
	s0 =	sld [smem:$0x3FA8]  }
0x30: {  	s3 =	sld [smem:$0x3FAB]  }
0x31: {  	[smem:$0x3FB4] =	sst s10  }
0x32: {  	s10 =	sld [smem:$0x3FB2];
	_ =	sdelay $0x3  }
0x33: {  	p0 =	seq.s32 s10, $0x1;
	s10 =	sld [smem:$0x3FB4];
	_ =	sdelay $0x3  }
0x34: {  	[smem:$0x3FB4] =	sst s10  }
0x35: {  	s10 =	sld [smem:$0x3FB3];
	_ =	sdelay $0x3  }
0x36: {  	p1 =	seq.s32 s10, $0x1;
	s10 =	sld [smem:$0x3FB4];
	_ =	sdelay $0x3  }
0x37: {  	[smem:$0x3FB4] =	sst s10  }
0x38: {  	s10 =	sld [smem:$0x3FB5]  }
0x39: {  	_ = 	snop;
	(pc) =	sbr.ind lr, $3  }
0x3a: {  	_ = 	snop  }
0x3b: {  	_ = 	snop  }
0x3c: {  	p2 =	seq.s32 s10, $0x1;
	s10 =	sld [smem:$0x3FB4]  }
0x3d: {  	_ =	shalt  }
0x3e: {  	_ =	shalt  }
0x3f: {  	_ =	shalt  }
0x40: {  	_ =	shalt  }
0x41: {  	_ =	shalt  }
0x42: {  	_ =	shalt  }
0x43: {  	_ =	shalt  }
0x44: {  	_ =	shalt  }
0x45: {  	_ =	shalt  }
0x46: {  	_ =	shalt  }
0x47: {  	_ =	shalt  }
0x48: {  	_ =	shalt  }
0x49: {  	_ =	shalt  }
0x4a: {  	_ =	shalt  }
0x4b: {  	_ =	shalt  }
0x4c: {  	_ =	shalt  }
0x4d: {  	_ =	shalt  }
0x4e: {  	_ =	shalt  }
0x4f: {  	_ =	shalt  }
0x50: {  	_ =	shalt  }
0x51: {  	_ =	shalt  }
0x52: {  	_ =	shalt  }
0x53: {  	_ =	shalt  }
0x54: {  	_ =	shalt  }
0x55: {  	_ =	shalt  }
0x56: {  	_ =	shalt  }
0x57: {  	_ =	shalt  }
0x58: {  	_ =	shalt  }
0x59: {  	_ =	shalt  }
0x5a: {  	_ =	shalt  }
0x5b: {  	_ =	shalt  }
0x5c: {  	_ =	shalt  }
0x5d: {  	_ =	shalt  }
0x5e: {  	_ =	shalt  }
0x5f: {  	_ =	shalt  }
0x60: {  	_ =	shalt  }
0x61: {  	_ =	shalt  }
0x62: {  	_ =	shalt  }
0x63: {  	_ =	shalt  }
0x64: {  	_ =	shalt  }
0x65: {  	_ =	shalt  }
0x66: {  	_ =	shalt  }
0x67: {  	_ =	shalt  }
0x68: {  	_ =	shalt  }
0x69: {  	_ =	shalt  }
0x6a: {  	_ =	shalt  }
0x6b: {  	_ =	shalt  }
0x6c: {  	_ =	shalt  }
0x6d: {  	_ =	shalt  }
0x6e: {  	_ =	shalt  }
0x6f: {  	_ =	shalt  }
0x70: {  	_ =	shalt  }
0x71: {  	_ =	shalt  }
0x72: {  	_ =	shalt  }
0x73: {  	_ =	shalt  }
0x74: {  	_ =	shalt  }
0x75: {  	_ =	shalt  }
0x76: {  	_ =	shalt  }
0x77: {  	_ =	shalt  }
0x78: {  	_ =	shalt  }
0x79: {  	_ =	shalt  }
0x7a: {  	_ =	shalt  }
0x7b: {  	_ =	shalt  }
0x7c: {  	_ =	shalt  }
0x7d: {  	_ =	shalt  }
0x7e: {  	_ =	shalt  }
0x7f: {  	_ =	shalt  }
0x80: {  	_ =	shalt  }
0x81: {  	_ =	shalt  }
0x82: {  	_ =	shalt  }
0x83: {  	_ =	shalt  }
0x84: {  	_ =	shalt  }
0x85: {  	_ =	shalt  }
0x86: {  	_ =	shalt  }
0x87: {  	_ =	shalt  }
.Lfunc_end0:
.L_simem_size_0:
called_computation.1_lowered:
.L_overlay_start_0:
0x88: {  	s2 =	sld [smem:$0x3FD9]  }
0x89: {  	s3 =	sld [smem:$0x3FFE];
	_ =	sdelay $0x1  }
0x8a: {  	s1 =	srdreg.scid  }
0x8b: {  	s0 =	sand.u32 $0x1, s1  }
0x8c: {  	s17 =	sshll.u32 s0, $0xA;
	s2 =	sadd.s32 s3, s2  }
0x8d: {  	s2 =	sadd.s32 s2, s17  }
0x8e: {  	[smem:$0x3FC0] =	sst s2  }
0x8f: {  	_ = 	snop  }
0x90: {  	s2 =	sld [smem:$0x3FD0];
	(tm) =	ssettm $0x1  }
0x91: {  	s18 =	sld [smem:$0x3FFB];
	_ =	sdelay $0x3  }
0x92: {  	_ =	strace s18  }
0x93: {  	s3 =	sld [smem:$0x3FFC];
	_ =	sdelay $0x3  }
0x94: {  	_ =	strace s3  }
0x95: {  	s3 =	sld [smem:$0x3FFD];
	_ =	sdelay $0x3  }
0x96: {  	_ =	strace s3  }
0x97: {  	_ =	strace $0x8FFFFFFF  }
0x98: {  	s19 =	sld [smem:$0x3FDB];
	_ =	sdelay $0x1  }
0x99: {  	s4 =	simm.s32 $_scs_section_size  }
0x9a: {  	s5 =	simm.s32 $_size__tile_overlayer_lowered;
	s6 =	simm.s32 $_tile_overlayer_lowered  }
0x9b: {  	s22 =	simm.s32 $0x1BFF;
	s21 =	sshll.u32 s6, $0x1;
	s3 =	sadd.s32 s4, s19  }
0x9c: {  	s7 =	simm.s32 $0x0;
	s20 =	sshll.u32 s5, $0x1;
	s5 =	sadd.s32 s21, s3  }
0x9d: {  	[timem:s7], [sflag:s22] =	dma.local [hbm:s5], s20  }
0x9e: {  	_ =	swait.ge [sflag:s22], s20  }
0x9f: {  	s4 =	ssub.s32 $0x0, s20;
	[sflag:s22] =	ssyncset.done $0x0  }
0xa0: {  	[sflag:s22] =	ssyncadd.s32 s4;
	_ =	sdelay $0x1  }
0xa1: {  	s23 =	simm.s32 $0x1B8B  }
0xa2: {  	_ =	swait.ge [sflag:s23], $0x1  }
0xa3: {  	[sflag:s23] =	ssyncset.done $0x0  }
0xa4: {  	s25 =	simm.s32 $0x1B8E;
	s24 =	sld [smem:$0x3FFE];
	[sflag:s23] =	ssyncadd.s32 $0xFFFFFFFF  }
0xa5: {  	s26 =	simm.s32 $execute0_lowered;
	[smem:$0x3FD2] =	sst s25  }
0xa6: {  	s5 =	sshll.u32 s26, $0x1;
	_ =	strace $0x80000049;
	[dreg:$0x1] =	wrdreg $0xFFFFFFFF  }
0xa7: {  	s28 =	simm.s32 $_size_execute0_lowered;
	s3 =	sadd.s32 s3, s5;
	[dreg:$0x0] =	wrdreg $0x0  }
0xa8: {  	s5 =	sshll.u32 s28, $0x1;
	[dreg:$0x2] =	wrdreg s3  }
0xa9: {  	[dreg:$0x3] =	wrdreg s5  }
0xaa: {  	[dreg:$0x4] =	wrdreg $0xC0  }
0xab: {  	_ =	task [dreg:s7], $0x5FFFF  }
0xac: {  	[dreg:$0x1] =	wrdreg $0xFFFFFFFF  }
0xad: {  	[dreg:$0x0] =	wrdreg $0x60  }
0xae: {  	[dreg:$0x2] =	wrdreg s24  }
0xaf: {  	[dreg:$0x3] =	wrdreg s2  }
0xb0: {  	[dreg:$0x4] =	wrdreg $0x9  }
0xb1: {  	_ =	task.clear_ibuf [dreg:s7], $0x5FFFF;
	_ =	strace $0x90000049  }
0xb2: {  	s29 =	simm.s32 $0x9;
	_ =	strace $0x8000004B  }
0xb3: {  	_ =	swait.ge [sflag:s29], $0x1  }
0xb4: {  	[sflag:s29] =	ssyncadd.s32 $0xFFFFFFFF  }
0xb5: {  	_ =	strace $0x9000004B  }
0xb6: {  	_ =	sfence  }
0xb7: {  	s30 =	sld [smem:$0x0];
	_ =	sdelay $0x2  }
0xb8: {  	s31 =	sshll.u32 s1, $0xD;
	s1 =	sshrl.u32 s1, $0x2  }
0xb9: {  	s3 =	sand.u32 $0x4000, s31;
	s1 =	sadd.s32 s1, s30  }
0xba: {  	s0 =	sor.u32 s3, s0;
	s1 =	sshll.u32 s1, $0x11  }
0xbb: {  	s0 =	sor.u32 s1, s0  }
0xbc: {  	s0 =	sadd.s32 $0x8F2B, s0  }
0xbd: {  	[sflag:s0] =	ssyncadd.remote.s32 $0x1  }
0xbe: {  	_ =	sfence.sel $0xFFFF  }
0xbf: {  	[dreg:$0x0] =	wrdreg $0xFFFFFFFF;
	(pc) =	sbr.abs _section_cstart, $3  }
0xc0: {  	[dreg:$0x1] =	wrdreg $0xFFFFFFFF  }
0xc1: {  	_ =	task.clear_ibuf [dreg:s7], $0x2FFFF;
	_ =	strace $0x9FFFFFFF  }
0xc2: {  	(tm) =	ssettm $0x7FFFFFFF  }
0xc3: {  	_ =	shalt  }
tec
execute0_lowered:
.L_overlay_start_1:
0x0: {  	(tag) =	ssettag $0x1  }
0x1: {  	s8 =	rddreg [dreg:$0x0]  }
0x2: {  	s1 =	rddreg [dreg:$0x1];
	s3 =	srdreg.scid  }
0x3: {  	s0 =	rddreg [dreg:$0x2];
	s2 =	simm.s32 $0x0;
	s10 =	simm.s32 $0x2  }
0x4: {  	s11 =	simm.s32 $0x4000;
	s12 =	simm.s32 $0x9000;
	s13 =	simm.s32 $0x1  }
.Ltmp0:
0x5: {  	s14 =	simm.s32 $0x0;
	s6 =	sand.u32 $0x1, s3;
	(pc) =	sbr.rel .LBB2_1-.Ltmp0, $4  }
0x6: {  	v0 =	vlaneseq.u32;
	[smem:$0x7FF] =	sst s2;
	s4 =	sadd.s32 $0x66600, s8;
	s7 =	ssub.s32 $0x2, s6  }
0x7: {  	s5 =	sadd.s32 $0xB5600, s8;
	s3 =	stileid.u32;
	v0 =	vmul.u32 $0xFFFFFFFF, v0;
	s9 =	sshrl.u32 s7, $0x1  }
0x8: {  	_ =	strace $0x8000004A;
	s6 =	sshll.u32 s6, $0x4;
	s9 =	ssub.s32 s7, s9  }
0x9: {  	vm0 =	vmmov $0xff;
	v0 =	vadd.s32 $0xF, v0;
	s7 =	sadd.s32 $0x8DE00, s8;
	s8 =	sadd.s32 $0xB7E00, s8;
	s9 =	smax.u32 s9, $0x1  }
.LBB2_7:
0xa: {  	s14 =	sadd.s32 $0x1, s14  }
0xb: {  	p0 =	sne.s32 s14, s9  }
.Ltmp1:
0xc: {  	_ = 	snop;
	(pc) =	sbr.rel @!p0 .LBB2_8-.Ltmp1, $1  }
0xd: {  	_ =	sdelay $0x3  }
.LBB2_1:
.Ltmp2:
0xe: {  	(pc) =	sbr.rel .LBB2_2-.Ltmp2, $2  }
0xf: {  	_ =	sdelay $0x2  }
0x10: {  	s15 =	simm.s32 $0x0  }
.LBB2_6:
0x11: {  	s15 =	sadd.s32 $0x1, s15  }
0x12: {  	p0 =	sne.s32 s15, $0x3  }
.Ltmp3:
0x13: {  	_ = 	snop;
	(pc) =	sbr.rel @!p0 .LBB2_7-.Ltmp3, $1  }
0x14: {  	_ =	sdelay $0x3  }
.LBB2_2:
0x15: {  	s16 =	sshll.u32 s15, $0x5  }
0x16: {  	s16 =	sor.u32 s16, s6  }
0x17: {  	s18 =	sor.u32 s3, s16  }
0x18: {  	p0 =	sgt.u32 s18, $0x4E  }
.Ltmp4:
0x19: {  	_ = 	snop;
	(pc) =	sbr.rel @p0 .LBB2_6-.Ltmp4, $1  }
0x1a: {  	_ =	sdelay $0x3  }
0x1b: {  	s16 =	sshll.u32 s18, $0xB  }
0x1c: {  	s17 =	simm.s32 $0x0;
	s19 =	sadd.s32 s4, s16  }
0x1d: {  	[tilespmem:s17], [sflag:$0x2] =	stream.linear.gather [hbm4b:s19+s17], $0x4000, $0x38;
	[tilespmem:$0xD000] =	vst v63  }
0x1e: {  	_ =	swait.ge [sflag:s10], $0x4000  }
0x1f: {  	[sflag:s10] =	ssyncset.done $0x0  }
0x20: {  	s29 =	sadd.s32 s16, s7;
	[sflag:s10] =	ssyncadd.s32 $0xFFFFC000  }
0x21: {  	[tilespmem:s11], [sflag:$0x2] =	stream.linear.gather [hbm4b:s29+s17], $0x4000, $0x38;
	[tilespmem:$0xD000] =	vst v63  }
0x22: {  	_ =	swait.ge [sflag:s10], $0x4000  }
0x23: {  	s30 =	sshll.u32 s18, $0x7;
	[sflag:s10] =	ssyncset.done $0x0  }
0x24: {  	s18 =	simm.s32 $0x8000;
	s20 =	sadd.s32 s5, s30;
	[sflag:s10] =	ssyncadd.s32 $0xFFFFC000  }
0x25: {  	[tilespmem:s18], [sflag:$0x2] =	stream.linear.gather [hbm4b:s20+s17], $0x400, $0x38;
	[tilespmem:$0xD000] =	vst v63  }
0x26: {  	_ =	swait.ge [sflag:s10], $0x400  }
0x27: {  	[sflag:s10] =	ssyncset.done $0x0  }
0x28: {  	s31 =	sadd.s32 s30, s8;
	s19 =	simm.s32 $0x8800;
	[sflag:s10] =	ssyncadd.s32 $0xFFFFFC00  }
0x29: {  	[tilespmem:s19], [sflag:$0x2] =	stream.linear.gather [hbm4b:s31+s17], $0x400, $0x38;
	[tilespmem:$0xD000] =	vst v63  }
0x2a: {  	_ =	swait.ge [sflag:s10], $0x400  }
0x2b: {  	[sflag:s10] =	ssyncset.done $0x0  }
0x2c: {  	[sflag:s10] =	ssyncadd.s32 $0xFFFFFC00  }
0x2d: {  	v1 =	vld [tilespmem:s19+$0x0]  }
0x2e: {  	s20 =	simm.s32 $0x200;
	v2 =	vld [tilespmem:s18+$0x0]  }
.LBB2_4:
0x2f: {  	p0 =	sne.s32 s20, $0xFE00  }
0x30: {  	s21 =	sshra.s32 s17, $0x2;
	s17 =	smov.u32 s20  }
0x31: {  	v3 =	vld [tilespmem:s21+$0x0]  }
0x32: {  	v4 =	vld [tilespmem:s21+$0x4000]  }
0x33: {  	v1 =	vadd.f32 v1, v2;
	v2 =	vld [tilespmem:s21+$0x10]  }
0x34: {  	v5 =	vld [tilespmem:s21+$0x4010]  }
0x35: {  	v1 =	vnsel vm0, $0x0, v1;
	v6 =	vld [tilespmem:s21+$0x20]  }
0x36: {  	v7 =	vperm.xlane v1, v0;
	v8 =	vld [tilespmem:s21+$0x4020]  }
0x37: {  	v9 =	vld [tilespmem:s21+$0x30]  }
0x38: {  	v1 =	vadd.f32 v1, v7;
	v7 =	vld [tilespmem:s21+$0x4030]  }
0x39: {  	v10 =	vld [tilespmem:s21+$0x40]  }
0x3a: {  	v11 =	vld [tilespmem:s21+$0x4040];
	(erf) = vrcp.f32 v1  }
0x3b: {  	v1 =	vld [tilespmem:s21+$0x50]  }
0x3c: {  	v12 =	vld [tilespmem:s21+$0x4050]  }
0x3d: {  	v13 =	vld [tilespmem:s21+$0x60]  }
0x3e: {  	v14 =	vld [tilespmem:s21+$0x4060]  }
0x3f: {  	v15 =	vld [tilespmem:s21+$0x70]  }
0x40: {  	v16 =	vld [tilespmem:s21+$0x4070]  }
0x41: {  	v3 =	vadd.f32 v4, v3;
	v2 =	vadd.f32 v5, v2  }
0x42: {  	v4 =	vadd.f32 v8, v6;
	v5 =	vadd.f32 v7, v9  }
0x43: {  	v6 =	vadd.f32 v11, v10;
	v1 =	vadd.f32 v12, v1;
	v7 =	vpop (erf)  }
0x44: {  	v8 =	vadd.f32 v14, v13;
	v3 =	vmul.f32 v7, v3;
	v2 =	vmul.f32 v2, v7  }
0x45: {  	v4 =	vmul.f32 v4, v7;
	v5 =	vmul.f32 v5, v7;
	v9 =	vadd.f32 v16, v15  }
0x46: {  	v1 =	vmul.f32 v1, v7;
	[tilespmem:s21+$0x9000] =	vst v3;
	v3 =	vmul.f32 v6, v7  }
0x47: {  	[tilespmem:s21+$0x9010] =	vst v2;
	v2 =	vmul.f32 v8, v7;
	v6 =	vmul.f32 v9, v7  }
0x48: {  	[tilespmem:s21+$0x9020] =	vst v4  }
0x49: {  	[tilespmem:s21+$0x9030] =	vst v5  }
0x4a: {  	[tilespmem:s21+$0x9040] =	vst v3  }
.Ltmp5:
0x4b: {  	[tilespmem:s21+$0x9050] =	vst v1;
	(pc) =	sbr.rel @p0 .LBB2_4-.Ltmp5, $4  }
0x4c: {  	[tilespmem:s21+$0x9060] =	vst v2  }
0x4d: {  	s19 =	sadd.s32 $0x8, s19;
	[tilespmem:s21+$0x9070] =	vst v6  }
0x4e: {  	s18 =	sadd.s32 $0x8, s18;
	v1 =	vld [tilespmem:s19+$0x0]  }
0x4f: {  	s20 =	sadd.s32 $0x200, s20;
	v2 =	vld [tilespmem:s18+$0x0]  }
0x50: {  	_ =	sdelay $0x3  }
0x51: {  	v1 =	vadd.f32 v1, v2  }
0x52: {  	s17 =	sshra.s32 s17, $0x2  }
0x53: {  	v3 =	vld [tilespmem:s17+$0x4000];
	v1 =	vnsel vm0, $0x0, v1  }
0x54: {  	v5 =	vld [tilespmem:s17+$0x10];
	v4 =	vperm.xlane v1, v0  }
0x55: {  	v6 =	vld [tilespmem:s17+$0x4010]  }
0x56: {  	v60 =	vld [tilespmem:s17+$0x20];
	v1 =	vadd.f32 v1, v4  }
0x57: {  	v7 =	vld [tilespmem:s17+$0x4020]  }
0x58: {  	v8 =	vld [tilespmem:s17+$0x4030];
	(erf) = vrcp.f32 v1  }
0x59: {  	v9 =	vld [tilespmem:s17+$0x40]  }
0x5a: {  	v10 =	vld [tilespmem:s17+$0x4040]  }
0x5b: {  	v2 =	vld [tilespmem:s17+$0x0]  }
0x5c: {  	v11 =	vld [tilespmem:s17+$0x50]  }
0x5d: {  	v13 =	vld [tilespmem:s17+$0x60]  }
0x5e: {  	v1 =	vld [tilespmem:s17+$0x30]  }
0x5f: {  	v15 =	vld [tilespmem:s17+$0x4070]  }
0x60: {  	v2 =	vadd.f32 v3, v2;
	v3 =	vld [tilespmem:s17+$0x70]  }
0x61: {  	v14 =	vld [tilespmem:s17+$0x4060];
	v5 =	vadd.f32 v6, v5;
	v61 =	vpop (erf)  }
0x62: {  	v12 =	vld [tilespmem:s17+$0x4050];
	v4 =	vadd.f32 v7, v60;
	v2 =	vmul.f32 v61, v2  }
0x63: {  	v1 =	vadd.f32 v8, v1;
	v5 =	vmul.f32 v5, v61  }
0x64: {  	v62 =	vadd.f32 v10, v9;
	v4 =	vmul.f32 v4, v61;
	[tilespmem:s17+$0x9000] =	vst v2  }
0x65: {  	v3 =	vadd.f32 v15, v3;
	v1 =	vmul.f32 v1, v61;
	[tilespmem:s17+$0x9010] =	vst v5  }
0x66: {  	v63 =	vadd.f32 v14, v13;
	v7 =	vmul.f32 v62, v61;
	[tilespmem:s17+$0x9020] =	vst v4  }
0x67: {  	v3 =	vmul.f32 v3, v61;
	v2 =	vadd.f32 v12, v11;
	[tilespmem:s17+$0x9030] =	vst v1  }
0x68: {  	v1 =	vmul.f32 v63, v61;
	[tilespmem:s17+$0x9040] =	vst v7  }
0x69: {  	[tilespmem:s17+$0x9070] =	vst v3;
	v2 =	vmul.f32 v2, v61  }
0x6a: {  	[tilespmem:s17+$0x9060] =	vst v1  }
.Ltmp6:
0x6b: {  	s16 =	sadd.s32 s1, s16;
	[tilespmem:s17+$0x9050] =	vst v2;
	(pc) =	sbr.rel .LBB2_6-.Ltmp6, $4  }
0x6c: {  	[hbm4b:s16+s2] =	stream.linear.scatter [tilespmem:s12], [sflag:$0x1], $0x4000, $0x38;
	[tilespmem:$0xD000] =	vst v63  }
0x6d: {  	_ =	swait.ge [sflag:s13], $0x4000  }
0x6e: {  	[sflag:s13] =	ssyncset.done $0x0  }
0x6f: {  	[sflag:s13] =	ssyncadd.s32 $0xFFFFC000  }
.LBB2_8:
0x70: {  	_ =	sfence.sel $0x180000  }
0x71: {  	[bflag:$0x0] =	sbarrier.arrive $0xFFFF  }
0x72: {  	p0 =	sne.s32 s3, $0x0;
	_ =	strace $0x9000004A  }
0x73: {  	s0 =	sadd.s32 @!p0 $0x100000, s0;
	[bflag:$0x2] =	sbarrier.arrive $0xFFFF  }
0x74: {  	[sflag:s0] =	ssyncadd.tile.s32 @!p0 $0x1;
	_ =	shalt  }
.Lfunc_end2:
_tile_overlayer_lowered:
.L_overlay_start_2:
0x75: {  	(tag) =	ssettag $0x2  }
0x76: {  	s0 =	rddreg [dreg:$0x0];
	s2 =	stileid.u32  }
0x77: {  	s1 =	rddreg [dreg:$0x1];
	p0 =	sne.s32 s2, $0x0  }
0x78: {  	s3 =	rddreg [dreg:$0x2];
	[bflag:$0x3] =	sbarrier.arrive $0xFFFF;
	s2 =	simm.s32 @!p0 $0x1C01  }
0x79: {  	[timem:s3], [sflag:s2] =	dma.local @!p0 [hbm:s0], s1  }
0x7a: {  	s0 =	simm.s32 @!p0 $0x1  }
0x7b: {  	_ =	swait.ge @!p0 [sflag:s0], s1  }
0x7c: {  	s1 =	ssub.s32 @!p0 $0x0, s1;
	[sflag:s0] =	ssyncset.done @!p0 $0x0  }
0x7d: {  	[sflag:s0] =	ssyncadd.s32 @!p0 s1  }
0x7e: {  	[bflag:$0x3] =	sbarrier.arrive $0xFFFF  }
0x7f: {  	_ =	shalt  }

</sc_bundles>
